<compile_context>
chip_gen: v7x
topology: tpu7x:2x2x1
jax: 0.10.2.dev20260603
libtpu: 0.0.44.dev20260713+nightly
codegen_flags: <defaults>
</compile_context>

<pallas_src>
import functools

import jax
import jax.numpy as jnp
from jax import lax
from jax.experimental import pallas as pl
from jax.experimental.pallas import tpu as pltpu
from jax.experimental.pallas import tpu_sc as plsc

B, C, H, W = 8, 64, 256, 256
N = 128
NROW = B * C * H
NPAIR = B * N
NW = 32
PAIRS_PER_W = NPAIR // NW
ELEMS_PER_W = PAIRS_PER_W * C
L = 16
WIN = 128
WAVE = 4
NWAVE = PAIRS_PER_W // WAVE


def _splat(x):
    return jnp.broadcast_to(jnp.asarray(x, jnp.int32), (L,))


def _stage1(out_hbm, ind_hbm, targ_hbm, wt_hbm, part_hbm,
            ind_v, wt_v, targ_v, idx_v, col_v, wl_v, win_v,
            part_v, sem, semb):
    wid = lax.axis_index("c") * 16 + lax.axis_index("s")
    base = wid * PAIRS_PER_W
    b = base // N

    pltpu.sync_copy(ind_hbm.at[pl.ds(base, PAIRS_PER_W)], ind_v)
    pltpu.sync_copy(wt_hbm.at[pl.ds(base, PAIRS_PER_W)], wt_v)
    pltpu.sync_copy(targ_hbm.at[pl.ds(base, PAIRS_PER_W), pl.ds(0, C)],
                    targ_v)

    ci = lax.iota(jnp.int32, L) * H
    row0 = b * (C * H)
    for blk in range(PAIRS_PER_W // L):
        sv = ind_v[pl.ds(blk * L, L)]
        col_v[pl.ds(blk * L, L)] = lax.bitwise_and(sv, jnp.int32(W - WIN))
        wl_v[pl.ds(blk * L, L)] = lax.bitwise_and(sv, jnp.int32(WIN - 1))

    def idx_body(j, carry):
        sj = plsc.load_gather(ind_v, [_splat(j)])
        hj = lax.shift_right_logical(sj, 8) + row0
        for cb in range(C // L):
            idx_v[j, pl.ds(cb * L, L)] = hj + (ci + cb * L * H)
        return carry

    lax.fori_loop(0, PAIRS_PER_W, idx_body, jnp.int32(0))

    ci16 = lax.iota(jnp.int32, L)

    def fire(wv_i, par, sem_p):
        handles = []
        for p in range(WAVE):
            j = wv_i * WAVE + p
            col0 = pl.multiple_of(plsc.load_gather(col_v, [_splat(j)])[0],
                                  WIN)
            handles.append(pltpu.async_copy(
                out_hbm.at[idx_v.at[j], pl.ds(col0, WIN)],
                win_v.at[par, p], sem_p))
        return handles

    def extract(wv_i, par, acc):
        bi = _splat(par)
        for p in range(WAVE):
            j = wv_i * WAVE + p
            wl = plsc.load_gather(wl_v, [_splat(j)])
            pi = _splat(p)
            w16 = plsc.load_gather(wt_v, [_splat(j)])
            for cb in range(C // L):
                g16 = plsc.load_gather(win_v, [bi, pi, ci16 + cb * L, wl])
                t = targ_v[j, pl.ds(cb * L, L)]
                acc = acc + jnp.abs(g16 * w16 - t * w16)
        return acc

    def wave_body(k, acc):
        wa = k * 2
        ha = fire(wa, 0, sem)
        hb = fire(wa + 1, 1, semb)
        for hnd in ha:
            hnd.wait()
        acc = extract(wa, 0, acc)
        for hnd in hb:
            hnd.wait()
        acc = extract(wa + 1, 1, acc)
        return acc

    acc = lax.fori_loop(0, NWAVE // 2, wave_body,
                        jnp.zeros((L,), jnp.float32))

    wsum = wt_v[pl.ds(0, L)] + wt_v[pl.ds(L, L)]
    part_v[pl.ds(0, L)] = acc
    part_v[pl.ds(L, L)] = wsum
    pltpu.sync_copy(part_v, part_hbm.at[wid])


def _lane_sum(x, red_v):
    red_v[pl.ds(0, L)] = x
    red_v[pl.ds(L, L)] = jnp.zeros((L,), jnp.float32)
    for s in (8, 4, 2, 1):
        y = red_v[pl.ds(0, L)] + red_v[pl.ds(s, L)]
        red_v[pl.ds(0, L)] = y
    return red_v[pl.ds(0, L)]


def _stage2(part_hbm, out_hbm, pa_v, res_v, red_v):
    wid = lax.axis_index("c") * 16 + lax.axis_index("s")

    @pl.when(wid == 0)
    def _():
        pltpu.sync_copy(part_hbm, pa_v)
        acc = jnp.zeros((L,), jnp.float32)
        wsum = jnp.zeros((L,), jnp.float32)
        for j in range(NW):
            acc = acc + pa_v[j, pl.ds(0, L)]
            wsum = wsum + pa_v[j, pl.ds(L, L)]
        num = _lane_sum(acc, red_v)
        den = _lane_sum(wsum, red_v) * jnp.float32(C) + jnp.float32(0.0001)
        res_v[...] = num / den
        pltpu.sync_copy(res_v, out_hbm)


def kernel(output, target, ind, weight):
    out2d = output.reshape(NROW, W)
    ind32 = ind.astype(jnp.int32).reshape(NPAIR)
    targ = target.astype(jnp.float32).reshape(NPAIR, C)
    wt = weight.astype(jnp.float32).reshape(NPAIR)

    mesh = plsc.VectorSubcoreMesh(core_axis_name="c", subcore_axis_name="s")

    s1 = functools.partial(
        pl.kernel, mesh=mesh,
        out_type=jax.ShapeDtypeStruct((NW, 2 * L), jnp.float32),
        compiler_params=pltpu.CompilerParams(needs_layout_passes=False),
        scratch_types=[
            pltpu.VMEM((PAIRS_PER_W,), jnp.int32),
            pltpu.VMEM((PAIRS_PER_W,), jnp.float32),
            pltpu.VMEM((PAIRS_PER_W, C), jnp.float32),
            pltpu.VMEM((PAIRS_PER_W, C), jnp.int32),
            pltpu.VMEM((PAIRS_PER_W,), jnp.int32),
            pltpu.VMEM((PAIRS_PER_W,), jnp.int32),
            pltpu.VMEM((2, WAVE, C, WIN), jnp.float32),
            pltpu.VMEM((2 * L,), jnp.float32),
            pltpu.SemaphoreType.DMA,
            pltpu.SemaphoreType.DMA,
        ],
    )(_stage1)
    partials = s1(out2d, ind32, targ, wt)

    s2 = functools.partial(
        pl.kernel, mesh=mesh,
        out_type=jax.ShapeDtypeStruct((L,), jnp.float32),
        scratch_types=[
            pltpu.VMEM((NW, 2 * L), jnp.float32),
            pltpu.VMEM((L,), jnp.float32),
            pltpu.VMEM((2 * L,), jnp.float32),
        ],
    )(_stage2)
    res = s2(partials)
    return res[0]

# --- scband reference (transcript-rebuilt; emitter-appended) ---
"""Pipeline reference for scband-ind-l1-loss1d-28114855919894 (READ-ONLY COPY).

The authoritative reference and input builder live on the scoring server;
editing this copy changes nothing except your own understanding.
"""

import jax, jax.numpy as jnp
import numpy as np


def setup_inputs(seed: int = 0) -> dict:
    key = jax.random.key(seed)
    k1, k2, k3, k4 = jax.random.split(key, 4)
    B, C, H, W = 8, 64, 256, 256
    N = 128
    output = jax.random.normal(k1, (B, C, H, W), dtype=jnp.float32)
    target = jax.random.normal(k2, (B, N, C), dtype=jnp.float32)
    ind = jax.random.randint(k3, (B, N), 0, H * W, dtype=jnp.int64)
    weight = jax.random.uniform(k4, (B, N), dtype=jnp.float32)
    return {"output": output, "target": target, "ind": ind, "weight": weight}


def reference(output, target, ind, weight):
    b, c, h, w = output.shape
    n = ind.shape[1]
    # permute(0,2,3,1) then view(b, h*w, c)
    feat = jnp.transpose(output, (0, 2, 3, 1)).reshape(b, h * w, c)
    # gather along dim 1 with ind expanded over channel dim
    ind_e = jnp.broadcast_to(ind[:, :, None], (b, n, c))
    feat = jnp.take_along_axis(feat, ind_e, axis=1)
    wt = weight[:, :, None]
    loss = jnp.sum(jnp.abs(feat * wt - target * wt))
    loss = loss / (jnp.sum(wt) * c + 0.0001)
    return loss

if __name__ == "__main__":
    import jax
    _d = setup_inputs()
    print(jax.jit(kernel)(*tuple(_d.values())))

</pallas_src>

<mosaic_0001>
#map = affine_map<(d0, d1) -> (0, 0)>
#map1 = affine_map<(d0, d1) -> (0)>
module attributes {stable_mosaic.version = 14 : i64} {
  func.func @_stage2(%arg0: i32, %arg1: i32, %arg2: memref<32x32xf32, #tpu.memory_space<hbm>>, %arg3: memref<16xf32, #tpu.memory_space<hbm>>, %arg4: memref<32x32xf32, #tpu.memory_space<vmem>>, %arg5: memref<16xf32, #tpu.memory_space<vmem>>, %arg6: memref<32xf32, #tpu.memory_space<vmem>>) attributes {dimension_semantics = [#tpu.dimension_semantics<core_parallel>, #tpu.dimension_semantics<subcore_parallel>], iteration_bounds = array<i64: 2, 16>, scalar_prefetch = 0 : i64, scratch_operands = 3 : i64, tpu.core_type = #tpu.core_type<sc_vector_subcore>, window_params = [{transform_indices = #map}, {transform_indices = #map1}]} {
    %mul3A = arith.constant 16 : i32
    %mul3A_0 = arith.muli %arg0, %mul3A : i32
    %add3A = arith.addi %mul3A_0, %arg1 : i32
    %eq3A = arith.constant 0 : i32
    %eq3A_1 = arith.cmpi eq, %add3A, %eq3A : i32
    %convert_element_type3A = arith.extui %eq3A_1 : i1 to i32
    %cond3A = arith.constant 0 : i32
    %cond3A_2 = arith.cmpi ne, %convert_element_type3A, %cond3A : i32
    scf.if %cond3A_2 {
      "tpu.region"() ({
        %run_scoped3A = tpu.sem_alloc : memref<!tpu.dma_semaphore, #tpu.memory_space<semaphore_mem>>
        tpu.enqueue_dma source(%arg2 : memref<32x32xf32, #tpu.memory_space<hbm>>) target(%arg4 : memref<32x32xf32, #tpu.memory_space<vmem>>) target_semaphore(%run_scoped3A : memref<!tpu.dma_semaphore, #tpu.memory_space<semaphore_mem>>)
        tpu.wait_dma2 semaphore(%run_scoped3A : memref<!tpu.dma_semaphore, #tpu.memory_space<semaphore_mem>>) src(%arg2 : memref<32x32xf32, #tpu.memory_space<hbm>>) dst(%arg4 : memref<32x32xf32, #tpu.memory_space<vmem>>)
        tpu.yield
      }) : () -> ()
      %broadcast_in_dim3A = arith.constant 0.000000e+00 : f32
      %broadcast_in_dim3A_3 = vector.broadcast %broadcast_in_dim3A : f32 to vector<16xf32>
      %broadcast_in_dim3A_4 = arith.constant 0.000000e+00 : f32
      %broadcast_in_dim3A_5 = vector.broadcast %broadcast_in_dim3A_4 : f32 to vector<16xf32>
      %get3A = arith.constant 0 : i32
      %get3A_6 = arith.index_cast %get3A : i32 to index
      %get3A_7 = arith.constant 0 : index
      %get3A_8 = tpu.vector_load %arg4[%get3A_6, %get3A_7] {strides = array<i32>} : memref<32x32xf32, #tpu.memory_space<vmem>>, vector<1x16xf32>,
      %get3A_9 = vector.shape_cast %get3A_8 : vector<1x16xf32> to vector<16xf32>
      %add3A_10 = arith.addf %broadcast_in_dim3A_3, %get3A_9 : vector<16xf32>
      %get3A_11 = arith.constant 0 : i32
      %get3A_12 = arith.index_cast %get3A_11 : i32 to index
      %get3A_13 = arith.constant 16 : index
      %get3A_14 = tpu.vector_load %arg4[%get3A_12, %get3A_13] {strides = array<i32>} : memref<32x32xf32, #tpu.memory_space<vmem>>, vector<1x16xf32>,
      %get3A_15 = vector.shape_cast %get3A_14 : vector<1x16xf32> to vector<16xf32>
      %add3A_16 = arith.addf %broadcast_in_dim3A_5, %get3A_15 : vector<16xf32>
      %get3A_17 = arith.constant 1 : i32
      %get3A_18 = arith.index_cast %get3A_17 : i32 to index
      %get3A_19 = arith.constant 0 : index
      %get3A_20 = tpu.vector_load %arg4[%get3A_18, %get3A_19] {strides = array<i32>} : memref<32x32xf32, #tpu.memory_space<vmem>>, vector<1x16xf32>,
      %get3A_21 = vector.shape_cast %get3A_20 : vector<1x16xf32> to vector<16xf32>
      %add3A_22 = arith.addf %add3A_10, %get3A_21 : vector<16xf32>
      %get3A_23 = arith.constant 1 : i32
      %get3A_24 = arith.index_cast %get3A_23 : i32 to index
      %get3A_25 = arith.constant 16 : index
      %get3A_26 = tpu.vector_load %arg4[%get3A_24, %get3A_25] {strides = array<i32>} : memref<32x32xf32, #tpu.memory_space<vmem>>, vector<1x16xf32>,
      %get3A_27 = vector.shape_cast %get3A_26 : vector<1x16xf32> to vector<16xf32>
      %add3A_28 = arith.addf %add3A_16, %get3A_27 : vector<16xf32>
      %get3A_29 = arith.constant 2 : i32
      %get3A_30 = arith.index_cast %get3A_29 : i32 to index
      %get3A_31 = arith.constant 0 : index
      %get3A_32 = tpu.vector_load %arg4[%get3A_30, %get3A_31] {strides = array<i32>} : memref<32x32xf32, #tpu.memory_space<vmem>>, vector<1x16xf32>,
      %get3A_33 = vector.shape_cast %get3A_32 : vector<1x16xf32> to vector<16xf32>
      %add3A_34 = arith.addf %add3A_22, %get3A_33 : vector<16xf32>
      %get3A_35 = arith.constant 2 : i32
      %get3A_36 = arith.index_cast %get3A_35 : i32 to index
      %get3A_37 = arith.constant 16 : index
      %get3A_38 = tpu.vector_load %arg4[%get3A_36, %get3A_37] {strides = array<i32>} : memref<32x32xf32, #tpu.memory_space<vmem>>, vector<1x16xf32>,
      %get3A_39 = vector.shape_cast %get3A_38 : vector<1x16xf32> to vector<16xf32>
      %add3A_40 = arith.addf %add3A_28, %get3A_39 : vector<16xf32>
      %get3A_41 = arith.constant 3 : i32
      %get3A_42 = arith.index_cast %get3A_41 : i32 to index
      %get3A_43 = arith.constant 0 : index
      %get3A_44 = tpu.vector_load %arg4[%get3A_42, %get3A_43] {strides = array<i32>} : memref<32x32xf32, #tpu.memory_space<vmem>>, vector<1x16xf32>,
      %get3A_45 = vector.shape_cast %get3A_44 : vector<1x16xf32> to vector<16xf32>
      %add3A_46 = arith.addf %add3A_34, %get3A_45 : vector<16xf32>
      %get3A_47 = arith.constant 3 : i32
      %get3A_48 = arith.index_cast %get3A_47 : i32 to index
      %get3A_49 = arith.constant 16 : index
      %get3A_50 = tpu.vector_load %arg4[%get3A_48, %get3A_49] {strides = array<i32>} : memref<32x32xf32, #tpu.memory_space<vmem>>, vector<1x16xf32>,
      %get3A_51 = vector.shape_cast %get3A_50 : vector<1x16xf32> to vector<16xf32>
      %add3A_52 = arith.addf %add3A_40, %get3A_51 : vector<16xf32>
      %get3A_53 = arith.constant 4 : i32
      %get3A_54 = arith.index_cast %get3A_53 : i32 to index
      %get3A_55 = arith.constant 0 : index
      %get3A_56 = tpu.vector_load %arg4[%get3A_54, %get3A_55] {strides = array<i32>} : memref<32x32xf32, #tpu.memory_space<vmem>>, vector<1x16xf32>,
      %get3A_57 = vector.shape_cast %get3A_56 : vector<1x16xf32> to vector<16xf32>
      %add3A_58 = arith.addf %add3A_46, %get3A_57 : vector<16xf32>
      %get3A_59 = arith.constant 4 : i32
      %get3A_60 = arith.index_cast %get3A_59 : i32 to index
      %get3A_61 = arith.constant 16 : index
      %get3A_62 = tpu.vector_load %arg4[%get3A_60, %get3A_61] {strides = array<i32>} : memref<32x32xf32, #tpu.memory_space<vmem>>, vector<1x16xf32>,
      %get3A_63 = vector.shape_cast %get3A_62 : vector<1x16xf32> to vector<16xf32>
      %add3A_64 = arith.addf %add3A_52, %get3A_63 : vector<16xf32>
      %get3A_65 = arith.constant 5 : i32
      %get3A_66 = arith.index_cast %get3A_65 : i32 to index
      %get3A_67 = arith.constant 0 : index
      %get3A_68 = tpu.vector_load %arg4[%get3A_66, %get3A_67] {strides = array<i32>} : memref<32x32xf32, #tpu.memory_space<vmem>>, vector<1x16xf32>,
      %get3A_69 = vector.shape_cast %get3A_68 : vector<1x16xf32> to vector<16xf32>
      %add3A_70 = arith.addf %add3A_58, %get3A_69 : vector<16xf32>
      %get3A_71 = arith.constant 5 : i32
      %get3A_72 = arith.index_cast %get3A_71 : i32 to index
      %get3A_73 = arith.constant 16 : index
      %get3A_74 = tpu.vector_load %arg4[%get3A_72, %get3A_73] {strides = array<i32>} : memref<32x32xf32, #tpu.memory_space<vmem>>, vector<1x16xf32>,
      %get3A_75 = vector.shape_cast %get3A_74 : vector<1x16xf32> to vector<16xf32>
      %add3A_76 = arith.addf %add3A_64, %get3A_75 : vector<16xf32>
      %get3A_77 = arith.constant 6 : i32
      %get3A_78 = arith.index_cast %get3A_77 : i32 to index
      %get3A_79 = arith.constant 0 : index
      %get3A_80 = tpu.vector_load %arg4[%get3A_78, %get3A_79] {strides = array<i32>} : memref<32x32xf32, #tpu.memory_space<vmem>>, vector<1x16xf32>,
      %get3A_81 = vector.shape_cast %get3A_80 : vector<1x16xf32> to vector<16xf32>
      %add3A_82 = arith.addf %add3A_70, %get3A_81 : vector<16xf32>
      %get3A_83 = arith.constant 6 : i32
      %get3A_84 = arith.index_cast %get3A_83 : i32 to index
      %get3A_85 = arith.constant 16 : index
      %get3A_86 = tpu.vector_load %arg4[%get3A_84, %get3A_85] {strides = array<i32>} : memref<32x32xf32, #tpu.memory_space<vmem>>, vector<1x16xf32>,
      %get3A_87 = vector.shape_cast %get3A_86 : vector<1x16xf32> to vector<16xf32>
      %add3A_88 = arith.addf %add3A_76, %get3A_87 : vector<16xf32>
      %get3A_89 = arith.constant 7 : i32
      %get3A_90 = arith.index_cast %get3A_89 : i32 to index
      %get3A_91 = arith.constant 0 : index
      %get3A_92 = tpu.vector_load %arg4[%get3A_90, %get3A_91] {strides = array<i32>} : memref<32x32xf32, #tpu.memory_space<vmem>>, vector<1x16xf32>,
      %get3A_93 = vector.shape_cast %get3A_92 : vector<1x16xf32> to vector<16xf32>
      %add3A_94 = arith.addf %add3A_82, %get3A_93 : vector<16xf32>
      %get3A_95 = arith.constant 7 : i32
      %get3A_96 = arith.index_cast %get3A_95 : i32 to index
      %get3A_97 = arith.constant 16 : index
      %get3A_98 = tpu.vector_load %arg4[%get3A_96, %get3A_97] {strides = array<i32>} : memref<32x32xf32, #tpu.memory_space<vmem>>, vector<1x16xf32>,
      %get3A_99 = vector.shape_cast %get3A_98 : vector<1x16xf32> to vector<16xf32>
      %add3A_100 = arith.addf %add3A_88, %get3A_99 : vector<16xf32>
      %get3A_101 = arith.constant 8 : i32
      %get3A_102 = arith.index_cast %get3A_101 : i32 to index
      %get3A_103 = arith.constant 0 : index
      %get3A_104 = tpu.vector_load %arg4[%get3A_102, %get3A_103] {strides = array<i32>} : memref<32x32xf32, #tpu.memory_space<vmem>>, vector<1x16xf32>,
      %get3A_105 = vector.shape_cast %get3A_104 : vector<1x16xf32> to vector<16xf32>
      %add3A_106 = arith.addf %add3A_94, %get3A_105 : vector<16xf32>
      %get3A_107 = arith.constant 8 : i32
      %get3A_108 = arith.index_cast %get3A_107 : i32 to index
      %get3A_109 = arith.constant 16 : index
      %get3A_110 = tpu.vector_load %arg4[%get3A_108, %get3A_109] {strides = array<i32>} : memref<32x32xf32, #tpu.memory_space<vmem>>, vector<1x16xf32>,
      %get3A_111 = vector.shape_cast %get3A_110 : vector<1x16xf32> to vector<16xf32>
      %add3A_112 = arith.addf %add3A_100, %get3A_111 : vector<16xf32>
      %get3A_113 = arith.constant 9 : i32
      %get3A_114 = arith.index_cast %get3A_113 : i32 to index
      %get3A_115 = arith.constant 0 : index
      %get3A_116 = tpu.vector_load %arg4[%get3A_114, %get3A_115] {strides = array<i32>} : memref<32x32xf32, #tpu.memory_space<vmem>>, vector<1x16xf32>,
      %get3A_117 = vector.shape_cast %get3A_116 : vector<1x16xf32> to vector<16xf32>
      %add3A_118 = arith.addf %add3A_106, %get3A_117 : vector<16xf32>
      %get3A_119 = arith.constant 9 : i32
      %get3A_120 = arith.index_cast %get3A_119 : i32 to index
      %get3A_121 = arith.constant 16 : index
      %get3A_122 = tpu.vector_load %arg4[%get3A_120, %get3A_121] {strides = array<i32>} : memref<32x32xf32, #tpu.memory_space<vmem>>, vector<1x16xf32>,
      %get3A_123 = vector.shape_cast %get3A_122 : vector<1x16xf32> to vector<16xf32>
      %add3A_124 = arith.addf %add3A_112, %get3A_123 : vector<16xf32>
      %get3A_125 = arith.constant 10 : i32
      %get3A_126 = arith.index_cast %get3A_125 : i32 to index
      %get3A_127 = arith.constant 0 : index
      %get3A_128 = tpu.vector_load %arg4[%get3A_126, %get3A_127] {strides = array<i32>} : memref<32x32xf32, #tpu.memory_space<vmem>>, vector<1x16xf32>,
      %get3A_129 = vector.shape_cast %get3A_128 : vector<1x16xf32> to vector<16xf32>
      %add3A_130 = arith.addf %add3A_118, %get3A_129 : vector<16xf32>
      %get3A_131 = arith.constant 10 : i32
      %get3A_132 = arith.index_cast %get3A_131 : i32 to index
      %get3A_133 = arith.constant 16 : index
      %get3A_134 = tpu.vector_load %arg4[%get3A_132, %get3A_133] {strides = array<i32>} : memref<32x32xf32, #tpu.memory_space<vmem>>, vector<1x16xf32>,
      %get3A_135 = vector.shape_cast %get3A_134 : vector<1x16xf32> to vector<16xf32>
      %add3A_136 = arith.addf %add3A_124, %get3A_135 : vector<16xf32>
      %get3A_137 = arith.constant 11 : i32
      %get3A_138 = arith.index_cast %get3A_137 : i32 to index
      %get3A_139 = arith.constant 0 : index
      %get3A_140 = tpu.vector_load %arg4[%get3A_138, %get3A_139] {strides = array<i32>} : memref<32x32xf32, #tpu.memory_space<vmem>>, vector<1x16xf32>,
      %get3A_141 = vector.shape_cast %get3A_140 : vector<1x16xf32> to vector<16xf32>
      %add3A_142 = arith.addf %add3A_130, %get3A_141 : vector<16xf32>
      %get3A_143 = arith.constant 11 : i32
      %get3A_144 = arith.index_cast %get3A_143 : i32 to index
      %get3A_145 = arith.constant 16 : index
      %get3A_146 = tpu.vector_load %arg4[%get3A_144, %get3A_145] {strides = array<i32>} : memref<32x32xf32, #tpu.memory_space<vmem>>, vector<1x16xf32>,
      %get3A_147 = vector.shape_cast %get3A_146 : vector<1x16xf32> to vector<16xf32>
      %add3A_148 = arith.addf %add3A_136, %get3A_147 : vector<16xf32>
      %get3A_149 = arith.constant 12 : i32
      %get3A_150 = arith.index_cast %get3A_149 : i32 to index
      %get3A_151 = arith.constant 0 : index
      %get3A_152 = tpu.vector_load %arg4[%get3A_150, %get3A_151] {strides = array<i32>} : memref<32x32xf32, #tpu.memory_space<vmem>>, vector<1x16xf32>,
      %get3A_153 = vector.shape_cast %get3A_152 : vector<1x16xf32> to vector<16xf32>
      %add3A_154 = arith.addf %add3A_142, %get3A_153 : vector<16xf32>
      %get3A_155 = arith.constant 12 : i32
      %get3A_156 = arith.index_cast %get3A_155 : i32 to index
      %get3A_157 = arith.constant 16 : index
      %get3A_158 = tpu.vector_load %arg4[%get3A_156, %get3A_157] {strides = array<i32>} : memref<32x32xf32, #tpu.memory_space<vmem>>, vector<1x16xf32>,
      %get3A_159 = vector.shape_cast %get3A_158 : vector<1x16xf32> to vector<16xf32>
      %add3A_160 = arith.addf %add3A_148, %get3A_159 : vector<16xf32>
      %get3A_161 = arith.constant 13 : i32
      %get3A_162 = arith.index_cast %get3A_161 : i32 to index
      %get3A_163 = arith.constant 0 : index
      %get3A_164 = tpu.vector_load %arg4[%get3A_162, %get3A_163] {strides = array<i32>} : memref<32x32xf32, #tpu.memory_space<vmem>>, vector<1x16xf32>,
      %get3A_165 = vector.shape_cast %get3A_164 : vector<1x16xf32> to vector<16xf32>
      %add3A_166 = arith.addf %add3A_154, %get3A_165 : vector<16xf32>
      %get3A_167 = arith.constant 13 : i32
      %get3A_168 = arith.index_cast %get3A_167 : i32 to index
      %get3A_169 = arith.constant 16 : index
      %get3A_170 = tpu.vector_load %arg4[%get3A_168, %get3A_169] {strides = array<i32>} : memref<32x32xf32, #tpu.memory_space<vmem>>, vector<1x16xf32>,
      %get3A_171 = vector.shape_cast %get3A_170 : vector<1x16xf32> to vector<16xf32>
      %add3A_172 = arith.addf %add3A_160, %get3A_171 : vector<16xf32>
      %get3A_173 = arith.constant 14 : i32
      %get3A_174 = arith.index_cast %get3A_173 : i32 to index
      %get3A_175 = arith.constant 0 : index
      %get3A_176 = tpu.vector_load %arg4[%get3A_174, %get3A_175] {strides = array<i32>} : memref<32x32xf32, #tpu.memory_space<vmem>>, vector<1x16xf32>,
      %get3A_177 = vector.shape_cast %get3A_176 : vector<1x16xf32> to vector<16xf32>
      %add3A_178 = arith.addf %add3A_166, %get3A_177 : vector<16xf32>
      %get3A_179 = arith.constant 14 : i32
      %get3A_180 = arith.index_cast %get3A_179 : i32 to index
      %get3A_181 = arith.constant 16 : index
      %get3A_182 = tpu.vector_load %arg4[%get3A_180, %get3A_181] {strides = array<i32>} : memref<32x32xf32, #tpu.memory_space<vmem>>, vector<1x16xf32>,
      %get3A_183 = vector.shape_cast %get3A_182 : vector<1x16xf32> to vector<16xf32>
      %add3A_184 = arith.addf %add3A_172, %get3A_183 : vector<16xf32>
      %get3A_185 = arith.constant 15 : i32
      %get3A_186 = arith.index_cast %get3A_185 : i32 to index
      %get3A_187 = arith.constant 0 : index
      %get3A_188 = tpu.vector_load %arg4[%get3A_186, %get3A_187] {strides = array<i32>} : memref<32x32xf32, #tpu.memory_space<vmem>>, vector<1x16xf32>,
      %get3A_189 = vector.shape_cast %get3A_188 : vector<1x16xf32> to vector<16xf32>
      %add3A_190 = arith.addf %add3A_178, %get3A_189 : vector<16xf32>
      %get3A_191 = arith.constant 15 : i32
      %get3A_192 = arith.index_cast %get3A_191 : i32 to index
      %get3A_193 = arith.constant 16 : index
      %get3A_194 = tpu.vector_load %arg4[%get3A_192, %get3A_193] {strides = array<i32>} : memref<32x32xf32, #tpu.memory_space<vmem>>, vector<1x16xf32>,
      %get3A_195 = vector.shape_cast %get3A_194 : vector<1x16xf32> to vector<16xf32>
      %add3A_196 = arith.addf %add3A_184, %get3A_195 : vector<16xf32>
      %get3A_197 = arith.constant 16 : i32
      %get3A_198 = arith.index_cast %get3A_197 : i32 to index
      %get3A_199 = arith.constant 0 : index
      %get3A_200 = tpu.vector_load %arg4[%get3A_198, %get3A_199] {strides = array<i32>} : memref<32x32xf32, #tpu.memory_space<vmem>>, vector<1x16xf32>,
      %get3A_201 = vector.shape_cast %get3A_200 : vector<1x16xf32> to vector<16xf32>
      %add3A_202 = arith.addf %add3A_190, %get3A_201 : vector<16xf32>
      %get3A_203 = arith.constant 16 : i32
      %get3A_204 = arith.index_cast %get3A_203 : i32 to index
      %get3A_205 = arith.constant 16 : index
      %get3A_206 = tpu.vector_load %arg4[%get3A_204, %get3A_205] {strides = array<i32>} : memref<32x32xf32, #tpu.memory_space<vmem>>, vector<1x16xf32>,
      %get3A_207 = vector.shape_cast %get3A_206 : vector<1x16xf32> to vector<16xf32>
      %add3A_208 = arith.addf %add3A_196, %get3A_207 : vector<16xf32>
      %get3A_209 = arith.constant 17 : i32
      %get3A_210 = arith.index_cast %get3A_209 : i32 to index
      %get3A_211 = arith.constant 0 : index
      %get3A_212 = tpu.vector_load %arg4[%get3A_210, %get3A_211] {strides = array<i32>} : memref<32x32xf32, #tpu.memory_space<vmem>>, vector<1x16xf32>,
      %get3A_213 = vector.shape_cast %get3A_212 : vector<1x16xf32> to vector<16xf32>
      %add3A_214 = arith.addf %add3A_202, %get3A_213 : vector<16xf32>
      %get3A_215 = arith.constant 17 : i32
      %get3A_216 = arith.index_cast %get3A_215 : i32 to index
      %get3A_217 = arith.constant 16 : index
      %get3A_218 = tpu.vector_load %arg4[%get3A_216, %get3A_217] {strides = array<i32>} : memref<32x32xf32, #tpu.memory_space<vmem>>, vector<1x16xf32>,
      %get3A_219 = vector.shape_cast %get3A_218 : vector<1x16xf32> to vector<16xf32>
      %add3A_220 = arith.addf %add3A_208, %get3A_219 : vector<16xf32>
      %get3A_221 = arith.constant 18 : i32
      %get3A_222 = arith.index_cast %get3A_221 : i32 to index
      %get3A_223 = arith.constant 0 : index
      %get3A_224 = tpu.vector_load %arg4[%get3A_222, %get3A_223] {strides = array<i32>} : memref<32x32xf32, #tpu.memory_space<vmem>>, vector<1x16xf32>,
      %get3A_225 = vector.shape_cast %get3A_224 : vector<1x16xf32> to vector<16xf32>
      %add3A_226 = arith.addf %add3A_214, %get3A_225 : vector<16xf32>
      %get3A_227 = arith.constant 18 : i32
      %get3A_228 = arith.index_cast %get3A_227 : i32 to index
      %get3A_229 = arith.constant 16 : index
      %get3A_230 = tpu.vector_load %arg4[%get3A_228, %get3A_229] {strides = array<i32>} : memref<32x32xf32, #tpu.memory_space<vmem>>, vector<1x16xf32>,
      %get3A_231 = vector.shape_cast %get3A_230 : vector<1x16xf32> to vector<16xf32>
      %add3A_232 = arith.addf %add3A_220, %get3A_231 : vector<16xf32>
      %get3A_233 = arith.constant 19 : i32
      %get3A_234 = arith.index_cast %get3A_233 : i32 to index
      %get3A_235 = arith.constant 0 : index
      %get3A_236 = tpu.vector_load %arg4[%get3A_234, %get3A_235] {strides = array<i32>} : memref<32x32xf32, #tpu.memory_space<vmem>>, vector<1x16xf32>,
      %get3A_237 = vector.shape_cast %get3A_236 : vector<1x16xf32> to vector<16xf32>
      %add3A_238 = arith.addf %add3A_226, %get3A_237 : vector<16xf32>
      %get3A_239 = arith.constant 19 : i32
      %get3A_240 = arith.index_cast %get3A_239 : i32 to index
      %get3A_241 = arith.constant 16 : index
      %get3A_242 = tpu.vector_load %arg4[%get3A_240, %get3A_241] {strides = array<i32>} : memref<32x32xf32, #tpu.memory_space<vmem>>, vector<1x16xf32>,
      %get3A_243 = vector.shape_cast %get3A_242 : vector<1x16xf32> to vector<16xf32>
      %add3A_244 = arith.addf %add3A_232, %get3A_243 : vector<16xf32>
      %get3A_245 = arith.constant 20 : i32
      %get3A_246 = arith.index_cast %get3A_245 : i32 to index
      %get3A_247 = arith.constant 0 : index
      %get3A_248 = tpu.vector_load %arg4[%get3A_246, %get3A_247] {strides = array<i32>} : memref<32x32xf32, #tpu.memory_space<vmem>>, vector<1x16xf32>,
      %get3A_249 = vector.shape_cast %get3A_248 : vector<1x16xf32> to vector<16xf32>
      %add3A_250 = arith.addf %add3A_238, %get3A_249 : vector<16xf32>
      %get3A_251 = arith.constant 20 : i32
      %get3A_252 = arith.index_cast %get3A_251 : i32 to index
      %get3A_253 = arith.constant 16 : index
      %get3A_254 = tpu.vector_load %arg4[%get3A_252, %get3A_253] {strides = array<i32>} : memref<32x32xf32, #tpu.memory_space<vmem>>, vector<1x16xf32>,
      %get3A_255 = vector.shape_cast %get3A_254 : vector<1x16xf32> to vector<16xf32>
      %add3A_256 = arith.addf %add3A_244, %get3A_255 : vector<16xf32>
      %get3A_257 = arith.constant 21 : i32
      %get3A_258 = arith.index_cast %get3A_257 : i32 to index
      %get3A_259 = arith.constant 0 : index
      %get3A_260 = tpu.vector_load %arg4[%get3A_258, %get3A_259] {strides = array<i32>} : memref<32x32xf32, #tpu.memory_space<vmem>>, vector<1x16xf32>,
      %get3A_261 = vector.shape_cast %get3A_260 : vector<1x16xf32> to vector<16xf32>
      %add3A_262 = arith.addf %add3A_250, %get3A_261 : vector<16xf32>
      %get3A_263 = arith.constant 21 : i32
      %get3A_264 = arith.index_cast %get3A_263 : i32 to index
      %get3A_265 = arith.constant 16 : index
      %get3A_266 = tpu.vector_load %arg4[%get3A_264, %get3A_265] {strides = array<i32>} : memref<32x32xf32, #tpu.memory_space<vmem>>, vector<1x16xf32>,
      %get3A_267 = vector.shape_cast %get3A_266 : vector<1x16xf32> to vector<16xf32>
      %add3A_268 = arith.addf %add3A_256, %get3A_267 : vector<16xf32>
      %get3A_269 = arith.constant 22 : i32
      %get3A_270 = arith.index_cast %get3A_269 : i32 to index
      %get3A_271 = arith.constant 0 : index
      %get3A_272 = tpu.vector_load %arg4[%get3A_270, %get3A_271] {strides = array<i32>} : memref<32x32xf32, #tpu.memory_space<vmem>>, vector<1x16xf32>,
      %get3A_273 = vector.shape_cast %get3A_272 : vector<1x16xf32> to vector<16xf32>
      %add3A_274 = arith.addf %add3A_262, %get3A_273 : vector<16xf32>
      %get3A_275 = arith.constant 22 : i32
      %get3A_276 = arith.index_cast %get3A_275 : i32 to index
      %get3A_277 = arith.constant 16 : index
      %get3A_278 = tpu.vector_load %arg4[%get3A_276, %get3A_277] {strides = array<i32>} : memref<32x32xf32, #tpu.memory_space<vmem>>, vector<1x16xf32>,
      %get3A_279 = vector.shape_cast %get3A_278 : vector<1x16xf32> to vector<16xf32>
      %add3A_280 = arith.addf %add3A_268, %get3A_279 : vector<16xf32>
      %get3A_281 = arith.constant 23 : i32
      %get3A_282 = arith.index_cast %get3A_281 : i32 to index
      %get3A_283 = arith.constant 0 : index
      %get3A_284 = tpu.vector_load %arg4[%get3A_282, %get3A_283] {strides = array<i32>} : memref<32x32xf32, #tpu.memory_space<vmem>>, vector<1x16xf32>,
      %get3A_285 = vector.shape_cast %get3A_284 : vector<1x16xf32> to vector<16xf32>
      %add3A_286 = arith.addf %add3A_274, %get3A_285 : vector<16xf32>
      %get3A_287 = arith.constant 23 : i32
      %get3A_288 = arith.index_cast %get3A_287 : i32 to index
      %get3A_289 = arith.constant 16 : index
      %get3A_290 = tpu.vector_load %arg4[%get3A_288, %get3A_289] {strides = array<i32>} : memref<32x32xf32, #tpu.memory_space<vmem>>, vector<1x16xf32>,
      %get3A_291 = vector.shape_cast %get3A_290 : vector<1x16xf32> to vector<16xf32>
      %add3A_292 = arith.addf %add3A_280, %get3A_291 : vector<16xf32>
      %get3A_293 = arith.constant 24 : i32
      %get3A_294 = arith.index_cast %get3A_293 : i32 to index
      %get3A_295 = arith.constant 0 : index
      %get3A_296 = tpu.vector_load %arg4[%get3A_294, %get3A_295] {strides = array<i32>} : memref<32x32xf32, #tpu.memory_space<vmem>>, vector<1x16xf32>,
      %get3A_297 = vector.shape_cast %get3A_296 : vector<1x16xf32> to vector<16xf32>
      %add3A_298 = arith.addf %add3A_286, %get3A_297 : vector<16xf32>
      %get3A_299 = arith.constant 24 : i32
      %get3A_300 = arith.index_cast %get3A_299 : i32 to index
      %get3A_301 = arith.constant 16 : index
      %get3A_302 = tpu.vector_load %arg4[%get3A_300, %get3A_301] {strides = array<i32>} : memref<32x32xf32, #tpu.memory_space<vmem>>, vector<1x16xf32>,
      %get3A_303 = vector.shape_cast %get3A_302 : vector<1x16xf32> to vector<16xf32>
      %add3A_304 = arith.addf %add3A_292, %get3A_303 : vector<16xf32>
      %get3A_305 = arith.constant 25 : i32
      %get3A_306 = arith.index_cast %get3A_305 : i32 to index
      %get3A_307 = arith.constant 0 : index
      %get3A_308 = tpu.vector_load %arg4[%get3A_306, %get3A_307] {strides = array<i32>} : memref<32x32xf32, #tpu.memory_space<vmem>>, vector<1x16xf32>,
      %get3A_309 = vector.shape_cast %get3A_308 : vector<1x16xf32> to vector<16xf32>
      %add3A_310 = arith.addf %add3A_298, %get3A_309 : vector<16xf32>
      %get3A_311 = arith.constant 25 : i32
      %get3A_312 = arith.index_cast %get3A_311 : i32 to index
      %get3A_313 = arith.constant 16 : index
      %get3A_314 = tpu.vector_load %arg4[%get3A_312, %get3A_313] {strides = array<i32>} : memref<32x32xf32, #tpu.memory_space<vmem>>, vector<1x16xf32>,
      %get3A_315 = vector.shape_cast %get3A_314 : vector<1x16xf32> to vector<16xf32>
      %add3A_316 = arith.addf %add3A_304, %get3A_315 : vector<16xf32>
      %get3A_317 = arith.constant 26 : i32
      %get3A_318 = arith.index_cast %get3A_317 : i32 to index
      %get3A_319 = arith.constant 0 : index
      %get3A_320 = tpu.vector_load %arg4[%get3A_318, %get3A_319] {strides = array<i32>} : memref<32x32xf32, #tpu.memory_space<vmem>>, vector<1x16xf32>,
      %get3A_321 = vector.shape_cast %get3A_320 : vector<1x16xf32> to vector<16xf32>
      %add3A_322 = arith.addf %add3A_310, %get3A_321 : vector<16xf32>
      %get3A_323 = arith.constant 26 : i32
      %get3A_324 = arith.index_cast %get3A_323 : i32 to index
      %get3A_325 = arith.constant 16 : index
      %get3A_326 = tpu.vector_load %arg4[%get3A_324, %get3A_325] {strides = array<i32>} : memref<32x32xf32, #tpu.memory_space<vmem>>, vector<1x16xf32>,
      %get3A_327 = vector.shape_cast %get3A_326 : vector<1x16xf32> to vector<16xf32>
      %add3A_328 = arith.addf %add3A_316, %get3A_327 : vector<16xf32>
      %get3A_329 = arith.constant 27 : i32
      %get3A_330 = arith.index_cast %get3A_329 : i32 to index
      %get3A_331 = arith.constant 0 : index
      %get3A_332 = tpu.vector_load %arg4[%get3A_330, %get3A_331] {strides = array<i32>} : memref<32x32xf32, #tpu.memory_space<vmem>>, vector<1x16xf32>,
      %get3A_333 = vector.shape_cast %get3A_332 : vector<1x16xf32> to vector<16xf32>
      %add3A_334 = arith.addf %add3A_322, %get3A_333 : vector<16xf32>
      %get3A_335 = arith.constant 27 : i32
      %get3A_336 = arith.index_cast %get3A_335 : i32 to index
      %get3A_337 = arith.constant 16 : index
      %get3A_338 = tpu.vector_load %arg4[%get3A_336, %get3A_337] {strides = array<i32>} : memref<32x32xf32, #tpu.memory_space<vmem>>, vector<1x16xf32>,
      %get3A_339 = vector.shape_cast %get3A_338 : vector<1x16xf32> to vector<16xf32>
      %add3A_340 = arith.addf %add3A_328, %get3A_339 : vector<16xf32>
      %get3A_341 = arith.constant 28 : i32
      %get3A_342 = arith.index_cast %get3A_341 : i32 to index
      %get3A_343 = arith.constant 0 : index
      %get3A_344 = tpu.vector_load %arg4[%get3A_342, %get3A_343] {strides = array<i32>} : memref<32x32xf32, #tpu.memory_space<vmem>>, vector<1x16xf32>,
      %get3A_345 = vector.shape_cast %get3A_344 : vector<1x16xf32> to vector<16xf32>
      %add3A_346 = arith.addf %add3A_334, %get3A_345 : vector<16xf32>
      %get3A_347 = arith.constant 28 : i32
      %get3A_348 = arith.index_cast %get3A_347 : i32 to index
      %get3A_349 = arith.constant 16 : index
      %get3A_350 = tpu.vector_load %arg4[%get3A_348, %get3A_349] {strides = array<i32>} : memref<32x32xf32, #tpu.memory_space<vmem>>, vector<1x16xf32>,
      %get3A_351 = vector.shape_cast %get3A_350 : vector<1x16xf32> to vector<16xf32>
      %add3A_352 = arith.addf %add3A_340, %get3A_351 : vector<16xf32>
      %get3A_353 = arith.constant 29 : i32
      %get3A_354 = arith.index_cast %get3A_353 : i32 to index
      %get3A_355 = arith.constant 0 : index
      %get3A_356 = tpu.vector_load %arg4[%get3A_354, %get3A_355] {strides = array<i32>} : memref<32x32xf32, #tpu.memory_space<vmem>>, vector<1x16xf32>,
      %get3A_357 = vector.shape_cast %get3A_356 : vector<1x16xf32> to vector<16xf32>
      %add3A_358 = arith.addf %add3A_346, %get3A_357 : vector<16xf32>
      %get3A_359 = arith.constant 29 : i32
      %get3A_360 = arith.index_cast %get3A_359 : i32 to index
      %get3A_361 = arith.constant 16 : index
      %get3A_362 = tpu.vector_load %arg4[%get3A_360, %get3A_361] {strides = array<i32>} : memref<32x32xf32, #tpu.memory_space<vmem>>, vector<1x16xf32>,
      %get3A_363 = vector.shape_cast %get3A_362 : vector<1x16xf32> to vector<16xf32>
      %add3A_364 = arith.addf %add3A_352, %get3A_363 : vector<16xf32>
      %get3A_365 = arith.constant 30 : i32
      %get3A_366 = arith.index_cast %get3A_365 : i32 to index
      %get3A_367 = arith.constant 0 : index
      %get3A_368 = tpu.vector_load %arg4[%get3A_366, %get3A_367] {strides = array<i32>} : memref<32x32xf32, #tpu.memory_space<vmem>>, vector<1x16xf32>,
      %get3A_369 = vector.shape_cast %get3A_368 : vector<1x16xf32> to vector<16xf32>
      %add3A_370 = arith.addf %add3A_358, %get3A_369 : vector<16xf32>
      %get3A_371 = arith.constant 30 : i32
      %get3A_372 = arith.index_cast %get3A_371 : i32 to index
      %get3A_373 = arith.constant 16 : index
      %get3A_374 = tpu.vector_load %arg4[%get3A_372, %get3A_373] {strides = array<i32>} : memref<32x32xf32, #tpu.memory_space<vmem>>, vector<1x16xf32>,
      %get3A_375 = vector.shape_cast %get3A_374 : vector<1x16xf32> to vector<16xf32>
      %add3A_376 = arith.addf %add3A_364, %get3A_375 : vector<16xf32>
      %get3A_377 = arith.constant 31 : i32
      %get3A_378 = arith.index_cast %get3A_377 : i32 to index
      %get3A_379 = arith.constant 0 : index
      %get3A_380 = tpu.vector_load %arg4[%get3A_378, %get3A_379] {strides = array<i32>} : memref<32x32xf32, #tpu.memory_space<vmem>>, vector<1x16xf32>,
      %get3A_381 = vector.shape_cast %get3A_380 : vector<1x16xf32> to vector<16xf32>
      %add3A_382 = arith.addf %add3A_370, %get3A_381 : vector<16xf32>
      %get3A_383 = arith.constant 31 : i32
      %get3A_384 = arith.index_cast %get3A_383 : i32 to index
      %get3A_385 = arith.constant 16 : index
      %get3A_386 = tpu.vector_load %arg4[%get3A_384, %get3A_385] {strides = array<i32>} : memref<32x32xf32, #tpu.memory_space<vmem>>, vector<1x16xf32>,
      %get3A_387 = vector.shape_cast %get3A_386 : vector<1x16xf32> to vector<16xf32>
      %add3A_388 = arith.addf %add3A_376, %get3A_387 : vector<16xf32>
      %swap3A = arith.constant 0 : index
      %swap3A_389 = tpu.vector_load %arg6[%swap3A] {strides = array<i32>} : memref<32xf32, #tpu.memory_space<vmem>>, vector<16xf32>,
      tpu.vector_store %arg6[%swap3A], %add3A_382 {strides = array<i32>} : memref<32xf32, #tpu.memory_space<vmem>>, vector<16xf32>,
      %broadcast_in_dim3A_390 = arith.constant 0.000000e+00 : f32
      %broadcast_in_dim3A_391 = vector.broadcast %broadcast_in_dim3A_390 : f32 to vector<16xf32>
      %swap3A_392 = arith.constant 16 : index
      %swap3A_393 = tpu.vector_load %arg6[%swap3A_392] {strides = array<i32>} : memref<32xf32, #tpu.memory_space<vmem>>, vector<16xf32>,
      tpu.vector_store %arg6[%swap3A_392], %broadcast_in_dim3A_391 {strides = array<i32>} : memref<32xf32, #tpu.memory_space<vmem>>, vector<16xf32>,
      %get3A_394 = arith.constant 0 : index
      %get3A_395 = tpu.vector_load %arg6[%get3A_394] {strides = array<i32>} : memref<32xf32, #tpu.memory_space<vmem>>, vector<16xf32>,
      %get3A_396 = arith.constant 8 : index
      %get3A_397 = tpu.vector_load %arg6[%get3A_396] {strides = array<i32>} : memref<32xf32, #tpu.memory_space<vmem>>, vector<16xf32>,
      %get3A_398 = vector.shape_cast %get3A_397 : vector<16xf32> to vector<16xf32>
      %add3A_399 = arith.addf %get3A_395, %get3A_398 : vector<16xf32>
      %swap3A_400 = arith.constant 0 : index
      %swap3A_401 = tpu.vector_load %arg6[%swap3A_400] {strides = array<i32>} : memref<32xf32, #tpu.memory_space<vmem>>, vector<16xf32>,
      tpu.vector_store %arg6[%swap3A_400], %add3A_399 {strides = array<i32>} : memref<32xf32, #tpu.memory_space<vmem>>, vector<16xf32>,
      %get3A_402 = arith.constant 0 : index
      %get3A_403 = tpu.vector_load %arg6[%get3A_402] {strides = array<i32>} : memref<32xf32, #tpu.memory_space<vmem>>, vector<16xf32>,
      %get3A_404 = arith.constant 4 : index
      %get3A_405 = tpu.vector_load %arg6[%get3A_404] {strides = array<i32>} : memref<32xf32, #tpu.memory_space<vmem>>, vector<16xf32>,
      %get3A_406 = vector.shape_cast %get3A_405 : vector<16xf32> to vector<16xf32>
      %add3A_407 = arith.addf %get3A_403, %get3A_406 : vector<16xf32>
      %swap3A_408 = arith.constant 0 : index
      %swap3A_409 = tpu.vector_load %arg6[%swap3A_408] {strides = array<i32>} : memref<32xf32, #tpu.memory_space<vmem>>, vector<16xf32>,
      tpu.vector_store %arg6[%swap3A_408], %add3A_407 {strides = array<i32>} : memref<32xf32, #tpu.memory_space<vmem>>, vector<16xf32>,
      %get3A_410 = arith.constant 0 : index
      %get3A_411 = tpu.vector_load %arg6[%get3A_410] {strides = array<i32>} : memref<32xf32, #tpu.memory_space<vmem>>, vector<16xf32>,
      %get3A_412 = arith.constant 2 : index
      %get3A_413 = tpu.vector_load %arg6[%get3A_412] {strides = array<i32>} : memref<32xf32, #tpu.memory_space<vmem>>, vector<16xf32>,
      %get3A_414 = vector.shape_cast %get3A_413 : vector<16xf32> to vector<16xf32>
      %add3A_415 = arith.addf %get3A_411, %get3A_414 : vector<16xf32>
      %swap3A_416 = arith.constant 0 : index
      %swap3A_417 = tpu.vector_load %arg6[%swap3A_416] {strides = array<i32>} : memref<32xf32, #tpu.memory_space<vmem>>, vector<16xf32>,
      tpu.vector_store %arg6[%swap3A_416], %add3A_415 {strides = array<i32>} : memref<32xf32, #tpu.memory_space<vmem>>, vector<16xf32>,
      %get3A_418 = arith.constant 0 : index
      %get3A_419 = tpu.vector_load %arg6[%get3A_418] {strides = array<i32>} : memref<32xf32, #tpu.memory_space<vmem>>, vector<16xf32>,
      %get3A_420 = arith.constant 1 : index
      %get3A_421 = tpu.vector_load %arg6[%get3A_420] {strides = array<i32>} : memref<32xf32, #tpu.memory_space<vmem>>, vector<16xf32>,
      %get3A_422 = vector.shape_cast %get3A_421 : vector<16xf32> to vector<16xf32>
      %add3A_423 = arith.addf %get3A_419, %get3A_422 : vector<16xf32>
      %swap3A_424 = arith.constant 0 : index
      %swap3A_425 = tpu.vector_load %arg6[%swap3A_424] {strides = array<i32>} : memref<32xf32, #tpu.memory_space<vmem>>, vector<16xf32>,
      tpu.vector_store %arg6[%swap3A_424], %add3A_423 {strides = array<i32>} : memref<32xf32, #tpu.memory_space<vmem>>, vector<16xf32>,
      %get3A_426 = arith.constant 0 : index
      %get3A_427 = tpu.vector_load %arg6[%get3A_426] {strides = array<i32>} : memref<32xf32, #tpu.memory_space<vmem>>, vector<16xf32>,
      %swap3A_428 = arith.constant 0 : index
      %swap3A_429 = tpu.vector_load %arg6[%swap3A_428] {strides = array<i32>} : memref<32xf32, #tpu.memory_space<vmem>>, vector<16xf32>,
      tpu.vector_store %arg6[%swap3A_428], %add3A_388 {strides = array<i32>} : memref<32xf32, #tpu.memory_space<vmem>>, vector<16xf32>,
      %broadcast_in_dim3A_430 = arith.constant 0.000000e+00 : f32
      %broadcast_in_dim3A_431 = vector.broadcast %broadcast_in_dim3A_430 : f32 to vector<16xf32>
      %swap3A_432 = arith.constant 16 : index
      %swap3A_433 = tpu.vector_load %arg6[%swap3A_432] {strides = array<i32>} : memref<32xf32, #tpu.memory_space<vmem>>, vector<16xf32>,
      tpu.vector_store %arg6[%swap3A_432], %broadcast_in_dim3A_431 {strides = array<i32>} : memref<32xf32, #tpu.memory_space<vmem>>, vector<16xf32>,
      %get3A_434 = arith.constant 0 : index
      %get3A_435 = tpu.vector_load %arg6[%get3A_434] {strides = array<i32>} : memref<32xf32, #tpu.memory_space<vmem>>, vector<16xf32>,
      %get3A_436 = arith.constant 8 : index
      %get3A_437 = tpu.vector_load %arg6[%get3A_436] {strides = array<i32>} : memref<32xf32, #tpu.memory_space<vmem>>, vector<16xf32>,
      %get3A_438 = vector.shape_cast %get3A_437 : vector<16xf32> to vector<16xf32>
      %add3A_439 = arith.addf %get3A_435, %get3A_438 : vector<16xf32>
      %swap3A_440 = arith.constant 0 : index
      %swap3A_441 = tpu.vector_load %arg6[%swap3A_440] {strides = array<i32>} : memref<32xf32, #tpu.memory_space<vmem>>, vector<16xf32>,
      tpu.vector_store %arg6[%swap3A_440], %add3A_439 {strides = array<i32>} : memref<32xf32, #tpu.memory_space<vmem>>, vector<16xf32>,
      %get3A_442 = arith.constant 0 : index
      %get3A_443 = tpu.vector_load %arg6[%get3A_442] {strides = array<i32>} : memref<32xf32, #tpu.memory_space<vmem>>, vector<16xf32>,
      %get3A_444 = arith.constant 4 : index
      %get3A_445 = tpu.vector_load %arg6[%get3A_444] {strides = array<i32>} : memref<32xf32, #tpu.memory_space<vmem>>, vector<16xf32>,
      %get3A_446 = vector.shape_cast %get3A_445 : vector<16xf32> to vector<16xf32>
      %add3A_447 = arith.addf %get3A_443, %get3A_446 : vector<16xf32>
      %swap3A_448 = arith.constant 0 : index
      %swap3A_449 = tpu.vector_load %arg6[%swap3A_448] {strides = array<i32>} : memref<32xf32, #tpu.memory_space<vmem>>, vector<16xf32>,
      tpu.vector_store %arg6[%swap3A_448], %add3A_447 {strides = array<i32>} : memref<32xf32, #tpu.memory_space<vmem>>, vector<16xf32>,
      %get3A_450 = arith.constant 0 : index
      %get3A_451 = tpu.vector_load %arg6[%get3A_450] {strides = array<i32>} : memref<32xf32, #tpu.memory_space<vmem>>, vector<16xf32>,
      %get3A_452 = arith.constant 2 : index
      %get3A_453 = tpu.vector_load %arg6[%get3A_452] {strides = array<i32>} : memref<32xf32, #tpu.memory_space<vmem>>, vector<16xf32>,
      %get3A_454 = vector.shape_cast %get3A_453 : vector<16xf32> to vector<16xf32>
      %add3A_455 = arith.addf %get3A_451, %get3A_454 : vector<16xf32>
      %swap3A_456 = arith.constant 0 : index
      %swap3A_457 = tpu.vector_load %arg6[%swap3A_456] {strides = array<i32>} : memref<32xf32, #tpu.memory_space<vmem>>, vector<16xf32>,
      tpu.vector_store %arg6[%swap3A_456], %add3A_455 {strides = array<i32>} : memref<32xf32, #tpu.memory_space<vmem>>, vector<16xf32>,
      %get3A_458 = arith.constant 0 : index
      %get3A_459 = tpu.vector_load %arg6[%get3A_458] {strides = array<i32>} : memref<32xf32, #tpu.memory_space<vmem>>, vector<16xf32>,
      %get3A_460 = arith.constant 1 : index
      %get3A_461 = tpu.vector_load %arg6[%get3A_460] {strides = array<i32>} : memref<32xf32, #tpu.memory_space<vmem>>, vector<16xf32>,
      %get3A_462 = vector.shape_cast %get3A_461 : vector<16xf32> to vector<16xf32>
      %add3A_463 = arith.addf %get3A_459, %get3A_462 : vector<16xf32>
      %swap3A_464 = arith.constant 0 : index
      %swap3A_465 = tpu.vector_load %arg6[%swap3A_464] {strides = array<i32>} : memref<32xf32, #tpu.memory_space<vmem>>, vector<16xf32>,
      tpu.vector_store %arg6[%swap3A_464], %add3A_463 {strides = array<i32>} : memref<32xf32, #tpu.memory_space<vmem>>, vector<16xf32>,
      %get3A_466 = arith.constant 0 : index
      %get3A_467 = tpu.vector_load %arg6[%get3A_466] {strides = array<i32>} : memref<32xf32, #tpu.memory_space<vmem>>, vector<16xf32>,
      %mul3A_468 = arith.constant 6.400000e+01 : f32
      %mul3A_469 = vector.broadcast %mul3A_468 : f32 to vector<16xf32>
      %mul3A_470 = arith.mulf %get3A_467, %mul3A_469 : vector<16xf32>
      %add3A_471 = arith.constant 9.99999974E-5 : f32
      %add3A_472 = vector.broadcast %add3A_471 : f32 to vector<16xf32>
      %add3A_473 = arith.addf %mul3A_470, %add3A_472 : vector<16xf32>
      %div3A = arith.divf %get3A_427, %add3A_473 : vector<16xf32>
      %swap3A_474 = arith.constant 0 : index
      %swap3A_475 = tpu.vector_load %arg5[%swap3A_474] {strides = array<i32>} : memref<16xf32, #tpu.memory_space<vmem>>, vector<16xf32>,
      %swap3A_476 = vector.shape_cast %swap3A_475 : vector<16xf32> to vector<16xf32>
      %swap3A_477 = vector.shape_cast %div3A : vector<16xf32> to vector<16xf32>
      tpu.vector_store %arg5[%swap3A_474], %swap3A_477 {strides = array<i32>} : memref<16xf32, #tpu.memory_space<vmem>>, vector<16xf32>,
      "tpu.region"() ({
        %run_scoped3A = tpu.sem_alloc : memref<!tpu.dma_semaphore, #tpu.memory_space<semaphore_mem>>
        tpu.enqueue_dma source(%arg5 : memref<16xf32, #tpu.memory_space<vmem>>) target(%arg3 : memref<16xf32, #tpu.memory_space<hbm>>) target_semaphore(%run_scoped3A : memref<!tpu.dma_semaphore, #tpu.memory_space<semaphore_mem>>)
        tpu.wait_dma2 semaphore(%run_scoped3A : memref<!tpu.dma_semaphore, #tpu.memory_space<semaphore_mem>>) src(%arg5 : memref<16xf32, #tpu.memory_space<vmem>>) dst(%arg3 : memref<16xf32, #tpu.memory_space<hbm>>)
        tpu.yield
      }) : () -> ()
    } else {
    }
    return
  }
}

#map = affine_map<(d0, d1) -> (0, 0)>
#map1 = affine_map<(d0, d1) -> (0)>
module attributes {stable_mosaic.version = 14 : i64} {
  func.func @_stage1(%arg0: i32, %arg1: i32, %arg2: memref<131072x256xf32, #tpu.memory_space<hbm>>, %arg3: memref<1024xi32, #tpu.memory_space<hbm>>, %arg4: memref<1024x64xf32, #tpu.memory_space<hbm>>, %arg5: memref<1024xf32, #tpu.memory_space<hbm>>, %arg6: memref<32x32xf32, #tpu.memory_space<hbm>>, %arg7: memref<32xi32, #tpu.memory_space<vmem>>, %arg8: memref<32xf32, #tpu.memory_space<vmem>>, %arg9: memref<32x64xf32, #tpu.memory_space<vmem>>, %arg10: memref<32x64xi32, #tpu.memory_space<vmem>>, %arg11: memref<32xi32, #tpu.memory_space<vmem>>, %arg12: memref<32xi32, #tpu.memory_space<vmem>>, %arg13: memref<2x4x64x128xf32, #tpu.memory_space<vmem>>, %arg14: memref<32xf32, #tpu.memory_space<vmem>>, %arg15: memref<!tpu.dma_semaphore, #tpu.memory_space<semaphore_mem>>, %arg16: memref<!tpu.dma_semaphore, #tpu.memory_space<semaphore_mem>>) attributes {dimension_semantics = [#tpu.dimension_semantics<core_parallel>, #tpu.dimension_semantics<subcore_parallel>], iteration_bounds = array<i64: 2, 16>, scalar_prefetch = 0 : i64, scratch_operands = 10 : i64, tpu.core_type = #tpu.core_type<sc_vector_subcore>, window_params = [{transform_indices = #map}, {transform_indices = #map1}, {transform_indices = #map}, {transform_indices = #map1}, {transform_indices = #map}]} {
    %mul3A = arith.constant 16 : i32
    %mul3A_0 = arith.muli %arg0, %mul3A : i32
    %add3A = arith.addi %mul3A_0, %arg1 : i32
    %mul3A_1 = arith.constant 32 : i32
    %mul3A_2 = arith.muli %add3A, %mul3A_1 : i32
    %jit3A = arith.constant 128 : i32
    %div3A = arith.divsi %mul3A_2, %jit3A : i32
    %sign3A = arith.constant 0 : i32
    %sign3A_3 = arith.cmpi sgt, %mul3A_2, %sign3A : i32
    %sign3A_4 = arith.extui %sign3A_3 : i1 to i32
    %sign3A_5 = arith.constant 0 : i32
    %sign3A_6 = arith.cmpi slt, %mul3A_2, %sign3A_5 : i32
    %sign3A_7 = arith.extui %sign3A_6 : i1 to i32
    %sign3A_8 = arith.subi %sign3A_4, %sign3A_7 : i32
    %sign3A_9 = arith.constant 0 : i32
    %sign3A_10 = arith.cmpi sgt, %jit3A, %sign3A_9 : i32
    %sign3A_11 = arith.extui %sign3A_10 : i1 to i32
    %sign3A_12 = arith.constant 0 : i32
    %sign3A_13 = arith.cmpi slt, %jit3A, %sign3A_12 : i32
    %sign3A_14 = arith.extui %sign3A_13 : i1 to i32
    %sign3A_15 = arith.subi %sign3A_11, %sign3A_14 : i32
    %ne3A = arith.cmpi ne, %sign3A_8, %sign3A_15 : i32
    %rem3A = arith.remsi %mul3A_2, %jit3A : i32
    %ne3A_16 = arith.constant 0 : i32
    %ne3A_17 = arith.cmpi ne, %rem3A, %ne3A_16 : i32
    %and3A = arith.andi %ne3A, %ne3A_17 : i1
    %sub3A = arith.constant 1 : i32
    %sub3A_18 = arith.subi %div3A, %sub3A : i32
    %select_n3A = arith.select %and3A, %sub3A_18, %div3A : i32
    "tpu.region"() ({
      %run_scoped3A = tpu.sem_alloc : memref<!tpu.dma_semaphore, #tpu.memory_space<semaphore_mem>>
      %dma_start3A = tpu.memref_slice %arg3[%mul3A_2] : memref<1024xi32, #tpu.memory_space<hbm>> -> memref<32xi32, #tpu.memory_space<hbm>>
      %dma_start3A_68 = tpu.memref_slice %arg3[%mul3A_2] : memref<1024xi32, #tpu.memory_space<hbm>> -> memref<32xi32, #tpu.memory_space<hbm>>
      tpu.enqueue_dma source(%dma_start3A_68 : memref<32xi32, #tpu.memory_space<hbm>>) target(%arg7 : memref<32xi32, #tpu.memory_space<vmem>>) target_semaphore(%run_scoped3A : memref<!tpu.dma_semaphore, #tpu.memory_space<semaphore_mem>>)
      %dma_wait3A = tpu.memref_slice %arg3[%mul3A_2] : memref<1024xi32, #tpu.memory_space<hbm>> -> memref<32xi32, #tpu.memory_space<hbm>>
      %dma_wait3A_69 = tpu.memref_slice %arg3[%mul3A_2] : memref<1024xi32, #tpu.memory_space<hbm>> -> memref<32xi32, #tpu.memory_space<hbm>>
      tpu.wait_dma2 semaphore(%run_scoped3A : memref<!tpu.dma_semaphore, #tpu.memory_space<semaphore_mem>>) src(%dma_wait3A_69 : memref<32xi32, #tpu.memory_space<hbm>>) dst(%arg7 : memref<32xi32, #tpu.memory_space<vmem>>)
      tpu.yield
    }) : () -> ()
    "tpu.region"() ({
      %run_scoped3A = tpu.sem_alloc : memref<!tpu.dma_semaphore, #tpu.memory_space<semaphore_mem>>
      %dma_start3A = tpu.memref_slice %arg5[%mul3A_2] : memref<1024xf32, #tpu.memory_space<hbm>> -> memref<32xf32, #tpu.memory_space<hbm>>
      %dma_start3A_68 = tpu.memref_slice %arg5[%mul3A_2] : memref<1024xf32, #tpu.memory_space<hbm>> -> memref<32xf32, #tpu.memory_space<hbm>>
      tpu.enqueue_dma source(%dma_start3A_68 : memref<32xf32, #tpu.memory_space<hbm>>) target(%arg8 : memref<32xf32, #tpu.memory_space<vmem>>) target_semaphore(%run_scoped3A : memref<!tpu.dma_semaphore, #tpu.memory_space<semaphore_mem>>)
      %dma_wait3A = tpu.memref_slice %arg5[%mul3A_2] : memref<1024xf32, #tpu.memory_space<hbm>> -> memref<32xf32, #tpu.memory_space<hbm>>
      %dma_wait3A_69 = tpu.memref_slice %arg5[%mul3A_2] : memref<1024xf32, #tpu.memory_space<hbm>> -> memref<32xf32, #tpu.memory_space<hbm>>
      tpu.wait_dma2 semaphore(%run_scoped3A : memref<!tpu.dma_semaphore, #tpu.memory_space<semaphore_mem>>) src(%dma_wait3A_69 : memref<32xf32, #tpu.memory_space<hbm>>) dst(%arg8 : memref<32xf32, #tpu.memory_space<vmem>>)
      tpu.yield
    }) : () -> ()
    "tpu.region"() ({
      %run_scoped3A = tpu.sem_alloc : memref<!tpu.dma_semaphore, #tpu.memory_space<semaphore_mem>>
      %dma_start3A = arith.constant 0 : i32
      %dma_start3A_68 = tpu.memref_slice %arg4[%mul3A_2, %dma_start3A] : memref<1024x64xf32, #tpu.memory_space<hbm>> -> memref<32x64xf32, #tpu.memory_space<hbm>>
      %dma_start3A_69 = arith.constant 0 : i32
      %dma_start3A_70 = tpu.memref_slice %arg4[%mul3A_2, %dma_start3A_69] : memref<1024x64xf32, #tpu.memory_space<hbm>> -> memref<32x64xf32, #tpu.memory_space<hbm>>
      tpu.enqueue_dma source(%dma_start3A_70 : memref<32x64xf32, #tpu.memory_space<hbm>>) target(%arg9 : memref<32x64xf32, #tpu.memory_space<vmem>>) target_semaphore(%run_scoped3A : memref<!tpu.dma_semaphore, #tpu.memory_space<semaphore_mem>>)
      %dma_wait3A = arith.constant 0 : i32
      %dma_wait3A_71 = tpu.memref_slice %arg4[%mul3A_2, %dma_wait3A] : memref<1024x64xf32, #tpu.memory_space<hbm>> -> memref<32x64xf32, #tpu.memory_space<hbm>>
      %dma_wait3A_72 = arith.constant 0 : i32
      %dma_wait3A_73 = tpu.memref_slice %arg4[%mul3A_2, %dma_wait3A_72] : memref<1024x64xf32, #tpu.memory_space<hbm>> -> memref<32x64xf32, #tpu.memory_space<hbm>>
      tpu.wait_dma2 semaphore(%run_scoped3A : memref<!tpu.dma_semaphore, #tpu.memory_space<semaphore_mem>>) src(%dma_wait3A_73 : memref<32x64xf32, #tpu.memory_space<hbm>>) dst(%arg9 : memref<32x64xf32, #tpu.memory_space<vmem>>)
      tpu.yield
    }) : () -> ()
    %iota3A = tpu.iota {dimensions = array<i32: 0>} : vector<16xi32>
    %mul3A_19 = arith.constant 256 : i32
    %mul3A_20 = vector.broadcast %mul3A_19 : i32 to vector<16xi32>
    %mul3A_21 = arith.muli %iota3A, %mul3A_20 : vector<16xi32>
    %mul3A_22 = arith.constant 16384 : i32
    %mul3A_23 = arith.muli %select_n3A, %mul3A_22 : i32
    %get3A = arith.constant 0 : index
    %get3A_24 = tpu.vector_load %arg7[%get3A] {strides = array<i32>} : memref<32xi32, #tpu.memory_space<vmem>>, vector<16xi32>,
    %and3A_25 = arith.constant 128 : i32
    %and3A_26 = vector.broadcast %and3A_25 : i32 to vector<16xi32>
    %and3A_27 = arith.andi %get3A_24, %and3A_26 : vector<16xi32>
    %swap3A = arith.constant 0 : index
    %swap3A_28 = tpu.vector_load %arg11[%swap3A] {strides = array<i32>} : memref<32xi32, #tpu.memory_space<vmem>>, vector<16xi32>,
    tpu.vector_store %arg11[%swap3A], %and3A_27 {strides = array<i32>} : memref<32xi32, #tpu.memory_space<vmem>>, vector<16xi32>,
    %and3A_29 = arith.constant 127 : i32
    %and3A_30 = vector.broadcast %and3A_29 : i32 to vector<16xi32>
    %and3A_31 = arith.andi %get3A_24, %and3A_30 : vector<16xi32>
    %swap3A_32 = arith.constant 0 : index
    %swap3A_33 = tpu.vector_load %arg12[%swap3A_32] {strides = array<i32>} : memref<32xi32, #tpu.memory_space<vmem>>, vector<16xi32>,
    tpu.vector_store %arg12[%swap3A_32], %and3A_31 {strides = array<i32>} : memref<32xi32, #tpu.memory_space<vmem>>, vector<16xi32>,
    %get3A_34 = arith.constant 16 : index
    %get3A_35 = tpu.vector_load %arg7[%get3A_34] {strides = array<i32>} : memref<32xi32, #tpu.memory_space<vmem>>, vector<16xi32>,
    %and3A_36 = arith.constant 128 : i32
    %and3A_37 = vector.broadcast %and3A_36 : i32 to vector<16xi32>
    %and3A_38 = arith.andi %get3A_35, %and3A_37 : vector<16xi32>
    %swap3A_39 = arith.constant 16 : index
    %swap3A_40 = tpu.vector_load %arg11[%swap3A_39] {strides = array<i32>} : memref<32xi32, #tpu.memory_space<vmem>>, vector<16xi32>,
    tpu.vector_store %arg11[%swap3A_39], %and3A_38 {strides = array<i32>} : memref<32xi32, #tpu.memory_space<vmem>>, vector<16xi32>,
    %and3A_41 = arith.constant 127 : i32
    %and3A_42 = vector.broadcast %and3A_41 : i32 to vector<16xi32>
    %and3A_43 = arith.andi %get3A_35, %and3A_42 : vector<16xi32>
    %swap3A_44 = arith.constant 16 : index
    %swap3A_45 = tpu.vector_load %arg12[%swap3A_44] {strides = array<i32>} : memref<32xi32, #tpu.memory_space<vmem>>, vector<16xi32>,
    tpu.vector_store %arg12[%swap3A_44], %and3A_43 {strides = array<i32>} : memref<32xi32, #tpu.memory_space<vmem>>, vector<16xi32>,
    %scan3A = arith.constant 0 : i32
    %scan3A_46 = arith.constant 0 : i32
    %scan3A_47 = arith.constant 32 : i32
    %scan3A_48 = arith.addi %scan3A_46, %scan3A_47 : i32
    %scan3A_49 = arith.constant 1 : i32
    scf.for %scan3A_68 = %scan3A_46 to %scan3A_48 step %scan3A_49  : i32 {
      %broadcast_in_dim3A_69 = vector.broadcast %scan3A_68 : i32 to vector<16xi32>
      %gather3A = tpu.vector_load_idx %arg7[%broadcast_in_dim3A_69] : memref<32xi32, #tpu.memory_space<vmem>>[vector<16xi32>], vector<16xi32>,
      %shift_right_logical3A = arith.constant 8 : i32
      %shift_right_logical3A_70 = vector.broadcast %shift_right_logical3A : i32 to vector<16xi32>
      %shift_right_logical3A_71 = arith.shrui %gather3A, %shift_right_logical3A_70 : vector<16xi32>
      %add3A_72 = vector.broadcast %mul3A_23 : i32 to vector<16xi32>
      %add3A_73 = arith.addi %shift_right_logical3A_71, %add3A_72 : vector<16xi32>
      %add3A_74 = arith.constant 0 : i32
      %add3A_75 = vector.broadcast %add3A_74 : i32 to vector<16xi32>
      %add3A_76 = arith.addi %mul3A_21, %add3A_75 : vector<16xi32>
      %add3A_77 = arith.addi %add3A_73, %add3A_76 : vector<16xi32>
      %swap3A_78 = arith.index_cast %scan3A_68 : i32 to index
      %swap3A_79 = arith.constant 0 : index
      %swap3A_80 = tpu.vector_load %arg10[%swap3A_78, %swap3A_79] {strides = array<i32>} : memref<32x64xi32, #tpu.memory_space<vmem>>, vector<16xi32>,
      tpu.vector_store %arg10[%swap3A_78, %swap3A_79], %add3A_77 {strides = array<i32>} : memref<32x64xi32, #tpu.memory_space<vmem>>, vector<16xi32>,
      %add3A_81 = arith.constant 4096 : i32
      %add3A_82 = vector.broadcast %add3A_81 : i32 to vector<16xi32>
      %add3A_83 = arith.addi %mul3A_21, %add3A_82 : vector<16xi32>
      %add3A_84 = arith.addi %add3A_73, %add3A_83 : vector<16xi32>
      %swap3A_85 = arith.index_cast %scan3A_68 : i32 to index
      %swap3A_86 = arith.constant 16 : index
      %swap3A_87 = tpu.vector_load %arg10[%swap3A_85, %swap3A_86] {strides = array<i32>} : memref<32x64xi32, #tpu.memory_space<vmem>>, vector<16xi32>,
      tpu.vector_store %arg10[%swap3A_85, %swap3A_86], %add3A_84 {strides = array<i32>} : memref<32x64xi32, #tpu.memory_space<vmem>>, vector<16xi32>,
      %add3A_88 = arith.constant 8192 : i32
      %add3A_89 = vector.broadcast %add3A_88 : i32 to vector<16xi32>
      %add3A_90 = arith.addi %mul3A_21, %add3A_89 : vector<16xi32>
      %add3A_91 = arith.addi %add3A_73, %add3A_90 : vector<16xi32>
      %swap3A_92 = arith.index_cast %scan3A_68 : i32 to index
      %swap3A_93 = arith.constant 32 : index
      %swap3A_94 = tpu.vector_load %arg10[%swap3A_92, %swap3A_93] {strides = array<i32>} : memref<32x64xi32, #tpu.memory_space<vmem>>, vector<16xi32>,
      tpu.vector_store %arg10[%swap3A_92, %swap3A_93], %add3A_91 {strides = array<i32>} : memref<32x64xi32, #tpu.memory_space<vmem>>, vector<16xi32>,
      %add3A_95 = arith.constant 12288 : i32
      %add3A_96 = vector.broadcast %add3A_95 : i32 to vector<16xi32>
      %add3A_97 = arith.addi %mul3A_21, %add3A_96 : vector<16xi32>
      %add3A_98 = arith.addi %add3A_73, %add3A_97 : vector<16xi32>
      %swap3A_99 = arith.index_cast %scan3A_68 : i32 to index
      %swap3A_100 = arith.constant 48 : index
      %swap3A_101 = tpu.vector_load %arg10[%swap3A_99, %swap3A_100] {strides = array<i32>} : memref<32x64xi32, #tpu.memory_space<vmem>>, vector<16xi32>,
      tpu.vector_store %arg10[%swap3A_99, %swap3A_100], %add3A_98 {strides = array<i32>} : memref<32x64xi32, #tpu.memory_space<vmem>>, vector<16xi32>,
    }
    %scan3A_50 = arith.constant 32 : i32
    %iota3A_51 = tpu.iota {dimensions = array<i32: 0>} : vector<16xi32>
    %broadcast_in_dim3A = arith.constant 0.000000e+00 : f32
    %broadcast_in_dim3A_52 = vector.broadcast %broadcast_in_dim3A : f32 to vector<16xf32>
    %scan3A_53 = arith.constant 0 : i32
    %scan3A_54 = arith.constant 4 : i32
    %scan3A_55 = arith.addi %scan3A_53, %scan3A_54 : i32
    %scan3A_56 = arith.constant 1 : i32
    %scan3A_57 = scf.for %scan3A_68 = %scan3A_53 to %scan3A_55 step %scan3A_56 iter_args(%scan3A_69 = %broadcast_in_dim3A_52) -> (vector<16xf32>)  : i32 {
      %mul3A_70 = arith.constant 2 : i32
      %mul3A_71 = arith.muli %scan3A_68, %mul3A_70 : i32
      %mul3A_72 = arith.constant 4 : i32
      %mul3A_73 = arith.muli %mul3A_71, %mul3A_72 : i32
      %add3A_74 = arith.constant 0 : i32
      %add3A_75 = arith.addi %mul3A_73, %add3A_74 : i32
      %broadcast_in_dim3A_76 = vector.broadcast %add3A_75 : i32 to vector<16xi32>
      %gather3A = tpu.vector_load_idx %arg11[%broadcast_in_dim3A_76] : memref<32xi32, #tpu.memory_space<vmem>>[vector<16xi32>], vector<16xi32>,
      %slice3A = vector.extract_strided_slice %gather3A {offsets = [0], sizes = [1], strides = [1]} : vector<16xi32> to vector<1xi32>
      %squeeze3A = vector.extract %slice3A[0] : i32 from vector<1xi32>
      %multiple_of3A = tpu.assume_multiple %squeeze3A, 128 : i32
      %dma_start3A = arith.constant 0 : i32
      %dma_start3A_77 = arith.constant 0 : i32
      %dma_start3A_78 = arith.constant 0 : i32
      %dma_start3A_79 = arith.constant 0 : i32
      %dma_start3A_80 = tpu.memref_slice %arg13[%dma_start3A, %dma_start3A_77, %dma_start3A_78, %dma_start3A_79] : memref<2x4x64x128xf32, #tpu.memory_space<vmem>> -> memref<1x1x64x128xf32, #tpu.memory_space<vmem>>
      %dma_start3A_81 = tpu.memref_squeeze %dma_start3A_80 : memref<1x1x64x128xf32, #tpu.memory_space<vmem>> -> memref<64x128xf32, #tpu.memory_space<vmem>>
      %dma_start3A_82 = arith.constant 0 : i32
      %dma_start3A_83 = tpu.memref_slice %arg10[%add3A_75, %dma_start3A_82] : memref<32x64xi32, #tpu.memory_space<vmem>> -> memref<1x64xi32, #tpu.memory_space<vmem>>
      %dma_start3A_84 = tpu.memref_squeeze %dma_start3A_83 : memref<1x64xi32, #tpu.memory_space<vmem>> -> memref<64xi32, #tpu.memory_space<vmem>>
      %dma_start3A_85 = arith.constant 0 : i32
      %dma_start3A_86 = tpu.memref_slice %arg2[%dma_start3A_85, %multiple_of3A] : memref<131072x256xf32, #tpu.memory_space<hbm>> -> memref<131072x128xf32, #tpu.memory_space<hbm>>
      tpu.enqueue_indirect_dma source(%dma_start3A_86 : memref<131072x128xf32, #tpu.memory_space<hbm>>) target(%dma_start3A_81 : memref<64x128xf32, #tpu.memory_space<vmem>>) offsets(%dma_start3A_84 : memref<64xi32, #tpu.memory_space<vmem>>) semaphore(%arg15 : memref<!tpu.dma_semaphore, #tpu.memory_space<semaphore_mem>>)
      %mul3A_87 = arith.constant 4 : i32
      %mul3A_88 = arith.muli %mul3A_71, %mul3A_87 : i32
      %add3A_89 = arith.constant 1 : i32
      %add3A_90 = arith.addi %mul3A_88, %add3A_89 : i32
      %broadcast_in_dim3A_91 = vector.broadcast %add3A_90 : i32 to vector<16xi32>
      %gather3A_92 = tpu.vector_load_idx %arg11[%broadcast_in_dim3A_91] : memref<32xi32, #tpu.memory_space<vmem>>[vector<16xi32>], vector<16xi32>,
      %slice3A_93 = vector.extract_strided_slice %gather3A_92 {offsets = [0], sizes = [1], strides = [1]} : vector<16xi32> to vector<1xi32>
      %squeeze3A_94 = vector.extract %slice3A_93[0] : i32 from vector<1xi32>
      %multiple_of3A_95 = tpu.assume_multiple %squeeze3A_94, 128 : i32
      %dma_start3A_96 = arith.constant 0 : i32
      %dma_start3A_97 = arith.constant 1 : i32
      %dma_start3A_98 = arith.constant 0 : i32
      %dma_start3A_99 = arith.constant 0 : i32
      %dma_start3A_100 = tpu.memref_slice %arg13[%dma_start3A_96, %dma_start3A_97, %dma_start3A_98, %dma_start3A_99] : memref<2x4x64x128xf32, #tpu.memory_space<vmem>> -> memref<1x1x64x128xf32, #tpu.memory_space<vmem>>
      %dma_start3A_101 = tpu.memref_squeeze %dma_start3A_100 : memref<1x1x64x128xf32, #tpu.memory_space<vmem>> -> memref<64x128xf32, #tpu.memory_space<vmem>>
      %dma_start3A_102 = arith.constant 0 : i32
      %dma_start3A_103 = tpu.memref_slice %arg10[%add3A_90, %dma_start3A_102] : memref<32x64xi32, #tpu.memory_space<vmem>> -> memref<1x64xi32, #tpu.memory_space<vmem>>
      %dma_start3A_104 = tpu.memref_squeeze %dma_start3A_103 : memref<1x64xi32, #tpu.memory_space<vmem>> -> memref<64xi32, #tpu.memory_space<vmem>>
      %dma_start3A_105 = arith.constant 0 : i32
      %dma_start3A_106 = tpu.memref_slice %arg2[%dma_start3A_105, %multiple_of3A_95] : memref<131072x256xf32, #tpu.memory_space<hbm>> -> memref<131072x128xf32, #tpu.memory_space<hbm>>
      tpu.enqueue_indirect_dma source(%dma_start3A_106 : memref<131072x128xf32, #tpu.memory_space<hbm>>) target(%dma_start3A_101 : memref<64x128xf32, #tpu.memory_space<vmem>>) offsets(%dma_start3A_104 : memref<64xi32, #tpu.memory_space<vmem>>) semaphore(%arg15 : memref<!tpu.dma_semaphore, #tpu.memory_space<semaphore_mem>>)
      %mul3A_107 = arith.constant 4 : i32
      %mul3A_108 = arith.muli %mul3A_71, %mul3A_107 : i32
      %add3A_109 = arith.constant 2 : i32
      %add3A_110 = arith.addi %mul3A_108, %add3A_109 : i32
      %broadcast_in_dim3A_111 = vector.broadcast %add3A_110 : i32 to vector<16xi32>
      %gather3A_112 = tpu.vector_load_idx %arg11[%broadcast_in_dim3A_111] : memref<32xi32, #tpu.memory_space<vmem>>[vector<16xi32>], vector<16xi32>,
      %slice3A_113 = vector.extract_strided_slice %gather3A_112 {offsets = [0], sizes = [1], strides = [1]} : vector<16xi32> to vector<1xi32>
      %squeeze3A_114 = vector.extract %slice3A_113[0] : i32 from vector<1xi32>
      %multiple_of3A_115 = tpu.assume_multiple %squeeze3A_114, 128 : i32
      %dma_start3A_116 = arith.constant 0 : i32
      %dma_start3A_117 = arith.constant 2 : i32
      %dma_start3A_118 = arith.constant 0 : i32
      %dma_start3A_119 = arith.constant 0 : i32
      %dma_start3A_120 = tpu.memref_slice %arg13[%dma_start3A_116, %dma_start3A_117, %dma_start3A_118, %dma_start3A_119] : memref<2x4x64x128xf32, #tpu.memory_space<vmem>> -> memref<1x1x64x128xf32, #tpu.memory_space<vmem>>
      %dma_start3A_121 = tpu.memref_squeeze %dma_start3A_120 : memref<1x1x64x128xf32, #tpu.memory_space<vmem>> -> memref<64x128xf32, #tpu.memory_space<vmem>>
      %dma_start3A_122 = arith.constant 0 : i32
      %dma_start3A_123 = tpu.memref_slice %arg10[%add3A_110, %dma_start3A_122] : memref<32x64xi32, #tpu.memory_space<vmem>> -> memref<1x64xi32, #tpu.memory_space<vmem>>
      %dma_start3A_124 = tpu.memref_squeeze %dma_start3A_123 : memref<1x64xi32, #tpu.memory_space<vmem>> -> memref<64xi32, #tpu.memory_space<vmem>>
      %dma_start3A_125 = arith.constant 0 : i32
      %dma_start3A_126 = tpu.memref_slice %arg2[%dma_start3A_125, %multiple_of3A_115] : memref<131072x256xf32, #tpu.memory_space<hbm>> -> memref<131072x128xf32, #tpu.memory_space<hbm>>
      tpu.enqueue_indirect_dma source(%dma_start3A_126 : memref<131072x128xf32, #tpu.memory_space<hbm>>) target(%dma_start3A_121 : memref<64x128xf32, #tpu.memory_space<vmem>>) offsets(%dma_start3A_124 : memref<64xi32, #tpu.memory_space<vmem>>) semaphore(%arg15 : memref<!tpu.dma_semaphore, #tpu.memory_space<semaphore_mem>>)
      %mul3A_127 = arith.constant 4 : i32
      %mul3A_128 = arith.muli %mul3A_71, %mul3A_127 : i32
      %add3A_129 = arith.constant 3 : i32
      %add3A_130 = arith.addi %mul3A_128, %add3A_129 : i32
      %broadcast_in_dim3A_131 = vector.broadcast %add3A_130 : i32 to vector<16xi32>
      %gather3A_132 = tpu.vector_load_idx %arg11[%broadcast_in_dim3A_131] : memref<32xi32, #tpu.memory_space<vmem>>[vector<16xi32>], vector<16xi32>,
      %slice3A_133 = vector.extract_strided_slice %gather3A_132 {offsets = [0], sizes = [1], strides = [1]} : vector<16xi32> to vector<1xi32>
      %squeeze3A_134 = vector.extract %slice3A_133[0] : i32 from vector<1xi32>
      %multiple_of3A_135 = tpu.assume_multiple %squeeze3A_134, 128 : i32
      %dma_start3A_136 = arith.constant 0 : i32
      %dma_start3A_137 = arith.constant 3 : i32
      %dma_start3A_138 = arith.constant 0 : i32
      %dma_start3A_139 = arith.constant 0 : i32
      %dma_start3A_140 = tpu.memref_slice %arg13[%dma_start3A_136, %dma_start3A_137, %dma_start3A_138, %dma_start3A_139] : memref<2x4x64x128xf32, #tpu.memory_space<vmem>> -> memref<1x1x64x128xf32, #tpu.memory_space<vmem>>
      %dma_start3A_141 = tpu.memref_squeeze %dma_start3A_140 : memref<1x1x64x128xf32, #tpu.memory_space<vmem>> -> memref<64x128xf32, #tpu.memory_space<vmem>>
      %dma_start3A_142 = arith.constant 0 : i32
      %dma_start3A_143 = tpu.memref_slice %arg10[%add3A_130, %dma_start3A_142] : memref<32x64xi32, #tpu.memory_space<vmem>> -> memref<1x64xi32, #tpu.memory_space<vmem>>
      %dma_start3A_144 = tpu.memref_squeeze %dma_start3A_143 : memref<1x64xi32, #tpu.memory_space<vmem>> -> memref<64xi32, #tpu.memory_space<vmem>>
      %dma_start3A_145 = arith.constant 0 : i32
      %dma_start3A_146 = tpu.memref_slice %arg2[%dma_start3A_145, %multiple_of3A_135] : memref<131072x256xf32, #tpu.memory_space<hbm>> -> memref<131072x128xf32, #tpu.memory_space<hbm>>
      tpu.enqueue_indirect_dma source(%dma_start3A_146 : memref<131072x128xf32, #tpu.memory_space<hbm>>) target(%dma_start3A_141 : memref<64x128xf32, #tpu.memory_space<vmem>>) offsets(%dma_start3A_144 : memref<64xi32, #tpu.memory_space<vmem>>) semaphore(%arg15 : memref<!tpu.dma_semaphore, #tpu.memory_space<semaphore_mem>>)
      %add3A_147 = arith.constant 1 : i32
      %add3A_148 = arith.addi %mul3A_71, %add3A_147 : i32
      %mul3A_149 = arith.constant 4 : i32
      %mul3A_150 = arith.muli %add3A_148, %mul3A_149 : i32
      %add3A_151 = arith.constant 0 : i32
      %add3A_152 = arith.addi %mul3A_150, %add3A_151 : i32
      %broadcast_in_dim3A_153 = vector.broadcast %add3A_152 : i32 to vector<16xi32>
      %gather3A_154 = tpu.vector_load_idx %arg11[%broadcast_in_dim3A_153] : memref<32xi32, #tpu.memory_space<vmem>>[vector<16xi32>], vector<16xi32>,
      %slice3A_155 = vector.extract_strided_slice %gather3A_154 {offsets = [0], sizes = [1], strides = [1]} : vector<16xi32> to vector<1xi32>
      %squeeze3A_156 = vector.extract %slice3A_155[0] : i32 from vector<1xi32>
      %multiple_of3A_157 = tpu.assume_multiple %squeeze3A_156, 128 : i32
      %dma_start3A_158 = arith.constant 1 : i32
      %dma_start3A_159 = arith.constant 0 : i32
      %dma_start3A_160 = arith.constant 0 : i32
      %dma_start3A_161 = arith.constant 0 : i32
      %dma_start3A_162 = tpu.memref_slice %arg13[%dma_start3A_158, %dma_start3A_159, %dma_start3A_160, %dma_start3A_161] : memref<2x4x64x128xf32, #tpu.memory_space<vmem>> -> memref<1x1x64x128xf32, #tpu.memory_space<vmem>>
      %dma_start3A_163 = tpu.memref_squeeze %dma_start3A_162 : memref<1x1x64x128xf32, #tpu.memory_space<vmem>> -> memref<64x128xf32, #tpu.memory_space<vmem>>
      %dma_start3A_164 = arith.constant 0 : i32
      %dma_start3A_165 = tpu.memref_slice %arg10[%add3A_152, %dma_start3A_164] : memref<32x64xi32, #tpu.memory_space<vmem>> -> memref<1x64xi32, #tpu.memory_space<vmem>>
      %dma_start3A_166 = tpu.memref_squeeze %dma_start3A_165 : memref<1x64xi32, #tpu.memory_space<vmem>> -> memref<64xi32, #tpu.memory_space<vmem>>
      %dma_start3A_167 = arith.constant 0 : i32
      %dma_start3A_168 = tpu.memref_slice %arg2[%dma_start3A_167, %multiple_of3A_157] : memref<131072x256xf32, #tpu.memory_space<hbm>> -> memref<131072x128xf32, #tpu.memory_space<hbm>>
      tpu.enqueue_indirect_dma source(%dma_start3A_168 : memref<131072x128xf32, #tpu.memory_space<hbm>>) target(%dma_start3A_163 : memref<64x128xf32, #tpu.memory_space<vmem>>) offsets(%dma_start3A_166 : memref<64xi32, #tpu.memory_space<vmem>>) semaphore(%arg16 : memref<!tpu.dma_semaphore, #tpu.memory_space<semaphore_mem>>)
      %mul3A_169 = arith.constant 4 : i32
      %mul3A_170 = arith.muli %add3A_148, %mul3A_169 : i32
      %add3A_171 = arith.constant 1 : i32
      %add3A_172 = arith.addi %mul3A_170, %add3A_171 : i32
      %broadcast_in_dim3A_173 = vector.broadcast %add3A_172 : i32 to vector<16xi32>
      %gather3A_174 = tpu.vector_load_idx %arg11[%broadcast_in_dim3A_173] : memref<32xi32, #tpu.memory_space<vmem>>[vector<16xi32>], vector<16xi32>,
      %slice3A_175 = vector.extract_strided_slice %gather3A_174 {offsets = [0], sizes = [1], strides = [1]} : vector<16xi32> to vector<1xi32>
      %squeeze3A_176 = vector.extract %slice3A_175[0] : i32 from vector<1xi32>
      %multiple_of3A_177 = tpu.assume_multiple %squeeze3A_176, 128 : i32
      %dma_start3A_178 = arith.constant 1 : i32
      %dma_start3A_179 = arith.constant 1 : i32
      %dma_start3A_180 = arith.constant 0 : i32
      %dma_start3A_181 = arith.constant 0 : i32
      %dma_start3A_182 = tpu.memref_slice %arg13[%dma_start3A_178, %dma_start3A_179, %dma_start3A_180, %dma_start3A_181] : memref<2x4x64x128xf32, #tpu.memory_space<vmem>> -> memref<1x1x64x128xf32, #tpu.memory_space<vmem>>
      %dma_start3A_183 = tpu.memref_squeeze %dma_start3A_182 : memref<1x1x64x128xf32, #tpu.memory_space<vmem>> -> memref<64x128xf32, #tpu.memory_space<vmem>>
      %dma_start3A_184 = arith.constant 0 : i32
      %dma_start3A_185 = tpu.memref_slice %arg10[%add3A_172, %dma_start3A_184] : memref<32x64xi32, #tpu.memory_space<vmem>> -> memref<1x64xi32, #tpu.memory_space<vmem>>
      %dma_start3A_186 = tpu.memref_squeeze %dma_start3A_185 : memref<1x64xi32, #tpu.memory_space<vmem>> -> memref<64xi32, #tpu.memory_space<vmem>>
      %dma_start3A_187 = arith.constant 0 : i32
      %dma_start3A_188 = tpu.memref_slice %arg2[%dma_start3A_187, %multiple_of3A_177] : memref<131072x256xf32, #tpu.memory_space<hbm>> -> memref<131072x128xf32, #tpu.memory_space<hbm>>
      tpu.enqueue_indirect_dma source(%dma_start3A_188 : memref<131072x128xf32, #tpu.memory_space<hbm>>) target(%dma_start3A_183 : memref<64x128xf32, #tpu.memory_space<vmem>>) offsets(%dma_start3A_186 : memref<64xi32, #tpu.memory_space<vmem>>) semaphore(%arg16 : memref<!tpu.dma_semaphore, #tpu.memory_space<semaphore_mem>>)
      %mul3A_189 = arith.constant 4 : i32
      %mul3A_190 = arith.muli %add3A_148, %mul3A_189 : i32
      %add3A_191 = arith.constant 2 : i32
      %add3A_192 = arith.addi %mul3A_190, %add3A_191 : i32
      %broadcast_in_dim3A_193 = vector.broadcast %add3A_192 : i32 to vector<16xi32>
      %gather3A_194 = tpu.vector_load_idx %arg11[%broadcast_in_dim3A_193] : memref<32xi32, #tpu.memory_space<vmem>>[vector<16xi32>], vector<16xi32>,
      %slice3A_195 = vector.extract_strided_slice %gather3A_194 {offsets = [0], sizes = [1], strides = [1]} : vector<16xi32> to vector<1xi32>
      %squeeze3A_196 = vector.extract %slice3A_195[0] : i32 from vector<1xi32>
      %multiple_of3A_197 = tpu.assume_multiple %squeeze3A_196, 128 : i32
      %dma_start3A_198 = arith.constant 1 : i32
      %dma_start3A_199 = arith.constant 2 : i32
      %dma_start3A_200 = arith.constant 0 : i32
      %dma_start3A_201 = arith.constant 0 : i32
      %dma_start3A_202 = tpu.memref_slice %arg13[%dma_start3A_198, %dma_start3A_199, %dma_start3A_200, %dma_start3A_201] : memref<2x4x64x128xf32, #tpu.memory_space<vmem>> -> memref<1x1x64x128xf32, #tpu.memory_space<vmem>>
      %dma_start3A_203 = tpu.memref_squeeze %dma_start3A_202 : memref<1x1x64x128xf32, #tpu.memory_space<vmem>> -> memref<64x128xf32, #tpu.memory_space<vmem>>
      %dma_start3A_204 = arith.constant 0 : i32
      %dma_start3A_205 = tpu.memref_slice %arg10[%add3A_192, %dma_start3A_204] : memref<32x64xi32, #tpu.memory_space<vmem>> -> memref<1x64xi32, #tpu.memory_space<vmem>>
      %dma_start3A_206 = tpu.memref_squeeze %dma_start3A_205 : memref<1x64xi32, #tpu.memory_space<vmem>> -> memref<64xi32, #tpu.memory_space<vmem>>
      %dma_start3A_207 = arith.constant 0 : i32
      %dma_start3A_208 = tpu.memref_slice %arg2[%dma_start3A_207, %multiple_of3A_197] : memref<131072x256xf32, #tpu.memory_space<hbm>> -> memref<131072x128xf32, #tpu.memory_space<hbm>>
      tpu.enqueue_indirect_dma source(%dma_start3A_208 : memref<131072x128xf32, #tpu.memory_space<hbm>>) target(%dma_start3A_203 : memref<64x128xf32, #tpu.memory_space<vmem>>) offsets(%dma_start3A_206 : memref<64xi32, #tpu.memory_space<vmem>>) semaphore(%arg16 : memref<!tpu.dma_semaphore, #tpu.memory_space<semaphore_mem>>)
      %mul3A_209 = arith.constant 4 : i32
      %mul3A_210 = arith.muli %add3A_148, %mul3A_209 : i32
      %add3A_211 = arith.constant 3 : i32
      %add3A_212 = arith.addi %mul3A_210, %add3A_211 : i32
      %broadcast_in_dim3A_213 = vector.broadcast %add3A_212 : i32 to vector<16xi32>
      %gather3A_214 = tpu.vector_load_idx %arg11[%broadcast_in_dim3A_213] : memref<32xi32, #tpu.memory_space<vmem>>[vector<16xi32>], vector<16xi32>,
      %slice3A_215 = vector.extract_strided_slice %gather3A_214 {offsets = [0], sizes = [1], strides = [1]} : vector<16xi32> to vector<1xi32>
      %squeeze3A_216 = vector.extract %slice3A_215[0] : i32 from vector<1xi32>
      %multiple_of3A_217 = tpu.assume_multiple %squeeze3A_216, 128 : i32
      %dma_start3A_218 = arith.constant 1 : i32
      %dma_start3A_219 = arith.constant 3 : i32
      %dma_start3A_220 = arith.constant 0 : i32
      %dma_start3A_221 = arith.constant 0 : i32
      %dma_start3A_222 = tpu.memref_slice %arg13[%dma_start3A_218, %dma_start3A_219, %dma_start3A_220, %dma_start3A_221] : memref<2x4x64x128xf32, #tpu.memory_space<vmem>> -> memref<1x1x64x128xf32, #tpu.memory_space<vmem>>
      %dma_start3A_223 = tpu.memref_squeeze %dma_start3A_222 : memref<1x1x64x128xf32, #tpu.memory_space<vmem>> -> memref<64x128xf32, #tpu.memory_space<vmem>>
      %dma_start3A_224 = arith.constant 0 : i32
      %dma_start3A_225 = tpu.memref_slice %arg10[%add3A_212, %dma_start3A_224] : memref<32x64xi32, #tpu.memory_space<vmem>> -> memref<1x64xi32, #tpu.memory_space<vmem>>
      %dma_start3A_226 = tpu.memref_squeeze %dma_start3A_225 : memref<1x64xi32, #tpu.memory_space<vmem>> -> memref<64xi32, #tpu.memory_space<vmem>>
      %dma_start3A_227 = arith.constant 0 : i32
      %dma_start3A_228 = tpu.memref_slice %arg2[%dma_start3A_227, %multiple_of3A_217] : memref<131072x256xf32, #tpu.memory_space<hbm>> -> memref<131072x128xf32, #tpu.memory_space<hbm>>
      tpu.enqueue_indirect_dma source(%dma_start3A_228 : memref<131072x128xf32, #tpu.memory_space<hbm>>) target(%dma_start3A_223 : memref<64x128xf32, #tpu.memory_space<vmem>>) offsets(%dma_start3A_226 : memref<64xi32, #tpu.memory_space<vmem>>) semaphore(%arg16 : memref<!tpu.dma_semaphore, #tpu.memory_space<semaphore_mem>>)
      %dma_wait3A = arith.constant 0 : i32
      %dma_wait3A_229 = arith.constant 0 : i32
      %dma_wait3A_230 = arith.constant 0 : i32
      %dma_wait3A_231 = arith.constant 0 : i32
      %dma_wait3A_232 = tpu.memref_slice %arg13[%dma_wait3A, %dma_wait3A_229, %dma_wait3A_230, %dma_wait3A_231] : memref<2x4x64x128xf32, #tpu.memory_space<vmem>> -> memref<1x1x64x128xf32, #tpu.memory_space<vmem>>
      %dma_wait3A_233 = tpu.memref_squeeze %dma_wait3A_232 : memref<1x1x64x128xf32, #tpu.memory_space<vmem>> -> memref<64x128xf32, #tpu.memory_space<vmem>>
      %dma_wait3A_234 = arith.constant 0 : i32
      %dma_wait3A_235 = tpu.memref_slice %arg10[%add3A_75, %dma_wait3A_234] : memref<32x64xi32, #tpu.memory_space<vmem>> -> memref<1x64xi32, #tpu.memory_space<vmem>>
      %dma_wait3A_236 = tpu.memref_squeeze %dma_wait3A_235 : memref<1x64xi32, #tpu.memory_space<vmem>> -> memref<64xi32, #tpu.memory_space<vmem>>
      %dma_wait3A_237 = arith.constant 0 : i32
      %dma_wait3A_238 = tpu.memref_slice %arg2[%dma_wait3A_237, %multiple_of3A] : memref<131072x256xf32, #tpu.memory_space<hbm>> -> memref<131072x128xf32, #tpu.memory_space<hbm>>
      tpu.wait_indirect_dma semaphore(%arg15 : memref<!tpu.dma_semaphore, #tpu.memory_space<semaphore_mem>>) src(%dma_wait3A_238 : memref<131072x128xf32, #tpu.memory_space<hbm>>) dst(%dma_wait3A_233 : memref<64x128xf32, #tpu.memory_space<vmem>>)
      %dma_wait3A_239 = arith.constant 0 : i32
      %dma_wait3A_240 = arith.constant 1 : i32
      %dma_wait3A_241 = arith.constant 0 : i32
      %dma_wait3A_242 = arith.constant 0 : i32
      %dma_wait3A_243 = tpu.memref_slice %arg13[%dma_wait3A_239, %dma_wait3A_240, %dma_wait3A_241, %dma_wait3A_242] : memref<2x4x64x128xf32, #tpu.memory_space<vmem>> -> memref<1x1x64x128xf32, #tpu.memory_space<vmem>>
      %dma_wait3A_244 = tpu.memref_squeeze %dma_wait3A_243 : memref<1x1x64x128xf32, #tpu.memory_space<vmem>> -> memref<64x128xf32, #tpu.memory_space<vmem>>
      %dma_wait3A_245 = arith.constant 0 : i32
      %dma_wait3A_246 = tpu.memref_slice %arg10[%add3A_90, %dma_wait3A_245] : memref<32x64xi32, #tpu.memory_space<vmem>> -> memref<1x64xi32, #tpu.memory_space<vmem>>
      %dma_wait3A_247 = tpu.memref_squeeze %dma_wait3A_246 : memref<1x64xi32, #tpu.memory_space<vmem>> -> memref<64xi32, #tpu.memory_space<vmem>>
      %dma_wait3A_248 = arith.constant 0 : i32
      %dma_wait3A_249 = tpu.memref_slice %arg2[%dma_wait3A_248, %multiple_of3A_95] : memref<131072x256xf32, #tpu.memory_space<hbm>> -> memref<131072x128xf32, #tpu.memory_space<hbm>>
      tpu.wait_indirect_dma semaphore(%arg15 : memref<!tpu.dma_semaphore, #tpu.memory_space<semaphore_mem>>) src(%dma_wait3A_249 : memref<131072x128xf32, #tpu.memory_space<hbm>>) dst(%dma_wait3A_244 : memref<64x128xf32, #tpu.memory_space<vmem>>)
      %dma_wait3A_250 = arith.constant 0 : i32
      %dma_wait3A_251 = arith.constant 2 : i32
      %dma_wait3A_252 = arith.constant 0 : i32
      %dma_wait3A_253 = arith.constant 0 : i32
      %dma_wait3A_254 = tpu.memref_slice %arg13[%dma_wait3A_250, %dma_wait3A_251, %dma_wait3A_252, %dma_wait3A_253] : memref<2x4x64x128xf32, #tpu.memory_space<vmem>> -> memref<1x1x64x128xf32, #tpu.memory_space<vmem>>
      %dma_wait3A_255 = tpu.memref_squeeze %dma_wait3A_254 : memref<1x1x64x128xf32, #tpu.memory_space<vmem>> -> memref<64x128xf32, #tpu.memory_space<vmem>>
      %dma_wait3A_256 = arith.constant 0 : i32
      %dma_wait3A_257 = tpu.memref_slice %arg10[%add3A_110, %dma_wait3A_256] : memref<32x64xi32, #tpu.memory_space<vmem>> -> memref<1x64xi32, #tpu.memory_space<vmem>>
      %dma_wait3A_258 = tpu.memref_squeeze %dma_wait3A_257 : memref<1x64xi32, #tpu.memory_space<vmem>> -> memref<64xi32, #tpu.memory_space<vmem>>
      %dma_wait3A_259 = arith.constant 0 : i32
      %dma_wait3A_260 = tpu.memref_slice %arg2[%dma_wait3A_259, %multiple_of3A_115] : memref<131072x256xf32, #tpu.memory_space<hbm>> -> memref<131072x128xf32, #tpu.memory_space<hbm>>
      tpu.wait_indirect_dma semaphore(%arg15 : memref<!tpu.dma_semaphore, #tpu.memory_space<semaphore_mem>>) src(%dma_wait3A_260 : memref<131072x128xf32, #tpu.memory_space<hbm>>) dst(%dma_wait3A_255 : memref<64x128xf32, #tpu.memory_space<vmem>>)
      %dma_wait3A_261 = arith.constant 0 : i32
      %dma_wait3A_262 = arith.constant 3 : i32
      %dma_wait3A_263 = arith.constant 0 : i32
      %dma_wait3A_264 = arith.constant 0 : i32
      %dma_wait3A_265 = tpu.memref_slice %arg13[%dma_wait3A_261, %dma_wait3A_262, %dma_wait3A_263, %dma_wait3A_264] : memref<2x4x64x128xf32, #tpu.memory_space<vmem>> -> memref<1x1x64x128xf32, #tpu.memory_space<vmem>>
      %dma_wait3A_266 = tpu.memref_squeeze %dma_wait3A_265 : memref<1x1x64x128xf32, #tpu.memory_space<vmem>> -> memref<64x128xf32, #tpu.memory_space<vmem>>
      %dma_wait3A_267 = arith.constant 0 : i32
      %dma_wait3A_268 = tpu.memref_slice %arg10[%add3A_130, %dma_wait3A_267] : memref<32x64xi32, #tpu.memory_space<vmem>> -> memref<1x64xi32, #tpu.memory_space<vmem>>
      %dma_wait3A_269 = tpu.memref_squeeze %dma_wait3A_268 : memref<1x64xi32, #tpu.memory_space<vmem>> -> memref<64xi32, #tpu.memory_space<vmem>>
      %dma_wait3A_270 = arith.constant 0 : i32
      %dma_wait3A_271 = tpu.memref_slice %arg2[%dma_wait3A_270, %multiple_of3A_135] : memref<131072x256xf32, #tpu.memory_space<hbm>> -> memref<131072x128xf32, #tpu.memory_space<hbm>>
      tpu.wait_indirect_dma semaphore(%arg15 : memref<!tpu.dma_semaphore, #tpu.memory_space<semaphore_mem>>) src(%dma_wait3A_271 : memref<131072x128xf32, #tpu.memory_space<hbm>>) dst(%dma_wait3A_266 : memref<64x128xf32, #tpu.memory_space<vmem>>)
      %broadcast_in_dim3A_272 = arith.constant 0 : i32
      %broadcast_in_dim3A_273 = vector.broadcast %broadcast_in_dim3A_272 : i32 to vector<16xi32>
      %mul3A_274 = arith.constant 4 : i32
      %mul3A_275 = arith.muli %mul3A_71, %mul3A_274 : i32
      %add3A_276 = arith.constant 0 : i32
      %add3A_277 = arith.addi %mul3A_275, %add3A_276 : i32
      %broadcast_in_dim3A_278 = vector.broadcast %add3A_277 : i32 to vector<16xi32>
      %gather3A_279 = tpu.vector_load_idx %arg12[%broadcast_in_dim3A_278] : memref<32xi32, #tpu.memory_space<vmem>>[vector<16xi32>], vector<16xi32>,
      %broadcast_in_dim3A_280 = arith.constant 0 : i32
      %broadcast_in_dim3A_281 = vector.broadcast %broadcast_in_dim3A_280 : i32 to vector<16xi32>
      %broadcast_in_dim3A_282 = vector.broadcast %add3A_277 : i32 to vector<16xi32>
      %gather3A_283 = tpu.vector_load_idx %arg8[%broadcast_in_dim3A_282] : memref<32xf32, #tpu.memory_space<vmem>>[vector<16xi32>], vector<16xf32>,
      %add3A_284 = arith.constant 0 : i32
      %add3A_285 = vector.broadcast %add3A_284 : i32 to vector<16xi32>
      %add3A_286 = arith.addi %iota3A_51, %add3A_285 : vector<16xi32>
      %gather3A_287 = tpu.vector_load_idx %arg13[%broadcast_in_dim3A_273, %broadcast_in_dim3A_281, %add3A_286, %gather3A_279] : memref<2x4x64x128xf32, #tpu.memory_space<vmem>>[vector<16xi32>, vector<16xi32>, vector<16xi32>, vector<16xi32>], vector<16xf32>,
      %get3A_288 = arith.index_cast %add3A_277 : i32 to index
      %get3A_289 = arith.constant 0 : index
      %get3A_290 = tpu.vector_load %arg9[%get3A_288, %get3A_289] {strides = array<i32>} : memref<32x64xf32, #tpu.memory_space<vmem>>, vector<16xf32>,
      %mul3A_291 = arith.mulf %gather3A_287, %gather3A_283 : vector<16xf32>
      %mul3A_292 = arith.mulf %get3A_290, %gather3A_283 : vector<16xf32>
      %sub3A_293 = arith.subf %mul3A_291, %mul3A_292 : vector<16xf32>
      %abs3A = math.absf %sub3A_293 : vector<16xf32>
      %add3A_294 = arith.addf %scan3A_69, %abs3A : vector<16xf32>
      %add3A_295 = arith.constant 16 : i32
      %add3A_296 = vector.broadcast %add3A_295 : i32 to vector<16xi32>
      %add3A_297 = arith.addi %iota3A_51, %add3A_296 : vector<16xi32>
      %gather3A_298 = tpu.vector_load_idx %arg13[%broadcast_in_dim3A_273, %broadcast_in_dim3A_281, %add3A_297, %gather3A_279] : memref<2x4x64x128xf32, #tpu.memory_space<vmem>>[vector<16xi32>, vector<16xi32>, vector<16xi32>, vector<16xi32>], vector<16xf32>,
      %get3A_299 = arith.index_cast %add3A_277 : i32 to index
      %get3A_300 = arith.constant 16 : index
      %get3A_301 = tpu.vector_load %arg9[%get3A_299, %get3A_300] {strides = array<i32>} : memref<32x64xf32, #tpu.memory_space<vmem>>, vector<16xf32>,
      %mul3A_302 = arith.mulf %gather3A_298, %gather3A_283 : vector<16xf32>
      %mul3A_303 = arith.mulf %get3A_301, %gather3A_283 : vector<16xf32>
      %sub3A_304 = arith.subf %mul3A_302, %mul3A_303 : vector<16xf32>
      %abs3A_305 = math.absf %sub3A_304 : vector<16xf32>
      %add3A_306 = arith.addf %add3A_294, %abs3A_305 : vector<16xf32>
      %add3A_307 = arith.constant 32 : i32
      %add3A_308 = vector.broadcast %add3A_307 : i32 to vector<16xi32>
      %add3A_309 = arith.addi %iota3A_51, %add3A_308 : vector<16xi32>
      %gather3A_310 = tpu.vector_load_idx %arg13[%broadcast_in_dim3A_273, %broadcast_in_dim3A_281, %add3A_309, %gather3A_279] : memref<2x4x64x128xf32, #tpu.memory_space<vmem>>[vector<16xi32>, vector<16xi32>, vector<16xi32>, vector<16xi32>], vector<16xf32>,
      %get3A_311 = arith.index_cast %add3A_277 : i32 to index
      %get3A_312 = arith.constant 32 : index
      %get3A_313 = tpu.vector_load %arg9[%get3A_311, %get3A_312] {strides = array<i32>} : memref<32x64xf32, #tpu.memory_space<vmem>>, vector<16xf32>,
      %mul3A_314 = arith.mulf %gather3A_310, %gather3A_283 : vector<16xf32>
      %mul3A_315 = arith.mulf %get3A_313, %gather3A_283 : vector<16xf32>
      %sub3A_316 = arith.subf %mul3A_314, %mul3A_315 : vector<16xf32>
      %abs3A_317 = math.absf %sub3A_316 : vector<16xf32>
      %add3A_318 = arith.addf %add3A_306, %abs3A_317 : vector<16xf32>
      %add3A_319 = arith.constant 48 : i32
      %add3A_320 = vector.broadcast %add3A_319 : i32 to vector<16xi32>
      %add3A_321 = arith.addi %iota3A_51, %add3A_320 : vector<16xi32>
      %gather3A_322 = tpu.vector_load_idx %arg13[%broadcast_in_dim3A_273, %broadcast_in_dim3A_281, %add3A_321, %gather3A_279] : memref<2x4x64x128xf32, #tpu.memory_space<vmem>>[vector<16xi32>, vector<16xi32>, vector<16xi32>, vector<16xi32>], vector<16xf32>,
      %get3A_323 = arith.index_cast %add3A_277 : i32 to index
      %get3A_324 = arith.constant 48 : index
      %get3A_325 = tpu.vector_load %arg9[%get3A_323, %get3A_324] {strides = array<i32>} : memref<32x64xf32, #tpu.memory_space<vmem>>, vector<16xf32>,
      %mul3A_326 = arith.mulf %gather3A_322, %gather3A_283 : vector<16xf32>
      %mul3A_327 = arith.mulf %get3A_325, %gather3A_283 : vector<16xf32>
      %sub3A_328 = arith.subf %mul3A_326, %mul3A_327 : vector<16xf32>
      %abs3A_329 = math.absf %sub3A_328 : vector<16xf32>
      %add3A_330 = arith.addf %add3A_318, %abs3A_329 : vector<16xf32>
      %mul3A_331 = arith.constant 4 : i32
      %mul3A_332 = arith.muli %mul3A_71, %mul3A_331 : i32
      %add3A_333 = arith.constant 1 : i32
      %add3A_334 = arith.addi %mul3A_332, %add3A_333 : i32
      %broadcast_in_dim3A_335 = vector.broadcast %add3A_334 : i32 to vector<16xi32>
      %gather3A_336 = tpu.vector_load_idx %arg12[%broadcast_in_dim3A_335] : memref<32xi32, #tpu.memory_space<vmem>>[vector<16xi32>], vector<16xi32>,
      %broadcast_in_dim3A_337 = arith.constant 1 : i32
      %broadcast_in_dim3A_338 = vector.broadcast %broadcast_in_dim3A_337 : i32 to vector<16xi32>
      %broadcast_in_dim3A_339 = vector.broadcast %add3A_334 : i32 to vector<16xi32>
      %gather3A_340 = tpu.vector_load_idx %arg8[%broadcast_in_dim3A_339] : memref<32xf32, #tpu.memory_space<vmem>>[vector<16xi32>], vector<16xf32>,
      %add3A_341 = arith.constant 0 : i32
      %add3A_342 = vector.broadcast %add3A_341 : i32 to vector<16xi32>
      %add3A_343 = arith.addi %iota3A_51, %add3A_342 : vector<16xi32>
      %gather3A_344 = tpu.vector_load_idx %arg13[%broadcast_in_dim3A_273, %broadcast_in_dim3A_338, %add3A_343, %gather3A_336] : memref<2x4x64x128xf32, #tpu.memory_space<vmem>>[vector<16xi32>, vector<16xi32>, vector<16xi32>, vector<16xi32>], vector<16xf32>,
      %get3A_345 = arith.index_cast %add3A_334 : i32 to index
      %get3A_346 = arith.constant 0 : index
      %get3A_347 = tpu.vector_load %arg9[%get3A_345, %get3A_346] {strides = array<i32>} : memref<32x64xf32, #tpu.memory_space<vmem>>, vector<16xf32>,
      %mul3A_348 = arith.mulf %gather3A_344, %gather3A_340 : vector<16xf32>
      %mul3A_349 = arith.mulf %get3A_347, %gather3A_340 : vector<16xf32>
      %sub3A_350 = arith.subf %mul3A_348, %mul3A_349 : vector<16xf32>
      %abs3A_351 = math.absf %sub3A_350 : vector<16xf32>
      %add3A_352 = arith.addf %add3A_330, %abs3A_351 : vector<16xf32>
      %add3A_353 = arith.constant 16 : i32
      %add3A_354 = vector.broadcast %add3A_353 : i32 to vector<16xi32>
      %add3A_355 = arith.addi %iota3A_51, %add3A_354 : vector<16xi32>
      %gather3A_356 = tpu.vector_load_idx %arg13[%broadcast_in_dim3A_273, %broadcast_in_dim3A_338, %add3A_355, %gather3A_336] : memref<2x4x64x128xf32, #tpu.memory_space<vmem>>[vector<16xi32>, vector<16xi32>, vector<16xi32>, vector<16xi32>], vector<16xf32>,
      %get3A_357 = arith.index_cast %add3A_334 : i32 to index
      %get3A_358 = arith.constant 16 : index
      %get3A_359 = tpu.vector_load %arg9[%get3A_357, %get3A_358] {strides = array<i32>} : memref<32x64xf32, #tpu.memory_space<vmem>>, vector<16xf32>,
      %mul3A_360 = arith.mulf %gather3A_356, %gather3A_340 : vector<16xf32>
      %mul3A_361 = arith.mulf %get3A_359, %gather3A_340 : vector<16xf32>
      %sub3A_362 = arith.subf %mul3A_360, %mul3A_361 : vector<16xf32>
      %abs3A_363 = math.absf %sub3A_362 : vector<16xf32>
      %add3A_364 = arith.addf %add3A_352, %abs3A_363 : vector<16xf32>
      %add3A_365 = arith.constant 32 : i32
      %add3A_366 = vector.broadcast %add3A_365 : i32 to vector<16xi32>
      %add3A_367 = arith.addi %iota3A_51, %add3A_366 : vector<16xi32>
      %gather3A_368 = tpu.vector_load_idx %arg13[%broadcast_in_dim3A_273, %broadcast_in_dim3A_338, %add3A_367, %gather3A_336] : memref<2x4x64x128xf32, #tpu.memory_space<vmem>>[vector<16xi32>, vector<16xi32>, vector<16xi32>, vector<16xi32>], vector<16xf32>,
      %get3A_369 = arith.index_cast %add3A_334 : i32 to index
      %get3A_370 = arith.constant 32 : index
      %get3A_371 = tpu.vector_load %arg9[%get3A_369, %get3A_370] {strides = array<i32>} : memref<32x64xf32, #tpu.memory_space<vmem>>, vector<16xf32>,
      %mul3A_372 = arith.mulf %gather3A_368, %gather3A_340 : vector<16xf32>
      %mul3A_373 = arith.mulf %get3A_371, %gather3A_340 : vector<16xf32>
      %sub3A_374 = arith.subf %mul3A_372, %mul3A_373 : vector<16xf32>
      %abs3A_375 = math.absf %sub3A_374 : vector<16xf32>
      %add3A_376 = arith.addf %add3A_364, %abs3A_375 : vector<16xf32>
      %add3A_377 = arith.constant 48 : i32
      %add3A_378 = vector.broadcast %add3A_377 : i32 to vector<16xi32>
      %add3A_379 = arith.addi %iota3A_51, %add3A_378 : vector<16xi32>
      %gather3A_380 = tpu.vector_load_idx %arg13[%broadcast_in_dim3A_273, %broadcast_in_dim3A_338, %add3A_379, %gather3A_336] : memref<2x4x64x128xf32, #tpu.memory_space<vmem>>[vector<16xi32>, vector<16xi32>, vector<16xi32>, vector<16xi32>], vector<16xf32>,
      %get3A_381 = arith.index_cast %add3A_334 : i32 to index
      %get3A_382 = arith.constant 48 : index
      %get3A_383 = tpu.vector_load %arg9[%get3A_381, %get3A_382] {strides = array<i32>} : memref<32x64xf32, #tpu.memory_space<vmem>>, vector<16xf32>,
      %mul3A_384 = arith.mulf %gather3A_380, %gather3A_340 : vector<16xf32>
      %mul3A_385 = arith.mulf %get3A_383, %gather3A_340 : vector<16xf32>
      %sub3A_386 = arith.subf %mul3A_384, %mul3A_385 : vector<16xf32>
      %abs3A_387 = math.absf %sub3A_386 : vector<16xf32>
      %add3A_388 = arith.addf %add3A_376, %abs3A_387 : vector<16xf32>
      %mul3A_389 = arith.constant 4 : i32
      %mul3A_390 = arith.muli %mul3A_71, %mul3A_389 : i32
      %add3A_391 = arith.constant 2 : i32
      %add3A_392 = arith.addi %mul3A_390, %add3A_391 : i32
      %broadcast_in_dim3A_393 = vector.broadcast %add3A_392 : i32 to vector<16xi32>
      %gather3A_394 = tpu.vector_load_idx %arg12[%broadcast_in_dim3A_393] : memref<32xi32, #tpu.memory_space<vmem>>[vector<16xi32>], vector<16xi32>,
      %broadcast_in_dim3A_395 = arith.constant 2 : i32
      %broadcast_in_dim3A_396 = vector.broadcast %broadcast_in_dim3A_395 : i32 to vector<16xi32>
      %broadcast_in_dim3A_397 = vector.broadcast %add3A_392 : i32 to vector<16xi32>
      %gather3A_398 = tpu.vector_load_idx %arg8[%broadcast_in_dim3A_397] : memref<32xf32, #tpu.memory_space<vmem>>[vector<16xi32>], vector<16xf32>,
      %add3A_399 = arith.constant 0 : i32
      %add3A_400 = vector.broadcast %add3A_399 : i32 to vector<16xi32>
      %add3A_401 = arith.addi %iota3A_51, %add3A_400 : vector<16xi32>
      %gather3A_402 = tpu.vector_load_idx %arg13[%broadcast_in_dim3A_273, %broadcast_in_dim3A_396, %add3A_401, %gather3A_394] : memref<2x4x64x128xf32, #tpu.memory_space<vmem>>[vector<16xi32>, vector<16xi32>, vector<16xi32>, vector<16xi32>], vector<16xf32>,
      %get3A_403 = arith.index_cast %add3A_392 : i32 to index
      %get3A_404 = arith.constant 0 : index
      %get3A_405 = tpu.vector_load %arg9[%get3A_403, %get3A_404] {strides = array<i32>} : memref<32x64xf32, #tpu.memory_space<vmem>>, vector<16xf32>,
      %mul3A_406 = arith.mulf %gather3A_402, %gather3A_398 : vector<16xf32>
      %mul3A_407 = arith.mulf %get3A_405, %gather3A_398 : vector<16xf32>
      %sub3A_408 = arith.subf %mul3A_406, %mul3A_407 : vector<16xf32>
      %abs3A_409 = math.absf %sub3A_408 : vector<16xf32>
      %add3A_410 = arith.addf %add3A_388, %abs3A_409 : vector<16xf32>
      %add3A_411 = arith.constant 16 : i32
      %add3A_412 = vector.broadcast %add3A_411 : i32 to vector<16xi32>
      %add3A_413 = arith.addi %iota3A_51, %add3A_412 : vector<16xi32>
      %gather3A_414 = tpu.vector_load_idx %arg13[%broadcast_in_dim3A_273, %broadcast_in_dim3A_396, %add3A_413, %gather3A_394] : memref<2x4x64x128xf32, #tpu.memory_space<vmem>>[vector<16xi32>, vector<16xi32>, vector<16xi32>, vector<16xi32>], vector<16xf32>,
      %get3A_415 = arith.index_cast %add3A_392 : i32 to index
      %get3A_416 = arith.constant 16 : index
      %get3A_417 = tpu.vector_load %arg9[%get3A_415, %get3A_416] {strides = array<i32>} : memref<32x64xf32, #tpu.memory_space<vmem>>, vector<16xf32>,
      %mul3A_418 = arith.mulf %gather3A_414, %gather3A_398 : vector<16xf32>
      %mul3A_419 = arith.mulf %get3A_417, %gather3A_398 : vector<16xf32>
      %sub3A_420 = arith.subf %mul3A_418, %mul3A_419 : vector<16xf32>
      %abs3A_421 = math.absf %sub3A_420 : vector<16xf32>
      %add3A_422 = arith.addf %add3A_410, %abs3A_421 : vector<16xf32>
      %add3A_423 = arith.constant 32 : i32
      %add3A_424 = vector.broadcast %add3A_423 : i32 to vector<16xi32>
      %add3A_425 = arith.addi %iota3A_51, %add3A_424 : vector<16xi32>
      %gather3A_426 = tpu.vector_load_idx %arg13[%broadcast_in_dim3A_273, %broadcast_in_dim3A_396, %add3A_425, %gather3A_394] : memref<2x4x64x128xf32, #tpu.memory_space<vmem>>[vector<16xi32>, vector<16xi32>, vector<16xi32>, vector<16xi32>], vector<16xf32>,
      %get3A_427 = arith.index_cast %add3A_392 : i32 to index
      %get3A_428 = arith.constant 32 : index
      %get3A_429 = tpu.vector_load %arg9[%get3A_427, %get3A_428] {strides = array<i32>} : memref<32x64xf32, #tpu.memory_space<vmem>>, vector<16xf32>,
      %mul3A_430 = arith.mulf %gather3A_426, %gather3A_398 : vector<16xf32>
      %mul3A_431 = arith.mulf %get3A_429, %gather3A_398 : vector<16xf32>
      %sub3A_432 = arith.subf %mul3A_430, %mul3A_431 : vector<16xf32>
      %abs3A_433 = math.absf %sub3A_432 : vector<16xf32>
      %add3A_434 = arith.addf %add3A_422, %abs3A_433 : vector<16xf32>
      %add3A_435 = arith.constant 48 : i32
      %add3A_436 = vector.broadcast %add3A_435 : i32 to vector<16xi32>
      %add3A_437 = arith.addi %iota3A_51, %add3A_436 : vector<16xi32>
      %gather3A_438 = tpu.vector_load_idx %arg13[%broadcast_in_dim3A_273, %broadcast_in_dim3A_396, %add3A_437, %gather3A_394] : memref<2x4x64x128xf32, #tpu.memory_space<vmem>>[vector<16xi32>, vector<16xi32>, vector<16xi32>, vector<16xi32>], vector<16xf32>,
      %get3A_439 = arith.index_cast %add3A_392 : i32 to index
      %get3A_440 = arith.constant 48 : index
      %get3A_441 = tpu.vector_load %arg9[%get3A_439, %get3A_440] {strides = array<i32>} : memref<32x64xf32, #tpu.memory_space<vmem>>, vector<16xf32>,
      %mul3A_442 = arith.mulf %gather3A_438, %gather3A_398 : vector<16xf32>
      %mul3A_443 = arith.mulf %get3A_441, %gather3A_398 : vector<16xf32>
      %sub3A_444 = arith.subf %mul3A_442, %mul3A_443 : vector<16xf32>
      %abs3A_445 = math.absf %sub3A_444 : vector<16xf32>
      %add3A_446 = arith.addf %add3A_434, %abs3A_445 : vector<16xf32>
      %mul3A_447 = arith.constant 4 : i32
      %mul3A_448 = arith.muli %mul3A_71, %mul3A_447 : i32
      %add3A_449 = arith.constant 3 : i32
      %add3A_450 = arith.addi %mul3A_448, %add3A_449 : i32
      %broadcast_in_dim3A_451 = vector.broadcast %add3A_450 : i32 to vector<16xi32>
      %gather3A_452 = tpu.vector_load_idx %arg12[%broadcast_in_dim3A_451] : memref<32xi32, #tpu.memory_space<vmem>>[vector<16xi32>], vector<16xi32>,
      %broadcast_in_dim3A_453 = arith.constant 3 : i32
      %broadcast_in_dim3A_454 = vector.broadcast %broadcast_in_dim3A_453 : i32 to vector<16xi32>
      %broadcast_in_dim3A_455 = vector.broadcast %add3A_450 : i32 to vector<16xi32>
      %gather3A_456 = tpu.vector_load_idx %arg8[%broadcast_in_dim3A_455] : memref<32xf32, #tpu.memory_space<vmem>>[vector<16xi32>], vector<16xf32>,
      %add3A_457 = arith.constant 0 : i32
      %add3A_458 = vector.broadcast %add3A_457 : i32 to vector<16xi32>
      %add3A_459 = arith.addi %iota3A_51, %add3A_458 : vector<16xi32>
      %gather3A_460 = tpu.vector_load_idx %arg13[%broadcast_in_dim3A_273, %broadcast_in_dim3A_454, %add3A_459, %gather3A_452] : memref<2x4x64x128xf32, #tpu.memory_space<vmem>>[vector<16xi32>, vector<16xi32>, vector<16xi32>, vector<16xi32>], vector<16xf32>,
      %get3A_461 = arith.index_cast %add3A_450 : i32 to index
      %get3A_462 = arith.constant 0 : index
      %get3A_463 = tpu.vector_load %arg9[%get3A_461, %get3A_462] {strides = array<i32>} : memref<32x64xf32, #tpu.memory_space<vmem>>, vector<16xf32>,
      %mul3A_464 = arith.mulf %gather3A_460, %gather3A_456 : vector<16xf32>
      %mul3A_465 = arith.mulf %get3A_463, %gather3A_456 : vector<16xf32>
      %sub3A_466 = arith.subf %mul3A_464, %mul3A_465 : vector<16xf32>
      %abs3A_467 = math.absf %sub3A_466 : vector<16xf32>
      %add3A_468 = arith.addf %add3A_446, %abs3A_467 : vector<16xf32>
      %add3A_469 = arith.constant 16 : i32
      %add3A_470 = vector.broadcast %add3A_469 : i32 to vector<16xi32>
      %add3A_471 = arith.addi %iota3A_51, %add3A_470 : vector<16xi32>
      %gather3A_472 = tpu.vector_load_idx %arg13[%broadcast_in_dim3A_273, %broadcast_in_dim3A_454, %add3A_471, %gather3A_452] : memref<2x4x64x128xf32, #tpu.memory_space<vmem>>[vector<16xi32>, vector<16xi32>, vector<16xi32>, vector<16xi32>], vector<16xf32>,
      %get3A_473 = arith.index_cast %add3A_450 : i32 to index
      %get3A_474 = arith.constant 16 : index
      %get3A_475 = tpu.vector_load %arg9[%get3A_473, %get3A_474] {strides = array<i32>} : memref<32x64xf32, #tpu.memory_space<vmem>>, vector<16xf32>,
      %mul3A_476 = arith.mulf %gather3A_472, %gather3A_456 : vector<16xf32>
      %mul3A_477 = arith.mulf %get3A_475, %gather3A_456 : vector<16xf32>
      %sub3A_478 = arith.subf %mul3A_476, %mul3A_477 : vector<16xf32>
      %abs3A_479 = math.absf %sub3A_478 : vector<16xf32>
      %add3A_480 = arith.addf %add3A_468, %abs3A_479 : vector<16xf32>
      %add3A_481 = arith.constant 32 : i32
      %add3A_482 = vector.broadcast %add3A_481 : i32 to vector<16xi32>
      %add3A_483 = arith.addi %iota3A_51, %add3A_482 : vector<16xi32>
      %gather3A_484 = tpu.vector_load_idx %arg13[%broadcast_in_dim3A_273, %broadcast_in_dim3A_454, %add3A_483, %gather3A_452] : memref<2x4x64x128xf32, #tpu.memory_space<vmem>>[vector<16xi32>, vector<16xi32>, vector<16xi32>, vector<16xi32>], vector<16xf32>,
      %get3A_485 = arith.index_cast %add3A_450 : i32 to index
      %get3A_486 = arith.constant 32 : index
      %get3A_487 = tpu.vector_load %arg9[%get3A_485, %get3A_486] {strides = array<i32>} : memref<32x64xf32, #tpu.memory_space<vmem>>, vector<16xf32>,
      %mul3A_488 = arith.mulf %gather3A_484, %gather3A_456 : vector<16xf32>
      %mul3A_489 = arith.mulf %get3A_487, %gather3A_456 : vector<16xf32>
      %sub3A_490 = arith.subf %mul3A_488, %mul3A_489 : vector<16xf32>
      %abs3A_491 = math.absf %sub3A_490 : vector<16xf32>
      %add3A_492 = arith.addf %add3A_480, %abs3A_491 : vector<16xf32>
      %add3A_493 = arith.constant 48 : i32
      %add3A_494 = vector.broadcast %add3A_493 : i32 to vector<16xi32>
      %add3A_495 = arith.addi %iota3A_51, %add3A_494 : vector<16xi32>
      %gather3A_496 = tpu.vector_load_idx %arg13[%broadcast_in_dim3A_273, %broadcast_in_dim3A_454, %add3A_495, %gather3A_452] : memref<2x4x64x128xf32, #tpu.memory_space<vmem>>[vector<16xi32>, vector<16xi32>, vector<16xi32>, vector<16xi32>], vector<16xf32>,
      %get3A_497 = arith.index_cast %add3A_450 : i32 to index
      %get3A_498 = arith.constant 48 : index
      %get3A_499 = tpu.vector_load %arg9[%get3A_497, %get3A_498] {strides = array<i32>} : memref<32x64xf32, #tpu.memory_space<vmem>>, vector<16xf32>,
      %mul3A_500 = arith.mulf %gather3A_496, %gather3A_456 : vector<16xf32>
      %mul3A_501 = arith.mulf %get3A_499, %gather3A_456 : vector<16xf32>
      %sub3A_502 = arith.subf %mul3A_500, %mul3A_501 : vector<16xf32>
      %abs3A_503 = math.absf %sub3A_502 : vector<16xf32>
      %add3A_504 = arith.addf %add3A_492, %abs3A_503 : vector<16xf32>
      %dma_wait3A_505 = arith.constant 1 : i32
      %dma_wait3A_506 = arith.constant 0 : i32
      %dma_wait3A_507 = arith.constant 0 : i32
      %dma_wait3A_508 = arith.constant 0 : i32
      %dma_wait3A_509 = tpu.memref_slice %arg13[%dma_wait3A_505, %dma_wait3A_506, %dma_wait3A_507, %dma_wait3A_508] : memref<2x4x64x128xf32, #tpu.memory_space<vmem>> -> memref<1x1x64x128xf32, #tpu.memory_space<vmem>>
      %dma_wait3A_510 = tpu.memref_squeeze %dma_wait3A_509 : memref<1x1x64x128xf32, #tpu.memory_space<vmem>> -> memref<64x128xf32, #tpu.memory_space<vmem>>
      %dma_wait3A_511 = arith.constant 0 : i32
      %dma_wait3A_512 = tpu.memref_slice %arg10[%add3A_152, %dma_wait3A_511] : memref<32x64xi32, #tpu.memory_space<vmem>> -> memref<1x64xi32, #tpu.memory_space<vmem>>
      %dma_wait3A_513 = tpu.memref_squeeze %dma_wait3A_512 : memref<1x64xi32, #tpu.memory_space<vmem>> -> memref<64xi32, #tpu.memory_space<vmem>>
      %dma_wait3A_514 = arith.constant 0 : i32
      %dma_wait3A_515 = tpu.memref_slice %arg2[%dma_wait3A_514, %multiple_of3A_157] : memref<131072x256xf32, #tpu.memory_space<hbm>> -> memref<131072x128xf32, #tpu.memory_space<hbm>>
      tpu.wait_indirect_dma semaphore(%arg16 : memref<!tpu.dma_semaphore, #tpu.memory_space<semaphore_mem>>) src(%dma_wait3A_515 : memref<131072x128xf32, #tpu.memory_space<hbm>>) dst(%dma_wait3A_510 : memref<64x128xf32, #tpu.memory_space<vmem>>)
      %dma_wait3A_516 = arith.constant 1 : i32
      %dma_wait3A_517 = arith.constant 1 : i32
      %dma_wait3A_518 = arith.constant 0 : i32
      %dma_wait3A_519 = arith.constant 0 : i32
      %dma_wait3A_520 = tpu.memref_slice %arg13[%dma_wait3A_516, %dma_wait3A_517, %dma_wait3A_518, %dma_wait3A_519] : memref<2x4x64x128xf32, #tpu.memory_space<vmem>> -> memref<1x1x64x128xf32, #tpu.memory_space<vmem>>
      %dma_wait3A_521 = tpu.memref_squeeze %dma_wait3A_520 : memref<1x1x64x128xf32, #tpu.memory_space<vmem>> -> memref<64x128xf32, #tpu.memory_space<vmem>>
      %dma_wait3A_522 = arith.constant 0 : i32
      %dma_wait3A_523 = tpu.memref_slice %arg10[%add3A_172, %dma_wait3A_522] : memref<32x64xi32, #tpu.memory_space<vmem>> -> memref<1x64xi32, #tpu.memory_space<vmem>>
      %dma_wait3A_524 = tpu.memref_squeeze %dma_wait3A_523 : memref<1x64xi32, #tpu.memory_space<vmem>> -> memref<64xi32, #tpu.memory_space<vmem>>
      %dma_wait3A_525 = arith.constant 0 : i32
      %dma_wait3A_526 = tpu.memref_slice %arg2[%dma_wait3A_525, %multiple_of3A_177] : memref<131072x256xf32, #tpu.memory_space<hbm>> -> memref<131072x128xf32, #tpu.memory_space<hbm>>
      tpu.wait_indirect_dma semaphore(%arg16 : memref<!tpu.dma_semaphore, #tpu.memory_space<semaphore_mem>>) src(%dma_wait3A_526 : memref<131072x128xf32, #tpu.memory_space<hbm>>) dst(%dma_wait3A_521 : memref<64x128xf32, #tpu.memory_space<vmem>>)
      %dma_wait3A_527 = arith.constant 1 : i32
      %dma_wait3A_528 = arith.constant 2 : i32
      %dma_wait3A_529 = arith.constant 0 : i32
      %dma_wait3A_530 = arith.constant 0 : i32
      %dma_wait3A_531 = tpu.memref_slice %arg13[%dma_wait3A_527, %dma_wait3A_528, %dma_wait3A_529, %dma_wait3A_530] : memref<2x4x64x128xf32, #tpu.memory_space<vmem>> -> memref<1x1x64x128xf32, #tpu.memory_space<vmem>>
      %dma_wait3A_532 = tpu.memref_squeeze %dma_wait3A_531 : memref<1x1x64x128xf32, #tpu.memory_space<vmem>> -> memref<64x128xf32, #tpu.memory_space<vmem>>
      %dma_wait3A_533 = arith.constant 0 : i32
      %dma_wait3A_534 = tpu.memref_slice %arg10[%add3A_192, %dma_wait3A_533] : memref<32x64xi32, #tpu.memory_space<vmem>> -> memref<1x64xi32, #tpu.memory_space<vmem>>
      %dma_wait3A_535 = tpu.memref_squeeze %dma_wait3A_534 : memref<1x64xi32, #tpu.memory_space<vmem>> -> memref<64xi32, #tpu.memory_space<vmem>>
      %dma_wait3A_536 = arith.constant 0 : i32
      %dma_wait3A_537 = tpu.memref_slice %arg2[%dma_wait3A_536, %multiple_of3A_197] : memref<131072x256xf32, #tpu.memory_space<hbm>> -> memref<131072x128xf32, #tpu.memory_space<hbm>>
      tpu.wait_indirect_dma semaphore(%arg16 : memref<!tpu.dma_semaphore, #tpu.memory_space<semaphore_mem>>) src(%dma_wait3A_537 : memref<131072x128xf32, #tpu.memory_space<hbm>>) dst(%dma_wait3A_532 : memref<64x128xf32, #tpu.memory_space<vmem>>)
      %dma_wait3A_538 = arith.constant 1 : i32
      %dma_wait3A_539 = arith.constant 3 : i32
      %dma_wait3A_540 = arith.constant 0 : i32
      %dma_wait3A_541 = arith.constant 0 : i32
      %dma_wait3A_542 = tpu.memref_slice %arg13[%dma_wait3A_538, %dma_wait3A_539, %dma_wait3A_540, %dma_wait3A_541] : memref<2x4x64x128xf32, #tpu.memory_space<vmem>> -> memref<1x1x64x128xf32, #tpu.memory_space<vmem>>
      %dma_wait3A_543 = tpu.memref_squeeze %dma_wait3A_542 : memref<1x1x64x128xf32, #tpu.memory_space<vmem>> -> memref<64x128xf32, #tpu.memory_space<vmem>>
      %dma_wait3A_544 = arith.constant 0 : i32
      %dma_wait3A_545 = tpu.memref_slice %arg10[%add3A_212, %dma_wait3A_544] : memref<32x64xi32, #tpu.memory_space<vmem>> -> memref<1x64xi32, #tpu.memory_space<vmem>>
      %dma_wait3A_546 = tpu.memref_squeeze %dma_wait3A_545 : memref<1x64xi32, #tpu.memory_space<vmem>> -> memref<64xi32, #tpu.memory_space<vmem>>
      %dma_wait3A_547 = arith.constant 0 : i32
      %dma_wait3A_548 = tpu.memref_slice %arg2[%dma_wait3A_547, %multiple_of3A_217] : memref<131072x256xf32, #tpu.memory_space<hbm>> -> memref<131072x128xf32, #tpu.memory_space<hbm>>
      tpu.wait_indirect_dma semaphore(%arg16 : memref<!tpu.dma_semaphore, #tpu.memory_space<semaphore_mem>>) src(%dma_wait3A_548 : memref<131072x128xf32, #tpu.memory_space<hbm>>) dst(%dma_wait3A_543 : memref<64x128xf32, #tpu.memory_space<vmem>>)
      %add3A_549 = arith.constant 1 : i32
      %add3A_550 = arith.addi %mul3A_71, %add3A_549 : i32
      %broadcast_in_dim3A_551 = arith.constant 1 : i32
      %broadcast_in_dim3A_552 = vector.broadcast %broadcast_in_dim3A_551 : i32 to vector<16xi32>
      %mul3A_553 = arith.constant 4 : i32
      %mul3A_554 = arith.muli %add3A_550, %mul3A_553 : i32
      %add3A_555 = arith.constant 0 : i32
      %add3A_556 = arith.addi %mul3A_554, %add3A_555 : i32
      %broadcast_in_dim3A_557 = vector.broadcast %add3A_556 : i32 to vector<16xi32>
      %gather3A_558 = tpu.vector_load_idx %arg12[%broadcast_in_dim3A_557] : memref<32xi32, #tpu.memory_space<vmem>>[vector<16xi32>], vector<16xi32>,
      %broadcast_in_dim3A_559 = arith.constant 0 : i32
      %broadcast_in_dim3A_560 = vector.broadcast %broadcast_in_dim3A_559 : i32 to vector<16xi32>
      %broadcast_in_dim3A_561 = vector.broadcast %add3A_556 : i32 to vector<16xi32>
      %gather3A_562 = tpu.vector_load_idx %arg8[%broadcast_in_dim3A_561] : memref<32xf32, #tpu.memory_space<vmem>>[vector<16xi32>], vector<16xf32>,
      %add3A_563 = arith.constant 0 : i32
      %add3A_564 = vector.broadcast %add3A_563 : i32 to vector<16xi32>
      %add3A_565 = arith.addi %iota3A_51, %add3A_564 : vector<16xi32>
      %gather3A_566 = tpu.vector_load_idx %arg13[%broadcast_in_dim3A_552, %broadcast_in_dim3A_560, %add3A_565, %gather3A_558] : memref<2x4x64x128xf32, #tpu.memory_space<vmem>>[vector<16xi32>, vector<16xi32>, vector<16xi32>, vector<16xi32>], vector<16xf32>,
      %get3A_567 = arith.index_cast %add3A_556 : i32 to index
      %get3A_568 = arith.constant 0 : index
      %get3A_569 = tpu.vector_load %arg9[%get3A_567, %get3A_568] {strides = array<i32>} : memref<32x64xf32, #tpu.memory_space<vmem>>, vector<16xf32>,
      %mul3A_570 = arith.mulf %gather3A_566, %gather3A_562 : vector<16xf32>
      %mul3A_571 = arith.mulf %get3A_569, %gather3A_562 : vector<16xf32>
      %sub3A_572 = arith.subf %mul3A_570, %mul3A_571 : vector<16xf32>
      %abs3A_573 = math.absf %sub3A_572 : vector<16xf32>
      %add3A_574 = arith.addf %add3A_504, %abs3A_573 : vector<16xf32>
      %add3A_575 = arith.constant 16 : i32
      %add3A_576 = vector.broadcast %add3A_575 : i32 to vector<16xi32>
      %add3A_577 = arith.addi %iota3A_51, %add3A_576 : vector<16xi32>
      %gather3A_578 = tpu.vector_load_idx %arg13[%broadcast_in_dim3A_552, %broadcast_in_dim3A_560, %add3A_577, %gather3A_558] : memref<2x4x64x128xf32, #tpu.memory_space<vmem>>[vector<16xi32>, vector<16xi32>, vector<16xi32>, vector<16xi32>], vector<16xf32>,
      %get3A_579 = arith.index_cast %add3A_556 : i32 to index
      %get3A_580 = arith.constant 16 : index
      %get3A_581 = tpu.vector_load %arg9[%get3A_579, %get3A_580] {strides = array<i32>} : memref<32x64xf32, #tpu.memory_space<vmem>>, vector<16xf32>,
      %mul3A_582 = arith.mulf %gather3A_578, %gather3A_562 : vector<16xf32>
      %mul3A_583 = arith.mulf %get3A_581, %gather3A_562 : vector<16xf32>
      %sub3A_584 = arith.subf %mul3A_582, %mul3A_583 : vector<16xf32>
      %abs3A_585 = math.absf %sub3A_584 : vector<16xf32>
      %add3A_586 = arith.addf %add3A_574, %abs3A_585 : vector<16xf32>
      %add3A_587 = arith.constant 32 : i32
      %add3A_588 = vector.broadcast %add3A_587 : i32 to vector<16xi32>
      %add3A_589 = arith.addi %iota3A_51, %add3A_588 : vector<16xi32>
      %gather3A_590 = tpu.vector_load_idx %arg13[%broadcast_in_dim3A_552, %broadcast_in_dim3A_560, %add3A_589, %gather3A_558] : memref<2x4x64x128xf32, #tpu.memory_space<vmem>>[vector<16xi32>, vector<16xi32>, vector<16xi32>, vector<16xi32>], vector<16xf32>,
      %get3A_591 = arith.index_cast %add3A_556 : i32 to index
      %get3A_592 = arith.constant 32 : index
      %get3A_593 = tpu.vector_load %arg9[%get3A_591, %get3A_592] {strides = array<i32>} : memref<32x64xf32, #tpu.memory_space<vmem>>, vector<16xf32>,
      %mul3A_594 = arith.mulf %gather3A_590, %gather3A_562 : vector<16xf32>
      %mul3A_595 = arith.mulf %get3A_593, %gather3A_562 : vector<16xf32>
      %sub3A_596 = arith.subf %mul3A_594, %mul3A_595 : vector<16xf32>
      %abs3A_597 = math.absf %sub3A_596 : vector<16xf32>
      %add3A_598 = arith.addf %add3A_586, %abs3A_597 : vector<16xf32>
      %add3A_599 = arith.constant 48 : i32
      %add3A_600 = vector.broadcast %add3A_599 : i32 to vector<16xi32>
      %add3A_601 = arith.addi %iota3A_51, %add3A_600 : vector<16xi32>
      %gather3A_602 = tpu.vector_load_idx %arg13[%broadcast_in_dim3A_552, %broadcast_in_dim3A_560, %add3A_601, %gather3A_558] : memref<2x4x64x128xf32, #tpu.memory_space<vmem>>[vector<16xi32>, vector<16xi32>, vector<16xi32>, vector<16xi32>], vector<16xf32>,
      %get3A_603 = arith.index_cast %add3A_556 : i32 to index
      %get3A_604 = arith.constant 48 : index
      %get3A_605 = tpu.vector_load %arg9[%get3A_603, %get3A_604] {strides = array<i32>} : memref<32x64xf32, #tpu.memory_space<vmem>>, vector<16xf32>,
      %mul3A_606 = arith.mulf %gather3A_602, %gather3A_562 : vector<16xf32>
      %mul3A_607 = arith.mulf %get3A_605, %gather3A_562 : vector<16xf32>
      %sub3A_608 = arith.subf %mul3A_606, %mul3A_607 : vector<16xf32>
      %abs3A_609 = math.absf %sub3A_608 : vector<16xf32>
      %add3A_610 = arith.addf %add3A_598, %abs3A_609 : vector<16xf32>
      %mul3A_611 = arith.constant 4 : i32
      %mul3A_612 = arith.muli %add3A_550, %mul3A_611 : i32
      %add3A_613 = arith.constant 1 : i32
      %add3A_614 = arith.addi %mul3A_612, %add3A_613 : i32
      %broadcast_in_dim3A_615 = vector.broadcast %add3A_614 : i32 to vector<16xi32>
      %gather3A_616 = tpu.vector_load_idx %arg12[%broadcast_in_dim3A_615] : memref<32xi32, #tpu.memory_space<vmem>>[vector<16xi32>], vector<16xi32>,
      %broadcast_in_dim3A_617 = arith.constant 1 : i32
      %broadcast_in_dim3A_618 = vector.broadcast %broadcast_in_dim3A_617 : i32 to vector<16xi32>
      %broadcast_in_dim3A_619 = vector.broadcast %add3A_614 : i32 to vector<16xi32>
      %gather3A_620 = tpu.vector_load_idx %arg8[%broadcast_in_dim3A_619] : memref<32xf32, #tpu.memory_space<vmem>>[vector<16xi32>], vector<16xf32>,
      %add3A_621 = arith.constant 0 : i32
      %add3A_622 = vector.broadcast %add3A_621 : i32 to vector<16xi32>
      %add3A_623 = arith.addi %iota3A_51, %add3A_622 : vector<16xi32>
      %gather3A_624 = tpu.vector_load_idx %arg13[%broadcast_in_dim3A_552, %broadcast_in_dim3A_618, %add3A_623, %gather3A_616] : memref<2x4x64x128xf32, #tpu.memory_space<vmem>>[vector<16xi32>, vector<16xi32>, vector<16xi32>, vector<16xi32>], vector<16xf32>,
      %get3A_625 = arith.index_cast %add3A_614 : i32 to index
      %get3A_626 = arith.constant 0 : index
      %get3A_627 = tpu.vector_load %arg9[%get3A_625, %get3A_626] {strides = array<i32>} : memref<32x64xf32, #tpu.memory_space<vmem>>, vector<16xf32>,
      %mul3A_628 = arith.mulf %gather3A_624, %gather3A_620 : vector<16xf32>
      %mul3A_629 = arith.mulf %get3A_627, %gather3A_620 : vector<16xf32>
      %sub3A_630 = arith.subf %mul3A_628, %mul3A_629 : vector<16xf32>
      %abs3A_631 = math.absf %sub3A_630 : vector<16xf32>
      %add3A_632 = arith.addf %add3A_610, %abs3A_631 : vector<16xf32>
      %add3A_633 = arith.constant 16 : i32
      %add3A_634 = vector.broadcast %add3A_633 : i32 to vector<16xi32>
      %add3A_635 = arith.addi %iota3A_51, %add3A_634 : vector<16xi32>
      %gather3A_636 = tpu.vector_load_idx %arg13[%broadcast_in_dim3A_552, %broadcast_in_dim3A_618, %add3A_635, %gather3A_616] : memref<2x4x64x128xf32, #tpu.memory_space<vmem>>[vector<16xi32>, vector<16xi32>, vector<16xi32>, vector<16xi32>], vector<16xf32>,
      %get3A_637 = arith.index_cast %add3A_614 : i32 to index
      %get3A_638 = arith.constant 16 : index
      %get3A_639 = tpu.vector_load %arg9[%get3A_637, %get3A_638] {strides = array<i32>} : memref<32x64xf32, #tpu.memory_space<vmem>>, vector<16xf32>,
      %mul3A_640 = arith.mulf %gather3A_636, %gather3A_620 : vector<16xf32>
      %mul3A_641 = arith.mulf %get3A_639, %gather3A_620 : vector<16xf32>
      %sub3A_642 = arith.subf %mul3A_640, %mul3A_641 : vector<16xf32>
      %abs3A_643 = math.absf %sub3A_642 : vector<16xf32>
      %add3A_644 = arith.addf %add3A_632, %abs3A_643 : vector<16xf32>
      %add3A_645 = arith.constant 32 : i32
      %add3A_646 = vector.broadcast %add3A_645 : i32 to vector<16xi32>
      %add3A_647 = arith.addi %iota3A_51, %add3A_646 : vector<16xi32>
      %gather3A_648 = tpu.vector_load_idx %arg13[%broadcast_in_dim3A_552, %broadcast_in_dim3A_618, %add3A_647, %gather3A_616] : memref<2x4x64x128xf32, #tpu.memory_space<vmem>>[vector<16xi32>, vector<16xi32>, vector<16xi32>, vector<16xi32>], vector<16xf32>,
      %get3A_649 = arith.index_cast %add3A_614 : i32 to index
      %get3A_650 = arith.constant 32 : index
      %get3A_651 = tpu.vector_load %arg9[%get3A_649, %get3A_650] {strides = array<i32>} : memref<32x64xf32, #tpu.memory_space<vmem>>, vector<16xf32>,
      %mul3A_652 = arith.mulf %gather3A_648, %gather3A_620 : vector<16xf32>
      %mul3A_653 = arith.mulf %get3A_651, %gather3A_620 : vector<16xf32>
      %sub3A_654 = arith.subf %mul3A_652, %mul3A_653 : vector<16xf32>
      %abs3A_655 = math.absf %sub3A_654 : vector<16xf32>
      %add3A_656 = arith.addf %add3A_644, %abs3A_655 : vector<16xf32>
      %add3A_657 = arith.constant 48 : i32
      %add3A_658 = vector.broadcast %add3A_657 : i32 to vector<16xi32>
      %add3A_659 = arith.addi %iota3A_51, %add3A_658 : vector<16xi32>
      %gather3A_660 = tpu.vector_load_idx %arg13[%broadcast_in_dim3A_552, %broadcast_in_dim3A_618, %add3A_659, %gather3A_616] : memref<2x4x64x128xf32, #tpu.memory_space<vmem>>[vector<16xi32>, vector<16xi32>, vector<16xi32>, vector<16xi32>], vector<16xf32>,
      %get3A_661 = arith.index_cast %add3A_614 : i32 to index
      %get3A_662 = arith.constant 48 : index
      %get3A_663 = tpu.vector_load %arg9[%get3A_661, %get3A_662] {strides = array<i32>} : memref<32x64xf32, #tpu.memory_space<vmem>>, vector<16xf32>,
      %mul3A_664 = arith.mulf %gather3A_660, %gather3A_620 : vector<16xf32>
      %mul3A_665 = arith.mulf %get3A_663, %gather3A_620 : vector<16xf32>
      %sub3A_666 = arith.subf %mul3A_664, %mul3A_665 : vector<16xf32>
      %abs3A_667 = math.absf %sub3A_666 : vector<16xf32>
      %add3A_668 = arith.addf %add3A_656, %abs3A_667 : vector<16xf32>
      %mul3A_669 = arith.constant 4 : i32
      %mul3A_670 = arith.muli %add3A_550, %mul3A_669 : i32
      %add3A_671 = arith.constant 2 : i32
      %add3A_672 = arith.addi %mul3A_670, %add3A_671 : i32
      %broadcast_in_dim3A_673 = vector.broadcast %add3A_672 : i32 to vector<16xi32>
      %gather3A_674 = tpu.vector_load_idx %arg12[%broadcast_in_dim3A_673] : memref<32xi32, #tpu.memory_space<vmem>>[vector<16xi32>], vector<16xi32>,
      %broadcast_in_dim3A_675 = arith.constant 2 : i32
      %broadcast_in_dim3A_676 = vector.broadcast %broadcast_in_dim3A_675 : i32 to vector<16xi32>
      %broadcast_in_dim3A_677 = vector.broadcast %add3A_672 : i32 to vector<16xi32>
      %gather3A_678 = tpu.vector_load_idx %arg8[%broadcast_in_dim3A_677] : memref<32xf32, #tpu.memory_space<vmem>>[vector<16xi32>], vector<16xf32>,
      %add3A_679 = arith.constant 0 : i32
      %add3A_680 = vector.broadcast %add3A_679 : i32 to vector<16xi32>
      %add3A_681 = arith.addi %iota3A_51, %add3A_680 : vector<16xi32>
      %gather3A_682 = tpu.vector_load_idx %arg13[%broadcast_in_dim3A_552, %broadcast_in_dim3A_676, %add3A_681, %gather3A_674] : memref<2x4x64x128xf32, #tpu.memory_space<vmem>>[vector<16xi32>, vector<16xi32>, vector<16xi32>, vector<16xi32>], vector<16xf32>,
      %get3A_683 = arith.index_cast %add3A_672 : i32 to index
      %get3A_684 = arith.constant 0 : index
      %get3A_685 = tpu.vector_load %arg9[%get3A_683, %get3A_684] {strides = array<i32>} : memref<32x64xf32, #tpu.memory_space<vmem>>, vector<16xf32>,
      %mul3A_686 = arith.mulf %gather3A_682, %gather3A_678 : vector<16xf32>
      %mul3A_687 = arith.mulf %get3A_685, %gather3A_678 : vector<16xf32>
      %sub3A_688 = arith.subf %mul3A_686, %mul3A_687 : vector<16xf32>
      %abs3A_689 = math.absf %sub3A_688 : vector<16xf32>
      %add3A_690 = arith.addf %add3A_668, %abs3A_689 : vector<16xf32>
      %add3A_691 = arith.constant 16 : i32
      %add3A_692 = vector.broadcast %add3A_691 : i32 to vector<16xi32>
      %add3A_693 = arith.addi %iota3A_51, %add3A_692 : vector<16xi32>
      %gather3A_694 = tpu.vector_load_idx %arg13[%broadcast_in_dim3A_552, %broadcast_in_dim3A_676, %add3A_693, %gather3A_674] : memref<2x4x64x128xf32, #tpu.memory_space<vmem>>[vector<16xi32>, vector<16xi32>, vector<16xi32>, vector<16xi32>], vector<16xf32>,
      %get3A_695 = arith.index_cast %add3A_672 : i32 to index
      %get3A_696 = arith.constant 16 : index
      %get3A_697 = tpu.vector_load %arg9[%get3A_695, %get3A_696] {strides = array<i32>} : memref<32x64xf32, #tpu.memory_space<vmem>>, vector<16xf32>,
      %mul3A_698 = arith.mulf %gather3A_694, %gather3A_678 : vector<16xf32>
      %mul3A_699 = arith.mulf %get3A_697, %gather3A_678 : vector<16xf32>
      %sub3A_700 = arith.subf %mul3A_698, %mul3A_699 : vector<16xf32>
      %abs3A_701 = math.absf %sub3A_700 : vector<16xf32>
      %add3A_702 = arith.addf %add3A_690, %abs3A_701 : vector<16xf32>
      %add3A_703 = arith.constant 32 : i32
      %add3A_704 = vector.broadcast %add3A_703 : i32 to vector<16xi32>
      %add3A_705 = arith.addi %iota3A_51, %add3A_704 : vector<16xi32>
      %gather3A_706 = tpu.vector_load_idx %arg13[%broadcast_in_dim3A_552, %broadcast_in_dim3A_676, %add3A_705, %gather3A_674] : memref<2x4x64x128xf32, #tpu.memory_space<vmem>>[vector<16xi32>, vector<16xi32>, vector<16xi32>, vector<16xi32>], vector<16xf32>,
      %get3A_707 = arith.index_cast %add3A_672 : i32 to index
      %get3A_708 = arith.constant 32 : index
      %get3A_709 = tpu.vector_load %arg9[%get3A_707, %get3A_708] {strides = array<i32>} : memref<32x64xf32, #tpu.memory_space<vmem>>, vector<16xf32>,
      %mul3A_710 = arith.mulf %gather3A_706, %gather3A_678 : vector<16xf32>
      %mul3A_711 = arith.mulf %get3A_709, %gather3A_678 : vector<16xf32>
      %sub3A_712 = arith.subf %mul3A_710, %mul3A_711 : vector<16xf32>
      %abs3A_713 = math.absf %sub3A_712 : vector<16xf32>
      %add3A_714 = arith.addf %add3A_702, %abs3A_713 : vector<16xf32>
      %add3A_715 = arith.constant 48 : i32
      %add3A_716 = vector.broadcast %add3A_715 : i32 to vector<16xi32>
      %add3A_717 = arith.addi %iota3A_51, %add3A_716 : vector<16xi32>
      %gather3A_718 = tpu.vector_load_idx %arg13[%broadcast_in_dim3A_552, %broadcast_in_dim3A_676, %add3A_717, %gather3A_674] : memref<2x4x64x128xf32, #tpu.memory_space<vmem>>[vector<16xi32>, vector<16xi32>, vector<16xi32>, vector<16xi32>], vector<16xf32>,
      %get3A_719 = arith.index_cast %add3A_672 : i32 to index
      %get3A_720 = arith.constant 48 : index
      %get3A_721 = tpu.vector_load %arg9[%get3A_719, %get3A_720] {strides = array<i32>} : memref<32x64xf32, #tpu.memory_space<vmem>>, vector<16xf32>,
      %mul3A_722 = arith.mulf %gather3A_718, %gather3A_678 : vector<16xf32>
      %mul3A_723 = arith.mulf %get3A_721, %gather3A_678 : vector<16xf32>
      %sub3A_724 = arith.subf %mul3A_722, %mul3A_723 : vector<16xf32>
      %abs3A_725 = math.absf %sub3A_724 : vector<16xf32>
      %add3A_726 = arith.addf %add3A_714, %abs3A_725 : vector<16xf32>
      %mul3A_727 = arith.constant 4 : i32
      %mul3A_728 = arith.muli %add3A_550, %mul3A_727 : i32
      %add3A_729 = arith.constant 3 : i32
      %add3A_730 = arith.addi %mul3A_728, %add3A_729 : i32
      %broadcast_in_dim3A_731 = vector.broadcast %add3A_730 : i32 to vector<16xi32>
      %gather3A_732 = tpu.vector_load_idx %arg12[%broadcast_in_dim3A_731] : memref<32xi32, #tpu.memory_space<vmem>>[vector<16xi32>], vector<16xi32>,
      %broadcast_in_dim3A_733 = arith.constant 3 : i32
      %broadcast_in_dim3A_734 = vector.broadcast %broadcast_in_dim3A_733 : i32 to vector<16xi32>
      %broadcast_in_dim3A_735 = vector.broadcast %add3A_730 : i32 to vector<16xi32>
      %gather3A_736 = tpu.vector_load_idx %arg8[%broadcast_in_dim3A_735] : memref<32xf32, #tpu.memory_space<vmem>>[vector<16xi32>], vector<16xf32>,
      %add3A_737 = arith.constant 0 : i32
      %add3A_738 = vector.broadcast %add3A_737 : i32 to vector<16xi32>
      %add3A_739 = arith.addi %iota3A_51, %add3A_738 : vector<16xi32>
      %gather3A_740 = tpu.vector_load_idx %arg13[%broadcast_in_dim3A_552, %broadcast_in_dim3A_734, %add3A_739, %gather3A_732] : memref<2x4x64x128xf32, #tpu.memory_space<vmem>>[vector<16xi32>, vector<16xi32>, vector<16xi32>, vector<16xi32>], vector<16xf32>,
      %get3A_741 = arith.index_cast %add3A_730 : i32 to index
      %get3A_742 = arith.constant 0 : index
      %get3A_743 = tpu.vector_load %arg9[%get3A_741, %get3A_742] {strides = array<i32>} : memref<32x64xf32, #tpu.memory_space<vmem>>, vector<16xf32>,
      %mul3A_744 = arith.mulf %gather3A_740, %gather3A_736 : vector<16xf32>
      %mul3A_745 = arith.mulf %get3A_743, %gather3A_736 : vector<16xf32>
      %sub3A_746 = arith.subf %mul3A_744, %mul3A_745 : vector<16xf32>
      %abs3A_747 = math.absf %sub3A_746 : vector<16xf32>
      %add3A_748 = arith.addf %add3A_726, %abs3A_747 : vector<16xf32>
      %add3A_749 = arith.constant 16 : i32
      %add3A_750 = vector.broadcast %add3A_749 : i32 to vector<16xi32>
      %add3A_751 = arith.addi %iota3A_51, %add3A_750 : vector<16xi32>
      %gather3A_752 = tpu.vector_load_idx %arg13[%broadcast_in_dim3A_552, %broadcast_in_dim3A_734, %add3A_751, %gather3A_732] : memref<2x4x64x128xf32, #tpu.memory_space<vmem>>[vector<16xi32>, vector<16xi32>, vector<16xi32>, vector<16xi32>], vector<16xf32>,
      %get3A_753 = arith.index_cast %add3A_730 : i32 to index
      %get3A_754 = arith.constant 16 : index
      %get3A_755 = tpu.vector_load %arg9[%get3A_753, %get3A_754] {strides = array<i32>} : memref<32x64xf32, #tpu.memory_space<vmem>>, vector<16xf32>,
      %mul3A_756 = arith.mulf %gather3A_752, %gather3A_736 : vector<16xf32>
      %mul3A_757 = arith.mulf %get3A_755, %gather3A_736 : vector<16xf32>
      %sub3A_758 = arith.subf %mul3A_756, %mul3A_757 : vector<16xf32>
      %abs3A_759 = math.absf %sub3A_758 : vector<16xf32>
      %add3A_760 = arith.addf %add3A_748, %abs3A_759 : vector<16xf32>
      %add3A_761 = arith.constant 32 : i32
      %add3A_762 = vector.broadcast %add3A_761 : i32 to vector<16xi32>
      %add3A_763 = arith.addi %iota3A_51, %add3A_762 : vector<16xi32>
      %gather3A_764 = tpu.vector_load_idx %arg13[%broadcast_in_dim3A_552, %broadcast_in_dim3A_734, %add3A_763, %gather3A_732] : memref<2x4x64x128xf32, #tpu.memory_space<vmem>>[vector<16xi32>, vector<16xi32>, vector<16xi32>, vector<16xi32>], vector<16xf32>,
      %get3A_765 = arith.index_cast %add3A_730 : i32 to index
      %get3A_766 = arith.constant 32 : index
      %get3A_767 = tpu.vector_load %arg9[%get3A_765, %get3A_766] {strides = array<i32>} : memref<32x64xf32, #tpu.memory_space<vmem>>, vector<16xf32>,
      %mul3A_768 = arith.mulf %gather3A_764, %gather3A_736 : vector<16xf32>
      %mul3A_769 = arith.mulf %get3A_767, %gather3A_736 : vector<16xf32>
      %sub3A_770 = arith.subf %mul3A_768, %mul3A_769 : vector<16xf32>
      %abs3A_771 = math.absf %sub3A_770 : vector<16xf32>
      %add3A_772 = arith.addf %add3A_760, %abs3A_771 : vector<16xf32>
      %add3A_773 = arith.constant 48 : i32
      %add3A_774 = vector.broadcast %add3A_773 : i32 to vector<16xi32>
      %add3A_775 = arith.addi %iota3A_51, %add3A_774 : vector<16xi32>
      %gather3A_776 = tpu.vector_load_idx %arg13[%broadcast_in_dim3A_552, %broadcast_in_dim3A_734, %add3A_775, %gather3A_732] : memref<2x4x64x128xf32, #tpu.memory_space<vmem>>[vector<16xi32>, vector<16xi32>, vector<16xi32>, vector<16xi32>], vector<16xf32>,
      %get3A_777 = arith.index_cast %add3A_730 : i32 to index
      %get3A_778 = arith.constant 48 : index
      %get3A_779 = tpu.vector_load %arg9[%get3A_777, %get3A_778] {strides = array<i32>} : memref<32x64xf32, #tpu.memory_space<vmem>>, vector<16xf32>,
      %mul3A_780 = arith.mulf %gather3A_776, %gather3A_736 : vector<16xf32>
      %mul3A_781 = arith.mulf %get3A_779, %gather3A_736 : vector<16xf32>
      %sub3A_782 = arith.subf %mul3A_780, %mul3A_781 : vector<16xf32>
      %abs3A_783 = math.absf %sub3A_782 : vector<16xf32>
      %add3A_784 = arith.addf %add3A_772, %abs3A_783 : vector<16xf32>
      scf.yield %add3A_784 : vector<16xf32>
    }
    %scan3A_58 = arith.constant 4 : i32
    %get3A_59 = arith.constant 0 : index
    %get3A_60 = tpu.vector_load %arg8[%get3A_59] {strides = array<i32>} : memref<32xf32, #tpu.memory_space<vmem>>, vector<16xf32>,
    %get3A_61 = arith.constant 16 : index
    %get3A_62 = tpu.vector_load %arg8[%get3A_61] {strides = array<i32>} : memref<32xf32, #tpu.memory_space<vmem>>, vector<16xf32>,
    %add3A_63 = arith.addf %get3A_60, %get3A_62 : vector<16xf32>
    %swap3A_64 = arith.constant 0 : index
    %swap3A_65 = tpu.vector_load %arg14[%swap3A_64] {strides = array<i32>} : memref<32xf32, #tpu.memory_space<vmem>>, vector<16xf32>,
    tpu.vector_store %arg14[%swap3A_64], %scan3A_57 {strides = array<i32>} : memref<32xf32, #tpu.memory_space<vmem>>, vector<16xf32>,
    %swap3A_66 = arith.constant 16 : index
    %swap3A_67 = tpu.vector_load %arg14[%swap3A_66] {strides = array<i32>} : memref<32xf32, #tpu.memory_space<vmem>>, vector<16xf32>,
    tpu.vector_store %arg14[%swap3A_66], %add3A_63 {strides = array<i32>} : memref<32xf32, #tpu.memory_space<vmem>>, vector<16xf32>,
    "tpu.region"() ({
      %run_scoped3A = tpu.sem_alloc : memref<!tpu.dma_semaphore, #tpu.memory_space<semaphore_mem>>
      %dma_start3A = arith.constant 0 : i32
      %dma_start3A_68 = tpu.memref_slice %arg6[%add3A, %dma_start3A] : memref<32x32xf32, #tpu.memory_space<hbm>> -> memref<1x32xf32, #tpu.memory_space<hbm>>
      %dma_start3A_69 = tpu.memref_squeeze %dma_start3A_68 : memref<1x32xf32, #tpu.memory_space<hbm>> -> memref<32xf32, #tpu.memory_space<hbm>>
      %dma_start3A_70 = arith.constant 0 : i32
      %dma_start3A_71 = tpu.memref_slice %arg6[%add3A, %dma_start3A_70] : memref<32x32xf32, #tpu.memory_space<hbm>> -> memref<1x32xf32, #tpu.memory_space<hbm>>
      %dma_start3A_72 = tpu.memref_squeeze %dma_start3A_71 : memref<1x32xf32, #tpu.memory_space<hbm>> -> memref<32xf32, #tpu.memory_space<hbm>>
      tpu.enqueue_dma source(%arg14 : memref<32xf32, #tpu.memory_space<vmem>>) target(%dma_start3A_72 : memref<32xf32, #tpu.memory_space<hbm>>) target_semaphore(%run_scoped3A : memref<!tpu.dma_semaphore, #tpu.memory_space<semaphore_mem>>)
      %dma_wait3A = arith.constant 0 : i32
      %dma_wait3A_73 = tpu.memref_slice %arg6[%add3A, %dma_wait3A] : memref<32x32xf32, #tpu.memory_space<hbm>> -> memref<1x32xf32, #tpu.memory_space<hbm>>
      %dma_wait3A_74 = tpu.memref_squeeze %dma_wait3A_73 : memref<1x32xf32, #tpu.memory_space<hbm>> -> memref<32xf32, #tpu.memory_space<hbm>>
      %dma_wait3A_75 = arith.constant 0 : i32
      %dma_wait3A_76 = tpu.memref_slice %arg6[%add3A, %dma_wait3A_75] : memref<32x32xf32, #tpu.memory_space<hbm>> -> memref<1x32xf32, #tpu.memory_space<hbm>>
      %dma_wait3A_77 = tpu.memref_squeeze %dma_wait3A_76 : memref<1x32xf32, #tpu.memory_space<hbm>> -> memref<32xf32, #tpu.memory_space<hbm>>
      tpu.wait_dma2 semaphore(%run_scoped3A : memref<!tpu.dma_semaphore, #tpu.memory_space<semaphore_mem>>) src(%arg14 : memref<32xf32, #tpu.memory_space<vmem>>) dst(%dma_wait3A_77 : memref<32xf32, #tpu.memory_space<hbm>>)
      tpu.yield
    }) : () -> ()
    return
  }
}

</mosaic_0001>

<sc_bundles>
// kernel: kernel.4.cloned.1.call-start
scs
__scs_entry_jumppad:
0x0: {  	(pc) =	sbr.rel $0x88, $3  }
0x1: {  	(tag) =	ssettag $0x0;
	lr =	simm.s32 $0x1  }
0x2: {  	[smem:$0x3F9D] =	sst lr;
	_ =	strace $0xD0000000  }
0x3: {  	_ = 	snop  }
0x4: {  	_ = 	snop  }
0x5: {  	_ = 	snop  }
0x6: {  	_ = 	snop  }
0x7: {  	_ = 	snop  }
__scs_overlays_trampoline_lowered:
0x8: {  	[smem:$0x3FAC] =	sst s0  }
0x9: {  	[smem:$0x3FAD] =	sst s1  }
0xa: {  	[smem:$0x3FAE] =	sst s2  }
0xb: {  	[smem:$0x3FAF] =	sst s3  }
0xc: {  	[smem:$0x3FB0] =	sst s4  }
0xd: {  	[smem:$0x3FB1] =	sst s5  }
0xe: {  	[smem:$0x3FB2] =	sst s6  }
0xf: {  	[smem:$0x3FB3] =	sst s7  }
0x10: {  	[smem:$0x3FB4] =	sst s8  }
0x11: {  	[smem:$0x3FB5] =	sst s9;
	s0 =	simm.s32 @!p0 $0x0  }
0x12: {  	s1 =	sld [smem:$0x3F9B];
	s0 =	simm.s32 @p0 $0x1  }
0x13: {  	[smem:$0x3FB6] =	sst s0;
	s0 =	simm.s32 @!p1 $0x0  }
0x14: {  	s2 =	sld [smem:$0x3F9A];
	s0 =	simm.s32 @p1 $0x1  }
0x15: {  	[smem:$0x3FB7] =	sst s0;
	s0 =	simm.s32 @!p2 $0x0  }
0x16: {  	s3 =	sld [smem:$0x3FDB];
	s0 =	simm.s32 @p2 $0x1  }
0x17: {  	s4 =	simm.s32 $0x1BF5;
	[smem:$0x3FB9] =	sst s0  }
0x18: {  	s0 =	sld [smem:$0x3F9C];
	_ =	swait.ge [sflag:s4], $0x0  }
0x19: {  	s7 =	sld [smem:$0x3F9D]  }
0x1a: {  	s8 =	sadd.s32 $0xFFFFE003, lr  }
0x1b: {  	s9 =	sadd.s32 $0xFFFFFEF7, lr;
	s5 =	simm.s32 $0xFFFFFFFF;
	p2 =	slt.u32 s8, $0xFFFFF086  }
0x1c: {  	p1 =	slt.u32 s9, $0xF7A;
	s5 =	simm.s32 @!p2 $0x0  }
0x1d: {  	s5 =	simm.s32 @p1 $0x1;
	p0 =	seq.s32 s7, s2  }
0x1e: {  	s7 =	smul.u32 @!p0 $0xF7A, s2;
	p2 =	seq.s32 @!p0 s5, $0x0  }
0x1f: {  	s9 =	smul.u32 $0xF7A, s1;
	s8 =	simm.s32 @!p0 $0x1BF5;
	p2 =	por !p2, p0  }
0x20: {  	[sflag:s8] =	ssyncset.s32 @!p0 $0xFFFFF086;
	s6 =	sadd.s32 @!p0 s3, s7;
	s7 =	simm.s32 @!p0 $0x108  }
0x21: {  	s3 =	sadd.s32 s3, s9;
	s6 =	sadd.s32 @!p0 $0x88, s6;
	s7 =	simm.s32 @p2 $0x1082  }
0x22: {  	[simem:s7], [sflag:s8] =	dma.local @!p0 [hbm:s6], $0xF7A  }
0x23: {  	s9 =	sor.u32 $0xD0000000, s2;
	s6 =	simm.s32 $0x108;
	_ =	swait.ge @!p0 [sflag:s8], $0x0  }
0x24: {  	s3 =	sadd.s32 $0x88, s3;
	s6 =	simm.s32 @!p1 $0x1082;
	[sflag:s4] =	ssyncset.s32 $0xFFFFF086  }
0x25: {  	[simem:s6], [sflag:s4] =	dma.local [hbm:s3], $0xF7A  }
0x26: {  	[smem:$0x3F9D] =	sst s1;
	(tag) =	ssettag s2;
	_ =	strace s9  }
0x27: {  	s1 =	sld [smem:$0x3FAD]  }
0x28: {  	s2 =	sld [smem:$0x3FAE]  }
0x29: {  	s4 =	sld [smem:$0x3FB0]  }
0x2a: {  	p0 =	seq.s32 s5, $0x0;
	s5 =	sld [smem:$0x3FB1]  }
0x2b: {  	s6 =	sld [smem:$0x3FB2]  }
0x2c: {  	s7 =	sld [smem:$0x3FB3]  }
0x2d: {  	s3 =	simm.s32 $0x108;
	s8 =	sld [smem:$0x3FB4]  }
0x2e: {  	s3 =	simm.s32 @!p0 $0x1082;
	s9 =	sld [smem:$0x3FB5]  }
0x2f: {  	lr =	sadd.s32 s0, s3;
	s0 =	sld [smem:$0x3FAC]  }
0x30: {  	s3 =	sld [smem:$0x3FAF]  }
0x31: {  	[smem:$0x3FB8] =	sst s10  }
0x32: {  	s10 =	sld [smem:$0x3FB6];
	_ =	sdelay $0x3  }
0x33: {  	p0 =	seq.s32 s10, $0x1;
	s10 =	sld [smem:$0x3FB8];
	_ =	sdelay $0x3  }
0x34: {  	[smem:$0x3FB8] =	sst s10  }
0x35: {  	s10 =	sld [smem:$0x3FB7];
	_ =	sdelay $0x3  }
0x36: {  	p1 =	seq.s32 s10, $0x1;
	s10 =	sld [smem:$0x3FB8];
	_ =	sdelay $0x3  }
0x37: {  	[smem:$0x3FB8] =	sst s10  }
0x38: {  	s10 =	sld [smem:$0x3FB9]  }
0x39: {  	_ = 	snop;
	(pc) =	sbr.ind lr, $3  }
0x3a: {  	_ = 	snop  }
0x3b: {  	_ = 	snop  }
0x3c: {  	p2 =	seq.s32 s10, $0x1;
	s10 =	sld [smem:$0x3FB8]  }
0x3d: {  	_ =	shalt  }
0x3e: {  	_ =	shalt  }
0x3f: {  	_ =	shalt  }
0x40: {  	_ =	shalt  }
0x41: {  	_ =	shalt  }
0x42: {  	_ =	shalt  }
0x43: {  	_ =	shalt  }
0x44: {  	_ =	shalt  }
0x45: {  	_ =	shalt  }
0x46: {  	_ =	shalt  }
0x47: {  	_ =	shalt  }
0x48: {  	_ =	shalt  }
0x49: {  	_ =	shalt  }
0x4a: {  	_ =	shalt  }
0x4b: {  	_ =	shalt  }
0x4c: {  	_ =	shalt  }
0x4d: {  	_ =	shalt  }
0x4e: {  	_ =	shalt  }
0x4f: {  	_ =	shalt  }
0x50: {  	_ =	shalt  }
0x51: {  	_ =	shalt  }
0x52: {  	_ =	shalt  }
0x53: {  	_ =	shalt  }
0x54: {  	_ =	shalt  }
0x55: {  	_ =	shalt  }
0x56: {  	_ =	shalt  }
0x57: {  	_ =	shalt  }
0x58: {  	_ =	shalt  }
0x59: {  	_ =	shalt  }
0x5a: {  	_ =	shalt  }
0x5b: {  	_ =	shalt  }
0x5c: {  	_ =	shalt  }
0x5d: {  	_ =	shalt  }
0x5e: {  	_ =	shalt  }
0x5f: {  	_ =	shalt  }
0x60: {  	_ =	shalt  }
0x61: {  	_ =	shalt  }
0x62: {  	_ =	shalt  }
0x63: {  	_ =	shalt  }
0x64: {  	_ =	shalt  }
0x65: {  	_ =	shalt  }
0x66: {  	_ =	shalt  }
0x67: {  	_ =	shalt  }
0x68: {  	_ =	shalt  }
0x69: {  	_ =	shalt  }
0x6a: {  	_ =	shalt  }
0x6b: {  	_ =	shalt  }
0x6c: {  	_ =	shalt  }
0x6d: {  	_ =	shalt  }
0x6e: {  	_ =	shalt  }
0x6f: {  	_ =	shalt  }
0x70: {  	_ =	shalt  }
0x71: {  	_ =	shalt  }
0x72: {  	_ =	shalt  }
0x73: {  	_ =	shalt  }
0x74: {  	_ =	shalt  }
0x75: {  	_ =	shalt  }
0x76: {  	_ =	shalt  }
0x77: {  	_ =	shalt  }
0x78: {  	_ =	shalt  }
0x79: {  	_ =	shalt  }
0x7a: {  	_ =	shalt  }
0x7b: {  	_ =	shalt  }
0x7c: {  	_ =	shalt  }
0x7d: {  	_ =	shalt  }
0x7e: {  	_ =	shalt  }
0x7f: {  	_ =	shalt  }
0x80: {  	_ =	shalt  }
0x81: {  	_ =	shalt  }
0x82: {  	_ =	shalt  }
0x83: {  	_ =	shalt  }
0x84: {  	_ =	shalt  }
0x85: {  	_ =	shalt  }
0x86: {  	_ =	shalt  }
0x87: {  	_ =	shalt  }
.Lfunc_end0:
.L_simem_size_0:
called_computation_lowered:
.L_overlay_start_0:
0x88: {  	s2 =	sld [smem:$0x3FD9]  }
0x89: {  	s3 =	sld [smem:$0x3FFE];
	_ =	sdelay $0x1  }
0x8a: {  	s1 =	srdreg.scid  }
0x8b: {  	s0 =	sand.u32 $0x1, s1  }
0x8c: {  	s17 =	sshll.u32 s0, $0xA;
	s2 =	sadd.s32 s3, s2  }
0x8d: {  	s2 =	sadd.s32 s2, s17  }
0x8e: {  	[smem:$0x3FC4] =	sst s2  }
0x8f: {  	_ = 	snop  }
0x90: {  	s2 =	sld [smem:$0x3FC9]  }
0x91: {  	s18 =	sld [smem:$0x3FC7]  }
0x92: {  	s4 =	sld [smem:$0x3FC6];
	(tm) =	ssettm $0x1  }
0x93: {  	s5 =	sld [smem:$0x3FFB];
	_ =	sdelay $0x3  }
0x94: {  	_ =	strace s5  }
0x95: {  	s5 =	sld [smem:$0x3FFC];
	_ =	sdelay $0x3  }
0x96: {  	_ =	strace s5  }
0x97: {  	s5 =	sld [smem:$0x3FFD];
	_ =	sdelay $0x3  }
0x98: {  	_ =	strace s5  }
0x99: {  	_ =	strace $0x8FFFFFFF  }
0x9a: {  	s19 =	sld [smem:$0x3FDB];
	_ =	sdelay $0x1  }
0x9b: {  	s6 =	simm.s32 $_scs_section_size  }
0x9c: {  	s7 =	simm.s32 $_size__tile_overlayer_lowered;
	s8 =	simm.s32 $_tile_overlayer_lowered  }
0x9d: {  	s22 =	simm.s32 $0x1BFF;
	s21 =	sshll.u32 s8, $0x1;
	s5 =	sadd.s32 s6, s19  }
0x9e: {  	s9 =	simm.s32 $0x0;
	s20 =	sshll.u32 s7, $0x1;
	s7 =	sadd.s32 s21, s5  }
0x9f: {  	[timem:s9], [sflag:s22] =	dma.local [hbm:s7], s20  }
0xa0: {  	_ =	swait.ge [sflag:s22], s20  }
0xa1: {  	s6 =	ssub.s32 $0x0, s20;
	[sflag:s22] =	ssyncset.done $0x0  }
0xa2: {  	[sflag:s22] =	ssyncadd.s32 s6;
	_ =	sdelay $0x1  }
0xa3: {  	s23 =	simm.s32 $0x1B8B  }
0xa4: {  	_ =	swait.ge [sflag:s23], $0x1  }
0xa5: {  	[sflag:s23] =	ssyncset.done $0x0  }
0xa6: {  	s25 =	simm.s32 $0x1B8E;
	s24 =	sld [smem:$0x3FFE];
	[sflag:s23] =	ssyncadd.s32 $0xFFFFFFFF  }
0xa7: {  	s26 =	simm.s32 $execute0_lowered;
	[smem:$0x3FD2] =	sst s25  }
0xa8: {  	s7 =	sshll.u32 s26, $0x1;
	_ =	strace $0x80000046;
	[dreg:$0x1] =	wrdreg $0xFFFFFFFF  }
0xa9: {  	s28 =	simm.s32 $_size_execute0_lowered;
	s5 =	sadd.s32 s5, s7;
	[dreg:$0x0] =	wrdreg $0x0  }
0xaa: {  	s7 =	sshll.u32 s28, $0x1;
	[dreg:$0x2] =	wrdreg s5  }
0xab: {  	[dreg:$0x3] =	wrdreg s7  }
0xac: {  	[dreg:$0x4] =	wrdreg $0xC0  }
0xad: {  	_ =	task [dreg:s9], $0x5FFFF  }
0xae: {  	[dreg:$0x1] =	wrdreg $0xFFFFFFFF  }
0xaf: {  	[dreg:$0x0] =	wrdreg $0x60  }
0xb0: {  	[dreg:$0x2] =	wrdreg s2  }
0xb1: {  	[dreg:$0x3] =	wrdreg s18  }
0xb2: {  	[dreg:$0x4] =	wrdreg s24  }
0xb3: {  	[dreg:$0x5] =	wrdreg s4  }
0xb4: {  	[dreg:$0x6] =	wrdreg $0x9  }
0xb5: {  	_ =	task.clear_ibuf [dreg:s9], $0x7FFFF;
	_ =	strace $0x90000046  }
0xb6: {  	s29 =	simm.s32 $0x9;
	_ =	strace $0x80000048  }
0xb7: {  	_ =	swait.ge [sflag:s29], $0x1  }
0xb8: {  	[sflag:s29] =	ssyncadd.s32 $0xFFFFFFFF  }
0xb9: {  	_ =	strace $0x90000048  }
0xba: {  	_ =	sfence  }
0xbb: {  	s30 =	sld [smem:$0x0];
	_ =	sdelay $0x2  }
0xbc: {  	s31 =	sshll.u32 s1, $0xD;
	s1 =	sshrl.u32 s1, $0x2  }
0xbd: {  	s3 =	sand.u32 $0x4000, s31;
	s1 =	sadd.s32 s1, s30  }
0xbe: {  	s0 =	sor.u32 s3, s0;
	s1 =	sshll.u32 s1, $0x11  }
0xbf: {  	s0 =	sor.u32 s1, s0  }
0xc0: {  	s0 =	sadd.s32 $0x8F2B, s0  }
0xc1: {  	[sflag:s0] =	ssyncadd.remote.s32 $0x1  }
0xc2: {  	_ =	sfence.sel $0xFFFF  }
0xc3: {  	[dreg:$0x0] =	wrdreg $0xFFFFFFFF;
	(pc) =	sbr.abs _section_cstart, $3  }
0xc4: {  	[dreg:$0x1] =	wrdreg $0xFFFFFFFF  }
0xc5: {  	_ =	task.clear_ibuf [dreg:s9], $0x2FFFF;
	_ =	strace $0x9FFFFFFF  }
0xc6: {  	(tm) =	ssettm $0x7FFFFFFF  }
0xc7: {  	_ =	shalt  }
tec
execute0_lowered:
.L_overlay_start_1:
0x0: {  	(tag) =	ssettag $0x1  }
0x1: {  	s1 =	rddreg [dreg:$0x0]  }
0x2: {  	s5 =	rddreg [dreg:$0x1]  }
0x3: {  	s4 =	rddreg [dreg:$0x2]  }
0x4: {  	s6 =	rddreg [dreg:$0x3]  }
0x5: {  	s0 =	rddreg [dreg:$0x4];
	s2 =	simm.s32 $0x0  }
0x6: {  	s3 =	simm.s32 $0x2280;
	[smem:$0x7FF] =	sst s2  }
0x7: {  	s18 =	simm.s32 $0x2300;
	_ =	strace $0x80000047;
	[dreg:$0x5] =	wrdreg s3  }
0x8: {  	s19 =	simm.s32 $0x2380;
	[dreg:$0x6] =	wrdreg s18  }
0x9: {  	s20 =	simm.s32 $0x2400;
	[dreg:$0x7] =	wrdreg s19  }
0xa: {  	s21 =	simm.s32 $0x2480;
	[dreg:$0x8] =	wrdreg s20  }
0xb: {  	s22 =	simm.s32 $0x2500;
	[dreg:$0x9] =	wrdreg s21  }
0xc: {  	s23 =	simm.s32 $0x2580;
	[dreg:$0xa] =	wrdreg s22  }
0xd: {  	s24 =	simm.s32 $0x2600;
	[dreg:$0xb] =	wrdreg s23  }
0xe: {  	s25 =	simm.s32 $0x2680;
	[dreg:$0xc] =	wrdreg s24  }
0xf: {  	s26 =	simm.s32 $0x2700;
	[dreg:$0xd] =	wrdreg s25  }
0x10: {  	s28 =	simm.s32 $0x2780;
	[dreg:$0xe] =	wrdreg s26  }
0x11: {  	s29 =	simm.s32 $0x2800;
	[dreg:$0xf] =	wrdreg s28  }
0x12: {  	s30 =	simm.s32 $0x2880;
	[dreg:$0x10] =	wrdreg s29  }
0x13: {  	s31 =	simm.s32 $0x2900;
	[dreg:$0x11] =	wrdreg s30  }
0x14: {  	s7 =	simm.s32 $0x2980;
	[dreg:$0x12] =	wrdreg s31  }
0x15: {  	s8 =	simm.s32 $0x2A00;
	[dreg:$0x13] =	wrdreg s7  }
0x16: {  	s9 =	simm.s32 $0x2A80;
	[dreg:$0x14] =	wrdreg s8  }
0x17: {  	s10 =	simm.s32 $0x2B00;
	[dreg:$0x15] =	wrdreg s9  }
0x18: {  	s11 =	simm.s32 $0x2B80;
	[dreg:$0x16] =	wrdreg s10  }
0x19: {  	s12 =	simm.s32 $0x2C00;
	[dreg:$0x17] =	wrdreg s11  }
0x1a: {  	s13 =	simm.s32 $0x2C80;
	[dreg:$0x18] =	wrdreg s12  }
0x1b: {  	s14 =	simm.s32 $0x2D00;
	[dreg:$0x19] =	wrdreg s13  }
0x1c: {  	s15 =	simm.s32 $0x2D80;
	[dreg:$0x1a] =	wrdreg s14  }
0x1d: {  	s16 =	simm.s32 $0x2E00;
	[dreg:$0x1b] =	wrdreg s15  }
0x1e: {  	s17 =	simm.s32 $0x2E80;
	[dreg:$0x1c] =	wrdreg s16  }
0x1f: {  	[dreg:$0x1d] =	wrdreg s17;
	s18 =	simm.s32 $0x2F00  }
0x20: {  	s19 =	simm.s32 $0x2F80;
	[dreg:$0x1e] =	wrdreg s18  }
0x21: {  	s20 =	simm.s32 $0x3000;
	[dreg:$0x1f] =	wrdreg s19  }
0x22: {  	s21 =	simm.s32 $0x3080;
	[smem:$0x61A] =	sst s20  }
0x23: {  	s22 =	simm.s32 $0x3100;
	[smem:$0x61B] =	sst s21  }
0x24: {  	s23 =	simm.s32 $0x3180;
	[smem:$0x61C] =	sst s22  }
0x25: {  	s24 =	simm.s32 $0x3200;
	[smem:$0x61D] =	sst s23  }
0x26: {  	s25 =	simm.s32 $0x3280;
	[smem:$0x61E] =	sst s24  }
0x27: {  	s26 =	simm.s32 $0x3300;
	[smem:$0x61F] =	sst s25  }
0x28: {  	s28 =	simm.s32 $0x3380;
	[smem:$0x620] =	sst s26  }
0x29: {  	s29 =	simm.s32 $0x3400;
	[smem:$0x621] =	sst s28  }
0x2a: {  	s30 =	simm.s32 $0x3480;
	[smem:$0x622] =	sst s29  }
0x2b: {  	s31 =	simm.s32 $0x3500;
	[smem:$0x623] =	sst s30  }
0x2c: {  	s7 =	simm.s32 $0x3580;
	[smem:$0x624] =	sst s31  }
0x2d: {  	s8 =	simm.s32 $0x3600;
	[smem:$0x625] =	sst s7  }
0x2e: {  	s9 =	simm.s32 $0x3680;
	[smem:$0x626] =	sst s8  }
0x2f: {  	s10 =	simm.s32 $0x3700;
	[smem:$0x627] =	sst s9  }
0x30: {  	s11 =	simm.s32 $0x3780;
	[smem:$0x628] =	sst s10  }
0x31: {  	s12 =	simm.s32 $0x3800;
	[smem:$0x629] =	sst s11  }
0x32: {  	s13 =	simm.s32 $0x3880;
	[smem:$0x62A] =	sst s12  }
0x33: {  	s14 =	simm.s32 $0x3900;
	[smem:$0x62B] =	sst s13  }
0x34: {  	s15 =	simm.s32 $0x3980;
	[smem:$0x62C] =	sst s14  }
0x35: {  	s16 =	simm.s32 $0x3A00;
	[smem:$0x62D] =	sst s15  }
0x36: {  	s17 =	simm.s32 $0x3A80;
	[smem:$0x62E] =	sst s16  }
0x37: {  	[smem:$0x62F] =	sst s17;
	s18 =	simm.s32 $0x3B00  }
0x38: {  	s19 =	simm.s32 $0x3B80;
	[smem:$0x630] =	sst s18  }
0x39: {  	s20 =	simm.s32 $0x3C00;
	[smem:$0x631] =	sst s19  }
0x3a: {  	s21 =	simm.s32 $0x3C80;
	[smem:$0x632] =	sst s20  }
0x3b: {  	s22 =	simm.s32 $0x3D00;
	[smem:$0x633] =	sst s21  }
0x3c: {  	s23 =	simm.s32 $0x3D80;
	[smem:$0x634] =	sst s22  }
0x3d: {  	s24 =	simm.s32 $0x3E00;
	[smem:$0x635] =	sst s23  }
0x3e: {  	s25 =	simm.s32 $0x3E80;
	[smem:$0x636] =	sst s24  }
0x3f: {  	s26 =	simm.s32 $0x3F00;
	[smem:$0x637] =	sst s25  }
0x40: {  	s28 =	simm.s32 $0x3F80;
	[smem:$0x638] =	sst s26  }
0x41: {  	s29 =	simm.s32 $0x4000;
	[smem:$0x639] =	sst s28  }
0x42: {  	s30 =	simm.s32 $0x4080;
	[smem:$0x63A] =	sst s29  }
0x43: {  	s31 =	simm.s32 $0x4100;
	[smem:$0x63B] =	sst s30  }
0x44: {  	s7 =	simm.s32 $0x4180;
	[smem:$0x63C] =	sst s31  }
0x45: {  	s8 =	simm.s32 $0x4200;
	[smem:$0x63D] =	sst s7  }
0x46: {  	s9 =	simm.s32 $0x4280;
	[smem:$0x63E] =	sst s8  }
0x47: {  	s10 =	simm.s32 $0x4300;
	[smem:$0x63F] =	sst s9  }
0x48: {  	s11 =	simm.s32 $0x4380;
	[smem:$0x640] =	sst s10  }
0x49: {  	s12 =	simm.s32 $0x4400;
	[smem:$0x641] =	sst s11  }
0x4a: {  	s13 =	simm.s32 $0x4480;
	[smem:$0x642] =	sst s12  }
0x4b: {  	s14 =	simm.s32 $0x4500;
	[smem:$0x643] =	sst s13  }
0x4c: {  	s15 =	simm.s32 $0x4580;
	[smem:$0x644] =	sst s14  }
0x4d: {  	s16 =	simm.s32 $0x4600;
	[smem:$0x645] =	sst s15  }
0x4e: {  	s17 =	simm.s32 $0x4680;
	[smem:$0x646] =	sst s16  }
0x4f: {  	[smem:$0x647] =	sst s17;
	s18 =	simm.s32 $0x4700  }
0x50: {  	s19 =	simm.s32 $0x4780;
	[smem:$0x648] =	sst s18  }
0x51: {  	s20 =	simm.s32 $0x4800;
	[smem:$0x649] =	sst s19  }
0x52: {  	s21 =	simm.s32 $0x4880;
	[smem:$0x64A] =	sst s20  }
0x53: {  	s22 =	simm.s32 $0x4900;
	[smem:$0x64B] =	sst s21  }
0x54: {  	s23 =	simm.s32 $0x4980;
	[smem:$0x64C] =	sst s22  }
0x55: {  	s24 =	simm.s32 $0x4A00;
	[smem:$0x64D] =	sst s23  }
0x56: {  	s25 =	simm.s32 $0x4A80;
	[smem:$0x64E] =	sst s24  }
0x57: {  	s26 =	simm.s32 $0x4B00;
	[smem:$0x64F] =	sst s25  }
0x58: {  	s28 =	simm.s32 $0x4B80;
	[smem:$0x650] =	sst s26  }
0x59: {  	s29 =	simm.s32 $0x4C00;
	[smem:$0x651] =	sst s28  }
0x5a: {  	s30 =	simm.s32 $0x4C80;
	[smem:$0x652] =	sst s29  }
0x5b: {  	s31 =	simm.s32 $0x4D00;
	[smem:$0x653] =	sst s30  }
0x5c: {  	s7 =	simm.s32 $0x4D80;
	[smem:$0x654] =	sst s31  }
0x5d: {  	s8 =	simm.s32 $0x4E00;
	[smem:$0x655] =	sst s7  }
0x5e: {  	s9 =	simm.s32 $0x4E80;
	[smem:$0x656] =	sst s8  }
0x5f: {  	s10 =	simm.s32 $0x4F00;
	[smem:$0x657] =	sst s9  }
0x60: {  	s11 =	simm.s32 $0x4F80;
	[smem:$0x658] =	sst s10  }
0x61: {  	s12 =	simm.s32 $0x5000;
	[smem:$0x659] =	sst s11  }
0x62: {  	s13 =	simm.s32 $0x5080;
	[smem:$0x65A] =	sst s12  }
0x63: {  	s14 =	simm.s32 $0x5100;
	[smem:$0x65B] =	sst s13  }
0x64: {  	s15 =	simm.s32 $0x5180;
	[smem:$0x65C] =	sst s14  }
0x65: {  	s16 =	simm.s32 $0x5200;
	[smem:$0x65D] =	sst s15  }
0x66: {  	s17 =	simm.s32 $0x5280;
	[smem:$0x65E] =	sst s16  }
0x67: {  	[smem:$0x65F] =	sst s17;
	s18 =	simm.s32 $0x5300  }
0x68: {  	s19 =	simm.s32 $0x5380;
	[smem:$0x660] =	sst s18  }
0x69: {  	s20 =	simm.s32 $0x5400;
	[smem:$0x661] =	sst s19  }
0x6a: {  	s21 =	simm.s32 $0x5480;
	[smem:$0x662] =	sst s20  }
0x6b: {  	s22 =	simm.s32 $0x5500;
	[smem:$0x663] =	sst s21  }
0x6c: {  	s23 =	simm.s32 $0x5580;
	[smem:$0x664] =	sst s22  }
0x6d: {  	s24 =	simm.s32 $0x5600;
	[smem:$0x665] =	sst s23  }
0x6e: {  	s25 =	simm.s32 $0x5680;
	[smem:$0x666] =	sst s24  }
0x6f: {  	s26 =	simm.s32 $0x5700;
	[smem:$0x667] =	sst s25  }
0x70: {  	s28 =	simm.s32 $0x5780;
	[smem:$0x668] =	sst s26  }
0x71: {  	s29 =	simm.s32 $0x5800;
	[smem:$0x669] =	sst s28  }
0x72: {  	s30 =	simm.s32 $0x5880;
	[smem:$0x66A] =	sst s29  }
0x73: {  	s31 =	simm.s32 $0x5900;
	[smem:$0x66B] =	sst s30  }
0x74: {  	s7 =	simm.s32 $0x5980;
	[smem:$0x66C] =	sst s31  }
0x75: {  	s8 =	simm.s32 $0x5A00;
	[smem:$0x66D] =	sst s7  }
0x76: {  	s9 =	simm.s32 $0x5A80;
	[smem:$0x66E] =	sst s8  }
0x77: {  	s10 =	simm.s32 $0x5B00;
	[smem:$0x66F] =	sst s9  }
0x78: {  	s11 =	simm.s32 $0x5B80;
	[smem:$0x670] =	sst s10  }
0x79: {  	s12 =	simm.s32 $0x5C00;
	[smem:$0x671] =	sst s11  }
0x7a: {  	s13 =	simm.s32 $0x5C80;
	[smem:$0x672] =	sst s12  }
0x7b: {  	s14 =	simm.s32 $0x5D00;
	[smem:$0x673] =	sst s13  }
0x7c: {  	s15 =	simm.s32 $0x5D80;
	[smem:$0x674] =	sst s14  }
0x7d: {  	s16 =	simm.s32 $0x5E00;
	[smem:$0x675] =	sst s15  }
0x7e: {  	s17 =	simm.s32 $0x5E80;
	[smem:$0x676] =	sst s16  }
0x7f: {  	[smem:$0x677] =	sst s17;
	s18 =	simm.s32 $0x5F00  }
0x80: {  	s19 =	simm.s32 $0x5F80;
	[smem:$0x678] =	sst s18  }
0x81: {  	s20 =	simm.s32 $0x6000;
	[smem:$0x679] =	sst s19  }
0x82: {  	s21 =	simm.s32 $0x6080;
	[smem:$0x67A] =	sst s20  }
0x83: {  	s22 =	simm.s32 $0x6100;
	[smem:$0x67B] =	sst s21  }
0x84: {  	s23 =	simm.s32 $0x6180;
	[smem:$0x67C] =	sst s22  }
0x85: {  	s24 =	simm.s32 $0x6200;
	[smem:$0x67D] =	sst s23  }
0x86: {  	s25 =	simm.s32 $0x6280;
	[smem:$0x67E] =	sst s24  }
0x87: {  	s26 =	simm.s32 $0x6300;
	[smem:$0x67F] =	sst s25  }
0x88: {  	s28 =	simm.s32 $0x6380;
	[smem:$0x680] =	sst s26  }
0x89: {  	s29 =	simm.s32 $0x6400;
	[smem:$0x681] =	sst s28  }
0x8a: {  	s30 =	simm.s32 $0x6480;
	[smem:$0x682] =	sst s29  }
0x8b: {  	s31 =	simm.s32 $0x6500;
	[smem:$0x683] =	sst s30  }
0x8c: {  	s7 =	simm.s32 $0x6580;
	[smem:$0x684] =	sst s31  }
0x8d: {  	s8 =	simm.s32 $0x6600;
	[smem:$0x685] =	sst s7  }
0x8e: {  	s9 =	simm.s32 $0x6680;
	[smem:$0x686] =	sst s8  }
0x8f: {  	s10 =	simm.s32 $0x6700;
	[smem:$0x687] =	sst s9  }
0x90: {  	s11 =	simm.s32 $0x6780;
	[smem:$0x688] =	sst s10  }
0x91: {  	s12 =	simm.s32 $0x6800;
	[smem:$0x689] =	sst s11  }
0x92: {  	s13 =	simm.s32 $0x6880;
	[smem:$0x68A] =	sst s12  }
0x93: {  	s14 =	simm.s32 $0x6900;
	[smem:$0x68B] =	sst s13  }
0x94: {  	s15 =	simm.s32 $0x6980;
	[smem:$0x68C] =	sst s14  }
0x95: {  	s16 =	simm.s32 $0x6A00;
	[smem:$0x68D] =	sst s15  }
0x96: {  	s17 =	simm.s32 $0x6A80;
	[smem:$0x68E] =	sst s16  }
0x97: {  	[smem:$0x68F] =	sst s17;
	s18 =	simm.s32 $0x6B00  }
0x98: {  	s19 =	simm.s32 $0x6B80;
	[smem:$0x690] =	sst s18  }
0x99: {  	s20 =	simm.s32 $0x6C00;
	[smem:$0x691] =	sst s19  }
0x9a: {  	s21 =	simm.s32 $0x6C80;
	[smem:$0x692] =	sst s20  }
0x9b: {  	s22 =	simm.s32 $0x6D00;
	[smem:$0x693] =	sst s21  }
0x9c: {  	s23 =	simm.s32 $0x6D80;
	[smem:$0x694] =	sst s22  }
0x9d: {  	s24 =	simm.s32 $0x6E00;
	[smem:$0x695] =	sst s23  }
0x9e: {  	s25 =	simm.s32 $0x6E80;
	[smem:$0x696] =	sst s24  }
0x9f: {  	s26 =	simm.s32 $0x6F00;
	[smem:$0x697] =	sst s25  }
0xa0: {  	s28 =	simm.s32 $0x6F80;
	[smem:$0x698] =	sst s26  }
0xa1: {  	s29 =	simm.s32 $0x7000;
	[smem:$0x699] =	sst s28  }
0xa2: {  	s30 =	simm.s32 $0x7080;
	[smem:$0x69A] =	sst s29  }
0xa3: {  	s31 =	simm.s32 $0x7100;
	[smem:$0x69B] =	sst s30  }
0xa4: {  	s7 =	simm.s32 $0x7180;
	[smem:$0x69C] =	sst s31  }
0xa5: {  	s8 =	simm.s32 $0x7200;
	[smem:$0x69D] =	sst s7  }
0xa6: {  	s9 =	simm.s32 $0x7280;
	[smem:$0x69E] =	sst s8  }
0xa7: {  	s10 =	simm.s32 $0x7300;
	[smem:$0x69F] =	sst s9  }
0xa8: {  	s11 =	simm.s32 $0x7380;
	[smem:$0x6A0] =	sst s10  }
0xa9: {  	s12 =	simm.s32 $0x7400;
	[smem:$0x6A1] =	sst s11  }
0xaa: {  	s13 =	simm.s32 $0x7480;
	[smem:$0x6A2] =	sst s12  }
0xab: {  	s14 =	simm.s32 $0x7500;
	[smem:$0x6A3] =	sst s13  }
0xac: {  	s15 =	simm.s32 $0x7580;
	[smem:$0x6A4] =	sst s14  }
0xad: {  	s16 =	simm.s32 $0x7600;
	[smem:$0x6A5] =	sst s15  }
0xae: {  	s17 =	simm.s32 $0x7680;
	[smem:$0x6A6] =	sst s16  }
0xaf: {  	[smem:$0x6A7] =	sst s17;
	s18 =	simm.s32 $0x7700  }
0xb0: {  	s19 =	simm.s32 $0x7780;
	[smem:$0x6A8] =	sst s18  }
0xb1: {  	s20 =	simm.s32 $0x7800;
	[smem:$0x6A9] =	sst s19  }
0xb2: {  	s21 =	simm.s32 $0x7880;
	[smem:$0x6AA] =	sst s20  }
0xb3: {  	s22 =	simm.s32 $0x7900;
	[smem:$0x6AB] =	sst s21  }
0xb4: {  	s23 =	simm.s32 $0x7980;
	[smem:$0x6AC] =	sst s22  }
0xb5: {  	s24 =	simm.s32 $0x7A00;
	[smem:$0x6AD] =	sst s23  }
0xb6: {  	s25 =	simm.s32 $0x7A80;
	[smem:$0x6AE] =	sst s24  }
0xb7: {  	s26 =	simm.s32 $0x7B00;
	[smem:$0x6AF] =	sst s25  }
0xb8: {  	s28 =	simm.s32 $0x7B80;
	[smem:$0x6B0] =	sst s26  }
0xb9: {  	s29 =	simm.s32 $0x7C00;
	[smem:$0x6B1] =	sst s28  }
0xba: {  	s30 =	simm.s32 $0x7C80;
	[smem:$0x6B2] =	sst s29  }
0xbb: {  	s31 =	simm.s32 $0x7D00;
	[smem:$0x6B3] =	sst s30  }
0xbc: {  	s7 =	simm.s32 $0x7D80;
	[smem:$0x6B4] =	sst s31  }
0xbd: {  	s8 =	simm.s32 $0x7E00;
	[smem:$0x6B5] =	sst s7  }
0xbe: {  	s9 =	simm.s32 $0x7E80;
	[smem:$0x6B6] =	sst s8  }
0xbf: {  	s10 =	simm.s32 $0x7F00;
	[smem:$0x6B7] =	sst s9  }
0xc0: {  	s11 =	simm.s32 $0x7F80;
	[smem:$0x6B8] =	sst s10  }
0xc1: {  	s12 =	simm.s32 $0x8000;
	[smem:$0x6B9] =	sst s11  }
0xc2: {  	s13 =	simm.s32 $0x8080;
	[smem:$0x6BA] =	sst s12  }
0xc3: {  	s14 =	simm.s32 $0x8100;
	[smem:$0x6BB] =	sst s13  }
0xc4: {  	s15 =	simm.s32 $0x8180;
	[smem:$0x6BC] =	sst s14  }
0xc5: {  	s16 =	simm.s32 $0x8200;
	[smem:$0x6BD] =	sst s15  }
0xc6: {  	s17 =	simm.s32 $0x8280;
	[smem:$0x6BE] =	sst s16  }
0xc7: {  	[smem:$0x6BF] =	sst s17;
	s18 =	simm.s32 $0x8300  }
0xc8: {  	s19 =	simm.s32 $0x8380;
	[smem:$0x6C0] =	sst s18  }
0xc9: {  	s20 =	simm.s32 $0x8400;
	[smem:$0x6C1] =	sst s19  }
0xca: {  	s21 =	simm.s32 $0x8480;
	[smem:$0x6C2] =	sst s20  }
0xcb: {  	s22 =	simm.s32 $0x8500;
	[smem:$0x6C3] =	sst s21  }
0xcc: {  	s23 =	simm.s32 $0x8580;
	[smem:$0x6C4] =	sst s22  }
0xcd: {  	s24 =	simm.s32 $0x8600;
	[smem:$0x6C5] =	sst s23  }
0xce: {  	s25 =	simm.s32 $0x8680;
	[smem:$0x6C6] =	sst s24  }
0xcf: {  	s26 =	simm.s32 $0x8700;
	[smem:$0x6C7] =	sst s25  }
0xd0: {  	s28 =	simm.s32 $0x8780;
	[smem:$0x6C8] =	sst s26  }
0xd1: {  	s29 =	simm.s32 $0x8800;
	[smem:$0x6C9] =	sst s28  }
0xd2: {  	s30 =	simm.s32 $0x8880;
	[smem:$0x6CA] =	sst s29  }
0xd3: {  	s31 =	simm.s32 $0x8900;
	[smem:$0x6CB] =	sst s30  }
0xd4: {  	s7 =	simm.s32 $0x8980;
	[smem:$0x6CC] =	sst s31  }
0xd5: {  	s8 =	simm.s32 $0x8A00;
	[smem:$0x6CD] =	sst s7  }
0xd6: {  	s9 =	simm.s32 $0x8A80;
	[smem:$0x6CE] =	sst s8  }
0xd7: {  	s10 =	simm.s32 $0x8B00;
	[smem:$0x6CF] =	sst s9  }
0xd8: {  	s11 =	simm.s32 $0x8B80;
	[smem:$0x6D0] =	sst s10  }
0xd9: {  	s12 =	simm.s32 $0x8C00;
	[smem:$0x6D1] =	sst s11  }
0xda: {  	s13 =	simm.s32 $0x8C80;
	[smem:$0x6D2] =	sst s12  }
0xdb: {  	s14 =	simm.s32 $0x8D00;
	[smem:$0x6D3] =	sst s13  }
0xdc: {  	s15 =	simm.s32 $0x8D80;
	[smem:$0x6D4] =	sst s14  }
0xdd: {  	s16 =	simm.s32 $0x8E00;
	[smem:$0x6D5] =	sst s15  }
0xde: {  	s17 =	simm.s32 $0x8E80;
	[smem:$0x6D6] =	sst s16  }
0xdf: {  	[smem:$0x6D7] =	sst s17;
	s18 =	simm.s32 $0x8F00  }
0xe0: {  	s19 =	simm.s32 $0x8F80;
	[smem:$0x6D8] =	sst s18  }
0xe1: {  	s20 =	simm.s32 $0x9000;
	[smem:$0x6D9] =	sst s19  }
0xe2: {  	s21 =	simm.s32 $0x9080;
	[smem:$0x6DA] =	sst s20  }
0xe3: {  	s22 =	simm.s32 $0x9100;
	[smem:$0x6DB] =	sst s21  }
0xe4: {  	s23 =	simm.s32 $0x9180;
	[smem:$0x6DC] =	sst s22  }
0xe5: {  	s24 =	simm.s32 $0x9200;
	[smem:$0x6DD] =	sst s23  }
0xe6: {  	s25 =	simm.s32 $0x9280;
	[smem:$0x6DE] =	sst s24  }
0xe7: {  	s26 =	simm.s32 $0x9300;
	[smem:$0x6DF] =	sst s25  }
0xe8: {  	s28 =	simm.s32 $0x9380;
	[smem:$0x6E0] =	sst s26  }
0xe9: {  	s29 =	simm.s32 $0x9400;
	[smem:$0x6E1] =	sst s28  }
0xea: {  	s30 =	simm.s32 $0x9480;
	[smem:$0x6E2] =	sst s29  }
0xeb: {  	s31 =	simm.s32 $0x9500;
	[smem:$0x6E3] =	sst s30  }
0xec: {  	s7 =	simm.s32 $0x9580;
	[smem:$0x6E4] =	sst s31  }
0xed: {  	s8 =	simm.s32 $0x9600;
	[smem:$0x6E5] =	sst s7  }
0xee: {  	s9 =	simm.s32 $0x9680;
	[smem:$0x6E6] =	sst s8  }
0xef: {  	s10 =	simm.s32 $0x9700;
	[smem:$0x6E7] =	sst s9  }
0xf0: {  	s11 =	simm.s32 $0x9780;
	[smem:$0x6E8] =	sst s10  }
0xf1: {  	s12 =	simm.s32 $0x9800;
	[smem:$0x6E9] =	sst s11  }
0xf2: {  	s13 =	simm.s32 $0x9880;
	[smem:$0x6EA] =	sst s12  }
0xf3: {  	s14 =	simm.s32 $0x9900;
	[smem:$0x6EB] =	sst s13  }
0xf4: {  	s15 =	simm.s32 $0x9980;
	[smem:$0x6EC] =	sst s14  }
0xf5: {  	s16 =	simm.s32 $0x9A00;
	[smem:$0x6ED] =	sst s15  }
0xf6: {  	s17 =	simm.s32 $0x9A80;
	[smem:$0x6EE] =	sst s16  }
0xf7: {  	[smem:$0x6EF] =	sst s17;
	s18 =	simm.s32 $0x9B00  }
0xf8: {  	s19 =	simm.s32 $0x9B80;
	[smem:$0x6F0] =	sst s18  }
0xf9: {  	s20 =	simm.s32 $0x9C00;
	[smem:$0x6F1] =	sst s19  }
0xfa: {  	s21 =	simm.s32 $0x9C80;
	[smem:$0x6F2] =	sst s20  }
0xfb: {  	s22 =	simm.s32 $0x9D00;
	[smem:$0x6F3] =	sst s21  }
0xfc: {  	s23 =	simm.s32 $0x9D80;
	[smem:$0x6F4] =	sst s22  }
0xfd: {  	s24 =	simm.s32 $0x9E00;
	[smem:$0x6F5] =	sst s23  }
0xfe: {  	s25 =	simm.s32 $0x9E80;
	[smem:$0x6F6] =	sst s24  }
0xff: {  	s26 =	simm.s32 $0x9F00;
	[smem:$0x6F7] =	sst s25  }
0x100: {  	s28 =	simm.s32 $0x9F80;
	[smem:$0x6F8] =	sst s26  }
0x101: {  	s29 =	simm.s32 $0xA000;
	[smem:$0x6F9] =	sst s28  }
0x102: {  	s30 =	simm.s32 $0xA080;
	[smem:$0x6FA] =	sst s29  }
0x103: {  	s31 =	simm.s32 $0xA100;
	[smem:$0x6FB] =	sst s30  }
0x104: {  	s7 =	simm.s32 $0xA180;
	[smem:$0x6FC] =	sst s31  }
0x105: {  	s8 =	simm.s32 $0xA200;
	[smem:$0x6FD] =	sst s7  }
0x106: {  	s9 =	simm.s32 $0xA280;
	[smem:$0x6FE] =	sst s8  }
0x107: {  	s10 =	simm.s32 $0xA300;
	[smem:$0x6FF] =	sst s9  }
0x108: {  	s11 =	simm.s32 $0xA380;
	[smem:$0x700] =	sst s10  }
0x109: {  	s12 =	simm.s32 $0xA400;
	[smem:$0x701] =	sst s11  }
0x10a: {  	s13 =	simm.s32 $0xA480;
	[smem:$0x702] =	sst s12  }
0x10b: {  	s14 =	simm.s32 $0xA500;
	[smem:$0x703] =	sst s13  }
0x10c: {  	s15 =	simm.s32 $0xA580;
	[smem:$0x704] =	sst s14  }
0x10d: {  	s16 =	simm.s32 $0xA600;
	[smem:$0x705] =	sst s15  }
0x10e: {  	s17 =	simm.s32 $0xA680;
	[smem:$0x706] =	sst s16  }
0x10f: {  	[smem:$0x707] =	sst s17;
	s18 =	simm.s32 $0xA700  }
0x110: {  	s19 =	simm.s32 $0xA780;
	[smem:$0x708] =	sst s18  }
0x111: {  	s20 =	simm.s32 $0xA800;
	[smem:$0x709] =	sst s19  }
0x112: {  	s7 =	simm.s32 $0x11600;
	[smem:$0x70A] =	sst s20  }
0x113: {  	s21 =	simm.s32 $0xB300;
	[smem:$0x70B] =	sst s7  }
0x114: {  	s22 =	simm.s32 $0xB600;
	[smem:$0x70C] =	sst s21  }
0x115: {  	s23 =	simm.s32 $0xB400;
	[smem:$0x70D] =	sst s22  }
0x116: {  	s24 =	simm.s32 $0xA880;
	[smem:$0x70E] =	sst s23  }
0x117: {  	s25 =	simm.s32 $0xA900;
	[smem:$0x70F] =	sst s24  }
0x118: {  	s26 =	simm.s32 $0xA980;
	[smem:$0x710] =	sst s25  }
0x119: {  	s28 =	simm.s32 $0xAA00;
	[smem:$0x711] =	sst s26  }
0x11a: {  	s29 =	simm.s32 $0xAA80;
	[smem:$0x712] =	sst s28  }
0x11b: {  	s30 =	simm.s32 $0xAB00;
	[smem:$0x713] =	sst s29  }
0x11c: {  	s31 =	simm.s32 $0xAB80;
	[smem:$0x714] =	sst s30  }
0x11d: {  	s8 =	simm.s32 $0x11800;
	[smem:$0x715] =	sst s31  }
0x11e: {  	s9 =	simm.s32 $0x11780;
	[smem:$0x717] =	sst s8  }
0x11f: {  	s10 =	simm.s32 $0x11700;
	[smem:$0x718] =	sst s9  }
0x120: {  	s11 =	simm.s32 $0xAC80;
	[smem:$0x719] =	sst s10  }
0x121: {  	s12 =	simm.s32 $0xAD00;
	[smem:$0x71A] =	sst s11  }
0x122: {  	s13 =	simm.s32 $0xAD80;
	[smem:$0x71B] =	sst s12  }
0x123: {  	s14 =	simm.s32 $0xAE00;
	[smem:$0x71C] =	sst s13  }
0x124: {  	s15 =	simm.s32 $0xAE80;
	[smem:$0x71D] =	sst s14  }
0x125: {  	s16 =	simm.s32 $0xAF00;
	[smem:$0x71E] =	sst s15  }
0x126: {  	s17 =	simm.s32 $0xAF80;
	[smem:$0x71F] =	sst s16  }
0x127: {  	s7 =	simm.s32 $0xAC00;
	[smem:$0x720] =	sst s17  }
0x128: {  	s18 =	simm.s32 $0xB000;
	[smem:$0x716] =	sst s7  }
0x129: {  	s19 =	simm.s32 $0xB080;
	[smem:$0x721] =	sst s18  }
0x12a: {  	s20 =	simm.s32 $0xB100;
	[smem:$0x722] =	sst s19  }
0x12b: {  	s21 =	simm.s32 $0xB180;
	[smem:$0x723] =	sst s20  }
0x12c: {  	s22 =	simm.s32 $0xB200;
	[smem:$0x724] =	sst s21  }
0x12d: {  	s23 =	simm.s32 $0xB280;
	[smem:$0x725] =	sst s22  }
0x12e: {  	s24 =	simm.s32 $0xB380;
	[smem:$0x726] =	sst s23  }
0x12f: {  	s25 =	simm.s32 $0xB480;
	[smem:$0x727] =	sst s24  }
0x130: {  	s26 =	simm.s32 $0xB500;
	[smem:$0x728] =	sst s25  }
0x131: {  	s28 =	simm.s32 $0xB580;
	[smem:$0x729] =	sst s26  }
0x132: {  	s29 =	simm.s32 $0xB680;
	[smem:$0x72A] =	sst s28  }
0x133: {  	s30 =	simm.s32 $0xB700;
	[smem:$0x72B] =	sst s29  }
0x134: {  	s31 =	simm.s32 $0xB780;
	[smem:$0x72C] =	sst s30  }
0x135: {  	s8 =	simm.s32 $0xC280;
	[smem:$0x72D] =	sst s31  }
0x136: {  	s9 =	simm.s32 $0xC300;
	[smem:$0x72F] =	sst s8  }
0x137: {  	s10 =	simm.s32 $0xC380;
	[smem:$0x730] =	sst s9  }
0x138: {  	s11 =	simm.s32 $0x11980;
	[smem:$0x731] =	sst s10  }
0x139: {  	s12 =	simm.s32 $0xB800;
	[smem:$0x732] =	sst s11  }
0x13a: {  	s13 =	simm.s32 $0xB880;
	[smem:$0x733] =	sst s12  }
0x13b: {  	s14 =	simm.s32 $0xB900;
	[smem:$0x734] =	sst s13  }
0x13c: {  	s15 =	simm.s32 $0xB980;
	[smem:$0x735] =	sst s14  }
0x13d: {  	s16 =	simm.s32 $0xBA00;
	[smem:$0x736] =	sst s15  }
0x13e: {  	s17 =	simm.s32 $0xBA80;
	[smem:$0x737] =	sst s16  }
0x13f: {  	s7 =	simm.s32 $0xC200;
	[smem:$0x738] =	sst s17  }
0x140: {  	s18 =	simm.s32 $0xBB00;
	[smem:$0x72E] =	sst s7  }
0x141: {  	s19 =	simm.s32 $0xBB80;
	[smem:$0x739] =	sst s18  }
0x142: {  	s20 =	simm.s32 $0xBC00;
	[smem:$0x73A] =	sst s19  }
0x143: {  	s21 =	simm.s32 $0xBC80;
	[smem:$0x73B] =	sst s20  }
0x144: {  	s22 =	simm.s32 $0xBD00;
	[smem:$0x73C] =	sst s21  }
0x145: {  	s23 =	simm.s32 $0xBD80;
	[smem:$0x73D] =	sst s22  }
0x146: {  	s24 =	simm.s32 $0xBE00;
	[smem:$0x73E] =	sst s23  }
0x147: {  	s25 =	simm.s32 $0xBE80;
	[smem:$0x73F] =	sst s24  }
0x148: {  	s26 =	simm.s32 $0xBF00;
	[smem:$0x740] =	sst s25  }
0x149: {  	s28 =	simm.s32 $0xBF80;
	[smem:$0x741] =	sst s26  }
0x14a: {  	s29 =	simm.s32 $0xC000;
	[smem:$0x742] =	sst s28  }
0x14b: {  	s30 =	simm.s32 $0xC080;
	[smem:$0x743] =	sst s29  }
0x14c: {  	s31 =	simm.s32 $0xC100;
	[smem:$0x744] =	sst s30  }
0x14d: {  	s8 =	simm.s32 $0xC400;
	[smem:$0x745] =	sst s31  }
0x14e: {  	s9 =	simm.s32 $0xC480;
	[smem:$0x747] =	sst s8  }
0x14f: {  	s10 =	simm.s32 $0xC500;
	[smem:$0x748] =	sst s9  }
0x150: {  	s11 =	simm.s32 $0xC580;
	[smem:$0x749] =	sst s10  }
0x151: {  	s12 =	simm.s32 $0xC600;
	[smem:$0x74A] =	sst s11  }
0x152: {  	s13 =	simm.s32 $0xC680;
	[smem:$0x74B] =	sst s12  }
0x153: {  	s14 =	simm.s32 $0xC700;
	[smem:$0x74C] =	sst s13  }
0x154: {  	s15 =	simm.s32 $0xC780;
	[smem:$0x74D] =	sst s14  }
0x155: {  	s16 =	simm.s32 $0xC800;
	[smem:$0x74E] =	sst s15  }
0x156: {  	s17 =	simm.s32 $0xC880;
	[smem:$0x74F] =	sst s16  }
0x157: {  	s7 =	simm.s32 $0xC180;
	[smem:$0x750] =	sst s17  }
0x158: {  	s18 =	simm.s32 $0xC900;
	[smem:$0x746] =	sst s7  }
0x159: {  	s19 =	simm.s32 $0xC980;
	[smem:$0x751] =	sst s18  }
0x15a: {  	s20 =	simm.s32 $0xCA00;
	[smem:$0x752] =	sst s19  }
0x15b: {  	s21 =	simm.s32 $0xCA80;
	[smem:$0x753] =	sst s20  }
0x15c: {  	s22 =	simm.s32 $0xCB00;
	[smem:$0x754] =	sst s21  }
0x15d: {  	s23 =	simm.s32 $0xCB80;
	[smem:$0x755] =	sst s22  }
0x15e: {  	s24 =	simm.s32 $0xCC00;
	[smem:$0x756] =	sst s23  }
0x15f: {  	s25 =	simm.s32 $0xCC80;
	[smem:$0x757] =	sst s24  }
0x160: {  	s26 =	simm.s32 $0xCD00;
	[smem:$0x758] =	sst s25  }
0x161: {  	s28 =	simm.s32 $0xCD80;
	[smem:$0x759] =	sst s26  }
0x162: {  	s29 =	simm.s32 $0xCE00;
	[smem:$0x75A] =	sst s28  }
0x163: {  	s30 =	simm.s32 $0xCE80;
	[smem:$0x75B] =	sst s29  }
0x164: {  	s31 =	simm.s32 $0xCF00;
	[smem:$0x75C] =	sst s30  }
0x165: {  	s8 =	simm.s32 $0xD000;
	[smem:$0x75D] =	sst s31  }
0x166: {  	s9 =	simm.s32 $0xD080;
	[smem:$0x75F] =	sst s8  }
0x167: {  	s10 =	simm.s32 $0xD100;
	[smem:$0x760] =	sst s9  }
0x168: {  	s11 =	simm.s32 $0xD180;
	[smem:$0x761] =	sst s10  }
0x169: {  	s12 =	simm.s32 $0xD200;
	[smem:$0x762] =	sst s11  }
0x16a: {  	s13 =	simm.s32 $0xD280;
	[smem:$0x763] =	sst s12  }
0x16b: {  	s14 =	simm.s32 $0xD300;
	[smem:$0x764] =	sst s13  }
0x16c: {  	s15 =	simm.s32 $0xD380;
	[smem:$0x765] =	sst s14  }
0x16d: {  	s16 =	simm.s32 $0xD400;
	[smem:$0x766] =	sst s15  }
0x16e: {  	s17 =	simm.s32 $0xD480;
	[smem:$0x767] =	sst s16  }
0x16f: {  	s7 =	simm.s32 $0xCF80;
	[smem:$0x768] =	sst s17  }
0x170: {  	s18 =	simm.s32 $0xD500;
	[smem:$0x75E] =	sst s7  }
0x171: {  	s19 =	simm.s32 $0xD580;
	[smem:$0x769] =	sst s18  }
0x172: {  	s20 =	simm.s32 $0xD600;
	[smem:$0x76A] =	sst s19  }
0x173: {  	s21 =	simm.s32 $0xD680;
	[smem:$0x76B] =	sst s20  }
0x174: {  	s22 =	simm.s32 $0xD700;
	[smem:$0x76C] =	sst s21  }
0x175: {  	s23 =	simm.s32 $0xD780;
	[smem:$0x76D] =	sst s22  }
0x176: {  	s24 =	simm.s32 $0xD800;
	[smem:$0x76E] =	sst s23  }
0x177: {  	s25 =	simm.s32 $0xD880;
	[smem:$0x76F] =	sst s24  }
0x178: {  	s26 =	simm.s32 $0xD900;
	[smem:$0x770] =	sst s25  }
0x179: {  	s28 =	simm.s32 $0xD980;
	[smem:$0x771] =	sst s26  }
0x17a: {  	s29 =	simm.s32 $0xDA00;
	[smem:$0x772] =	sst s28  }
0x17b: {  	s30 =	simm.s32 $0xDA80;
	[smem:$0x773] =	sst s29  }
0x17c: {  	s31 =	simm.s32 $0xDB00;
	[smem:$0x774] =	sst s30  }
0x17d: {  	s8 =	simm.s32 $0xDC00;
	[smem:$0x775] =	sst s31  }
0x17e: {  	s9 =	simm.s32 $0xDC80;
	[smem:$0x777] =	sst s8  }
0x17f: {  	s10 =	simm.s32 $0xDD00;
	[smem:$0x778] =	sst s9  }
0x180: {  	s11 =	simm.s32 $0xDD80;
	[smem:$0x779] =	sst s10  }
0x181: {  	s12 =	simm.s32 $0xDE00;
	[smem:$0x77A] =	sst s11  }
0x182: {  	s13 =	simm.s32 $0xDE80;
	[smem:$0x77B] =	sst s12  }
0x183: {  	s14 =	simm.s32 $0xDF00;
	[smem:$0x77C] =	sst s13  }
0x184: {  	s15 =	simm.s32 $0xDF80;
	[smem:$0x77D] =	sst s14  }
0x185: {  	s16 =	simm.s32 $0xE000;
	[smem:$0x77E] =	sst s15  }
0x186: {  	s17 =	simm.s32 $0xE080;
	[smem:$0x77F] =	sst s16  }
0x187: {  	s7 =	simm.s32 $0xDB80;
	[smem:$0x780] =	sst s17  }
0x188: {  	s18 =	simm.s32 $0xE100;
	[smem:$0x776] =	sst s7  }
0x189: {  	s19 =	simm.s32 $0xE180;
	[smem:$0x781] =	sst s18  }
0x18a: {  	s20 =	simm.s32 $0xE200;
	[smem:$0x782] =	sst s19  }
0x18b: {  	s21 =	simm.s32 $0xE280;
	[smem:$0x783] =	sst s20  }
0x18c: {  	s22 =	simm.s32 $0xE300;
	[smem:$0x784] =	sst s21  }
0x18d: {  	s23 =	simm.s32 $0xE380;
	[smem:$0x785] =	sst s22  }
0x18e: {  	s24 =	simm.s32 $0xE400;
	[smem:$0x786] =	sst s23  }
0x18f: {  	s25 =	simm.s32 $0xE480;
	[smem:$0x787] =	sst s24  }
0x190: {  	s26 =	simm.s32 $0xE500;
	[smem:$0x788] =	sst s25  }
0x191: {  	s28 =	simm.s32 $0xE580;
	[smem:$0x789] =	sst s26  }
0x192: {  	s29 =	simm.s32 $0xE600;
	[smem:$0x78A] =	sst s28  }
0x193: {  	s30 =	simm.s32 $0xE680;
	[smem:$0x78B] =	sst s29  }
0x194: {  	s31 =	simm.s32 $0xE700;
	[smem:$0x78C] =	sst s30  }
0x195: {  	s8 =	simm.s32 $0xE800;
	[smem:$0x78D] =	sst s31  }
0x196: {  	s9 =	simm.s32 $0xE880;
	[smem:$0x78F] =	sst s8  }
0x197: {  	s10 =	simm.s32 $0xE900;
	[smem:$0x790] =	sst s9  }
0x198: {  	s11 =	simm.s32 $0xE980;
	[smem:$0x791] =	sst s10  }
0x199: {  	s12 =	simm.s32 $0xEA00;
	[smem:$0x792] =	sst s11  }
0x19a: {  	s13 =	simm.s32 $0xEA80;
	[smem:$0x793] =	sst s12  }
0x19b: {  	s14 =	simm.s32 $0xEB00;
	[smem:$0x794] =	sst s13  }
0x19c: {  	s15 =	simm.s32 $0xEB80;
	[smem:$0x795] =	sst s14  }
0x19d: {  	s16 =	simm.s32 $0xEC00;
	[smem:$0x796] =	sst s15  }
0x19e: {  	s17 =	simm.s32 $0xEC80;
	[smem:$0x797] =	sst s16  }
0x19f: {  	s7 =	simm.s32 $0xE780;
	[smem:$0x798] =	sst s17  }
0x1a0: {  	s18 =	simm.s32 $0xED00;
	[smem:$0x78E] =	sst s7  }
0x1a1: {  	s19 =	simm.s32 $0xED80;
	[smem:$0x799] =	sst s18  }
0x1a2: {  	s20 =	simm.s32 $0xEE00;
	[smem:$0x79A] =	sst s19  }
0x1a3: {  	s21 =	simm.s32 $0xEE80;
	[smem:$0x79B] =	sst s20  }
0x1a4: {  	s22 =	simm.s32 $0xEF00;
	[smem:$0x79C] =	sst s21  }
0x1a5: {  	s23 =	simm.s32 $0xEF80;
	[smem:$0x79D] =	sst s22  }
0x1a6: {  	s24 =	simm.s32 $0xF000;
	[smem:$0x79E] =	sst s23  }
0x1a7: {  	s25 =	simm.s32 $0xF080;
	[smem:$0x79F] =	sst s24  }
0x1a8: {  	s26 =	simm.s32 $0xF100;
	[smem:$0x7A0] =	sst s25  }
0x1a9: {  	s28 =	simm.s32 $0xF180;
	[smem:$0x7A1] =	sst s26  }
0x1aa: {  	s29 =	simm.s32 $0xF200;
	[smem:$0x7A2] =	sst s28  }
0x1ab: {  	s30 =	simm.s32 $0xF280;
	[smem:$0x7A3] =	sst s29  }
0x1ac: {  	s31 =	simm.s32 $0xF300;
	[smem:$0x7A4] =	sst s30  }
0x1ad: {  	s8 =	simm.s32 $0xF400;
	[smem:$0x7A5] =	sst s31  }
0x1ae: {  	s9 =	simm.s32 $0xF480;
	[smem:$0x7A7] =	sst s8  }
0x1af: {  	s10 =	simm.s32 $0xF500;
	[smem:$0x7A8] =	sst s9  }
0x1b0: {  	s11 =	simm.s32 $0xF580;
	[smem:$0x7A9] =	sst s10  }
0x1b1: {  	s12 =	simm.s32 $0xF600;
	[smem:$0x7AA] =	sst s11  }
0x1b2: {  	s13 =	simm.s32 $0xF680;
	[smem:$0x7AB] =	sst s12  }
0x1b3: {  	s14 =	simm.s32 $0xF700;
	[smem:$0x7AC] =	sst s13  }
0x1b4: {  	s15 =	simm.s32 $0xF780;
	[smem:$0x7AD] =	sst s14  }
0x1b5: {  	s16 =	simm.s32 $0xF800;
	[smem:$0x7AE] =	sst s15  }
0x1b6: {  	s17 =	simm.s32 $0xF880;
	[smem:$0x7AF] =	sst s16  }
0x1b7: {  	s7 =	simm.s32 $0xF380;
	[smem:$0x7B0] =	sst s17  }
0x1b8: {  	s18 =	simm.s32 $0xF900;
	[smem:$0x7A6] =	sst s7  }
0x1b9: {  	s19 =	simm.s32 $0xF980;
	[smem:$0x7B1] =	sst s18  }
0x1ba: {  	s20 =	simm.s32 $0xFA00;
	[smem:$0x7B2] =	sst s19  }
0x1bb: {  	s21 =	simm.s32 $0xFA80;
	[smem:$0x7B3] =	sst s20  }
0x1bc: {  	s22 =	simm.s32 $0xFB00;
	[smem:$0x7B4] =	sst s21  }
0x1bd: {  	s23 =	simm.s32 $0xFB80;
	[smem:$0x7B5] =	sst s22  }
0x1be: {  	s24 =	simm.s32 $0xFC00;
	[smem:$0x7B6] =	sst s23  }
0x1bf: {  	s25 =	simm.s32 $0xFC80;
	[smem:$0x7B7] =	sst s24  }
0x1c0: {  	s26 =	simm.s32 $0xFD00;
	[smem:$0x7B8] =	sst s25  }
0x1c1: {  	s28 =	simm.s32 $0xFD80;
	[smem:$0x7B9] =	sst s26  }
0x1c2: {  	s29 =	simm.s32 $0xFE00;
	[smem:$0x7BA] =	sst s28  }
0x1c3: {  	s30 =	simm.s32 $0xFE80;
	[smem:$0x7BB] =	sst s29  }
0x1c4: {  	s31 =	simm.s32 $0xFF00;
	[smem:$0x7BC] =	sst s30  }
0x1c5: {  	s8 =	simm.s32 $0x10000;
	[smem:$0x7BD] =	sst s31  }
0x1c6: {  	s9 =	simm.s32 $0x10080;
	[smem:$0x7BF] =	sst s8  }
0x1c7: {  	s10 =	simm.s32 $0x10100;
	[smem:$0x7C0] =	sst s9  }
0x1c8: {  	s11 =	simm.s32 $0x10180;
	[smem:$0x7C1] =	sst s10  }
0x1c9: {  	s12 =	simm.s32 $0x10200;
	[smem:$0x7C2] =	sst s11  }
0x1ca: {  	s13 =	simm.s32 $0x10280;
	[smem:$0x7C3] =	sst s12  }
0x1cb: {  	s14 =	simm.s32 $0x10300;
	[smem:$0x7C4] =	sst s13  }
0x1cc: {  	s15 =	simm.s32 $0x10380;
	[smem:$0x7C5] =	sst s14  }
0x1cd: {  	s16 =	simm.s32 $0x10400;
	[smem:$0x7C6] =	sst s15  }
0x1ce: {  	s17 =	simm.s32 $0x10480;
	[smem:$0x7C7] =	sst s16  }
0x1cf: {  	s7 =	simm.s32 $0xFF80;
	[smem:$0x7C8] =	sst s17  }
0x1d0: {  	s18 =	simm.s32 $0x10500;
	[smem:$0x7BE] =	sst s7  }
0x1d1: {  	s19 =	simm.s32 $0x10580;
	[smem:$0x7C9] =	sst s18  }
0x1d2: {  	s20 =	simm.s32 $0x10600;
	[smem:$0x7CA] =	sst s19  }
0x1d3: {  	s21 =	simm.s32 $0x10680;
	[smem:$0x7CB] =	sst s20  }
0x1d4: {  	s22 =	simm.s32 $0x10700;
	[smem:$0x7CC] =	sst s21  }
0x1d5: {  	s23 =	simm.s32 $0x10780;
	[smem:$0x7CD] =	sst s22  }
0x1d6: {  	s24 =	simm.s32 $0x10800;
	[smem:$0x7CE] =	sst s23  }
0x1d7: {  	s25 =	simm.s32 $0x10880;
	[smem:$0x7CF] =	sst s24  }
0x1d8: {  	s26 =	simm.s32 $0x10900;
	[smem:$0x7D0] =	sst s25  }
0x1d9: {  	s28 =	simm.s32 $0x10980;
	[smem:$0x7D1] =	sst s26  }
0x1da: {  	s29 =	simm.s32 $0x10A00;
	[smem:$0x7D2] =	sst s28  }
0x1db: {  	s30 =	simm.s32 $0x10A80;
	[smem:$0x7D3] =	sst s29  }
0x1dc: {  	s31 =	simm.s32 $0x10B00;
	[smem:$0x7D4] =	sst s30  }
0x1dd: {  	s8 =	simm.s32 $0x10C00;
	[smem:$0x7D5] =	sst s31  }
0x1de: {  	s9 =	simm.s32 $0x10C80;
	[smem:$0x7D7] =	sst s8  }
0x1df: {  	s11 =	simm.s32 $0x10D80;
	[smem:$0x7D8] =	sst s9  }
0x1e0: {  	s12 =	simm.s32 $0x10E00;
	[smem:$0x7DA] =	sst s11  }
0x1e1: {  	s14 =	simm.s32 $0x10F00;
	[smem:$0x7DB] =	sst s12  }
0x1e2: {  	s16 =	simm.s32 $0x11000;
	[smem:$0x7DD] =	sst s14  }
0x1e3: {  	s7 =	simm.s32 $0x10B80;
	[smem:$0x7DF] =	sst s16  }
0x1e4: {  	s8 =	simm.s32 $0x10D00;
	[smem:$0x7D6] =	sst s7  }
0x1e5: {  	s9 =	simm.s32 $0x10E80;
	[smem:$0x7D9] =	sst s8  }
0x1e6: {  	s11 =	simm.s32 $0x10F80;
	[smem:$0x7DC] =	sst s9  }
0x1e7: {  	s18 =	simm.s32 $0x11080;
	[smem:$0x7DE] =	sst s11  }
0x1e8: {  	s12 =	simm.s32 $0x11100;
	[smem:$0x7E0] =	sst s18  }
0x1e9: {  	s19 =	simm.s32 $0x11180;
	[smem:$0x7E1] =	sst s12  }
0x1ea: {  	s20 =	simm.s32 $0x11200;
	[smem:$0x7E2] =	sst s19  }
0x1eb: {  	s22 =	simm.s32 $0x11280;
	[smem:$0x7E3] =	sst s20  }
0x1ec: {  	s23 =	simm.s32 $0x11300;
	[smem:$0x7E4] =	sst s22  }
0x1ed: {  	s25 =	simm.s32 $0x11400;
	[smem:$0x7E5] =	sst s23  }
0x1ee: {  	s26 =	simm.s32 $0x11480;
	[smem:$0x7E7] =	sst s25  }
0x1ef: {  	s28 =	simm.s32 $0x11500;
	[smem:$0x7E8] =	sst s26  }
0x1f0: {  	s29 =	simm.s32 $0x11580;
	[smem:$0x7E9] =	sst s28  }
0x1f1: {  	s30 =	simm.s32 $0x11680;
	[smem:$0x7EA] =	sst s29  }
0x1f2: {  	s31 =	simm.s32 $0x11880;
	[smem:$0x7EB] =	sst s30  }
0x1f3: {  	s3 =	stileid.u32;
	s14 =	simm.s32 $0x11900;
	[smem:$0x7EC] =	sst s31  }
0x1f4: {  	s17 =	sshll.u32 s3, $0x4;
	s16 =	simm.s32 $0x11A80;
	[smem:$0x7ED] =	sst s14  }
0x1f5: {  	s11 =	sand.u32 $0x70, s17;
	[smem:$0x7EE] =	sst s16;
	s17 =	simm.s32 $0x11B00  }
0x1f6: {  	s18 =	simm.s32 $0x11B80;
	[smem:$0x7EF] =	sst s17  }
0x1f7: {  	s20 =	simm.s32 $0x11C00;
	[smem:$0x7F0] =	sst s18  }
0x1f8: {  	s10 =	srdreg.scid;
	s22 =	simm.s32 $0x11D00;
	[smem:$0x7F1] =	sst s20  }
0x1f9: {  	s24 =	sand.u32 $0x3, s3;
	s23 =	simm.s32 $0x11E00;
	[smem:$0x7F3] =	sst s22  }
0x1fa: {  	p1 =	sne.s32 s24, $0x0;
	s24 =	simm.s32 $0x11E80;
	[smem:$0x7F4] =	sst s23  }
0x1fb: {  	v17 =	vlaneseq.u32;
	v4 =	vimm.s32 $0x7;
	s10 =	sand.u32 $0x1, s10;
	s25 =	simm.s32 $0x11F00;
	[smem:$0x7F5] =	sst s24  }
0x1fc: {  	v5 =	vimm.s32 $0x1;
	v6 =	vimm.s32 $0x0;
	vm0 =	vmmov $0x1;
	s13 =	sshll.u32 s10, $0x4;
	s26 =	simm.s32 $0x12000;
	[smem:$0x7F6] =	sst s25  }
0x1fd: {  	v8 =	vimm.s32 $0x2;
	v9 =	vimm.s32 $0x3;
	v10 =	vimm.s32 $0x4;
	s10 =	ssub.s32 $0x2, s10;
	s28 =	simm.s32 $0x11F80;
	[smem:$0x7F7] =	sst s26  }
0x1fe: {  	v11 =	vimm.s32 $0x5;
	v12 =	vimm.s32 $0x6;
	v13 =	vimm.s32 $0x8;
	s12 =	simm.s32 $0x1;
	s29 =	simm.s32 $0x11D80;
	[smem:$0x7F8] =	sst s28  }
0x1ff: {  	v14 =	vimm.s32 $0x9;
	v15 =	vimm.s32 $0xA;
	v16 =	vimm.s32 $0xB;
	s30 =	simm.s32 $0x11A00;
	s31 =	simm.s32 $0x12080;
	[smem:$0x7F9] =	sst s29  }
0x200: {  	v18 =	vimm.s32 $0xC;
	v0 =	vmul.u32 $0x100, v17;
	v30 =	vmul.u32 $0x80, v17;
	s14 =	simm.s32 $0x12100;
	s16 =	simm.s32 $0x2;
	[smem:$0x7FA] =	sst s30  }
0x201: {  	v19 =	vimm.s32 $0xD;
	v21 =	vimm.s32 $0xF;
	v7 =	vmul.u32 $0x8, v17;
	s8 =	sor.u32 s3, s13;
	s9 =	sadd.s32 s11, s4;
	[smem:$0x7FB] =	sst s31  }
0x202: {  	v2 =	vor.u32 $0x1000, v0;
	v3 =	vor.u32 $0x3000, v0;
	v26 =	vor.u32 $0x800, v30;
	s13 =	simm.s32 $0x11380;
	[smem:$0x7FC] =	sst s14;
	s14 =	simm.s32 $0x100  }
0x203: {  	v27 =	vor.u32 $0x1000, v30;
	v52 =	vor.u32 $0x1800, v30;
	v17 =	vor.u32 $0xC000, v30;
	s17 =	simm.s32 $0x12200;
	s18 =	simm.s32 $0x0;
	s15 =	sshll.u32 s8, $0x9  }
0x204: {  	v32 =	vor.u32 $0x3000, v30;
	v35 =	vor.u32 $0x3800, v30;
	v22 =	vor.u32 $0xD000, v30;
	[tilespmem:$0x1FF60] =	vst v17;
	s21 =	sshrl.u32 s8, $0x2;
	p0 =	seq.s32 s8, $0x0;
	[smem:$0x7E6] =	sst s13  }
0x205: {  	v37 =	vor.u32 $0x4000, v30;
	v39 =	vor.u32 $0x4800, v30;
	v60 =	vor.u32 $0xB000, v30;
	[tilespmem:$0x1FF80] =	vst v22;
	s19 =	sshll.u32 s8, $0x2;
	s8 =	sshll.u32 s8, $0x4;
	s7 =	sadd.s32 s15, s4  }
0x206: {  	v40 =	vor.u32 $0x5000, v30;
	v43 =	vor.u32 $0x5800, v30;
	v63 =	vor.u32 $0xB800, v30;
	[tilespmem:$0x1FFD0] =	vst v60;
	p0 =	por !p1, !p0;
	s15 =	sshrl.u32 s10, $0x1;
	s4 =	simm.s32 $0x1  }
0x207: {  	v44 =	vor.u32 $0x6000, v30;
	v47 =	vor.u32 $0x6800, v30;
	v62 =	vor.u32 $0xF000, v30;
	[tilespmem:$0x1FFE0] =	vst v63;
	s5 =	sadd.s32 s5, s19;
	s6 =	sadd.s32 s6, s19;
	s8 =	sand.u32 $0x180, s8  }
0x208: {  	v49 =	vor.u32 $0x7000, v30;
	v51 =	vor.u32 $0x7800, v30;
	v17 =	vor.u32 $0xC800, v30;
	[tilespmem:$0x1FFF0] =	vst v62;
	p0 =	por !p0, !p0;
	s10 =	ssub.s32 s10, s15;
	s7 =	sadd.s32 $0x800, s7  }
0x209: {  	v38 =	vor.u32 $0x8000, v30;
	v42 =	vor.u32 $0x8800, v30;
	v22 =	vor.u32 $0xD800, v30;
	[tilespmem:$0x1FF70] =	vst v17;
	s8 =	sadd.s32 s8, s9;
	s15 =	simm.s32 $0x12180;
	s12 =	simm.s32 @!p0 $0x0  }
0x20a: {  	v45 =	vor.u32 $0x9000, v30;
	v48 =	vor.u32 $0x9800, v30;
	[tilespmem:$0x1FF90] =	vst v22;
	v22 =	vor.u32 $0xE000, v30;
	s8 =	sadd.s32 $0x4800, s8;
	s9 =	smax.u32 s10, $0x1;
	s10 =	simm.s32 $0x3  }
0x20b: {  	v50 =	vor.u32 $0xA000, v30;
	v41 =	vor.u32 $0xA800, v30;
	[tilespmem:$0x1FFA0] =	vst v22;
	v22 =	vor.u32 $0xE800, v30;
	[smem:$0x7FD] =	sst s15;
	s15 =	simm.s32 $0x2180;
	s11 =	ssub.s32 s21, s12  }
0x20c: {  	v20 =	vimm.s32 $0xE;
	v31 =	vor.u32 $0x2800, v30;
	[tilespmem:$0x1FFB0] =	vst v22;
	v22 =	vor.u32 $0xF800, v30;
	s21 =	simm.s32 $0x11C80;
	s12 =	simm.s32 $0x2100;
	s13 =	sshll.u32 s11, $0xE  }
0x20d: {  	v46 =	vor.u32 $0x2000, v0;
	v53 =	vor.u32 $0x2000, v30;
	[tilespmem:$0x1FFC0] =	vst v22;
	[smem:$0x7F2] =	sst s21;
	s11 =	simm.s32 $0x80;
	v1 =	vmov s13;
	s13 =	simm.s32 $0x2200  }
.LBB2_1:
0x20e: {  	[tilespmem:s2], [sflag:$0x3] =	stream.linear.gather [hbm4b:s5+s2], $0x20, $0x38;
	[tilespmem:$0x12280] =	vst v63  }
0x20f: {  	_ =	swait.ge [sflag:s10], $0x20  }
0x210: {  	[sflag:s10] =	ssyncset.done $0x0  }
0x211: {  	[sflag:s10] =	ssyncadd.s32 $0xFFFFFFE0  }
0x212: {  	[tilespmem:s11], [sflag:$0x3] =	stream.linear.gather [hbm4b:s6+s2], $0x20, $0x38;
	[tilespmem:$0x12280] =	vst v63  }
0x213: {  	_ =	swait.ge [sflag:s10], $0x20  }
0x214: {  	[sflag:s10] =	ssyncset.done $0x0  }
0x215: {  	[sflag:s10] =	ssyncadd.s32 $0xFFFFFFE0  }
0x216: {  	[tilespmem:s14], [sflag:$0x3] =	stream.linear.gather [hbm4b:s7+s2], $0x1000, $0x38;
	[tilespmem:$0x12280] =	vst v63  }
0x217: {  	_ =	swait.ge [sflag:s10], $0x1000  }
0x218: {  	[sflag:s10] =	ssyncset.done $0x0  }
0x219: {  	[sflag:s10] =	ssyncadd.s32 $0xFFFFF000  }
0x21a: {  	v54 =	vld [tilespmem:$0x0];
	_ =	sdelay $0x1  }
0x21b: {  	v55 =	vld [tilespmem:$0x10];
	_ =	sdelay $0x2  }
0x21c: {  	v57 =	vmov s2;
	v56 =	vand.u32 $0x80, v54  }
0x21d: {  	v54 =	vand.u32 $0x7F, v54;
	[tilespmem:$0x2100] =	vst v56  }
0x21e: {  	v61 =	vand.u32 $0x80, v55;
	[tilespmem:$0x2180] =	vst v54  }
0x21f: {  	v62 =	vand.u32 $0x7F, v55;
	[tilespmem:$0x2110] =	vst v61  }
0x220: {  	[tilespmem:$0x2190] =	vst v62  }
0x221: {  	v54 =	vld.idx.msk [tilespmem:v57+s2+$0x0], $0xffff;
	_ =	sdelay $0x4  }
0x222: {  	s19 =	simm.s32 $0x1;
	v63 =	vshrl.u32 v54, $0x8  }
0x223: {  	v54 =	vmov s19;
	v55 =	vadd.s32 v1, v63  }
0x224: {  	s20 =	simm.s32 $0x1120;
	s21 =	simm.s32 $0x2;
	v58 =	vadd.s32 v0, v55;
	v57 =	vadd.s32 v2, v55;
	v56 =	vadd.s32 v46, v55  }
.LBB2_2:
0x225: {  	p0 =	sne.s32 s21, $0x1F;
	[tilespmem:s20+$0xFFFFFFE0] =	vst v58;
	v55 =	vadd.s32 v3, v55  }
0x226: {  	[tilespmem:s20+$0xFFFFFFF0] =	vst v57  }
0x227: {  	[tilespmem:s20+$0x0] =	vst v56  }
0x228: {  	s19 =	simm.s32 $0x0;
	[tilespmem:s20+$0x10] =	vst v55  }
0x229: {  	v54 =	vld.idx.msk [tilespmem:v54+s19+$0x0], $0xffff;
	_ =	sdelay $0x3  }
.Ltmp0:
0x22a: {  	(pc) =	sbr.rel @p0 .LBB2_2-.Ltmp0, $4  }
0x22b: {  	_ = 	snop  }
0x22c: {  	v55 =	vshrl.u32 v54, $0x8  }
0x22d: {  	v54 =	vmov s21;
	v55 =	vadd.s32 v1, v55  }
0x22e: {  	s20 =	sadd.s32 $0x80, s20;
	s21 =	sadd.s32 $0x1, s21;
	v58 =	vadd.s32 v0, v55;
	v57 =	vadd.s32 v2, v55;
	v56 =	vadd.s32 v46, v55  }
0x22f: {  	[tilespmem:s20+$0xFFFFFFE0] =	vst v58  }
0x230: {  	[tilespmem:s20+$0xFFFFFFF0] =	vst v57  }
0x231: {  	v55 =	vadd.s32 v3, v55;
	[tilespmem:s20+$0x0] =	vst v56  }
0x232: {  	[tilespmem:s20+$0x10] =	vst v55  }
0x233: {  	v54 =	vld.idx.msk [tilespmem:v54+s19+$0x0], $0xffff;
	_ =	sdelay $0x4  }
0x234: {  	v54 =	vshrl.u32 v54, $0x8  }
0x235: {  	v54 =	vadd.s32 v1, v54  }
0x236: {  	s31 =	sadd.s32 $0x80, s20;
	v61 =	vadd.s32 v0, v54  }
0x237: {  	v62 =	vadd.s32 v2, v54;
	[tilespmem:s31+$0xFFFFFFE0] =	vst v61  }
0x238: {  	v63 =	vadd.s32 v46, v54;
	[tilespmem:s31+$0xFFFFFFF0] =	vst v62  }
0x239: {  	v54 =	vadd.s32 v3, v54;
	[tilespmem:s31+$0x0] =	vst v63  }
0x23a: {  	v24 =	vimm.f32 $0.0e+00;
	s21 =	simm.s32 $0x1300;
	s20 =	simm.s32 $0x300;
	[tilespmem:s31+$0x10] =	vst v54  }
.LBB2_4:
0x23b: {  	v55 =	vmov s19  }
0x23c: {  	v55 =	vand.u32 $0xFFFFFFF8, v55  }
0x23d: {  	v55 =	vbroadcast v55, $0x0;
	_ =	sdelay $0x5  }
0x23e: {  	v56 =	vld.idx.msk [tilespmem:v55+s12+$0x0], $0xffff;
	_ =	sdelay $0x4  }
0x23f: {  	(v2sf) =	vpush v56, $0x0;
	_ =	sdelay $0x2  }
0x240: {  	v63 =	vld [tilespmem:s21+$0xFFFFFE00];
	_ =	sdelay $0x4  }
0x241: {  	v57 =	vshll.u32 v63, $0x1  }
0x242: {  	v57 =	vand.u32 $0xFFFFFFF0, v57;
	v56 =	vand.u32 $0x7, v63  }
0x243: {  	v56 =	vor.u32 v56, v57  }
0x244: {  	v57 =	vperm.xlane v56, v6;
	_ =	sdelay $0x1  }
0x245: {  	v58 =	vperm.xlane v56, v5;
	v57 =	vadd.s32 v7, v57;
	_ =	sdelay $0x1  }
0x246: {  	v59 =	vperm.xlane v56, v8;
	v58 =	vadd.s32 v7, v58;
	s22 =	spop (v2sf)  }
0x247: {  	s22 =	sand.u32 $0xFFFFF80, s22  }
0x248: {  	v60 =	vperm.xlane v56, v9;
	v59 =	vadd.s32 v7, v59;
	s22 =	sadd.s32 s1, s22  }
0x249: {  	[tilespmem:s13], [sflag:$0x1] =	stream.indirect_vreg.gather [hbm4b:s22+s2], $0x80, v57, vm0, $0xb8;
	[tilespmem:$0x12280] =	vst v63  }
0x24a: {  	s23 =	rddreg [dreg:$0x5];
	v34 =	vperm.xlane v56, v10;
	v33 =	vadd.s32 v7, v60  }
0x24b: {  	[tilespmem:s23], [sflag:$0x1] =	stream.indirect_vreg.gather [hbm4b:s22+s2], $0x80, v58, vm0, $0xb8;
	[tilespmem:$0x12280] =	vst v63  }
0x24c: {  	s24 =	rddreg [dreg:$0x6];
	v36 =	vperm.xlane v56, v11;
	v58 =	vadd.s32 v7, v34  }
0x24d: {  	[tilespmem:s24], [sflag:$0x1] =	stream.indirect_vreg.gather [hbm4b:s22+s2], $0x80, v59, vm0, $0xb8;
	[tilespmem:$0x12280] =	vst v63  }
0x24e: {  	s31 =	rddreg [dreg:$0x7];
	v54 =	vperm.xlane v56, v12;
	v59 =	vadd.s32 v7, v36  }
0x24f: {  	[tilespmem:s31], [sflag:$0x1] =	stream.indirect_vreg.gather [hbm4b:s22+s2], $0x80, v33, vm0, $0xb8;
	[tilespmem:$0x12280] =	vst v63  }
0x250: {  	s25 =	rddreg [dreg:$0x8];
	v34 =	vperm.xlane v56, v4;
	v33 =	vadd.s32 v7, v54  }
0x251: {  	[tilespmem:s25], [sflag:$0x1] =	stream.indirect_vreg.gather [hbm4b:s22+s2], $0x80, v58, vm0, $0xb8;
	[tilespmem:$0x12280] =	vst v63  }
0x252: {  	s26 =	rddreg [dreg:$0x9];
	v36 =	vperm.xlane v56, v13;
	v58 =	vadd.s32 v7, v34  }
0x253: {  	[tilespmem:s26], [sflag:$0x1] =	stream.indirect_vreg.gather [hbm4b:s22+s2], $0x80, v59, vm0, $0xb8;
	[tilespmem:$0x12280] =	vst v63  }
0x254: {  	s28 =	rddreg [dreg:$0xa];
	v54 =	vperm.xlane v56, v14;
	v59 =	vadd.s32 v7, v36  }
0x255: {  	[tilespmem:s28], [sflag:$0x1] =	stream.indirect_vreg.gather [hbm4b:s22+s2], $0x80, v33, vm0, $0xb8;
	[tilespmem:$0x12280] =	vst v63  }
0x256: {  	s29 =	rddreg [dreg:$0xb];
	v34 =	vperm.xlane v56, v15;
	v33 =	vadd.s32 v7, v54  }
0x257: {  	[tilespmem:s29], [sflag:$0x1] =	stream.indirect_vreg.gather [hbm4b:s22+s2], $0x80, v58, vm0, $0xb8;
	[tilespmem:$0x12280] =	vst v63  }
0x258: {  	s30 =	rddreg [dreg:$0xc];
	v36 =	vperm.xlane v56, v16;
	v58 =	vadd.s32 v7, v34  }
0x259: {  	[tilespmem:s30], [sflag:$0x1] =	stream.indirect_vreg.gather [hbm4b:s22+s2], $0x80, v59, vm0, $0xb8;
	[tilespmem:$0x12280] =	vst v63  }
0x25a: {  	s31 =	rddreg [dreg:$0xd];
	v54 =	vperm.xlane v56, v18;
	v59 =	vadd.s32 v7, v36  }
0x25b: {  	[tilespmem:s31], [sflag:$0x1] =	stream.indirect_vreg.gather [hbm4b:s22+s2], $0x80, v33, vm0, $0xb8;
	[tilespmem:$0x12280] =	vst v63  }
0x25c: {  	s25 =	rddreg [dreg:$0xe];
	v34 =	vperm.xlane v56, v19;
	v33 =	vadd.s32 v7, v54  }
0x25d: {  	[tilespmem:s25], [sflag:$0x1] =	stream.indirect_vreg.gather [hbm4b:s22+s2], $0x80, v58, vm0, $0xb8;
	[tilespmem:$0x12280] =	vst v63  }
0x25e: {  	s26 =	rddreg [dreg:$0xf];
	v36 =	vadd.s32 v7, v34;
	v54 =	vperm.xlane v56, v20  }
0x25f: {  	[tilespmem:s26], [sflag:$0x1] =	stream.indirect_vreg.gather [hbm4b:s22+s2], $0x80, v59, vm0, $0xb8;
	[tilespmem:$0x12280] =	vst v63  }
0x260: {  	s28 =	rddreg [dreg:$0x10];
	v56 =	vperm.xlane v56, v21;
	v63 =	vadd.s32 v7, v54  }
0x261: {  	[tilespmem:s28], [sflag:$0x1] =	stream.indirect_vreg.gather [hbm4b:s22+s2], $0x80, v33, vm0, $0xb8;
	[tilespmem:$0x12280] =	vst v63  }
0x262: {  	s29 =	rddreg [dreg:$0x11];
	v56 =	vadd.s32 v7, v56  }
0x263: {  	[tilespmem:s29], [sflag:$0x1] =	stream.indirect_vreg.gather [hbm4b:s22+s2], $0x80, v36, vm0, $0xb8;
	[tilespmem:$0x12280] =	vst v63  }
0x264: {  	s30 =	rddreg [dreg:$0x12]  }
0x265: {  	[tilespmem:s30], [sflag:$0x1] =	stream.indirect_vreg.gather [hbm4b:s22+s2], $0x80, v63, vm0, $0xb8;
	[tilespmem:$0x12280] =	vst v63  }
0x266: {  	s31 =	rddreg [dreg:$0x13]  }
0x267: {  	[tilespmem:s31], [sflag:$0x1] =	stream.indirect_vreg.gather [hbm4b:s22+s2], $0x80, v56, vm0, $0xb8;
	[tilespmem:$0x12280] =	vst v63  }
0x268: {  	v56 =	vld [tilespmem:s21+$0xFFFFFE10];
	_ =	sdelay $0x4  }
0x269: {  	v33 =	vshll.u32 v56, $0x1  }
0x26a: {  	v56 =	vand.u32 $0x7, v56;
	v57 =	vand.u32 $0xFFFFFFF0, v33  }
0x26b: {  	v56 =	vor.u32 v56, v57  }
0x26c: {  	v57 =	vperm.xlane v56, v6;
	_ =	sdelay $0x1  }
0x26d: {  	v34 =	vperm.xlane v56, v5;
	v57 =	vadd.s32 v7, v57;
	_ =	sdelay $0x1  }
0x26e: {  	v36 =	vperm.xlane v56, v8;
	v58 =	vadd.s32 v7, v34  }
0x26f: {  	s25 =	rddreg [dreg:$0x14]  }
0x270: {  	s26 =	rddreg [dreg:$0x15];
	v54 =	vperm.xlane v56, v9;
	v59 =	vadd.s32 v7, v36  }
0x271: {  	[tilespmem:s25], [sflag:$0x1] =	stream.indirect_vreg.gather [hbm4b:s22+s2], $0x80, v57, vm0, $0xb8;
	[tilespmem:$0x12280] =	vst v63  }
0x272: {  	s28 =	rddreg [dreg:$0x16];
	v33 =	vadd.s32 v7, v54;
	v34 =	vperm.xlane v56, v10  }
0x273: {  	[tilespmem:s26], [sflag:$0x1] =	stream.indirect_vreg.gather [hbm4b:s22+s2], $0x80, v58, vm0, $0xb8;
	[tilespmem:$0x12280] =	vst v63  }
0x274: {  	s29 =	rddreg [dreg:$0x17];
	v36 =	vperm.xlane v56, v11;
	v58 =	vadd.s32 v7, v34  }
0x275: {  	[tilespmem:s28], [sflag:$0x1] =	stream.indirect_vreg.gather [hbm4b:s22+s2], $0x80, v59, vm0, $0xb8;
	[tilespmem:$0x12280] =	vst v63  }
0x276: {  	s30 =	rddreg [dreg:$0x18];
	v54 =	vperm.xlane v56, v12;
	v59 =	vadd.s32 v7, v36  }
0x277: {  	[tilespmem:s29], [sflag:$0x1] =	stream.indirect_vreg.gather [hbm4b:s22+s2], $0x80, v33, vm0, $0xb8;
	[tilespmem:$0x12280] =	vst v63  }
0x278: {  	s31 =	rddreg [dreg:$0x19];
	v34 =	vperm.xlane v56, v4;
	v33 =	vadd.s32 v7, v54  }
0x279: {  	[tilespmem:s30], [sflag:$0x1] =	stream.indirect_vreg.gather [hbm4b:s22+s2], $0x80, v58, vm0, $0xb8;
	[tilespmem:$0x12280] =	vst v63  }
0x27a: {  	s25 =	rddreg [dreg:$0x1a];
	v36 =	vperm.xlane v56, v13;
	v58 =	vadd.s32 v7, v34  }
0x27b: {  	[tilespmem:s31], [sflag:$0x1] =	stream.indirect_vreg.gather [hbm4b:s22+s2], $0x80, v59, vm0, $0xb8;
	[tilespmem:$0x12280] =	vst v63  }
0x27c: {  	s26 =	rddreg [dreg:$0x1b];
	v54 =	vperm.xlane v56, v14;
	v59 =	vadd.s32 v7, v36  }
0x27d: {  	[tilespmem:s25], [sflag:$0x1] =	stream.indirect_vreg.gather [hbm4b:s22+s2], $0x80, v33, vm0, $0xb8;
	[tilespmem:$0x12280] =	vst v63  }
0x27e: {  	s28 =	rddreg [dreg:$0x1c];
	v34 =	vperm.xlane v56, v15;
	v33 =	vadd.s32 v7, v54  }
0x27f: {  	[tilespmem:s26], [sflag:$0x1] =	stream.indirect_vreg.gather [hbm4b:s22+s2], $0x80, v58, vm0, $0xb8;
	[tilespmem:$0x12280] =	vst v63  }
0x280: {  	s29 =	rddreg [dreg:$0x1d];
	v36 =	vperm.xlane v56, v16;
	v58 =	vadd.s32 v7, v34  }
0x281: {  	[tilespmem:s28], [sflag:$0x1] =	stream.indirect_vreg.gather [hbm4b:s22+s2], $0x80, v59, vm0, $0xb8;
	[tilespmem:$0x12280] =	vst v63  }
0x282: {  	s30 =	rddreg [dreg:$0x1e];
	v54 =	vperm.xlane v56, v18;
	v59 =	vadd.s32 v7, v36  }
0x283: {  	[tilespmem:s29], [sflag:$0x1] =	stream.indirect_vreg.gather [hbm4b:s22+s2], $0x80, v33, vm0, $0xb8;
	[tilespmem:$0x12280] =	vst v63  }
0x284: {  	s31 =	rddreg [dreg:$0x1f];
	v34 =	vperm.xlane v56, v19;
	v33 =	vadd.s32 v7, v54  }
0x285: {  	[tilespmem:s30], [sflag:$0x1] =	stream.indirect_vreg.gather [hbm4b:s22+s2], $0x80, v58, vm0, $0xb8;
	[tilespmem:$0x12280] =	vst v63  }
0x286: {  	s25 =	sld [smem:$0x61A];
	v36 =	vadd.s32 v7, v34;
	v54 =	vperm.xlane v56, v20  }
0x287: {  	[tilespmem:s31], [sflag:$0x1] =	stream.indirect_vreg.gather [hbm4b:s22+s2], $0x80, v59, vm0, $0xb8;
	[tilespmem:$0x12280] =	vst v63  }
0x288: {  	s26 =	sld [smem:$0x61B];
	v56 =	vperm.xlane v56, v21;
	v63 =	vadd.s32 v7, v54  }
0x289: {  	[tilespmem:s25], [sflag:$0x1] =	stream.indirect_vreg.gather [hbm4b:s22+s2], $0x80, v33, vm0, $0xb8;
	[tilespmem:$0x12280] =	vst v63  }
0x28a: {  	s28 =	sld [smem:$0x61C];
	v56 =	vadd.s32 v7, v56  }
0x28b: {  	[tilespmem:s26], [sflag:$0x1] =	stream.indirect_vreg.gather [hbm4b:s22+s2], $0x80, v36, vm0, $0xb8;
	[tilespmem:$0x12280] =	vst v63  }
0x28c: {  	s29 =	sld [smem:$0x61D]  }
0x28d: {  	[tilespmem:s28], [sflag:$0x1] =	stream.indirect_vreg.gather [hbm4b:s22+s2], $0x80, v63, vm0, $0xb8;
	[tilespmem:$0x12280] =	vst v63  }
0x28e: {  	_ = 	snop  }
0x28f: {  	[tilespmem:s29], [sflag:$0x1] =	stream.indirect_vreg.gather [hbm4b:s22+s2], $0x80, v56, vm0, $0xb8;
	[tilespmem:$0x12280] =	vst v63  }
0x290: {  	v56 =	vld [tilespmem:s21+$0xFFFFFE20];
	_ =	sdelay $0x4  }
0x291: {  	v33 =	vshll.u32 v56, $0x1  }
0x292: {  	v56 =	vand.u32 $0x7, v56;
	v57 =	vand.u32 $0xFFFFFFF0, v33  }
0x293: {  	v56 =	vor.u32 v56, v57  }
0x294: {  	v57 =	vperm.xlane v56, v6;
	_ =	sdelay $0x1  }
0x295: {  	v34 =	vperm.xlane v56, v5;
	v57 =	vadd.s32 v7, v57;
	_ =	sdelay $0x1  }
0x296: {  	s30 =	sld [smem:$0x61E];
	v36 =	vperm.xlane v56, v8;
	v58 =	vadd.s32 v7, v34;
	_ =	sdelay $0x1  }
0x297: {  	s31 =	sld [smem:$0x61F];
	v54 =	vperm.xlane v56, v9;
	v59 =	vadd.s32 v7, v36  }
0x298: {  	[tilespmem:s30], [sflag:$0x1] =	stream.indirect_vreg.gather [hbm4b:s22+s2], $0x80, v57, vm0, $0xb8;
	[tilespmem:$0x12280] =	vst v63  }
0x299: {  	s25 =	sld [smem:$0x620];
	v33 =	vadd.s32 v7, v54;
	v34 =	vperm.xlane v56, v10  }
0x29a: {  	[tilespmem:s31], [sflag:$0x1] =	stream.indirect_vreg.gather [hbm4b:s22+s2], $0x80, v58, vm0, $0xb8;
	[tilespmem:$0x12280] =	vst v63  }
0x29b: {  	s26 =	sld [smem:$0x621];
	v36 =	vperm.xlane v56, v11;
	v58 =	vadd.s32 v7, v34  }
0x29c: {  	[tilespmem:s25], [sflag:$0x1] =	stream.indirect_vreg.gather [hbm4b:s22+s2], $0x80, v59, vm0, $0xb8;
	[tilespmem:$0x12280] =	vst v63  }
0x29d: {  	s28 =	sld [smem:$0x622];
	v54 =	vperm.xlane v56, v12;
	v59 =	vadd.s32 v7, v36  }
0x29e: {  	[tilespmem:s26], [sflag:$0x1] =	stream.indirect_vreg.gather [hbm4b:s22+s2], $0x80, v33, vm0, $0xb8;
	[tilespmem:$0x12280] =	vst v63  }
0x29f: {  	s29 =	sld [smem:$0x623];
	v34 =	vperm.xlane v56, v4;
	v33 =	vadd.s32 v7, v54  }
0x2a0: {  	[tilespmem:s28], [sflag:$0x1] =	stream.indirect_vreg.gather [hbm4b:s22+s2], $0x80, v58, vm0, $0xb8;
	[tilespmem:$0x12280] =	vst v63  }
0x2a1: {  	s30 =	sld [smem:$0x624];
	v36 =	vperm.xlane v56, v13;
	v58 =	vadd.s32 v7, v34  }
0x2a2: {  	[tilespmem:s29], [sflag:$0x1] =	stream.indirect_vreg.gather [hbm4b:s22+s2], $0x80, v59, vm0, $0xb8;
	[tilespmem:$0x12280] =	vst v63  }
0x2a3: {  	s31 =	sld [smem:$0x625];
	v54 =	vperm.xlane v56, v14;
	v59 =	vadd.s32 v7, v36  }
0x2a4: {  	[tilespmem:s30], [sflag:$0x1] =	stream.indirect_vreg.gather [hbm4b:s22+s2], $0x80, v33, vm0, $0xb8;
	[tilespmem:$0x12280] =	vst v63  }
0x2a5: {  	s25 =	sld [smem:$0x626];
	v34 =	vperm.xlane v56, v15;
	v33 =	vadd.s32 v7, v54  }
0x2a6: {  	[tilespmem:s31], [sflag:$0x1] =	stream.indirect_vreg.gather [hbm4b:s22+s2], $0x80, v58, vm0, $0xb8;
	[tilespmem:$0x12280] =	vst v63  }
0x2a7: {  	s26 =	sld [smem:$0x627];
	v36 =	vperm.xlane v56, v16;
	v58 =	vadd.s32 v7, v34  }
0x2a8: {  	[tilespmem:s25], [sflag:$0x1] =	stream.indirect_vreg.gather [hbm4b:s22+s2], $0x80, v59, vm0, $0xb8;
	[tilespmem:$0x12280] =	vst v63  }
0x2a9: {  	s28 =	sld [smem:$0x628];
	v54 =	vperm.xlane v56, v18;
	v59 =	vadd.s32 v7, v36  }
0x2aa: {  	[tilespmem:s26], [sflag:$0x1] =	stream.indirect_vreg.gather [hbm4b:s22+s2], $0x80, v33, vm0, $0xb8;
	[tilespmem:$0x12280] =	vst v63  }
0x2ab: {  	s29 =	sld [smem:$0x629];
	v34 =	vperm.xlane v56, v19;
	v33 =	vadd.s32 v7, v54  }
0x2ac: {  	[tilespmem:s28], [sflag:$0x1] =	stream.indirect_vreg.gather [hbm4b:s22+s2], $0x80, v58, vm0, $0xb8;
	[tilespmem:$0x12280] =	vst v63  }
0x2ad: {  	s30 =	sld [smem:$0x62A];
	v36 =	vadd.s32 v7, v34;
	v54 =	vperm.xlane v56, v20  }
0x2ae: {  	[tilespmem:s29], [sflag:$0x1] =	stream.indirect_vreg.gather [hbm4b:s22+s2], $0x80, v59, vm0, $0xb8;
	[tilespmem:$0x12280] =	vst v63  }
0x2af: {  	s31 =	sld [smem:$0x62B];
	v56 =	vperm.xlane v56, v21;
	v63 =	vadd.s32 v7, v54  }
0x2b0: {  	[tilespmem:s30], [sflag:$0x1] =	stream.indirect_vreg.gather [hbm4b:s22+s2], $0x80, v33, vm0, $0xb8;
	[tilespmem:$0x12280] =	vst v63  }
0x2b1: {  	s25 =	sld [smem:$0x62C];
	v56 =	vadd.s32 v7, v56  }
0x2b2: {  	[tilespmem:s31], [sflag:$0x1] =	stream.indirect_vreg.gather [hbm4b:s22+s2], $0x80, v36, vm0, $0xb8;
	[tilespmem:$0x12280] =	vst v63  }
0x2b3: {  	s26 =	sld [smem:$0x62D]  }
0x2b4: {  	[tilespmem:s25], [sflag:$0x1] =	stream.indirect_vreg.gather [hbm4b:s22+s2], $0x80, v63, vm0, $0xb8;
	[tilespmem:$0x12280] =	vst v63  }
0x2b5: {  	_ = 	snop  }
0x2b6: {  	[tilespmem:s26], [sflag:$0x1] =	stream.indirect_vreg.gather [hbm4b:s22+s2], $0x80, v56, vm0, $0xb8;
	[tilespmem:$0x12280] =	vst v63  }
0x2b7: {  	v56 =	vld [tilespmem:s21+$0xFFFFFE30];
	_ =	sdelay $0x4  }
0x2b8: {  	v33 =	vshll.u32 v56, $0x1  }
0x2b9: {  	v56 =	vand.u32 $0x7, v56;
	v57 =	vand.u32 $0xFFFFFFF0, v33  }
0x2ba: {  	v56 =	vor.u32 v56, v57  }
0x2bb: {  	v57 =	vperm.xlane v56, v6;
	_ =	sdelay $0x1  }
0x2bc: {  	v34 =	vperm.xlane v56, v5;
	v57 =	vadd.s32 v7, v57;
	_ =	sdelay $0x1  }
0x2bd: {  	s28 =	sld [smem:$0x62E];
	v36 =	vperm.xlane v56, v8;
	v58 =	vadd.s32 v7, v34;
	_ =	sdelay $0x1  }
0x2be: {  	s29 =	sld [smem:$0x62F];
	v54 =	vperm.xlane v56, v9;
	v59 =	vadd.s32 v7, v36  }
0x2bf: {  	[tilespmem:s28], [sflag:$0x1] =	stream.indirect_vreg.gather [hbm4b:s22+s2], $0x80, v57, vm0, $0xb8;
	[tilespmem:$0x12280] =	vst v63  }
0x2c0: {  	s30 =	sld [smem:$0x630];
	v33 =	vadd.s32 v7, v54;
	v34 =	vperm.xlane v56, v10  }
0x2c1: {  	[tilespmem:s29], [sflag:$0x1] =	stream.indirect_vreg.gather [hbm4b:s22+s2], $0x80, v58, vm0, $0xb8;
	[tilespmem:$0x12280] =	vst v63  }
0x2c2: {  	s31 =	sld [smem:$0x631];
	v36 =	vperm.xlane v56, v11;
	v58 =	vadd.s32 v7, v34  }
0x2c3: {  	[tilespmem:s30], [sflag:$0x1] =	stream.indirect_vreg.gather [hbm4b:s22+s2], $0x80, v59, vm0, $0xb8;
	[tilespmem:$0x12280] =	vst v63  }
0x2c4: {  	s25 =	sld [smem:$0x632];
	v54 =	vperm.xlane v56, v12;
	v59 =	vadd.s32 v7, v36  }
0x2c5: {  	[tilespmem:s31], [sflag:$0x1] =	stream.indirect_vreg.gather [hbm4b:s22+s2], $0x80, v33, vm0, $0xb8;
	[tilespmem:$0x12280] =	vst v63  }
0x2c6: {  	s26 =	sld [smem:$0x633];
	v34 =	vperm.xlane v56, v4;
	v33 =	vadd.s32 v7, v54  }
0x2c7: {  	[tilespmem:s25], [sflag:$0x1] =	stream.indirect_vreg.gather [hbm4b:s22+s2], $0x80, v58, vm0, $0xb8;
	[tilespmem:$0x12280] =	vst v63  }
0x2c8: {  	s28 =	sld [smem:$0x634];
	v36 =	vperm.xlane v56, v13;
	v58 =	vadd.s32 v7, v34  }
0x2c9: {  	[tilespmem:s26], [sflag:$0x1] =	stream.indirect_vreg.gather [hbm4b:s22+s2], $0x80, v59, vm0, $0xb8;
	[tilespmem:$0x12280] =	vst v63  }
0x2ca: {  	s29 =	sld [smem:$0x635];
	v54 =	vperm.xlane v56, v14;
	v59 =	vadd.s32 v7, v36  }
0x2cb: {  	[tilespmem:s28], [sflag:$0x1] =	stream.indirect_vreg.gather [hbm4b:s22+s2], $0x80, v33, vm0, $0xb8;
	[tilespmem:$0x12280] =	vst v63  }
0x2cc: {  	s30 =	sld [smem:$0x636];
	v34 =	vperm.xlane v56, v15;
	v33 =	vadd.s32 v7, v54  }
0x2cd: {  	[tilespmem:s29], [sflag:$0x1] =	stream.indirect_vreg.gather [hbm4b:s22+s2], $0x80, v58, vm0, $0xb8;
	[tilespmem:$0x12280] =	vst v63  }
0x2ce: {  	s31 =	sld [smem:$0x637];
	v36 =	vadd.s32 v7, v34;
	v54 =	vperm.xlane v56, v16  }
0x2cf: {  	[tilespmem:s30], [sflag:$0x1] =	stream.indirect_vreg.gather [hbm4b:s22+s2], $0x80, v59, vm0, $0xb8;
	[tilespmem:$0x12280] =	vst v63  }
0x2d0: {  	v61 =	vperm.xlane v56, v18;
	s25 =	sld [smem:$0x638];
	v60 =	vadd.s32 v7, v54  }
0x2d1: {  	[tilespmem:s31], [sflag:$0x1] =	stream.indirect_vreg.gather [hbm4b:s22+s2], $0x80, v33, vm0, $0xb8;
	[tilespmem:$0x12280] =	vst v63  }
0x2d2: {  	v62 =	vperm.xlane v56, v19;
	v57 =	vadd.s32 v7, v61;
	s26 =	sld [smem:$0x639]  }
0x2d3: {  	[tilespmem:s25], [sflag:$0x1] =	stream.indirect_vreg.gather [hbm4b:s22+s2], $0x80, v36, vm0, $0xb8;
	[tilespmem:$0x12280] =	vst v63  }
0x2d4: {  	v63 =	vperm.xlane v56, v20;
	s28 =	sld [smem:$0x63A];
	v58 =	vadd.s32 v7, v62;
	s29 =	sadd.s32 $0x1, s19  }
0x2d5: {  	[tilespmem:s26], [sflag:$0x1] =	stream.indirect_vreg.gather [hbm4b:s22+s2], $0x80, v60, vm0, $0xb8;
	[tilespmem:$0x12280] =	vst v63  }
0x2d6: {  	v56 =	vperm.xlane v56, v21;
	v59 =	vadd.s32 v7, v63;
	v33 =	vmov s29;
	s25 =	sld [smem:$0x63B]  }
0x2d7: {  	v34 =	vand.u32 $0xFFFFFFF9, v33;
	[tilespmem:s28], [sflag:$0x1] =	stream.indirect_vreg.gather [hbm4b:s22+s2], $0x80, v57, vm0, $0xb8;
	[tilespmem:$0x12280] =	vst v63  }
0x2d8: {  	s30 =	sld [smem:$0x63C];
	v36 =	vadd.s32 v7, v56;
	v56 =	vbroadcast v34, $0x0  }
0x2d9: {  	[tilespmem:s25], [sflag:$0x1] =	stream.indirect_vreg.gather [hbm4b:s22+s2], $0x80, v58, vm0, $0xb8;
	[tilespmem:$0x12280] =	vst v63  }
0x2da: {  	s31 =	sld [smem:$0x63D]  }
0x2db: {  	[tilespmem:s30], [sflag:$0x1] =	stream.indirect_vreg.gather [hbm4b:s22+s2], $0x80, v59, vm0, $0xb8;
	[tilespmem:$0x12280] =	vst v63  }
0x2dc: {  	_ = 	snop  }
0x2dd: {  	[tilespmem:s31], [sflag:$0x1] =	stream.indirect_vreg.gather [hbm4b:s22+s2], $0x80, v36, vm0, $0xb8;
	[tilespmem:$0x12280] =	vst v63  }
0x2de: {  	v57 =	vld.idx.msk [tilespmem:v56+s12+$0x0], $0xffff;
	_ =	sdelay $0x4  }
0x2df: {  	(v2sf) =	vpush v57, $0x0;
	_ =	sdelay $0x2  }
0x2e0: {  	v33 =	vld [tilespmem:s21+$0xFFFFFE80];
	_ =	sdelay $0x4  }
0x2e1: {  	v34 =	vshll.u32 v33, $0x1  }
0x2e2: {  	v57 =	vand.u32 $0x7, v33;
	v58 =	vand.u32 $0xFFFFFFF0, v34  }
0x2e3: {  	v57 =	vor.u32 v57, v58  }
0x2e4: {  	v58 =	vperm.xlane v57, v6;
	_ =	sdelay $0x1  }
0x2e5: {  	v36 =	vperm.xlane v57, v5;
	v58 =	vadd.s32 v7, v58;
	_ =	sdelay $0x1  }
0x2e6: {  	s25 =	sld [smem:$0x63E];
	v54 =	vperm.xlane v57, v8;
	v59 =	vadd.s32 v7, v36;
	s24 =	spop (v2sf)  }
0x2e7: {  	s22 =	sand.u32 $0xFFFFF80, s24  }
0x2e8: {  	s26 =	sld [smem:$0x63F];
	v61 =	vperm.xlane v57, v9;
	v60 =	vadd.s32 v7, v54;
	s22 =	sadd.s32 s1, s22  }
0x2e9: {  	[tilespmem:s25], [sflag:$0x1] =	stream.indirect_vreg.gather [hbm4b:s22+s2], $0x80, v58, vm0, $0xb8;
	[tilespmem:$0x12280] =	vst v63  }
0x2ea: {  	s28 =	sld [smem:$0x640];
	v33 =	vperm.xlane v57, v10;
	v58 =	vadd.s32 v7, v61  }
0x2eb: {  	[tilespmem:s26], [sflag:$0x1] =	stream.indirect_vreg.gather [hbm4b:s22+s2], $0x80, v59, vm0, $0xb8;
	[tilespmem:$0x12280] =	vst v63  }
0x2ec: {  	s29 =	sld [smem:$0x641];
	v34 =	vadd.s32 v7, v33;
	v36 =	vperm.xlane v57, v11  }
0x2ed: {  	[tilespmem:s28], [sflag:$0x1] =	stream.indirect_vreg.gather [hbm4b:s22+s2], $0x80, v60, vm0, $0xb8;
	[tilespmem:$0x12280] =	vst v63  }
0x2ee: {  	s30 =	sld [smem:$0x642];
	v54 =	vperm.xlane v57, v12;
	v60 =	vadd.s32 v7, v36  }
0x2ef: {  	[tilespmem:s29], [sflag:$0x1] =	stream.indirect_vreg.gather [hbm4b:s22+s2], $0x80, v58, vm0, $0xb8;
	[tilespmem:$0x12280] =	vst v63  }
0x2f0: {  	s31 =	sld [smem:$0x643];
	v33 =	vperm.xlane v57, v4;
	v58 =	vadd.s32 v7, v54  }
0x2f1: {  	[tilespmem:s30], [sflag:$0x1] =	stream.indirect_vreg.gather [hbm4b:s22+s2], $0x80, v34, vm0, $0xb8;
	[tilespmem:$0x12280] =	vst v63  }
0x2f2: {  	s25 =	sld [smem:$0x644];
	v36 =	vperm.xlane v57, v13;
	v34 =	vadd.s32 v7, v33  }
0x2f3: {  	[tilespmem:s31], [sflag:$0x1] =	stream.indirect_vreg.gather [hbm4b:s22+s2], $0x80, v60, vm0, $0xb8;
	[tilespmem:$0x12280] =	vst v63  }
0x2f4: {  	s26 =	sld [smem:$0x645];
	v54 =	vperm.xlane v57, v14;
	v60 =	vadd.s32 v7, v36  }
0x2f5: {  	[tilespmem:s25], [sflag:$0x1] =	stream.indirect_vreg.gather [hbm4b:s22+s2], $0x80, v58, vm0, $0xb8;
	[tilespmem:$0x12280] =	vst v63  }
0x2f6: {  	s28 =	sld [smem:$0x646];
	v33 =	vperm.xlane v57, v15;
	v58 =	vadd.s32 v7, v54  }
0x2f7: {  	[tilespmem:s26], [sflag:$0x1] =	stream.indirect_vreg.gather [hbm4b:s22+s2], $0x80, v34, vm0, $0xb8;
	[tilespmem:$0x12280] =	vst v63  }
0x2f8: {  	s29 =	sld [smem:$0x647];
	v36 =	vperm.xlane v57, v16;
	v34 =	vadd.s32 v7, v33  }
0x2f9: {  	[tilespmem:s28], [sflag:$0x1] =	stream.indirect_vreg.gather [hbm4b:s22+s2], $0x80, v60, vm0, $0xb8;
	[tilespmem:$0x12280] =	vst v63  }
0x2fa: {  	s30 =	sld [smem:$0x648];
	v54 =	vperm.xlane v57, v18;
	v60 =	vadd.s32 v7, v36  }
0x2fb: {  	[tilespmem:s29], [sflag:$0x1] =	stream.indirect_vreg.gather [hbm4b:s22+s2], $0x80, v58, vm0, $0xb8;
	[tilespmem:$0x12280] =	vst v63  }
0x2fc: {  	s31 =	sld [smem:$0x649];
	v33 =	vperm.xlane v57, v19;
	v58 =	vadd.s32 v7, v54  }
0x2fd: {  	[tilespmem:s30], [sflag:$0x1] =	stream.indirect_vreg.gather [hbm4b:s22+s2], $0x80, v34, vm0, $0xb8;
	[tilespmem:$0x12280] =	vst v63  }
0x2fe: {  	s25 =	sld [smem:$0x64A];
	v36 =	vperm.xlane v57, v20;
	v34 =	vadd.s32 v7, v33  }
0x2ff: {  	[tilespmem:s31], [sflag:$0x1] =	stream.indirect_vreg.gather [hbm4b:s22+s2], $0x80, v60, vm0, $0xb8;
	[tilespmem:$0x12280] =	vst v63  }
0x300: {  	s26 =	sld [smem:$0x64B];
	v57 =	vperm.xlane v57, v21;
	v54 =	vadd.s32 v7, v36  }
0x301: {  	[tilespmem:s25], [sflag:$0x1] =	stream.indirect_vreg.gather [hbm4b:s22+s2], $0x80, v58, vm0, $0xb8;
	[tilespmem:$0x12280] =	vst v63  }
0x302: {  	s28 =	sld [smem:$0x64C];
	v57 =	vadd.s32 v7, v57  }
0x303: {  	[tilespmem:s26], [sflag:$0x1] =	stream.indirect_vreg.gather [hbm4b:s22+s2], $0x80, v34, vm0, $0xb8;
	[tilespmem:$0x12280] =	vst v63  }
0x304: {  	s29 =	sld [smem:$0x64D]  }
0x305: {  	[tilespmem:s28], [sflag:$0x1] =	stream.indirect_vreg.gather [hbm4b:s22+s2], $0x80, v54, vm0, $0xb8;
	[tilespmem:$0x12280] =	vst v63  }
0x306: {  	_ = 	snop  }
0x307: {  	[tilespmem:s29], [sflag:$0x1] =	stream.indirect_vreg.gather [hbm4b:s22+s2], $0x80, v57, vm0, $0xb8;
	[tilespmem:$0x12280] =	vst v63  }
0x308: {  	v57 =	vld [tilespmem:s21+$0xFFFFFE90];
	_ =	sdelay $0x4  }
0x309: {  	v33 =	vshll.u32 v57, $0x1  }
0x30a: {  	v57 =	vand.u32 $0x7, v57;
	v58 =	vand.u32 $0xFFFFFFF0, v33  }
0x30b: {  	v57 =	vor.u32 v57, v58  }
0x30c: {  	v58 =	vperm.xlane v57, v6;
	_ =	sdelay $0x1  }
0x30d: {  	v58 =	vadd.s32 v7, v58  }
0x30e: {  	v34 =	vperm.xlane v57, v5  }
0x30f: {  	s30 =	sld [smem:$0x64E]  }
0x310: {  	v36 =	vperm.xlane v57, v8;
	v59 =	vadd.s32 v7, v34  }
0x311: {  	s31 =	sld [smem:$0x64F]  }
0x312: {  	v54 =	vperm.xlane v57, v9;
	[tilespmem:s30], [sflag:$0x1] =	stream.indirect_vreg.gather [hbm4b:s22+s2], $0x80, v58, vm0, $0xb8;
	v58 =	vadd.s32 v7, v36;
	[tilespmem:$0x12280] =	vst v63  }
0x313: {  	_ = 	snop  }
0x314: {  	s24 =	sld [smem:$0x650];
	v33 =	vadd.s32 v7, v54;
	v34 =	vperm.xlane v57, v10  }
0x315: {  	[tilespmem:s31], [sflag:$0x1] =	stream.indirect_vreg.gather [hbm4b:s22+s2], $0x80, v59, vm0, $0xb8;
	[tilespmem:$0x12280] =	vst v63  }
0x316: {  	s25 =	sld [smem:$0x651];
	v60 =	vadd.s32 v7, v34;
	v36 =	vperm.xlane v57, v11  }
0x317: {  	[tilespmem:s24], [sflag:$0x1] =	stream.indirect_vreg.gather [hbm4b:s22+s2], $0x80, v58, vm0, $0xb8;
	[tilespmem:$0x12280] =	vst v63  }
0x318: {  	s26 =	sld [smem:$0x652];
	v54 =	vperm.xlane v57, v12;
	v58 =	vadd.s32 v7, v36  }
0x319: {  	[tilespmem:s25], [sflag:$0x1] =	stream.indirect_vreg.gather [hbm4b:s22+s2], $0x80, v33, vm0, $0xb8;
	[tilespmem:$0x12280] =	vst v63  }
0x31a: {  	s28 =	sld [smem:$0x653];
	v34 =	vperm.xlane v57, v4;
	v33 =	vadd.s32 v7, v54  }
0x31b: {  	[tilespmem:s26], [sflag:$0x1] =	stream.indirect_vreg.gather [hbm4b:s22+s2], $0x80, v60, vm0, $0xb8;
	[tilespmem:$0x12280] =	vst v63  }
0x31c: {  	s29 =	sld [smem:$0x654];
	v36 =	vperm.xlane v57, v13;
	v60 =	vadd.s32 v7, v34  }
0x31d: {  	[tilespmem:s28], [sflag:$0x1] =	stream.indirect_vreg.gather [hbm4b:s22+s2], $0x80, v58, vm0, $0xb8;
	[tilespmem:$0x12280] =	vst v63  }
0x31e: {  	s30 =	sld [smem:$0x655];
	v54 =	vperm.xlane v57, v14;
	v58 =	vadd.s32 v7, v36  }
0x31f: {  	[tilespmem:s29], [sflag:$0x1] =	stream.indirect_vreg.gather [hbm4b:s22+s2], $0x80, v33, vm0, $0xb8;
	[tilespmem:$0x12280] =	vst v63  }
0x320: {  	s31 =	sld [smem:$0x656];
	v34 =	vperm.xlane v57, v15;
	v33 =	vadd.s32 v7, v54  }
0x321: {  	[tilespmem:s30], [sflag:$0x1] =	stream.indirect_vreg.gather [hbm4b:s22+s2], $0x80, v60, vm0, $0xb8;
	[tilespmem:$0x12280] =	vst v63  }
0x322: {  	[tilespmem:$0x1FF30] =	vst v24;
	s25 =	sld [smem:$0x657];
	v36 =	vperm.xlane v57, v16;
	v60 =	vadd.s32 v7, v34  }
0x323: {  	[tilespmem:s31], [sflag:$0x1] =	stream.indirect_vreg.gather [hbm4b:s22+s2], $0x80, v58, vm0, $0xb8;
	[tilespmem:$0x12280] =	vst v63  }
0x324: {  	v54 =	vperm.xlane v57, v18;
	v58 =	vadd.s32 v7, v36;
	s23 =	sld [smem:$0x658]  }
0x325: {  	[tilespmem:s25], [sflag:$0x1] =	stream.indirect_vreg.gather [hbm4b:s22+s2], $0x80, v33, vm0, $0xb8;
	[tilespmem:$0x12280] =	vst v63  }
0x326: {  	v34 =	vperm.xlane v57, v19;
	v33 =	vadd.s32 v7, v54;
	s26 =	sld [smem:$0x659]  }
0x327: {  	[tilespmem:s23], [sflag:$0x1] =	stream.indirect_vreg.gather [hbm4b:s22+s2], $0x80, v60, vm0, $0xb8;
	[tilespmem:$0x12280] =	vst v63  }
0x328: {  	v36 =	vadd.s32 v7, v34;
	v54 =	vperm.xlane v57, v20;
	s28 =	sld [smem:$0x65A]  }
0x329: {  	[tilespmem:s26], [sflag:$0x1] =	stream.indirect_vreg.gather [hbm4b:s22+s2], $0x80, v58, vm0, $0xb8;
	[tilespmem:$0x12280] =	vst v63  }
0x32a: {  	v57 =	vperm.xlane v57, v21;
	s29 =	sld [smem:$0x65B];
	v63 =	vadd.s32 v7, v54  }
0x32b: {  	[tilespmem:s28], [sflag:$0x1] =	stream.indirect_vreg.gather [hbm4b:s22+s2], $0x80, v33, vm0, $0xb8;
	[tilespmem:$0x12280] =	vst v63  }
0x32c: {  	s30 =	sld [smem:$0x65C];
	v57 =	vadd.s32 v7, v57  }
0x32d: {  	[tilespmem:s29], [sflag:$0x1] =	stream.indirect_vreg.gather [hbm4b:s22+s2], $0x80, v36, vm0, $0xb8;
	[tilespmem:$0x12280] =	vst v63  }
0x32e: {  	s31 =	sld [smem:$0x65D]  }
0x32f: {  	[tilespmem:s30], [sflag:$0x1] =	stream.indirect_vreg.gather [hbm4b:s22+s2], $0x80, v63, vm0, $0xb8;
	[tilespmem:$0x12280] =	vst v63  }
0x330: {  	_ = 	snop  }
0x331: {  	[tilespmem:s31], [sflag:$0x1] =	stream.indirect_vreg.gather [hbm4b:s22+s2], $0x80, v57, vm0, $0xb8;
	[tilespmem:$0x12280] =	vst v63  }
0x332: {  	v57 =	vld [tilespmem:s21+$0xFFFFFEA0];
	_ =	sdelay $0x4  }
0x333: {  	v33 =	vshll.u32 v57, $0x1  }
0x334: {  	v57 =	vand.u32 $0x7, v57;
	v58 =	vand.u32 $0xFFFFFFF0, v33  }
0x335: {  	v57 =	vor.u32 v57, v58  }
0x336: {  	v58 =	vperm.xlane v57, v6;
	_ =	sdelay $0x1  }
0x337: {  	v34 =	vperm.xlane v57, v5;
	v58 =	vadd.s32 v7, v58;
	_ =	sdelay $0x1  }
0x338: {  	s24 =	sld [smem:$0x65E];
	v36 =	vperm.xlane v57, v8;
	v59 =	vadd.s32 v7, v34;
	_ =	sdelay $0x1  }
0x339: {  	s25 =	sld [smem:$0x65F];
	v54 =	vperm.xlane v57, v9;
	v60 =	vadd.s32 v7, v36  }
0x33a: {  	[tilespmem:s24], [sflag:$0x1] =	stream.indirect_vreg.gather [hbm4b:s22+s2], $0x80, v58, vm0, $0xb8;
	[tilespmem:$0x12280] =	vst v63  }
0x33b: {  	s26 =	sld [smem:$0x660];
	v33 =	vperm.xlane v57, v10;
	v58 =	vadd.s32 v7, v54  }
0x33c: {  	[tilespmem:s25], [sflag:$0x1] =	stream.indirect_vreg.gather [hbm4b:s22+s2], $0x80, v59, vm0, $0xb8;
	[tilespmem:$0x12280] =	vst v63  }
0x33d: {  	s28 =	sld [smem:$0x661];
	v34 =	vadd.s32 v7, v33;
	v36 =	vperm.xlane v57, v11  }
0x33e: {  	[tilespmem:s26], [sflag:$0x1] =	stream.indirect_vreg.gather [hbm4b:s22+s2], $0x80, v60, vm0, $0xb8;
	[tilespmem:$0x12280] =	vst v63  }
0x33f: {  	s29 =	sld [smem:$0x662];
	v54 =	vperm.xlane v57, v12;
	v60 =	vadd.s32 v7, v36  }
0x340: {  	[tilespmem:s28], [sflag:$0x1] =	stream.indirect_vreg.gather [hbm4b:s22+s2], $0x80, v58, vm0, $0xb8;
	[tilespmem:$0x12280] =	vst v63  }
0x341: {  	s30 =	sld [smem:$0x663];
	v33 =	vperm.xlane v57, v4;
	v58 =	vadd.s32 v7, v54  }
0x342: {  	[tilespmem:s29], [sflag:$0x1] =	stream.indirect_vreg.gather [hbm4b:s22+s2], $0x80, v34, vm0, $0xb8;
	[tilespmem:$0x12280] =	vst v63  }
0x343: {  	s31 =	sld [smem:$0x664];
	v36 =	vperm.xlane v57, v13;
	v34 =	vadd.s32 v7, v33  }
0x344: {  	[tilespmem:s30], [sflag:$0x1] =	stream.indirect_vreg.gather [hbm4b:s22+s2], $0x80, v60, vm0, $0xb8;
	[tilespmem:$0x12280] =	vst v63  }
0x345: {  	s25 =	sld [smem:$0x665];
	v54 =	vperm.xlane v57, v14;
	v60 =	vadd.s32 v7, v36  }
0x346: {  	[tilespmem:s31], [sflag:$0x1] =	stream.indirect_vreg.gather [hbm4b:s22+s2], $0x80, v58, vm0, $0xb8;
	[tilespmem:$0x12280] =	vst v63  }
0x347: {  	s26 =	sld [smem:$0x666];
	v33 =	vperm.xlane v57, v15;
	v58 =	vadd.s32 v7, v54  }
0x348: {  	[tilespmem:s25], [sflag:$0x1] =	stream.indirect_vreg.gather [hbm4b:s22+s2], $0x80, v34, vm0, $0xb8;
	[tilespmem:$0x12280] =	vst v63  }
0x349: {  	s28 =	sld [smem:$0x667];
	v36 =	vperm.xlane v57, v16;
	v34 =	vadd.s32 v7, v33  }
0x34a: {  	[tilespmem:s26], [sflag:$0x1] =	stream.indirect_vreg.gather [hbm4b:s22+s2], $0x80, v60, vm0, $0xb8;
	[tilespmem:$0x12280] =	vst v63  }
0x34b: {  	s29 =	sld [smem:$0x668];
	v54 =	vperm.xlane v57, v18;
	v60 =	vadd.s32 v7, v36  }
0x34c: {  	[tilespmem:s28], [sflag:$0x1] =	stream.indirect_vreg.gather [hbm4b:s22+s2], $0x80, v58, vm0, $0xb8;
	[tilespmem:$0x12280] =	vst v63  }
0x34d: {  	s30 =	sld [smem:$0x669];
	v33 =	vperm.xlane v57, v19;
	v58 =	vadd.s32 v7, v54  }
0x34e: {  	[tilespmem:s29], [sflag:$0x1] =	stream.indirect_vreg.gather [hbm4b:s22+s2], $0x80, v34, vm0, $0xb8;
	[tilespmem:$0x12280] =	vst v63  }
0x34f: {  	s31 =	sld [smem:$0x66A];
	v36 =	vperm.xlane v57, v20;
	v34 =	vadd.s32 v7, v33  }
0x350: {  	[tilespmem:s30], [sflag:$0x1] =	stream.indirect_vreg.gather [hbm4b:s22+s2], $0x80, v60, vm0, $0xb8;
	[tilespmem:$0x12280] =	vst v63  }
0x351: {  	s25 =	sld [smem:$0x66B];
	v57 =	vperm.xlane v57, v21;
	v54 =	vadd.s32 v7, v36  }
0x352: {  	[tilespmem:s31], [sflag:$0x1] =	stream.indirect_vreg.gather [hbm4b:s22+s2], $0x80, v58, vm0, $0xb8;
	[tilespmem:$0x12280] =	vst v63  }
0x353: {  	s26 =	sld [smem:$0x66C];
	v57 =	vadd.s32 v7, v57  }
0x354: {  	[tilespmem:s25], [sflag:$0x1] =	stream.indirect_vreg.gather [hbm4b:s22+s2], $0x80, v34, vm0, $0xb8;
	[tilespmem:$0x12280] =	vst v63  }
0x355: {  	s28 =	sld [smem:$0x66D]  }
0x356: {  	[tilespmem:s26], [sflag:$0x1] =	stream.indirect_vreg.gather [hbm4b:s22+s2], $0x80, v54, vm0, $0xb8;
	[tilespmem:$0x12280] =	vst v63  }
0x357: {  	_ = 	snop  }
0x358: {  	[tilespmem:s28], [sflag:$0x1] =	stream.indirect_vreg.gather [hbm4b:s22+s2], $0x80, v57, vm0, $0xb8;
	[tilespmem:$0x12280] =	vst v63  }
0x359: {  	v57 =	vld [tilespmem:s21+$0xFFFFFEB0];
	_ =	sdelay $0x4  }
0x35a: {  	v33 =	vshll.u32 v57, $0x1  }
0x35b: {  	v57 =	vand.u32 $0x7, v57;
	v58 =	vand.u32 $0xFFFFFFF0, v33  }
0x35c: {  	v57 =	vor.u32 v57, v58  }
0x35d: {  	v58 =	vperm.xlane v57, v6;
	_ =	sdelay $0x1  }
0x35e: {  	v34 =	vperm.xlane v57, v5;
	v58 =	vadd.s32 v7, v58;
	_ =	sdelay $0x1  }
0x35f: {  	s29 =	sld [smem:$0x66E];
	v36 =	vperm.xlane v57, v8;
	v59 =	vadd.s32 v7, v34;
	_ =	sdelay $0x1  }
0x360: {  	s30 =	sld [smem:$0x66F];
	v54 =	vperm.xlane v57, v9;
	v60 =	vadd.s32 v7, v36  }
0x361: {  	[tilespmem:s29], [sflag:$0x1] =	stream.indirect_vreg.gather [hbm4b:s22+s2], $0x80, v58, vm0, $0xb8;
	[tilespmem:$0x12280] =	vst v63  }
0x362: {  	s31 =	sld [smem:$0x670];
	v33 =	vperm.xlane v57, v10;
	v58 =	vadd.s32 v7, v54  }
0x363: {  	[tilespmem:s30], [sflag:$0x1] =	stream.indirect_vreg.gather [hbm4b:s22+s2], $0x80, v59, vm0, $0xb8;
	[tilespmem:$0x12280] =	vst v63  }
0x364: {  	s25 =	sld [smem:$0x671];
	v34 =	vadd.s32 v7, v33;
	v36 =	vperm.xlane v57, v11  }
0x365: {  	[tilespmem:s31], [sflag:$0x1] =	stream.indirect_vreg.gather [hbm4b:s22+s2], $0x80, v60, vm0, $0xb8;
	[tilespmem:$0x12280] =	vst v63  }
0x366: {  	s26 =	sld [smem:$0x672];
	v54 =	vperm.xlane v57, v12;
	v60 =	vadd.s32 v7, v36  }
0x367: {  	[tilespmem:s25], [sflag:$0x1] =	stream.indirect_vreg.gather [hbm4b:s22+s2], $0x80, v58, vm0, $0xb8;
	[tilespmem:$0x12280] =	vst v63  }
0x368: {  	s28 =	sld [smem:$0x673];
	v33 =	vperm.xlane v57, v4;
	v58 =	vadd.s32 v7, v54  }
0x369: {  	[tilespmem:s26], [sflag:$0x1] =	stream.indirect_vreg.gather [hbm4b:s22+s2], $0x80, v34, vm0, $0xb8;
	[tilespmem:$0x12280] =	vst v63  }
0x36a: {  	s29 =	sld [smem:$0x674];
	v36 =	vperm.xlane v57, v13;
	v34 =	vadd.s32 v7, v33  }
0x36b: {  	[tilespmem:s28], [sflag:$0x1] =	stream.indirect_vreg.gather [hbm4b:s22+s2], $0x80, v60, vm0, $0xb8;
	[tilespmem:$0x12280] =	vst v63  }
0x36c: {  	s30 =	sld [smem:$0x675];
	v54 =	vperm.xlane v57, v14;
	v60 =	vadd.s32 v7, v36  }
0x36d: {  	[tilespmem:s29], [sflag:$0x1] =	stream.indirect_vreg.gather [hbm4b:s22+s2], $0x80, v58, vm0, $0xb8;
	[tilespmem:$0x12280] =	vst v63  }
0x36e: {  	s31 =	sld [smem:$0x676];
	v33 =	vperm.xlane v57, v15;
	v58 =	vadd.s32 v7, v54  }
0x36f: {  	[tilespmem:s30], [sflag:$0x1] =	stream.indirect_vreg.gather [hbm4b:s22+s2], $0x80, v34, vm0, $0xb8;
	[tilespmem:$0x12280] =	vst v63  }
0x370: {  	s25 =	sld [smem:$0x677];
	v36 =	vperm.xlane v57, v16;
	v34 =	vadd.s32 v7, v33  }
0x371: {  	[tilespmem:s31], [sflag:$0x1] =	stream.indirect_vreg.gather [hbm4b:s22+s2], $0x80, v60, vm0, $0xb8;
	[tilespmem:$0x12280] =	vst v63  }
0x372: {  	v63 =	vperm.xlane v57, v18;
	s26 =	sld [smem:$0x678];
	v54 =	vadd.s32 v7, v36  }
0x373: {  	[tilespmem:s25], [sflag:$0x1] =	stream.indirect_vreg.gather [hbm4b:s22+s2], $0x80, v58, vm0, $0xb8;
	[tilespmem:$0x12280] =	vst v63  }
0x374: {  	s28 =	sld [smem:$0x679];
	v33 =	vperm.xlane v57, v19;
	v58 =	vadd.s32 v7, v63  }
0x375: {  	[tilespmem:s26], [sflag:$0x1] =	stream.indirect_vreg.gather [hbm4b:s22+s2], $0x80, v34, vm0, $0xb8;
	[tilespmem:$0x12280] =	vst v63  }
0x376: {  	s29 =	sld [smem:$0x67A];
	s30 =	sadd.s32 $0x2, s19;
	v59 =	vadd.s32 v7, v33;
	v34 =	vperm.xlane v57, v20  }
0x377: {  	[tilespmem:s28], [sflag:$0x1] =	stream.indirect_vreg.gather [hbm4b:s22+s2], $0x80, v54, vm0, $0xb8;
	[tilespmem:$0x12280] =	vst v63  }
0x378: {  	v36 =	vmov s30;
	s31 =	sld [smem:$0x67B];
	v57 =	vperm.xlane v57, v21;
	v60 =	vadd.s32 v7, v34  }
0x379: {  	v54 =	vand.u32 $0xFFFFFFFA, v36;
	[tilespmem:s29], [sflag:$0x1] =	stream.indirect_vreg.gather [hbm4b:s22+s2], $0x80, v58, vm0, $0xb8;
	[tilespmem:$0x12280] =	vst v63  }
0x37a: {  	s26 =	sld [smem:$0x67C];
	v33 =	vadd.s32 v7, v57;
	v57 =	vbroadcast v54, $0x0  }
0x37b: {  	[tilespmem:s31], [sflag:$0x1] =	stream.indirect_vreg.gather [hbm4b:s22+s2], $0x80, v59, vm0, $0xb8;
	[tilespmem:$0x12280] =	vst v63  }
0x37c: {  	s28 =	sld [smem:$0x67D]  }
0x37d: {  	[tilespmem:s26], [sflag:$0x1] =	stream.indirect_vreg.gather [hbm4b:s22+s2], $0x80, v60, vm0, $0xb8;
	[tilespmem:$0x12280] =	vst v63  }
0x37e: {  	_ = 	snop  }
0x37f: {  	[tilespmem:s28], [sflag:$0x1] =	stream.indirect_vreg.gather [hbm4b:s22+s2], $0x80, v33, vm0, $0xb8;
	[tilespmem:$0x12280] =	vst v63  }
0x380: {  	v58 =	vld.idx.msk [tilespmem:v57+s12+$0x0], $0xffff;
	_ =	sdelay $0x4  }
0x381: {  	(v2sf) =	vpush v58, $0x0;
	_ =	sdelay $0x2  }
0x382: {  	v34 =	vld [tilespmem:s21+$0xFFFFFF00];
	_ =	sdelay $0x4  }
0x383: {  	v36 =	vshll.u32 v34, $0x1  }
0x384: {  	v58 =	vand.u32 $0x7, v34;
	v59 =	vand.u32 $0xFFFFFFF0, v36  }
0x385: {  	v58 =	vor.u32 v58, v59  }
0x386: {  	v59 =	vperm.xlane v58, v6;
	_ =	sdelay $0x1  }
0x387: {  	v54 =	vperm.xlane v58, v5;
	v59 =	vadd.s32 v7, v59;
	_ =	sdelay $0x1  }
0x388: {  	s30 =	sld [smem:$0x67E];
	v33 =	vperm.xlane v58, v8;
	v60 =	vadd.s32 v7, v54;
	s29 =	spop (v2sf)  }
0x389: {  	s22 =	sand.u32 $0xFFFFF80, s29  }
0x38a: {  	s31 =	sld [smem:$0x67F];
	v62 =	vperm.xlane v58, v9;
	v61 =	vadd.s32 v7, v33;
	s22 =	sadd.s32 s1, s22  }
0x38b: {  	[tilespmem:s30], [sflag:$0x1] =	stream.indirect_vreg.gather [hbm4b:s22+s2], $0x80, v59, vm0, $0xb8;
	[tilespmem:$0x12280] =	vst v63  }
0x38c: {  	s25 =	sld [smem:$0x680];
	v34 =	vperm.xlane v58, v10;
	v59 =	vadd.s32 v7, v62  }
0x38d: {  	[tilespmem:s31], [sflag:$0x1] =	stream.indirect_vreg.gather [hbm4b:s22+s2], $0x80, v60, vm0, $0xb8;
	[tilespmem:$0x12280] =	vst v63  }
0x38e: {  	s26 =	sld [smem:$0x681];
	v36 =	vadd.s32 v7, v34;
	v54 =	vperm.xlane v58, v11  }
0x38f: {  	[tilespmem:s25], [sflag:$0x1] =	stream.indirect_vreg.gather [hbm4b:s22+s2], $0x80, v61, vm0, $0xb8;
	[tilespmem:$0x12280] =	vst v63  }
0x390: {  	s28 =	sld [smem:$0x682];
	v33 =	vperm.xlane v58, v12;
	v61 =	vadd.s32 v7, v54  }
0x391: {  	[tilespmem:s26], [sflag:$0x1] =	stream.indirect_vreg.gather [hbm4b:s22+s2], $0x80, v59, vm0, $0xb8;
	[tilespmem:$0x12280] =	vst v63  }
0x392: {  	v34 =	vperm.xlane v58, v4;
	s29 =	sld [smem:$0x683];
	v59 =	vadd.s32 v7, v33  }
0x393: {  	[tilespmem:s28], [sflag:$0x1] =	stream.indirect_vreg.gather [hbm4b:s22+s2], $0x80, v36, vm0, $0xb8;
	[tilespmem:$0x12280] =	vst v63  }
0x394: {  	s30 =	sld [smem:$0x684];
	v54 =	vperm.xlane v58, v13;
	v36 =	vadd.s32 v7, v34  }
0x395: {  	[tilespmem:s29], [sflag:$0x1] =	stream.indirect_vreg.gather [hbm4b:s22+s2], $0x80, v61, vm0, $0xb8;
	[tilespmem:$0x12280] =	vst v63  }
0x396: {  	s31 =	sld [smem:$0x685];
	v33 =	vperm.xlane v58, v14;
	v61 =	vadd.s32 v7, v54  }
0x397: {  	[tilespmem:s30], [sflag:$0x1] =	stream.indirect_vreg.gather [hbm4b:s22+s2], $0x80, v59, vm0, $0xb8;
	[tilespmem:$0x12280] =	vst v63  }
0x398: {  	s25 =	sld [smem:$0x686];
	v34 =	vperm.xlane v58, v15;
	v59 =	vadd.s32 v7, v33  }
0x399: {  	[tilespmem:s31], [sflag:$0x1] =	stream.indirect_vreg.gather [hbm4b:s22+s2], $0x80, v36, vm0, $0xb8;
	[tilespmem:$0x12280] =	vst v63  }
0x39a: {  	s26 =	sld [smem:$0x687];
	v54 =	vperm.xlane v58, v16;
	v36 =	vadd.s32 v7, v34  }
0x39b: {  	[tilespmem:s25], [sflag:$0x1] =	stream.indirect_vreg.gather [hbm4b:s22+s2], $0x80, v61, vm0, $0xb8;
	[tilespmem:$0x12280] =	vst v63  }
0x39c: {  	s28 =	sld [smem:$0x688];
	v33 =	vperm.xlane v58, v18;
	v61 =	vadd.s32 v7, v54  }
0x39d: {  	[tilespmem:s26], [sflag:$0x1] =	stream.indirect_vreg.gather [hbm4b:s22+s2], $0x80, v59, vm0, $0xb8;
	[tilespmem:$0x12280] =	vst v63  }
0x39e: {  	s29 =	sld [smem:$0x689];
	v34 =	vperm.xlane v58, v19;
	v59 =	vadd.s32 v7, v33  }
0x39f: {  	[tilespmem:s28], [sflag:$0x1] =	stream.indirect_vreg.gather [hbm4b:s22+s2], $0x80, v36, vm0, $0xb8;
	[tilespmem:$0x12280] =	vst v63  }
0x3a0: {  	s30 =	sld [smem:$0x68A];
	v54 =	vperm.xlane v58, v20;
	v36 =	vadd.s32 v7, v34  }
0x3a1: {  	[tilespmem:s29], [sflag:$0x1] =	stream.indirect_vreg.gather [hbm4b:s22+s2], $0x80, v61, vm0, $0xb8;
	[tilespmem:$0x12280] =	vst v63  }
0x3a2: {  	s31 =	sld [smem:$0x68B];
	v58 =	vperm.xlane v58, v21;
	v33 =	vadd.s32 v7, v54  }
0x3a3: {  	[tilespmem:s30], [sflag:$0x1] =	stream.indirect_vreg.gather [hbm4b:s22+s2], $0x80, v59, vm0, $0xb8;
	[tilespmem:$0x12280] =	vst v63  }
0x3a4: {  	s25 =	sld [smem:$0x68C];
	v58 =	vadd.s32 v7, v58  }
0x3a5: {  	[tilespmem:s31], [sflag:$0x1] =	stream.indirect_vreg.gather [hbm4b:s22+s2], $0x80, v36, vm0, $0xb8;
	[tilespmem:$0x12280] =	vst v63  }
0x3a6: {  	s26 =	sld [smem:$0x68D]  }
0x3a7: {  	[tilespmem:s25], [sflag:$0x1] =	stream.indirect_vreg.gather [hbm4b:s22+s2], $0x80, v33, vm0, $0xb8;
	[tilespmem:$0x12280] =	vst v63  }
0x3a8: {  	_ = 	snop  }
0x3a9: {  	[tilespmem:s26], [sflag:$0x1] =	stream.indirect_vreg.gather [hbm4b:s22+s2], $0x80, v58, vm0, $0xb8;
	[tilespmem:$0x12280] =	vst v63  }
0x3aa: {  	v58 =	vld [tilespmem:s21+$0xFFFFFF10];
	_ =	sdelay $0x4  }
0x3ab: {  	v34 =	vshll.u32 v58, $0x1  }
0x3ac: {  	v58 =	vand.u32 $0x7, v58;
	v59 =	vand.u32 $0xFFFFFFF0, v34  }
0x3ad: {  	v58 =	vor.u32 v58, v59  }
0x3ae: {  	v59 =	vperm.xlane v58, v6;
	_ =	sdelay $0x1  }
0x3af: {  	v36 =	vperm.xlane v58, v5;
	v59 =	vadd.s32 v7, v59;
	_ =	sdelay $0x1  }
0x3b0: {  	s28 =	sld [smem:$0x68E];
	v54 =	vperm.xlane v58, v8;
	v60 =	vadd.s32 v7, v36;
	_ =	sdelay $0x1  }
0x3b1: {  	s29 =	sld [smem:$0x68F];
	v33 =	vperm.xlane v58, v9;
	v61 =	vadd.s32 v7, v54  }
0x3b2: {  	[tilespmem:s28], [sflag:$0x1] =	stream.indirect_vreg.gather [hbm4b:s22+s2], $0x80, v59, vm0, $0xb8;
	[tilespmem:$0x12280] =	vst v63  }
0x3b3: {  	s30 =	sld [smem:$0x690];
	v34 =	vperm.xlane v58, v10;
	v59 =	vadd.s32 v7, v33  }
0x3b4: {  	[tilespmem:s29], [sflag:$0x1] =	stream.indirect_vreg.gather [hbm4b:s22+s2], $0x80, v60, vm0, $0xb8;
	[tilespmem:$0x12280] =	vst v63  }
0x3b5: {  	s31 =	sld [smem:$0x691];
	v36 =	vadd.s32 v7, v34;
	v54 =	vperm.xlane v58, v11  }
0x3b6: {  	[tilespmem:s30], [sflag:$0x1] =	stream.indirect_vreg.gather [hbm4b:s22+s2], $0x80, v61, vm0, $0xb8;
	[tilespmem:$0x12280] =	vst v63  }
0x3b7: {  	s25 =	sld [smem:$0x692];
	v33 =	vperm.xlane v58, v12;
	v61 =	vadd.s32 v7, v54  }
0x3b8: {  	[tilespmem:s31], [sflag:$0x1] =	stream.indirect_vreg.gather [hbm4b:s22+s2], $0x80, v59, vm0, $0xb8;
	[tilespmem:$0x12280] =	vst v63  }
0x3b9: {  	s26 =	sld [smem:$0x693];
	v34 =	vperm.xlane v58, v4;
	v59 =	vadd.s32 v7, v33  }
0x3ba: {  	[tilespmem:s25], [sflag:$0x1] =	stream.indirect_vreg.gather [hbm4b:s22+s2], $0x80, v36, vm0, $0xb8;
	[tilespmem:$0x12280] =	vst v63  }
0x3bb: {  	s28 =	sld [smem:$0x694];
	v54 =	vperm.xlane v58, v13;
	v36 =	vadd.s32 v7, v34  }
0x3bc: {  	[tilespmem:s26], [sflag:$0x1] =	stream.indirect_vreg.gather [hbm4b:s22+s2], $0x80, v61, vm0, $0xb8;
	[tilespmem:$0x12280] =	vst v63  }
0x3bd: {  	s29 =	sld [smem:$0x695];
	v33 =	vperm.xlane v58, v14;
	v61 =	vadd.s32 v7, v54  }
0x3be: {  	[tilespmem:s28], [sflag:$0x1] =	stream.indirect_vreg.gather [hbm4b:s22+s2], $0x80, v59, vm0, $0xb8;
	[tilespmem:$0x12280] =	vst v63  }
0x3bf: {  	s30 =	sld [smem:$0x696];
	v34 =	vperm.xlane v58, v15;
	v59 =	vadd.s32 v7, v33  }
0x3c0: {  	[tilespmem:s29], [sflag:$0x1] =	stream.indirect_vreg.gather [hbm4b:s22+s2], $0x80, v36, vm0, $0xb8;
	[tilespmem:$0x12280] =	vst v63  }
0x3c1: {  	s31 =	sld [smem:$0x697];
	v54 =	vperm.xlane v58, v16;
	v36 =	vadd.s32 v7, v34  }
0x3c2: {  	[tilespmem:s30], [sflag:$0x1] =	stream.indirect_vreg.gather [hbm4b:s22+s2], $0x80, v61, vm0, $0xb8;
	[tilespmem:$0x12280] =	vst v63  }
0x3c3: {  	s25 =	sld [smem:$0x698];
	v33 =	vperm.xlane v58, v18;
	v61 =	vadd.s32 v7, v54  }
0x3c4: {  	[tilespmem:s31], [sflag:$0x1] =	stream.indirect_vreg.gather [hbm4b:s22+s2], $0x80, v59, vm0, $0xb8;
	[tilespmem:$0x12280] =	vst v63  }
0x3c5: {  	s26 =	sld [smem:$0x699];
	v34 =	vperm.xlane v58, v19;
	v59 =	vadd.s32 v7, v33  }
0x3c6: {  	[tilespmem:s25], [sflag:$0x1] =	stream.indirect_vreg.gather [hbm4b:s22+s2], $0x80, v36, vm0, $0xb8;
	[tilespmem:$0x12280] =	vst v63  }
0x3c7: {  	s28 =	sld [smem:$0x69A];
	v54 =	vperm.xlane v58, v20;
	v36 =	vadd.s32 v7, v34  }
0x3c8: {  	[tilespmem:s26], [sflag:$0x1] =	stream.indirect_vreg.gather [hbm4b:s22+s2], $0x80, v61, vm0, $0xb8;
	[tilespmem:$0x12280] =	vst v63  }
0x3c9: {  	s29 =	sld [smem:$0x69B];
	v58 =	vperm.xlane v58, v21;
	v33 =	vadd.s32 v7, v54  }
0x3ca: {  	[tilespmem:s28], [sflag:$0x1] =	stream.indirect_vreg.gather [hbm4b:s22+s2], $0x80, v59, vm0, $0xb8;
	[tilespmem:$0x12280] =	vst v63  }
0x3cb: {  	s30 =	sld [smem:$0x69C];
	v58 =	vadd.s32 v7, v58  }
0x3cc: {  	[tilespmem:s29], [sflag:$0x1] =	stream.indirect_vreg.gather [hbm4b:s22+s2], $0x80, v36, vm0, $0xb8;
	[tilespmem:$0x12280] =	vst v63  }
0x3cd: {  	s31 =	sld [smem:$0x69D]  }
0x3ce: {  	[tilespmem:s30], [sflag:$0x1] =	stream.indirect_vreg.gather [hbm4b:s22+s2], $0x80, v33, vm0, $0xb8;
	[tilespmem:$0x12280] =	vst v63  }
0x3cf: {  	_ = 	snop  }
0x3d0: {  	[tilespmem:s31], [sflag:$0x1] =	stream.indirect_vreg.gather [hbm4b:s22+s2], $0x80, v58, vm0, $0xb8;
	[tilespmem:$0x12280] =	vst v63  }
0x3d1: {  	v58 =	vld [tilespmem:s21+$0xFFFFFF20];
	_ =	sdelay $0x4  }
0x3d2: {  	v34 =	vshll.u32 v58, $0x1  }
0x3d3: {  	v58 =	vand.u32 $0x7, v58;
	v59 =	vand.u32 $0xFFFFFFF0, v34  }
0x3d4: {  	v58 =	vor.u32 v58, v59  }
0x3d5: {  	v59 =	vperm.xlane v58, v6;
	_ =	sdelay $0x1  }
0x3d6: {  	v36 =	vperm.xlane v58, v5;
	v59 =	vadd.s32 v7, v59;
	_ =	sdelay $0x1  }
0x3d7: {  	s24 =	sld [smem:$0x69E];
	v54 =	vperm.xlane v58, v8;
	v60 =	vadd.s32 v7, v36;
	_ =	sdelay $0x1  }
0x3d8: {  	s25 =	sld [smem:$0x69F];
	v33 =	vperm.xlane v58, v9;
	v61 =	vadd.s32 v7, v54  }
0x3d9: {  	[tilespmem:s24], [sflag:$0x1] =	stream.indirect_vreg.gather [hbm4b:s22+s2], $0x80, v59, vm0, $0xb8;
	[tilespmem:$0x12280] =	vst v63  }
0x3da: {  	s26 =	sld [smem:$0x6A0];
	v34 =	vperm.xlane v58, v10;
	v59 =	vadd.s32 v7, v33  }
0x3db: {  	[tilespmem:s25], [sflag:$0x1] =	stream.indirect_vreg.gather [hbm4b:s22+s2], $0x80, v60, vm0, $0xb8;
	[tilespmem:$0x12280] =	vst v63  }
0x3dc: {  	s28 =	sld [smem:$0x6A1];
	v36 =	vadd.s32 v7, v34;
	v54 =	vperm.xlane v58, v11  }
0x3dd: {  	[tilespmem:s26], [sflag:$0x1] =	stream.indirect_vreg.gather [hbm4b:s22+s2], $0x80, v61, vm0, $0xb8;
	[tilespmem:$0x12280] =	vst v63  }
0x3de: {  	s29 =	sld [smem:$0x6A2];
	v33 =	vperm.xlane v58, v12;
	v61 =	vadd.s32 v7, v54  }
0x3df: {  	[tilespmem:s28], [sflag:$0x1] =	stream.indirect_vreg.gather [hbm4b:s22+s2], $0x80, v59, vm0, $0xb8;
	[tilespmem:$0x12280] =	vst v63  }
0x3e0: {  	s30 =	sld [smem:$0x6A3];
	v34 =	vperm.xlane v58, v4;
	v59 =	vadd.s32 v7, v33  }
0x3e1: {  	[tilespmem:s29], [sflag:$0x1] =	stream.indirect_vreg.gather [hbm4b:s22+s2], $0x80, v36, vm0, $0xb8;
	[tilespmem:$0x12280] =	vst v63  }
0x3e2: {  	s31 =	sld [smem:$0x6A4];
	v54 =	vperm.xlane v58, v13;
	v36 =	vadd.s32 v7, v34  }
0x3e3: {  	[tilespmem:s30], [sflag:$0x1] =	stream.indirect_vreg.gather [hbm4b:s22+s2], $0x80, v61, vm0, $0xb8;
	[tilespmem:$0x12280] =	vst v63  }
0x3e4: {  	s25 =	sld [smem:$0x6A5];
	v33 =	vperm.xlane v58, v14;
	v61 =	vadd.s32 v7, v54  }
0x3e5: {  	[tilespmem:s31], [sflag:$0x1] =	stream.indirect_vreg.gather [hbm4b:s22+s2], $0x80, v59, vm0, $0xb8;
	[tilespmem:$0x12280] =	vst v63  }
0x3e6: {  	s26 =	sld [smem:$0x6A6];
	v34 =	vperm.xlane v58, v15;
	v59 =	vadd.s32 v7, v33  }
0x3e7: {  	[tilespmem:s25], [sflag:$0x1] =	stream.indirect_vreg.gather [hbm4b:s22+s2], $0x80, v36, vm0, $0xb8;
	[tilespmem:$0x12280] =	vst v63  }
0x3e8: {  	s28 =	sld [smem:$0x6A7];
	v54 =	vperm.xlane v58, v16;
	v36 =	vadd.s32 v7, v34  }
0x3e9: {  	[tilespmem:s26], [sflag:$0x1] =	stream.indirect_vreg.gather [hbm4b:s22+s2], $0x80, v61, vm0, $0xb8;
	[tilespmem:$0x12280] =	vst v63  }
0x3ea: {  	s29 =	sld [smem:$0x6A8];
	v33 =	vperm.xlane v58, v18;
	v61 =	vadd.s32 v7, v54  }
0x3eb: {  	[tilespmem:s28], [sflag:$0x1] =	stream.indirect_vreg.gather [hbm4b:s22+s2], $0x80, v59, vm0, $0xb8;
	[tilespmem:$0x12280] =	vst v63  }
0x3ec: {  	s30 =	sld [smem:$0x6A9];
	v34 =	vperm.xlane v58, v19;
	v59 =	vadd.s32 v7, v33  }
0x3ed: {  	[tilespmem:s29], [sflag:$0x1] =	stream.indirect_vreg.gather [hbm4b:s22+s2], $0x80, v36, vm0, $0xb8;
	[tilespmem:$0x12280] =	vst v63  }
0x3ee: {  	s31 =	sld [smem:$0x6AA];
	v54 =	vperm.xlane v58, v20;
	v36 =	vadd.s32 v7, v34  }
0x3ef: {  	[tilespmem:s30], [sflag:$0x1] =	stream.indirect_vreg.gather [hbm4b:s22+s2], $0x80, v61, vm0, $0xb8;
	[tilespmem:$0x12280] =	vst v63  }
0x3f0: {  	s25 =	sld [smem:$0x6AB];
	v58 =	vperm.xlane v58, v21;
	v33 =	vadd.s32 v7, v54  }
0x3f1: {  	[tilespmem:s31], [sflag:$0x1] =	stream.indirect_vreg.gather [hbm4b:s22+s2], $0x80, v59, vm0, $0xb8;
	[tilespmem:$0x12280] =	vst v63  }
0x3f2: {  	s26 =	sld [smem:$0x6AC];
	v58 =	vadd.s32 v7, v58  }
0x3f3: {  	[tilespmem:s25], [sflag:$0x1] =	stream.indirect_vreg.gather [hbm4b:s22+s2], $0x80, v36, vm0, $0xb8;
	[tilespmem:$0x12280] =	vst v63  }
0x3f4: {  	s28 =	sld [smem:$0x6AD]  }
0x3f5: {  	[tilespmem:s26], [sflag:$0x1] =	stream.indirect_vreg.gather [hbm4b:s22+s2], $0x80, v33, vm0, $0xb8;
	[tilespmem:$0x12280] =	vst v63  }
0x3f6: {  	_ = 	snop  }
0x3f7: {  	[tilespmem:s28], [sflag:$0x1] =	stream.indirect_vreg.gather [hbm4b:s22+s2], $0x80, v58, vm0, $0xb8;
	[tilespmem:$0x12280] =	vst v63  }
0x3f8: {  	v58 =	vld [tilespmem:s21+$0xFFFFFF30];
	_ =	sdelay $0x4  }
0x3f9: {  	v34 =	vshll.u32 v58, $0x1  }
0x3fa: {  	v58 =	vand.u32 $0x7, v58;
	v59 =	vand.u32 $0xFFFFFFF0, v34  }
0x3fb: {  	v58 =	vor.u32 v58, v59  }
0x3fc: {  	v59 =	vperm.xlane v58, v6;
	_ =	sdelay $0x1  }
0x3fd: {  	v36 =	vperm.xlane v58, v5;
	v59 =	vadd.s32 v7, v59;
	_ =	sdelay $0x1  }
0x3fe: {  	s29 =	sld [smem:$0x6AE];
	v54 =	vperm.xlane v58, v8;
	v60 =	vadd.s32 v7, v36;
	_ =	sdelay $0x1  }
0x3ff: {  	s30 =	sld [smem:$0x6AF];
	v33 =	vperm.xlane v58, v9;
	v61 =	vadd.s32 v7, v54  }
0x400: {  	[tilespmem:s29], [sflag:$0x1] =	stream.indirect_vreg.gather [hbm4b:s22+s2], $0x80, v59, vm0, $0xb8;
	[tilespmem:$0x12280] =	vst v63  }
0x401: {  	s31 =	sld [smem:$0x6B0];
	v34 =	vperm.xlane v58, v10;
	v59 =	vadd.s32 v7, v33  }
0x402: {  	[tilespmem:s30], [sflag:$0x1] =	stream.indirect_vreg.gather [hbm4b:s22+s2], $0x80, v60, vm0, $0xb8;
	[tilespmem:$0x12280] =	vst v63  }
0x403: {  	s25 =	sld [smem:$0x6B1];
	v36 =	vadd.s32 v7, v34;
	v54 =	vperm.xlane v58, v11  }
0x404: {  	[tilespmem:s31], [sflag:$0x1] =	stream.indirect_vreg.gather [hbm4b:s22+s2], $0x80, v61, vm0, $0xb8;
	[tilespmem:$0x12280] =	vst v63  }
0x405: {  	s26 =	sld [smem:$0x6B2];
	v33 =	vperm.xlane v58, v12;
	v61 =	vadd.s32 v7, v54  }
0x406: {  	[tilespmem:s25], [sflag:$0x1] =	stream.indirect_vreg.gather [hbm4b:s22+s2], $0x80, v59, vm0, $0xb8;
	[tilespmem:$0x12280] =	vst v63  }
0x407: {  	s28 =	sld [smem:$0x6B3];
	v34 =	vperm.xlane v58, v4;
	v59 =	vadd.s32 v7, v33  }
0x408: {  	[tilespmem:s26], [sflag:$0x1] =	stream.indirect_vreg.gather [hbm4b:s22+s2], $0x80, v36, vm0, $0xb8;
	[tilespmem:$0x12280] =	vst v63  }
0x409: {  	s29 =	sld [smem:$0x6B4];
	v54 =	vperm.xlane v58, v13;
	v36 =	vadd.s32 v7, v34  }
0x40a: {  	[tilespmem:s28], [sflag:$0x1] =	stream.indirect_vreg.gather [hbm4b:s22+s2], $0x80, v61, vm0, $0xb8;
	[tilespmem:$0x12280] =	vst v63  }
0x40b: {  	s30 =	sld [smem:$0x6B5];
	v33 =	vperm.xlane v58, v14;
	v61 =	vadd.s32 v7, v54  }
0x40c: {  	[tilespmem:s29], [sflag:$0x1] =	stream.indirect_vreg.gather [hbm4b:s22+s2], $0x80, v59, vm0, $0xb8;
	[tilespmem:$0x12280] =	vst v63  }
0x40d: {  	s31 =	sld [smem:$0x6B6];
	v34 =	vperm.xlane v58, v15;
	v59 =	vadd.s32 v7, v33  }
0x40e: {  	[tilespmem:s30], [sflag:$0x1] =	stream.indirect_vreg.gather [hbm4b:s22+s2], $0x80, v36, vm0, $0xb8;
	[tilespmem:$0x12280] =	vst v63  }
0x40f: {  	s25 =	sld [smem:$0x6B7];
	v36 =	vadd.s32 v7, v34  }
0x410: {  	v54 =	vperm.xlane v58, v16;
	[tilespmem:s31], [sflag:$0x1] =	stream.indirect_vreg.gather [hbm4b:s22+s2], $0x80, v61, vm0, $0xb8;
	[tilespmem:$0x12280] =	vst v63  }
0x411: {  	s26 =	sld [smem:$0x6B8]  }
0x412: {  	v33 =	vadd.s32 v7, v54;
	v34 =	vperm.xlane v58, v18;
	[tilespmem:s25], [sflag:$0x1] =	stream.indirect_vreg.gather [hbm4b:s22+s2], $0x80, v59, vm0, $0xb8;
	[tilespmem:$0x12280] =	vst v63  }
0x413: {  	s28 =	sld [smem:$0x6B9]  }
0x414: {  	v59 =	vadd.s32 v7, v34;
	[tilespmem:s26], [sflag:$0x1] =	stream.indirect_vreg.gather [hbm4b:s22+s2], $0x80, v36, vm0, $0xb8;
	v36 =	vperm.xlane v58, v19;
	[tilespmem:$0x12280] =	vst v63  }
0x415: {  	_ = 	snop  }
0x416: {  	s29 =	sld [smem:$0x6BA];
	v54 =	vperm.xlane v58, v20;
	s30 =	sadd.s32 $0x3, s19;
	v60 =	vadd.s32 v7, v36  }
0x417: {  	[tilespmem:s28], [sflag:$0x1] =	stream.indirect_vreg.gather [hbm4b:s22+s2], $0x80, v33, vm0, $0xb8;
	[tilespmem:$0x12280] =	vst v63  }
0x418: {  	s31 =	sld [smem:$0x6BB];
	v61 =	vadd.s32 v7, v54;
	v58 =	vperm.xlane v58, v21;
	v33 =	vmov s30  }
0x419: {  	v34 =	vand.u32 $0xFFFFFFFB, v33;
	[tilespmem:s29], [sflag:$0x1] =	stream.indirect_vreg.gather [hbm4b:s22+s2], $0x80, v59, vm0, $0xb8;
	[tilespmem:$0x12280] =	vst v63  }
0x41a: {  	s26 =	sld [smem:$0x6BC];
	v36 =	vadd.s32 v7, v58;
	v58 =	vbroadcast v34, $0x0  }
0x41b: {  	[tilespmem:s31], [sflag:$0x1] =	stream.indirect_vreg.gather [hbm4b:s22+s2], $0x80, v60, vm0, $0xb8;
	[tilespmem:$0x12280] =	vst v63  }
0x41c: {  	s28 =	sld [smem:$0x6BD]  }
0x41d: {  	[tilespmem:s26], [sflag:$0x1] =	stream.indirect_vreg.gather [hbm4b:s22+s2], $0x80, v61, vm0, $0xb8;
	[tilespmem:$0x12280] =	vst v63  }
0x41e: {  	_ = 	snop  }
0x41f: {  	[tilespmem:s28], [sflag:$0x1] =	stream.indirect_vreg.gather [hbm4b:s22+s2], $0x80, v36, vm0, $0xb8;
	[tilespmem:$0x12280] =	vst v63  }
0x420: {  	v59 =	vld.idx.msk [tilespmem:v58+s12+$0x0], $0xffff;
	_ =	sdelay $0x4  }
0x421: {  	(v2sf) =	vpush v59, $0x0;
	_ =	sdelay $0x2  }
0x422: {  	v54 =	vld [tilespmem:s21+$0xFFFFFF80];
	_ =	sdelay $0x4  }
0x423: {  	v33 =	vshll.u32 v54, $0x1  }
0x424: {  	v59 =	vand.u32 $0x7, v54;
	v60 =	vand.u32 $0xFFFFFFF0, v33  }
0x425: {  	v59 =	vor.u32 v59, v60  }
0x426: {  	v60 =	vperm.xlane v59, v6;
	_ =	sdelay $0x1  }
0x427: {  	v34 =	vperm.xlane v59, v5;
	v60 =	vadd.s32 v7, v60;
	_ =	sdelay $0x1  }
0x428: {  	s30 =	sld [smem:$0x6BE];
	v36 =	vperm.xlane v59, v8;
	v61 =	vadd.s32 v7, v34;
	s29 =	spop (v2sf)  }
0x429: {  	s22 =	sand.u32 $0xFFFFF80, s29  }
0x42a: {  	s31 =	sld [smem:$0x6BF];
	v63 =	vperm.xlane v59, v9;
	v62 =	vadd.s32 v7, v36;
	s22 =	sadd.s32 s1, s22  }
0x42b: {  	[tilespmem:s30], [sflag:$0x1] =	stream.indirect_vreg.gather [hbm4b:s22+s2], $0x80, v60, vm0, $0xb8;
	[tilespmem:$0x12280] =	vst v63  }
0x42c: {  	s25 =	sld [smem:$0x6C0];
	v54 =	vperm.xlane v59, v10;
	v60 =	vadd.s32 v7, v63  }
0x42d: {  	[tilespmem:s31], [sflag:$0x1] =	stream.indirect_vreg.gather [hbm4b:s22+s2], $0x80, v61, vm0, $0xb8;
	[tilespmem:$0x12280] =	vst v63  }
0x42e: {  	s26 =	sld [smem:$0x6C1];
	v33 =	vadd.s32 v7, v54;
	v34 =	vperm.xlane v59, v11  }
0x42f: {  	[tilespmem:s25], [sflag:$0x1] =	stream.indirect_vreg.gather [hbm4b:s22+s2], $0x80, v62, vm0, $0xb8;
	[tilespmem:$0x12280] =	vst v63  }
0x430: {  	s28 =	sld [smem:$0x6C2];
	v36 =	vperm.xlane v59, v12;
	v62 =	vadd.s32 v7, v34  }
0x431: {  	[tilespmem:s26], [sflag:$0x1] =	stream.indirect_vreg.gather [hbm4b:s22+s2], $0x80, v60, vm0, $0xb8;
	[tilespmem:$0x12280] =	vst v63  }
0x432: {  	v54 =	vperm.xlane v59, v4;
	s29 =	sld [smem:$0x6C3];
	v60 =	vadd.s32 v7, v36  }
0x433: {  	[tilespmem:s28], [sflag:$0x1] =	stream.indirect_vreg.gather [hbm4b:s22+s2], $0x80, v33, vm0, $0xb8;
	[tilespmem:$0x12280] =	vst v63  }
0x434: {  	s30 =	sld [smem:$0x6C4];
	v34 =	vperm.xlane v59, v13;
	v33 =	vadd.s32 v7, v54  }
0x435: {  	[tilespmem:s29], [sflag:$0x1] =	stream.indirect_vreg.gather [hbm4b:s22+s2], $0x80, v62, vm0, $0xb8;
	[tilespmem:$0x12280] =	vst v63  }
0x436: {  	s31 =	sld [smem:$0x6C5];
	v36 =	vperm.xlane v59, v14;
	v62 =	vadd.s32 v7, v34  }
0x437: {  	[tilespmem:s30], [sflag:$0x1] =	stream.indirect_vreg.gather [hbm4b:s22+s2], $0x80, v60, vm0, $0xb8;
	[tilespmem:$0x12280] =	vst v63  }
0x438: {  	s25 =	sld [smem:$0x6C6];
	v54 =	vperm.xlane v59, v15;
	v60 =	vadd.s32 v7, v36  }
0x439: {  	[tilespmem:s31], [sflag:$0x1] =	stream.indirect_vreg.gather [hbm4b:s22+s2], $0x80, v33, vm0, $0xb8;
	[tilespmem:$0x12280] =	vst v63  }
0x43a: {  	s26 =	sld [smem:$0x6C7];
	v34 =	vperm.xlane v59, v16;
	v33 =	vadd.s32 v7, v54  }
0x43b: {  	[tilespmem:s25], [sflag:$0x1] =	stream.indirect_vreg.gather [hbm4b:s22+s2], $0x80, v62, vm0, $0xb8;
	[tilespmem:$0x12280] =	vst v63  }
0x43c: {  	s28 =	sld [smem:$0x6C8];
	v36 =	vperm.xlane v59, v18;
	v62 =	vadd.s32 v7, v34  }
0x43d: {  	[tilespmem:s26], [sflag:$0x1] =	stream.indirect_vreg.gather [hbm4b:s22+s2], $0x80, v60, vm0, $0xb8;
	[tilespmem:$0x12280] =	vst v63  }
0x43e: {  	s29 =	sld [smem:$0x6C9];
	v54 =	vperm.xlane v59, v19;
	v60 =	vadd.s32 v7, v36  }
0x43f: {  	[tilespmem:s28], [sflag:$0x1] =	stream.indirect_vreg.gather [hbm4b:s22+s2], $0x80, v33, vm0, $0xb8;
	[tilespmem:$0x12280] =	vst v63  }
0x440: {  	s30 =	sld [smem:$0x6CA];
	v34 =	vperm.xlane v59, v20;
	v33 =	vadd.s32 v7, v54  }
0x441: {  	[tilespmem:s29], [sflag:$0x1] =	stream.indirect_vreg.gather [hbm4b:s22+s2], $0x80, v62, vm0, $0xb8;
	[tilespmem:$0x12280] =	vst v63  }
0x442: {  	s31 =	sld [smem:$0x6CB];
	v59 =	vperm.xlane v59, v21;
	v36 =	vadd.s32 v7, v34  }
0x443: {  	[tilespmem:s30], [sflag:$0x1] =	stream.indirect_vreg.gather [hbm4b:s22+s2], $0x80, v60, vm0, $0xb8;
	[tilespmem:$0x12280] =	vst v63  }
0x444: {  	s25 =	sld [smem:$0x6CC];
	v59 =	vadd.s32 v7, v59  }
0x445: {  	[tilespmem:s31], [sflag:$0x1] =	stream.indirect_vreg.gather [hbm4b:s22+s2], $0x80, v33, vm0, $0xb8;
	[tilespmem:$0x12280] =	vst v63  }
0x446: {  	s26 =	sld [smem:$0x6CD]  }
0x447: {  	[tilespmem:s25], [sflag:$0x1] =	stream.indirect_vreg.gather [hbm4b:s22+s2], $0x80, v36, vm0, $0xb8;
	[tilespmem:$0x12280] =	vst v63  }
0x448: {  	_ = 	snop  }
0x449: {  	[tilespmem:s26], [sflag:$0x1] =	stream.indirect_vreg.gather [hbm4b:s22+s2], $0x80, v59, vm0, $0xb8;
	[tilespmem:$0x12280] =	vst v63  }
0x44a: {  	v59 =	vld [tilespmem:s21+$0xFFFFFF90];
	_ =	sdelay $0x4  }
0x44b: {  	v54 =	vshll.u32 v59, $0x1  }
0x44c: {  	v59 =	vand.u32 $0x7, v59;
	v60 =	vand.u32 $0xFFFFFFF0, v54  }
0x44d: {  	v59 =	vor.u32 v59, v60  }
0x44e: {  	v60 =	vperm.xlane v59, v6;
	_ =	sdelay $0x1  }
0x44f: {  	v33 =	vperm.xlane v59, v5;
	v60 =	vadd.s32 v7, v60;
	_ =	sdelay $0x1  }
0x450: {  	s28 =	sld [smem:$0x6CE];
	v34 =	vperm.xlane v59, v8;
	v61 =	vadd.s32 v7, v33;
	_ =	sdelay $0x1  }
0x451: {  	s29 =	sld [smem:$0x6CF];
	v36 =	vperm.xlane v59, v9;
	v62 =	vadd.s32 v7, v34  }
0x452: {  	[tilespmem:s28], [sflag:$0x1] =	stream.indirect_vreg.gather [hbm4b:s22+s2], $0x80, v60, vm0, $0xb8;
	[tilespmem:$0x12280] =	vst v63  }
0x453: {  	s30 =	sld [smem:$0x6D0];
	v54 =	vperm.xlane v59, v10;
	v60 =	vadd.s32 v7, v36  }
0x454: {  	[tilespmem:s29], [sflag:$0x1] =	stream.indirect_vreg.gather [hbm4b:s22+s2], $0x80, v61, vm0, $0xb8;
	[tilespmem:$0x12280] =	vst v63  }
0x455: {  	s31 =	sld [smem:$0x6D1];
	v33 =	vadd.s32 v7, v54;
	v34 =	vperm.xlane v59, v11  }
0x456: {  	[tilespmem:s30], [sflag:$0x1] =	stream.indirect_vreg.gather [hbm4b:s22+s2], $0x80, v62, vm0, $0xb8;
	[tilespmem:$0x12280] =	vst v63  }
0x457: {  	s25 =	sld [smem:$0x6D2];
	v36 =	vperm.xlane v59, v12;
	v62 =	vadd.s32 v7, v34  }
0x458: {  	[tilespmem:s31], [sflag:$0x1] =	stream.indirect_vreg.gather [hbm4b:s22+s2], $0x80, v60, vm0, $0xb8;
	[tilespmem:$0x12280] =	vst v63  }
0x459: {  	s26 =	sld [smem:$0x6D3];
	v54 =	vperm.xlane v59, v4;
	v60 =	vadd.s32 v7, v36  }
0x45a: {  	[tilespmem:s25], [sflag:$0x1] =	stream.indirect_vreg.gather [hbm4b:s22+s2], $0x80, v33, vm0, $0xb8;
	[tilespmem:$0x12280] =	vst v63  }
0x45b: {  	s28 =	sld [smem:$0x6D4];
	v34 =	vperm.xlane v59, v13;
	v33 =	vadd.s32 v7, v54  }
0x45c: {  	[tilespmem:s26], [sflag:$0x1] =	stream.indirect_vreg.gather [hbm4b:s22+s2], $0x80, v62, vm0, $0xb8;
	[tilespmem:$0x12280] =	vst v63  }
0x45d: {  	s29 =	sld [smem:$0x6D5];
	v36 =	vperm.xlane v59, v14;
	v62 =	vadd.s32 v7, v34  }
0x45e: {  	[tilespmem:s28], [sflag:$0x1] =	stream.indirect_vreg.gather [hbm4b:s22+s2], $0x80, v60, vm0, $0xb8;
	[tilespmem:$0x12280] =	vst v63  }
0x45f: {  	s30 =	sld [smem:$0x6D6];
	v54 =	vperm.xlane v59, v15;
	v60 =	vadd.s32 v7, v36  }
0x460: {  	[tilespmem:s29], [sflag:$0x1] =	stream.indirect_vreg.gather [hbm4b:s22+s2], $0x80, v33, vm0, $0xb8;
	[tilespmem:$0x12280] =	vst v63  }
0x461: {  	s31 =	sld [smem:$0x6D7];
	v34 =	vperm.xlane v59, v16;
	v33 =	vadd.s32 v7, v54  }
0x462: {  	[tilespmem:s30], [sflag:$0x1] =	stream.indirect_vreg.gather [hbm4b:s22+s2], $0x80, v62, vm0, $0xb8;
	[tilespmem:$0x12280] =	vst v63  }
0x463: {  	s25 =	sld [smem:$0x6D8];
	v36 =	vperm.xlane v59, v18;
	v62 =	vadd.s32 v7, v34  }
0x464: {  	[tilespmem:s31], [sflag:$0x1] =	stream.indirect_vreg.gather [hbm4b:s22+s2], $0x80, v60, vm0, $0xb8;
	[tilespmem:$0x12280] =	vst v63  }
0x465: {  	s26 =	sld [smem:$0x6D9];
	v54 =	vperm.xlane v59, v19;
	v60 =	vadd.s32 v7, v36  }
0x466: {  	[tilespmem:s25], [sflag:$0x1] =	stream.indirect_vreg.gather [hbm4b:s22+s2], $0x80, v33, vm0, $0xb8;
	[tilespmem:$0x12280] =	vst v63  }
0x467: {  	s28 =	sld [smem:$0x6DA];
	v34 =	vperm.xlane v59, v20;
	v33 =	vadd.s32 v7, v54  }
0x468: {  	[tilespmem:s26], [sflag:$0x1] =	stream.indirect_vreg.gather [hbm4b:s22+s2], $0x80, v62, vm0, $0xb8;
	[tilespmem:$0x12280] =	vst v63  }
0x469: {  	s29 =	sld [smem:$0x6DB];
	v59 =	vperm.xlane v59, v21;
	v36 =	vadd.s32 v7, v34  }
0x46a: {  	[tilespmem:s28], [sflag:$0x1] =	stream.indirect_vreg.gather [hbm4b:s22+s2], $0x80, v60, vm0, $0xb8;
	[tilespmem:$0x12280] =	vst v63  }
0x46b: {  	s30 =	sld [smem:$0x6DC];
	v59 =	vadd.s32 v7, v59  }
0x46c: {  	[tilespmem:s29], [sflag:$0x1] =	stream.indirect_vreg.gather [hbm4b:s22+s2], $0x80, v33, vm0, $0xb8;
	[tilespmem:$0x12280] =	vst v63  }
0x46d: {  	s31 =	sld [smem:$0x6DD]  }
0x46e: {  	[tilespmem:s30], [sflag:$0x1] =	stream.indirect_vreg.gather [hbm4b:s22+s2], $0x80, v36, vm0, $0xb8;
	[tilespmem:$0x12280] =	vst v63  }
0x46f: {  	_ = 	snop  }
0x470: {  	[tilespmem:s31], [sflag:$0x1] =	stream.indirect_vreg.gather [hbm4b:s22+s2], $0x80, v59, vm0, $0xb8;
	[tilespmem:$0x12280] =	vst v63  }
0x471: {  	v59 =	vld [tilespmem:s21+$0xFFFFFFA0];
	_ =	sdelay $0x4  }
0x472: {  	v54 =	vshll.u32 v59, $0x1  }
0x473: {  	v59 =	vand.u32 $0x7, v59;
	v60 =	vand.u32 $0xFFFFFFF0, v54  }
0x474: {  	v59 =	vor.u32 v59, v60  }
0x475: {  	v60 =	vperm.xlane v59, v6;
	_ =	sdelay $0x1  }
0x476: {  	v33 =	vperm.xlane v59, v5;
	v60 =	vadd.s32 v7, v60;
	_ =	sdelay $0x1  }
0x477: {  	s24 =	sld [smem:$0x6DE];
	v34 =	vperm.xlane v59, v8;
	v61 =	vadd.s32 v7, v33;
	_ =	sdelay $0x1  }
0x478: {  	s25 =	sld [smem:$0x6DF];
	v36 =	vperm.xlane v59, v9;
	v62 =	vadd.s32 v7, v34  }
0x479: {  	[tilespmem:s24], [sflag:$0x1] =	stream.indirect_vreg.gather [hbm4b:s22+s2], $0x80, v60, vm0, $0xb8;
	[tilespmem:$0x12280] =	vst v63  }
0x47a: {  	s26 =	sld [smem:$0x6E0];
	v54 =	vperm.xlane v59, v10;
	v60 =	vadd.s32 v7, v36  }
0x47b: {  	[tilespmem:s25], [sflag:$0x1] =	stream.indirect_vreg.gather [hbm4b:s22+s2], $0x80, v61, vm0, $0xb8;
	[tilespmem:$0x12280] =	vst v63  }
0x47c: {  	s28 =	sld [smem:$0x6E1];
	v33 =	vadd.s32 v7, v54;
	v34 =	vperm.xlane v59, v11  }
0x47d: {  	[tilespmem:s26], [sflag:$0x1] =	stream.indirect_vreg.gather [hbm4b:s22+s2], $0x80, v62, vm0, $0xb8;
	[tilespmem:$0x12280] =	vst v63  }
0x47e: {  	s29 =	sld [smem:$0x6E2];
	v36 =	vperm.xlane v59, v12;
	v62 =	vadd.s32 v7, v34  }
0x47f: {  	[tilespmem:s28], [sflag:$0x1] =	stream.indirect_vreg.gather [hbm4b:s22+s2], $0x80, v60, vm0, $0xb8;
	[tilespmem:$0x12280] =	vst v63  }
0x480: {  	s30 =	sld [smem:$0x6E3];
	v54 =	vperm.xlane v59, v4;
	v60 =	vadd.s32 v7, v36  }
0x481: {  	[tilespmem:s29], [sflag:$0x1] =	stream.indirect_vreg.gather [hbm4b:s22+s2], $0x80, v33, vm0, $0xb8;
	[tilespmem:$0x12280] =	vst v63  }
0x482: {  	s31 =	sld [smem:$0x6E4];
	v34 =	vperm.xlane v59, v13;
	v33 =	vadd.s32 v7, v54  }
0x483: {  	[tilespmem:s30], [sflag:$0x1] =	stream.indirect_vreg.gather [hbm4b:s22+s2], $0x80, v62, vm0, $0xb8;
	[tilespmem:$0x12280] =	vst v63  }
0x484: {  	s25 =	sld [smem:$0x6E5];
	v36 =	vperm.xlane v59, v14;
	v62 =	vadd.s32 v7, v34  }
0x485: {  	[tilespmem:s31], [sflag:$0x1] =	stream.indirect_vreg.gather [hbm4b:s22+s2], $0x80, v60, vm0, $0xb8;
	[tilespmem:$0x12280] =	vst v63  }
0x486: {  	s26 =	sld [smem:$0x6E6];
	v54 =	vperm.xlane v59, v15;
	v60 =	vadd.s32 v7, v36  }
0x487: {  	[tilespmem:s25], [sflag:$0x1] =	stream.indirect_vreg.gather [hbm4b:s22+s2], $0x80, v33, vm0, $0xb8;
	[tilespmem:$0x12280] =	vst v63  }
0x488: {  	s28 =	sld [smem:$0x6E7];
	v34 =	vperm.xlane v59, v16;
	v33 =	vadd.s32 v7, v54  }
0x489: {  	[tilespmem:s26], [sflag:$0x1] =	stream.indirect_vreg.gather [hbm4b:s22+s2], $0x80, v62, vm0, $0xb8;
	[tilespmem:$0x12280] =	vst v63  }
0x48a: {  	s29 =	sld [smem:$0x6E8];
	v36 =	vperm.xlane v59, v18;
	v62 =	vadd.s32 v7, v34  }
0x48b: {  	[tilespmem:s28], [sflag:$0x1] =	stream.indirect_vreg.gather [hbm4b:s22+s2], $0x80, v60, vm0, $0xb8;
	[tilespmem:$0x12280] =	vst v63  }
0x48c: {  	s30 =	sld [smem:$0x6E9];
	v54 =	vperm.xlane v59, v19;
	v60 =	vadd.s32 v7, v36  }
0x48d: {  	[tilespmem:s29], [sflag:$0x1] =	stream.indirect_vreg.gather [hbm4b:s22+s2], $0x80, v33, vm0, $0xb8;
	[tilespmem:$0x12280] =	vst v63  }
0x48e: {  	s31 =	sld [smem:$0x6EA];
	v34 =	vperm.xlane v59, v20;
	v33 =	vadd.s32 v7, v54  }
0x48f: {  	[tilespmem:s30], [sflag:$0x1] =	stream.indirect_vreg.gather [hbm4b:s22+s2], $0x80, v62, vm0, $0xb8;
	[tilespmem:$0x12280] =	vst v63  }
0x490: {  	s25 =	sld [smem:$0x6EB];
	v59 =	vperm.xlane v59, v21;
	v36 =	vadd.s32 v7, v34  }
0x491: {  	[tilespmem:s31], [sflag:$0x1] =	stream.indirect_vreg.gather [hbm4b:s22+s2], $0x80, v60, vm0, $0xb8;
	[tilespmem:$0x12280] =	vst v63  }
0x492: {  	s26 =	sld [smem:$0x6EC];
	v59 =	vadd.s32 v7, v59  }
0x493: {  	[tilespmem:s25], [sflag:$0x1] =	stream.indirect_vreg.gather [hbm4b:s22+s2], $0x80, v33, vm0, $0xb8;
	[tilespmem:$0x12280] =	vst v63  }
0x494: {  	s28 =	sld [smem:$0x6ED]  }
0x495: {  	[tilespmem:s26], [sflag:$0x1] =	stream.indirect_vreg.gather [hbm4b:s22+s2], $0x80, v36, vm0, $0xb8;
	[tilespmem:$0x12280] =	vst v63  }
0x496: {  	_ = 	snop  }
0x497: {  	[tilespmem:s28], [sflag:$0x1] =	stream.indirect_vreg.gather [hbm4b:s22+s2], $0x80, v59, vm0, $0xb8;
	[tilespmem:$0x12280] =	vst v63  }
0x498: {  	v59 =	vld [tilespmem:s21+$0xFFFFFFB0];
	_ =	sdelay $0x4  }
0x499: {  	v54 =	vshll.u32 v59, $0x1  }
0x49a: {  	v59 =	vand.u32 $0x7, v59;
	v60 =	vand.u32 $0xFFFFFFF0, v54  }
0x49b: {  	v59 =	vor.u32 v59, v60  }
0x49c: {  	v60 =	vperm.xlane v59, v6;
	_ =	sdelay $0x1  }
0x49d: {  	v33 =	vperm.xlane v59, v5;
	v60 =	vadd.s32 v7, v60;
	_ =	sdelay $0x1  }
0x49e: {  	s29 =	sld [smem:$0x6EE];
	v34 =	vperm.xlane v59, v8;
	v61 =	vadd.s32 v7, v33;
	_ =	sdelay $0x1  }
0x49f: {  	s30 =	sld [smem:$0x6EF];
	v36 =	vperm.xlane v59, v9;
	v62 =	vadd.s32 v7, v34  }
0x4a0: {  	[tilespmem:s29], [sflag:$0x1] =	stream.indirect_vreg.gather [hbm4b:s22+s2], $0x80, v60, vm0, $0xb8;
	[tilespmem:$0x12280] =	vst v63  }
0x4a1: {  	s31 =	sld [smem:$0x6F0];
	v54 =	vperm.xlane v59, v10;
	v60 =	vadd.s32 v7, v36  }
0x4a2: {  	[tilespmem:s30], [sflag:$0x1] =	stream.indirect_vreg.gather [hbm4b:s22+s2], $0x80, v61, vm0, $0xb8;
	[tilespmem:$0x12280] =	vst v63  }
0x4a3: {  	s25 =	sld [smem:$0x6F1];
	v33 =	vadd.s32 v7, v54;
	v34 =	vperm.xlane v59, v11  }
0x4a4: {  	[tilespmem:s31], [sflag:$0x1] =	stream.indirect_vreg.gather [hbm4b:s22+s2], $0x80, v62, vm0, $0xb8;
	[tilespmem:$0x12280] =	vst v63  }
0x4a5: {  	s26 =	sld [smem:$0x6F2];
	v36 =	vperm.xlane v59, v12;
	v62 =	vadd.s32 v7, v34  }
0x4a6: {  	[tilespmem:s25], [sflag:$0x1] =	stream.indirect_vreg.gather [hbm4b:s22+s2], $0x80, v60, vm0, $0xb8;
	[tilespmem:$0x12280] =	vst v63  }
0x4a7: {  	s28 =	sld [smem:$0x6F3];
	v54 =	vperm.xlane v59, v4;
	v60 =	vadd.s32 v7, v36  }
0x4a8: {  	[tilespmem:s26], [sflag:$0x1] =	stream.indirect_vreg.gather [hbm4b:s22+s2], $0x80, v33, vm0, $0xb8;
	[tilespmem:$0x12280] =	vst v63  }
0x4a9: {  	s29 =	sld [smem:$0x6F4];
	v34 =	vperm.xlane v59, v13;
	v33 =	vadd.s32 v7, v54  }
0x4aa: {  	[tilespmem:s28], [sflag:$0x1] =	stream.indirect_vreg.gather [hbm4b:s22+s2], $0x80, v62, vm0, $0xb8;
	[tilespmem:$0x12280] =	vst v63  }
0x4ab: {  	s30 =	sld [smem:$0x6F5];
	v36 =	vperm.xlane v59, v14;
	v62 =	vadd.s32 v7, v34  }
0x4ac: {  	[tilespmem:s29], [sflag:$0x1] =	stream.indirect_vreg.gather [hbm4b:s22+s2], $0x80, v60, vm0, $0xb8;
	[tilespmem:$0x12280] =	vst v63  }
0x4ad: {  	s31 =	sld [smem:$0x6F6];
	v54 =	vperm.xlane v59, v15;
	v60 =	vadd.s32 v7, v36  }
0x4ae: {  	[tilespmem:s30], [sflag:$0x1] =	stream.indirect_vreg.gather [hbm4b:s22+s2], $0x80, v33, vm0, $0xb8;
	[tilespmem:$0x12280] =	vst v63  }
0x4af: {  	s25 =	sld [smem:$0x6F7];
	v33 =	vadd.s32 v7, v54  }
0x4b0: {  	v34 =	vperm.xlane v59, v16;
	[tilespmem:s31], [sflag:$0x1] =	stream.indirect_vreg.gather [hbm4b:s22+s2], $0x80, v62, vm0, $0xb8;
	[tilespmem:$0x12280] =	vst v63  }
0x4b1: {  	s26 =	sld [smem:$0x6F8]  }
0x4b2: {  	v36 =	vadd.s32 v7, v34;
	v54 =	vperm.xlane v59, v18;
	[tilespmem:s25], [sflag:$0x1] =	stream.indirect_vreg.gather [hbm4b:s22+s2], $0x80, v60, vm0, $0xb8;
	[tilespmem:$0x12280] =	vst v63  }
0x4b3: {  	s28 =	sld [smem:$0x6F9]  }
0x4b4: {  	v60 =	vadd.s32 v7, v54;
	[tilespmem:s26], [sflag:$0x1] =	stream.indirect_vreg.gather [hbm4b:s22+s2], $0x80, v33, vm0, $0xb8;
	v33 =	vperm.xlane v59, v19;
	[tilespmem:$0x12280] =	vst v63  }
0x4b5: {  	_ = 	snop  }
0x4b6: {  	s29 =	sld [smem:$0x6FA];
	v34 =	vperm.xlane v59, v20;
	s30 =	sadd.s32 $0x4, s19;
	v61 =	vadd.s32 v7, v33  }
0x4b7: {  	[tilespmem:s28], [sflag:$0x1] =	stream.indirect_vreg.gather [hbm4b:s22+s2], $0x80, v36, vm0, $0xb8;
	[tilespmem:$0x12280] =	vst v63  }
0x4b8: {  	s31 =	sld [smem:$0x6FB];
	v62 =	vadd.s32 v7, v34;
	v59 =	vperm.xlane v59, v21;
	v36 =	vmov s30  }
0x4b9: {  	v54 =	vand.u32 $0xFFFFFFFC, v36;
	[tilespmem:s29], [sflag:$0x1] =	stream.indirect_vreg.gather [hbm4b:s22+s2], $0x80, v60, vm0, $0xb8;
	[tilespmem:$0x12280] =	vst v63  }
0x4ba: {  	s24 =	sld [smem:$0x6FC];
	v33 =	vadd.s32 v7, v59;
	v22 =	vbroadcast v54, $0x0  }
0x4bb: {  	[tilespmem:s31], [sflag:$0x1] =	stream.indirect_vreg.gather [hbm4b:s22+s2], $0x80, v61, vm0, $0xb8;
	[tilespmem:$0x12280] =	vst v63  }
0x4bc: {  	s25 =	sld [smem:$0x6FD]  }
0x4bd: {  	[tilespmem:s24], [sflag:$0x1] =	stream.indirect_vreg.gather [hbm4b:s22+s2], $0x80, v62, vm0, $0xb8;
	[tilespmem:$0x12280] =	vst v63  }
0x4be: {  	_ = 	snop  }
0x4bf: {  	[tilespmem:s25], [sflag:$0x1] =	stream.indirect_vreg.gather [hbm4b:s22+s2], $0x80, v33, vm0, $0xb8;
	[tilespmem:$0x12280] =	vst v63  }
0x4c0: {  	v60 =	vld.idx.msk [tilespmem:v22+s12+$0x0], $0xffff;
	_ =	sdelay $0x4  }
0x4c1: {  	(v2sf) =	vpush v60, $0x0;
	_ =	sdelay $0x2  }
0x4c2: {  	v34 =	vld [tilespmem:s21+$0x0];
	_ =	sdelay $0x4  }
0x4c3: {  	v36 =	vshll.u32 v34, $0x1  }
0x4c4: {  	v60 =	vand.u32 $0x7, v34;
	v61 =	vand.u32 $0xFFFFFFF0, v36  }
0x4c5: {  	v60 =	vor.u32 v60, v61  }
0x4c6: {  	v61 =	vperm.xlane v60, v6;
	_ =	sdelay $0x1  }
0x4c7: {  	v54 =	vperm.xlane v60, v5;
	v61 =	vadd.s32 v7, v61;
	_ =	sdelay $0x1  }
0x4c8: {  	s28 =	sld [smem:$0x6FE];
	v59 =	vperm.xlane v60, v8;
	v62 =	vadd.s32 v7, v54;
	s26 =	spop (v2sf)  }
0x4c9: {  	s22 =	sand.u32 $0xFFFFF80, s26  }
0x4ca: {  	s29 =	sld [smem:$0x6FF];
	[tilespmem:$0x1FF40] =	vst v22;
	v22 =	vperm.xlane v60, v9;
	v63 =	vadd.s32 v7, v59;
	s22 =	sadd.s32 s1, s22  }
0x4cb: {  	[tilespmem:s28], [sflag:$0x2] =	stream.indirect_vreg.gather [hbm4b:s22+s2], $0x80, v61, vm0, $0xb8;
	[tilespmem:$0x12280] =	vst v63  }
0x4cc: {  	s30 =	sld [smem:$0x700];
	v33 =	vperm.xlane v60, v10;
	v22 =	vadd.s32 v7, v22  }
0x4cd: {  	[tilespmem:s29], [sflag:$0x2] =	stream.indirect_vreg.gather [hbm4b:s22+s2], $0x80, v62, vm0, $0xb8;
	[tilespmem:$0x12280] =	vst v63  }
0x4ce: {  	s31 =	sld [smem:$0x701];
	v34 =	vperm.xlane v60, v11;
	v61 =	vadd.s32 v7, v33  }
0x4cf: {  	[tilespmem:s30], [sflag:$0x2] =	stream.indirect_vreg.gather [hbm4b:s22+s2], $0x80, v63, vm0, $0xb8;
	[tilespmem:$0x12280] =	vst v63  }
0x4d0: {  	s25 =	sld [smem:$0x702];
	v36 =	vperm.xlane v60, v12;
	v62 =	vadd.s32 v7, v34  }
0x4d1: {  	[tilespmem:s31], [sflag:$0x2] =	stream.indirect_vreg.gather [hbm4b:s22+s2], $0x80, v22, vm0, $0xb8;
	[tilespmem:$0x12280] =	vst v63  }
0x4d2: {  	v54 =	vperm.xlane v60, v4;
	s26 =	sld [smem:$0x703];
	v22 =	vadd.s32 v7, v36  }
0x4d3: {  	[tilespmem:s25], [sflag:$0x2] =	stream.indirect_vreg.gather [hbm4b:s22+s2], $0x80, v61, vm0, $0xb8;
	[tilespmem:$0x12280] =	vst v63  }
0x4d4: {  	v59 =	vadd.s32 v7, v54;
	s28 =	sld [smem:$0x704];
	v33 =	vperm.xlane v60, v13  }
0x4d5: {  	[tilespmem:s26], [sflag:$0x2] =	stream.indirect_vreg.gather [hbm4b:s22+s2], $0x80, v62, vm0, $0xb8;
	[tilespmem:$0x12280] =	vst v63  }
0x4d6: {  	s29 =	sld [smem:$0x705];
	v34 =	vadd.s32 v7, v33;
	v36 =	vperm.xlane v60, v14  }
0x4d7: {  	[tilespmem:s28], [sflag:$0x2] =	stream.indirect_vreg.gather [hbm4b:s22+s2], $0x80, v22, vm0, $0xb8;
	[tilespmem:$0x12280] =	vst v63  }
0x4d8: {  	v54 =	vperm.xlane v60, v15;
	s30 =	sld [smem:$0x706];
	v22 =	vadd.s32 v7, v36  }
0x4d9: {  	[tilespmem:s29], [sflag:$0x2] =	stream.indirect_vreg.gather [hbm4b:s22+s2], $0x80, v59, vm0, $0xb8;
	[tilespmem:$0x12280] =	vst v63  }
0x4da: {  	v33 =	vperm.xlane v60, v16;
	s31 =	sld [smem:$0x707];
	v59 =	vadd.s32 v7, v54  }
0x4db: {  	[tilespmem:s30], [sflag:$0x2] =	stream.indirect_vreg.gather [hbm4b:s22+s2], $0x80, v34, vm0, $0xb8;
	[tilespmem:$0x12280] =	vst v63  }
0x4dc: {  	s25 =	sld [smem:$0x708];
	v36 =	vperm.xlane v60, v18;
	v34 =	vadd.s32 v7, v33  }
0x4dd: {  	[tilespmem:s31], [sflag:$0x2] =	stream.indirect_vreg.gather [hbm4b:s22+s2], $0x80, v22, vm0, $0xb8;
	[tilespmem:$0x12280] =	vst v63  }
0x4de: {  	s26 =	sld [smem:$0x709];
	v54 =	vperm.xlane v60, v19;
	v22 =	vadd.s32 v7, v36  }
0x4df: {  	[tilespmem:s25], [sflag:$0x2] =	stream.indirect_vreg.gather [hbm4b:s22+s2], $0x80, v59, vm0, $0xb8;
	[tilespmem:$0x12280] =	vst v63  }
0x4e0: {  	s28 =	sld [smem:$0x70A];
	v33 =	vperm.xlane v60, v20;
	v59 =	vadd.s32 v7, v54  }
0x4e1: {  	[tilespmem:s26], [sflag:$0x2] =	stream.indirect_vreg.gather [hbm4b:s22+s2], $0x80, v34, vm0, $0xb8;
	[tilespmem:$0x12280] =	vst v63  }
0x4e2: {  	s29 =	sld [smem:$0x70F];
	v60 =	vperm.xlane v60, v21;
	v34 =	vadd.s32 v7, v33  }
0x4e3: {  	[tilespmem:s28], [sflag:$0x2] =	stream.indirect_vreg.gather [hbm4b:s22+s2], $0x80, v22, vm0, $0xb8;
	[tilespmem:$0x12280] =	vst v63  }
0x4e4: {  	s30 =	sld [smem:$0x710];
	v22 =	vadd.s32 v7, v60  }
0x4e5: {  	[tilespmem:s29], [sflag:$0x2] =	stream.indirect_vreg.gather [hbm4b:s22+s2], $0x80, v59, vm0, $0xb8;
	[tilespmem:$0x12280] =	vst v63  }
0x4e6: {  	s31 =	sld [smem:$0x711]  }
0x4e7: {  	[tilespmem:s30], [sflag:$0x2] =	stream.indirect_vreg.gather [hbm4b:s22+s2], $0x80, v34, vm0, $0xb8;
	[tilespmem:$0x12280] =	vst v63  }
0x4e8: {  	_ = 	snop  }
0x4e9: {  	[tilespmem:s31], [sflag:$0x2] =	stream.indirect_vreg.gather [hbm4b:s22+s2], $0x80, v22, vm0, $0xb8;
	[tilespmem:$0x12280] =	vst v63  }
0x4ea: {  	v22 =	vld [tilespmem:s21+$0x10];
	_ =	sdelay $0x4  }
0x4eb: {  	v36 =	vshll.u32 v22, $0x1  }
0x4ec: {  	v22 =	vand.u32 $0x7, v22;
	v60 =	vand.u32 $0xFFFFFFF0, v36  }
0x4ed: {  	v22 =	vor.u32 v22, v60  }
0x4ee: {  	v60 =	vperm.xlane v22, v6;
	_ =	sdelay $0x1  }
0x4ef: {  	v54 =	vperm.xlane v22, v5;
	v60 =	vadd.s32 v7, v60;
	_ =	sdelay $0x1  }
0x4f0: {  	s24 =	sld [smem:$0x712];
	v59 =	vperm.xlane v22, v8;
	v61 =	vadd.s32 v7, v54;
	_ =	sdelay $0x1  }
0x4f1: {  	s25 =	sld [smem:$0x713];
	v33 =	vperm.xlane v22, v9;
	v62 =	vadd.s32 v7, v59  }
0x4f2: {  	[tilespmem:s24], [sflag:$0x2] =	stream.indirect_vreg.gather [hbm4b:s22+s2], $0x80, v60, vm0, $0xb8;
	[tilespmem:$0x12280] =	vst v63  }
0x4f3: {  	s26 =	sld [smem:$0x714];
	v36 =	vperm.xlane v22, v10;
	v34 =	vadd.s32 v7, v33  }
0x4f4: {  	[tilespmem:s25], [sflag:$0x2] =	stream.indirect_vreg.gather [hbm4b:s22+s2], $0x80, v61, vm0, $0xb8;
	[tilespmem:$0x12280] =	vst v63  }
0x4f5: {  	s28 =	sld [smem:$0x715];
	v54 =	vadd.s32 v7, v36;
	v59 =	vperm.xlane v22, v11  }
0x4f6: {  	[tilespmem:s26], [sflag:$0x2] =	stream.indirect_vreg.gather [hbm4b:s22+s2], $0x80, v62, vm0, $0xb8;
	[tilespmem:$0x12280] =	vst v63  }
0x4f7: {  	s29 =	sld [smem:$0x716];
	v33 =	vperm.xlane v22, v12;
	v62 =	vadd.s32 v7, v59  }
0x4f8: {  	[tilespmem:s28], [sflag:$0x2] =	stream.indirect_vreg.gather [hbm4b:s22+s2], $0x80, v34, vm0, $0xb8;
	[tilespmem:$0x12280] =	vst v63  }
0x4f9: {  	s30 =	sld [smem:$0x71A];
	v36 =	vperm.xlane v22, v4;
	v34 =	vadd.s32 v7, v33  }
0x4fa: {  	[tilespmem:s29], [sflag:$0x2] =	stream.indirect_vreg.gather [hbm4b:s22+s2], $0x80, v54, vm0, $0xb8;
	[tilespmem:$0x12280] =	vst v63  }
0x4fb: {  	s31 =	sld [smem:$0x71B];
	v59 =	vperm.xlane v22, v13;
	v54 =	vadd.s32 v7, v36  }
0x4fc: {  	[tilespmem:s30], [sflag:$0x2] =	stream.indirect_vreg.gather [hbm4b:s22+s2], $0x80, v62, vm0, $0xb8;
	[tilespmem:$0x12280] =	vst v63  }
0x4fd: {  	s25 =	sld [smem:$0x71C];
	v33 =	vperm.xlane v22, v14;
	v62 =	vadd.s32 v7, v59  }
0x4fe: {  	[tilespmem:s31], [sflag:$0x2] =	stream.indirect_vreg.gather [hbm4b:s22+s2], $0x80, v34, vm0, $0xb8;
	[tilespmem:$0x12280] =	vst v63  }
0x4ff: {  	s26 =	sld [smem:$0x71D];
	v36 =	vperm.xlane v22, v15;
	v34 =	vadd.s32 v7, v33  }
0x500: {  	[tilespmem:s25], [sflag:$0x2] =	stream.indirect_vreg.gather [hbm4b:s22+s2], $0x80, v54, vm0, $0xb8;
	[tilespmem:$0x12280] =	vst v63  }
0x501: {  	s28 =	sld [smem:$0x71E];
	v59 =	vperm.xlane v22, v16;
	v54 =	vadd.s32 v7, v36  }
0x502: {  	[tilespmem:s26], [sflag:$0x2] =	stream.indirect_vreg.gather [hbm4b:s22+s2], $0x80, v62, vm0, $0xb8;
	[tilespmem:$0x12280] =	vst v63  }
0x503: {  	s29 =	sld [smem:$0x71F];
	v33 =	vperm.xlane v22, v18;
	v62 =	vadd.s32 v7, v59  }
0x504: {  	[tilespmem:s28], [sflag:$0x2] =	stream.indirect_vreg.gather [hbm4b:s22+s2], $0x80, v34, vm0, $0xb8;
	[tilespmem:$0x12280] =	vst v63  }
0x505: {  	s30 =	sld [smem:$0x720];
	v36 =	vperm.xlane v22, v19;
	v34 =	vadd.s32 v7, v33  }
0x506: {  	[tilespmem:s29], [sflag:$0x2] =	stream.indirect_vreg.gather [hbm4b:s22+s2], $0x80, v54, vm0, $0xb8;
	[tilespmem:$0x12280] =	vst v63  }
0x507: {  	s31 =	sld [smem:$0x721];
	v59 =	vperm.xlane v22, v20;
	v54 =	vadd.s32 v7, v36  }
0x508: {  	[tilespmem:s30], [sflag:$0x2] =	stream.indirect_vreg.gather [hbm4b:s22+s2], $0x80, v62, vm0, $0xb8;
	[tilespmem:$0x12280] =	vst v63  }
0x509: {  	s25 =	sld [smem:$0x722];
	v22 =	vperm.xlane v22, v21;
	v33 =	vadd.s32 v7, v59  }
0x50a: {  	[tilespmem:s31], [sflag:$0x2] =	stream.indirect_vreg.gather [hbm4b:s22+s2], $0x80, v34, vm0, $0xb8;
	[tilespmem:$0x12280] =	vst v63  }
0x50b: {  	s26 =	sld [smem:$0x723];
	v22 =	vadd.s32 v7, v22  }
0x50c: {  	[tilespmem:s25], [sflag:$0x2] =	stream.indirect_vreg.gather [hbm4b:s22+s2], $0x80, v54, vm0, $0xb8;
	[tilespmem:$0x12280] =	vst v63  }
0x50d: {  	s28 =	sld [smem:$0x724]  }
0x50e: {  	[tilespmem:s26], [sflag:$0x2] =	stream.indirect_vreg.gather [hbm4b:s22+s2], $0x80, v33, vm0, $0xb8;
	[tilespmem:$0x12280] =	vst v63  }
0x50f: {  	_ = 	snop  }
0x510: {  	[tilespmem:s28], [sflag:$0x2] =	stream.indirect_vreg.gather [hbm4b:s22+s2], $0x80, v22, vm0, $0xb8;
	[tilespmem:$0x12280] =	vst v63  }
0x511: {  	v22 =	vld [tilespmem:s21+$0x20];
	_ =	sdelay $0x4  }
0x512: {  	v34 =	vshll.u32 v22, $0x1  }
0x513: {  	v22 =	vand.u32 $0x7, v22;
	v60 =	vand.u32 $0xFFFFFFF0, v34  }
0x514: {  	v22 =	vor.u32 v22, v60  }
0x515: {  	v60 =	vperm.xlane v22, v6;
	_ =	sdelay $0x1  }
0x516: {  	v36 =	vperm.xlane v22, v5;
	v60 =	vadd.s32 v7, v60;
	_ =	sdelay $0x1  }
0x517: {  	s29 =	sld [smem:$0x725];
	v54 =	vperm.xlane v22, v8;
	v61 =	vadd.s32 v7, v36;
	_ =	sdelay $0x1  }
0x518: {  	s30 =	sld [smem:$0x726];
	v59 =	vperm.xlane v22, v9;
	v62 =	vadd.s32 v7, v54  }
0x519: {  	[tilespmem:s29], [sflag:$0x2] =	stream.indirect_vreg.gather [hbm4b:s22+s2], $0x80, v60, vm0, $0xb8;
	[tilespmem:$0x12280] =	vst v63  }
0x51a: {  	s31 =	sld [smem:$0x70C];
	v34 =	vperm.xlane v22, v10;
	v33 =	vadd.s32 v7, v59  }
0x51b: {  	[tilespmem:s30], [sflag:$0x2] =	stream.indirect_vreg.gather [hbm4b:s22+s2], $0x80, v61, vm0, $0xb8;
	[tilespmem:$0x12280] =	vst v63  }
0x51c: {  	s25 =	sld [smem:$0x727];
	v36 =	vadd.s32 v7, v34;
	v54 =	vperm.xlane v22, v11  }
0x51d: {  	[tilespmem:s31], [sflag:$0x2] =	stream.indirect_vreg.gather [hbm4b:s22+s2], $0x80, v62, vm0, $0xb8;
	[tilespmem:$0x12280] =	vst v63  }
0x51e: {  	s26 =	sld [smem:$0x70E];
	v59 =	vperm.xlane v22, v12;
	v62 =	vadd.s32 v7, v54  }
0x51f: {  	[tilespmem:s25], [sflag:$0x2] =	stream.indirect_vreg.gather [hbm4b:s22+s2], $0x80, v33, vm0, $0xb8;
	[tilespmem:$0x12280] =	vst v63  }
0x520: {  	s28 =	sld [smem:$0x728];
	v34 =	vperm.xlane v22, v4;
	v33 =	vadd.s32 v7, v59  }
0x521: {  	[tilespmem:s26], [sflag:$0x2] =	stream.indirect_vreg.gather [hbm4b:s22+s2], $0x80, v36, vm0, $0xb8;
	[tilespmem:$0x12280] =	vst v63  }
0x522: {  	s29 =	sld [smem:$0x729];
	v54 =	vperm.xlane v22, v13;
	v36 =	vadd.s32 v7, v34  }
0x523: {  	[tilespmem:s28], [sflag:$0x2] =	stream.indirect_vreg.gather [hbm4b:s22+s2], $0x80, v62, vm0, $0xb8;
	[tilespmem:$0x12280] =	vst v63  }
0x524: {  	s30 =	sld [smem:$0x72A];
	v59 =	vperm.xlane v22, v14;
	v62 =	vadd.s32 v7, v54  }
0x525: {  	[tilespmem:s29], [sflag:$0x2] =	stream.indirect_vreg.gather [hbm4b:s22+s2], $0x80, v33, vm0, $0xb8;
	[tilespmem:$0x12280] =	vst v63  }
0x526: {  	s31 =	sld [smem:$0x70D];
	v34 =	vperm.xlane v22, v15;
	v33 =	vadd.s32 v7, v59  }
0x527: {  	[tilespmem:s30], [sflag:$0x2] =	stream.indirect_vreg.gather [hbm4b:s22+s2], $0x80, v36, vm0, $0xb8;
	[tilespmem:$0x12280] =	vst v63  }
0x528: {  	s25 =	sld [smem:$0x72B];
	v54 =	vperm.xlane v22, v16;
	v36 =	vadd.s32 v7, v34  }
0x529: {  	[tilespmem:s31], [sflag:$0x2] =	stream.indirect_vreg.gather [hbm4b:s22+s2], $0x80, v62, vm0, $0xb8;
	[tilespmem:$0x12280] =	vst v63  }
0x52a: {  	s26 =	sld [smem:$0x72C];
	v59 =	vperm.xlane v22, v18;
	v62 =	vadd.s32 v7, v54  }
0x52b: {  	[tilespmem:s25], [sflag:$0x2] =	stream.indirect_vreg.gather [hbm4b:s22+s2], $0x80, v33, vm0, $0xb8;
	[tilespmem:$0x12280] =	vst v63  }
0x52c: {  	s28 =	sld [smem:$0x72D];
	v34 =	vperm.xlane v22, v19;
	v33 =	vadd.s32 v7, v59  }
0x52d: {  	[tilespmem:s26], [sflag:$0x2] =	stream.indirect_vreg.gather [hbm4b:s22+s2], $0x80, v36, vm0, $0xb8;
	[tilespmem:$0x12280] =	vst v63  }
0x52e: {  	s29 =	sld [smem:$0x733];
	v54 =	vperm.xlane v22, v20;
	v36 =	vadd.s32 v7, v34  }
0x52f: {  	[tilespmem:s28], [sflag:$0x2] =	stream.indirect_vreg.gather [hbm4b:s22+s2], $0x80, v62, vm0, $0xb8;
	[tilespmem:$0x12280] =	vst v63  }
0x530: {  	s30 =	sld [smem:$0x734];
	v22 =	vperm.xlane v22, v21;
	v59 =	vadd.s32 v7, v54  }
0x531: {  	[tilespmem:s29], [sflag:$0x2] =	stream.indirect_vreg.gather [hbm4b:s22+s2], $0x80, v33, vm0, $0xb8;
	[tilespmem:$0x12280] =	vst v63  }
0x532: {  	s31 =	sld [smem:$0x735];
	v22 =	vadd.s32 v7, v22  }
0x533: {  	[tilespmem:s30], [sflag:$0x2] =	stream.indirect_vreg.gather [hbm4b:s22+s2], $0x80, v36, vm0, $0xb8;
	[tilespmem:$0x12280] =	vst v63  }
0x534: {  	s25 =	sld [smem:$0x736]  }
0x535: {  	[tilespmem:s31], [sflag:$0x2] =	stream.indirect_vreg.gather [hbm4b:s22+s2], $0x80, v59, vm0, $0xb8;
	[tilespmem:$0x12280] =	vst v63  }
0x536: {  	_ = 	snop  }
0x537: {  	[tilespmem:s25], [sflag:$0x2] =	stream.indirect_vreg.gather [hbm4b:s22+s2], $0x80, v22, vm0, $0xb8;
	[tilespmem:$0x12280] =	vst v63  }
0x538: {  	v22 =	vld [tilespmem:s21+$0x30];
	_ =	sdelay $0x4  }
0x539: {  	v33 =	vshll.u32 v22, $0x1  }
0x53a: {  	v22 =	vand.u32 $0x7, v22;
	v60 =	vand.u32 $0xFFFFFFF0, v33  }
0x53b: {  	v22 =	vor.u32 v22, v60  }
0x53c: {  	v60 =	vperm.xlane v22, v6;
	_ =	sdelay $0x1  }
0x53d: {  	v34 =	vperm.xlane v22, v5;
	v60 =	vadd.s32 v7, v60;
	_ =	sdelay $0x1  }
0x53e: {  	s26 =	sld [smem:$0x737];
	v36 =	vperm.xlane v22, v8;
	v61 =	vadd.s32 v7, v34;
	_ =	sdelay $0x1  }
0x53f: {  	s28 =	sld [smem:$0x738];
	v54 =	vperm.xlane v22, v9;
	v62 =	vadd.s32 v7, v36  }
0x540: {  	[tilespmem:s26], [sflag:$0x2] =	stream.indirect_vreg.gather [hbm4b:s22+s2], $0x80, v60, vm0, $0xb8;
	[tilespmem:$0x12280] =	vst v63  }
0x541: {  	s29 =	sld [smem:$0x739];
	v33 =	vperm.xlane v22, v10;
	v59 =	vadd.s32 v7, v54  }
0x542: {  	[tilespmem:s28], [sflag:$0x2] =	stream.indirect_vreg.gather [hbm4b:s22+s2], $0x80, v61, vm0, $0xb8;
	[tilespmem:$0x12280] =	vst v63  }
0x543: {  	s30 =	sld [smem:$0x73A];
	v34 =	vadd.s32 v7, v33;
	v36 =	vperm.xlane v22, v11  }
0x544: {  	[tilespmem:s29], [sflag:$0x2] =	stream.indirect_vreg.gather [hbm4b:s22+s2], $0x80, v62, vm0, $0xb8;
	[tilespmem:$0x12280] =	vst v63  }
0x545: {  	s31 =	sld [smem:$0x73B];
	v54 =	vperm.xlane v22, v12;
	v62 =	vadd.s32 v7, v36  }
0x546: {  	[tilespmem:s30], [sflag:$0x2] =	stream.indirect_vreg.gather [hbm4b:s22+s2], $0x80, v59, vm0, $0xb8;
	[tilespmem:$0x12280] =	vst v63  }
0x547: {  	s25 =	sld [smem:$0x73C];
	v33 =	vperm.xlane v22, v4;
	v59 =	vadd.s32 v7, v54  }
0x548: {  	[tilespmem:s31], [sflag:$0x2] =	stream.indirect_vreg.gather [hbm4b:s22+s2], $0x80, v34, vm0, $0xb8;
	[tilespmem:$0x12280] =	vst v63  }
0x549: {  	s26 =	sld [smem:$0x73D];
	v36 =	vperm.xlane v22, v13;
	v34 =	vadd.s32 v7, v33  }
0x54a: {  	[tilespmem:s25], [sflag:$0x2] =	stream.indirect_vreg.gather [hbm4b:s22+s2], $0x80, v62, vm0, $0xb8;
	[tilespmem:$0x12280] =	vst v63  }
0x54b: {  	s28 =	sld [smem:$0x73E];
	v54 =	vperm.xlane v22, v14;
	v62 =	vadd.s32 v7, v36  }
0x54c: {  	[tilespmem:s26], [sflag:$0x2] =	stream.indirect_vreg.gather [hbm4b:s22+s2], $0x80, v59, vm0, $0xb8;
	[tilespmem:$0x12280] =	vst v63  }
0x54d: {  	s29 =	sld [smem:$0x73F];
	v59 =	vadd.s32 v7, v54  }
0x54e: {  	v33 =	vperm.xlane v22, v15;
	[tilespmem:s28], [sflag:$0x2] =	stream.indirect_vreg.gather [hbm4b:s22+s2], $0x80, v34, vm0, $0xb8;
	[tilespmem:$0x12280] =	vst v63  }
0x54f: {  	s30 =	sld [smem:$0x740]  }
0x550: {  	v36 =	vperm.xlane v22, v16;
	v34 =	vadd.s32 v7, v33;
	[tilespmem:s29], [sflag:$0x2] =	stream.indirect_vreg.gather [hbm4b:s22+s2], $0x80, v62, vm0, $0xb8;
	[tilespmem:$0x12280] =	vst v63  }
0x551: {  	s31 =	sld [smem:$0x741]  }
0x552: {  	v54 =	vadd.s32 v7, v36;
	[tilespmem:s30], [sflag:$0x2] =	stream.indirect_vreg.gather [hbm4b:s22+s2], $0x80, v59, vm0, $0xb8;
	v59 =	vperm.xlane v22, v18;
	[tilespmem:$0x12280] =	vst v63  }
0x553: {  	_ = 	snop  }
0x554: {  	s25 =	sld [smem:$0x742];
	v33 =	vperm.xlane v22, v19;
	v60 =	vadd.s32 v7, v59  }
0x555: {  	[tilespmem:s31], [sflag:$0x2] =	stream.indirect_vreg.gather [hbm4b:s22+s2], $0x80, v34, vm0, $0xb8;
	[tilespmem:$0x12280] =	vst v63  }
0x556: {  	s26 =	sld [smem:$0x743];
	s28 =	sadd.s32 $0x5, s19;
	v61 =	vadd.s32 v7, v33;
	v34 =	vperm.xlane v22, v20  }
0x557: {  	[tilespmem:s25], [sflag:$0x2] =	stream.indirect_vreg.gather [hbm4b:s22+s2], $0x80, v54, vm0, $0xb8;
	[tilespmem:$0x12280] =	vst v63  }
0x558: {  	v36 =	vmov s28;
	s29 =	sld [smem:$0x744];
	v22 =	vperm.xlane v22, v21;
	v62 =	vadd.s32 v7, v34  }
0x559: {  	v54 =	vand.u32 $0xFFFFFFFD, v36;
	[tilespmem:s26], [sflag:$0x2] =	stream.indirect_vreg.gather [hbm4b:s22+s2], $0x80, v60, vm0, $0xb8;
	[tilespmem:$0x12280] =	vst v63  }
0x55a: {  	s30 =	sld [smem:$0x745];
	v22 =	vadd.s32 v7, v22;
	v60 =	vbroadcast v54, $0x0  }
0x55b: {  	[tilespmem:s29], [sflag:$0x2] =	stream.indirect_vreg.gather [hbm4b:s22+s2], $0x80, v61, vm0, $0xb8;
	[tilespmem:$0x12280] =	vst v63  }
0x55c: {  	s31 =	sld [smem:$0x746]  }
0x55d: {  	[tilespmem:s30], [sflag:$0x2] =	stream.indirect_vreg.gather [hbm4b:s22+s2], $0x80, v62, vm0, $0xb8;
	[tilespmem:$0x12280] =	vst v63  }
0x55e: {  	_ = 	snop  }
0x55f: {  	[tilespmem:s31], [sflag:$0x2] =	stream.indirect_vreg.gather [hbm4b:s22+s2], $0x80, v22, vm0, $0xb8;
	[tilespmem:$0x12280] =	vst v63  }
0x560: {  	v22 =	vld.idx.msk [tilespmem:v60+s12+$0x0], $0xffff;
	_ =	sdelay $0x4  }
0x561: {  	(v2sf) =	vpush v22, $0x0;
	_ =	sdelay $0x2  }
0x562: {  	v22 =	vld [tilespmem:s21+$0x80];
	_ =	sdelay $0x4  }
0x563: {  	v59 =	vshll.u32 v22, $0x1  }
0x564: {  	v22 =	vand.u32 $0x7, v22;
	v61 =	vand.u32 $0xFFFFFFF0, v59  }
0x565: {  	v22 =	vor.u32 v22, v61  }
0x566: {  	v61 =	vperm.xlane v22, v6;
	_ =	sdelay $0x1  }
0x567: {  	v33 =	vperm.xlane v22, v5;
	v61 =	vadd.s32 v7, v61;
	_ =	sdelay $0x1  }
0x568: {  	s24 =	sld [smem:$0x72E];
	v34 =	vperm.xlane v22, v8;
	v62 =	vadd.s32 v7, v33;
	s23 =	spop (v2sf)  }
0x569: {  	s22 =	sand.u32 $0xFFFFF80, s23  }
0x56a: {  	s25 =	sld [smem:$0x72F];
	v23 =	vperm.xlane v22, v9;
	v63 =	vadd.s32 v7, v34;
	s22 =	sadd.s32 s1, s22  }
0x56b: {  	[tilespmem:s24], [sflag:$0x2] =	stream.indirect_vreg.gather [hbm4b:s22+s2], $0x80, v61, vm0, $0xb8;
	[tilespmem:$0x12280] =	vst v63  }
0x56c: {  	s26 =	sld [smem:$0x730];
	v36 =	vperm.xlane v22, v10;
	v23 =	vadd.s32 v7, v23  }
0x56d: {  	[tilespmem:s25], [sflag:$0x2] =	stream.indirect_vreg.gather [hbm4b:s22+s2], $0x80, v62, vm0, $0xb8;
	[tilespmem:$0x12280] =	vst v63  }
0x56e: {  	s28 =	sld [smem:$0x731];
	v54 =	vperm.xlane v22, v11;
	v61 =	vadd.s32 v7, v36  }
0x56f: {  	[tilespmem:s26], [sflag:$0x2] =	stream.indirect_vreg.gather [hbm4b:s22+s2], $0x80, v63, vm0, $0xb8;
	[tilespmem:$0x12280] =	vst v63  }
0x570: {  	s29 =	sld [smem:$0x747];
	v59 =	vperm.xlane v22, v12;
	v62 =	vadd.s32 v7, v54  }
0x571: {  	[tilespmem:s28], [sflag:$0x2] =	stream.indirect_vreg.gather [hbm4b:s22+s2], $0x80, v23, vm0, $0xb8;
	[tilespmem:$0x12280] =	vst v63  }
0x572: {  	s30 =	sld [smem:$0x748];
	v33 =	vperm.xlane v22, v4;
	v23 =	vadd.s32 v7, v59  }
0x573: {  	[tilespmem:s29], [sflag:$0x2] =	stream.indirect_vreg.gather [hbm4b:s22+s2], $0x80, v61, vm0, $0xb8;
	[tilespmem:$0x12280] =	vst v63  }
0x574: {  	v34 =	vadd.s32 v7, v33;
	v36 =	vperm.xlane v22, v13;
	s23 =	sld [smem:$0x749]  }
0x575: {  	[tilespmem:s30], [sflag:$0x2] =	stream.indirect_vreg.gather [hbm4b:s22+s2], $0x80, v62, vm0, $0xb8;
	[tilespmem:$0x12280] =	vst v63  }
0x576: {  	v54 =	vadd.s32 v7, v36;
	v59 =	vperm.xlane v22, v14;
	s31 =	sld [smem:$0x74A]  }
0x577: {  	[tilespmem:s23], [sflag:$0x2] =	stream.indirect_vreg.gather [hbm4b:s22+s2], $0x80, v23, vm0, $0xb8;
	[tilespmem:$0x12280] =	vst v63  }
0x578: {  	v33 =	vperm.xlane v22, v15;
	s25 =	sld [smem:$0x74B];
	v23 =	vadd.s32 v7, v59  }
0x579: {  	[tilespmem:s31], [sflag:$0x2] =	stream.indirect_vreg.gather [hbm4b:s22+s2], $0x80, v34, vm0, $0xb8;
	[tilespmem:$0x12280] =	vst v63  }
0x57a: {  	v36 =	vperm.xlane v22, v16;
	s26 =	sld [smem:$0x74C];
	v34 =	vadd.s32 v7, v33  }
0x57b: {  	[tilespmem:s25], [sflag:$0x2] =	stream.indirect_vreg.gather [hbm4b:s22+s2], $0x80, v54, vm0, $0xb8;
	[tilespmem:$0x12280] =	vst v63  }
0x57c: {  	s28 =	sld [smem:$0x74D];
	v59 =	vperm.xlane v22, v18;
	v54 =	vadd.s32 v7, v36  }
0x57d: {  	[tilespmem:s26], [sflag:$0x2] =	stream.indirect_vreg.gather [hbm4b:s22+s2], $0x80, v23, vm0, $0xb8;
	[tilespmem:$0x12280] =	vst v63  }
0x57e: {  	s29 =	sld [smem:$0x74E];
	v33 =	vperm.xlane v22, v19;
	v23 =	vadd.s32 v7, v59  }
0x57f: {  	[tilespmem:s28], [sflag:$0x2] =	stream.indirect_vreg.gather [hbm4b:s22+s2], $0x80, v34, vm0, $0xb8;
	[tilespmem:$0x12280] =	vst v63  }
0x580: {  	s30 =	sld [smem:$0x74F];
	v36 =	vperm.xlane v22, v20;
	v34 =	vadd.s32 v7, v33  }
0x581: {  	[tilespmem:s29], [sflag:$0x2] =	stream.indirect_vreg.gather [hbm4b:s22+s2], $0x80, v54, vm0, $0xb8;
	[tilespmem:$0x12280] =	vst v63  }
0x582: {  	s31 =	sld [smem:$0x750];
	v22 =	vperm.xlane v22, v21;
	v54 =	vadd.s32 v7, v36  }
0x583: {  	[tilespmem:s30], [sflag:$0x2] =	stream.indirect_vreg.gather [hbm4b:s22+s2], $0x80, v23, vm0, $0xb8;
	[tilespmem:$0x12280] =	vst v63  }
0x584: {  	s25 =	sld [smem:$0x751];
	v22 =	vadd.s32 v7, v22  }
0x585: {  	[tilespmem:s31], [sflag:$0x2] =	stream.indirect_vreg.gather [hbm4b:s22+s2], $0x80, v34, vm0, $0xb8;
	[tilespmem:$0x12280] =	vst v63  }
0x586: {  	s26 =	sld [smem:$0x752]  }
0x587: {  	[tilespmem:s25], [sflag:$0x2] =	stream.indirect_vreg.gather [hbm4b:s22+s2], $0x80, v54, vm0, $0xb8;
	[tilespmem:$0x12280] =	vst v63  }
0x588: {  	_ = 	snop  }
0x589: {  	[tilespmem:s26], [sflag:$0x2] =	stream.indirect_vreg.gather [hbm4b:s22+s2], $0x80, v22, vm0, $0xb8;
	[tilespmem:$0x12280] =	vst v63  }
0x58a: {  	v22 =	vld [tilespmem:s21+$0x90];
	_ =	sdelay $0x4  }
0x58b: {  	v23 =	vshll.u32 v22, $0x1  }
0x58c: {  	v22 =	vand.u32 $0x7, v22;
	v23 =	vand.u32 $0xFFFFFFF0, v23  }
0x58d: {  	v22 =	vor.u32 v22, v23  }
0x58e: {  	v23 =	vperm.xlane v22, v6;
	_ =	sdelay $0x1  }
0x58f: {  	v59 =	vperm.xlane v22, v5;
	v23 =	vadd.s32 v7, v23;
	_ =	sdelay $0x1  }
0x590: {  	s28 =	sld [smem:$0x753];
	v33 =	vperm.xlane v22, v8;
	v61 =	vadd.s32 v7, v59;
	_ =	sdelay $0x1  }
0x591: {  	s29 =	sld [smem:$0x754];
	v34 =	vperm.xlane v22, v9;
	v62 =	vadd.s32 v7, v33  }
0x592: {  	[tilespmem:s28], [sflag:$0x2] =	stream.indirect_vreg.gather [hbm4b:s22+s2], $0x80, v23, vm0, $0xb8;
	[tilespmem:$0x12280] =	vst v63  }
0x593: {  	s30 =	sld [smem:$0x755];
	v36 =	vperm.xlane v22, v10;
	v23 =	vadd.s32 v7, v34  }
0x594: {  	[tilespmem:s29], [sflag:$0x2] =	stream.indirect_vreg.gather [hbm4b:s22+s2], $0x80, v61, vm0, $0xb8;
	[tilespmem:$0x12280] =	vst v63  }
0x595: {  	s31 =	sld [smem:$0x756];
	v54 =	vadd.s32 v7, v36;
	v59 =	vperm.xlane v22, v11  }
0x596: {  	[tilespmem:s30], [sflag:$0x2] =	stream.indirect_vreg.gather [hbm4b:s22+s2], $0x80, v62, vm0, $0xb8;
	[tilespmem:$0x12280] =	vst v63  }
0x597: {  	s25 =	sld [smem:$0x757];
	v33 =	vadd.s32 v7, v59;
	v34 =	vperm.xlane v22, v12  }
0x598: {  	[tilespmem:s31], [sflag:$0x2] =	stream.indirect_vreg.gather [hbm4b:s22+s2], $0x80, v23, vm0, $0xb8;
	[tilespmem:$0x12280] =	vst v63  }
0x599: {  	s26 =	sld [smem:$0x758];
	v36 =	vperm.xlane v22, v4;
	v23 =	vadd.s32 v7, v34  }
0x59a: {  	[tilespmem:s25], [sflag:$0x2] =	stream.indirect_vreg.gather [hbm4b:s22+s2], $0x80, v54, vm0, $0xb8;
	[tilespmem:$0x12280] =	vst v63  }
0x59b: {  	v59 =	vperm.xlane v22, v13;
	s28 =	sld [smem:$0x759];
	v54 =	vadd.s32 v7, v36  }
0x59c: {  	[tilespmem:s26], [sflag:$0x2] =	stream.indirect_vreg.gather [hbm4b:s22+s2], $0x80, v33, vm0, $0xb8;
	[tilespmem:$0x12280] =	vst v63  }
0x59d: {  	s29 =	sld [smem:$0x75A];
	v34 =	vperm.xlane v22, v14;
	v33 =	vadd.s32 v7, v59  }
0x59e: {  	[tilespmem:s28], [sflag:$0x2] =	stream.indirect_vreg.gather [hbm4b:s22+s2], $0x80, v23, vm0, $0xb8;
	[tilespmem:$0x12280] =	vst v63  }
0x59f: {  	s30 =	sld [smem:$0x75B];
	v36 =	vperm.xlane v22, v15;
	v23 =	vadd.s32 v7, v34  }
0x5a0: {  	[tilespmem:s29], [sflag:$0x2] =	stream.indirect_vreg.gather [hbm4b:s22+s2], $0x80, v54, vm0, $0xb8;
	[tilespmem:$0x12280] =	vst v63  }
0x5a1: {  	s31 =	sld [smem:$0x75C];
	v59 =	vperm.xlane v22, v16;
	v54 =	vadd.s32 v7, v36  }
0x5a2: {  	[tilespmem:s30], [sflag:$0x2] =	stream.indirect_vreg.gather [hbm4b:s22+s2], $0x80, v33, vm0, $0xb8;
	[tilespmem:$0x12280] =	vst v63  }
0x5a3: {  	s25 =	sld [smem:$0x75D];
	v34 =	vperm.xlane v22, v18;
	v33 =	vadd.s32 v7, v59  }
0x5a4: {  	[tilespmem:s31], [sflag:$0x2] =	stream.indirect_vreg.gather [hbm4b:s22+s2], $0x80, v23, vm0, $0xb8;
	[tilespmem:$0x12280] =	vst v63  }
0x5a5: {  	s26 =	sld [smem:$0x75E];
	v36 =	vperm.xlane v22, v19;
	v23 =	vadd.s32 v7, v34  }
0x5a6: {  	[tilespmem:s25], [sflag:$0x2] =	stream.indirect_vreg.gather [hbm4b:s22+s2], $0x80, v54, vm0, $0xb8;
	[tilespmem:$0x12280] =	vst v63  }
0x5a7: {  	s28 =	sld [smem:$0x75F];
	v59 =	vperm.xlane v22, v20;
	v54 =	vadd.s32 v7, v36  }
0x5a8: {  	[tilespmem:s26], [sflag:$0x2] =	stream.indirect_vreg.gather [hbm4b:s22+s2], $0x80, v33, vm0, $0xb8;
	[tilespmem:$0x12280] =	vst v63  }
0x5a9: {  	s29 =	sld [smem:$0x760];
	v22 =	vperm.xlane v22, v21;
	v33 =	vadd.s32 v7, v59  }
0x5aa: {  	[tilespmem:s28], [sflag:$0x2] =	stream.indirect_vreg.gather [hbm4b:s22+s2], $0x80, v23, vm0, $0xb8;
	[tilespmem:$0x12280] =	vst v63  }
0x5ab: {  	s30 =	sld [smem:$0x761];
	v22 =	vadd.s32 v7, v22  }
0x5ac: {  	[tilespmem:s29], [sflag:$0x2] =	stream.indirect_vreg.gather [hbm4b:s22+s2], $0x80, v54, vm0, $0xb8;
	[tilespmem:$0x12280] =	vst v63  }
0x5ad: {  	s31 =	sld [smem:$0x762]  }
0x5ae: {  	[tilespmem:s30], [sflag:$0x2] =	stream.indirect_vreg.gather [hbm4b:s22+s2], $0x80, v33, vm0, $0xb8;
	[tilespmem:$0x12280] =	vst v63  }
0x5af: {  	_ = 	snop  }
0x5b0: {  	[tilespmem:s31], [sflag:$0x2] =	stream.indirect_vreg.gather [hbm4b:s22+s2], $0x80, v22, vm0, $0xb8;
	[tilespmem:$0x12280] =	vst v63  }
0x5b1: {  	v22 =	vld [tilespmem:s21+$0xA0];
	_ =	sdelay $0x4  }
0x5b2: {  	v23 =	vshll.u32 v22, $0x1  }
0x5b3: {  	v22 =	vand.u32 $0x7, v22;
	v23 =	vand.u32 $0xFFFFFFF0, v23  }
0x5b4: {  	v22 =	vor.u32 v22, v23  }
0x5b5: {  	v23 =	vperm.xlane v22, v6;
	_ =	sdelay $0x1  }
0x5b6: {  	v34 =	vperm.xlane v22, v5;
	v23 =	vadd.s32 v7, v23;
	_ =	sdelay $0x1  }
0x5b7: {  	s24 =	sld [smem:$0x763];
	v36 =	vperm.xlane v22, v8;
	v61 =	vadd.s32 v7, v34;
	_ =	sdelay $0x1  }
0x5b8: {  	s25 =	sld [smem:$0x764];
	v54 =	vperm.xlane v22, v9;
	v62 =	vadd.s32 v7, v36  }
0x5b9: {  	[tilespmem:s24], [sflag:$0x2] =	stream.indirect_vreg.gather [hbm4b:s22+s2], $0x80, v23, vm0, $0xb8;
	[tilespmem:$0x12280] =	vst v63  }
0x5ba: {  	s26 =	sld [smem:$0x765];
	v59 =	vperm.xlane v22, v10;
	v23 =	vadd.s32 v7, v54  }
0x5bb: {  	[tilespmem:s25], [sflag:$0x2] =	stream.indirect_vreg.gather [hbm4b:s22+s2], $0x80, v61, vm0, $0xb8;
	[tilespmem:$0x12280] =	vst v63  }
0x5bc: {  	s28 =	sld [smem:$0x766];
	v33 =	vadd.s32 v7, v59;
	v34 =	vperm.xlane v22, v11  }
0x5bd: {  	[tilespmem:s26], [sflag:$0x2] =	stream.indirect_vreg.gather [hbm4b:s22+s2], $0x80, v62, vm0, $0xb8;
	[tilespmem:$0x12280] =	vst v63  }
0x5be: {  	s29 =	sld [smem:$0x767];
	v36 =	vadd.s32 v7, v34;
	v54 =	vperm.xlane v22, v12  }
0x5bf: {  	[tilespmem:s28], [sflag:$0x2] =	stream.indirect_vreg.gather [hbm4b:s22+s2], $0x80, v23, vm0, $0xb8;
	[tilespmem:$0x12280] =	vst v63  }
0x5c0: {  	s30 =	sld [smem:$0x768];
	v59 =	vperm.xlane v22, v4;
	v23 =	vadd.s32 v7, v54  }
0x5c1: {  	[tilespmem:s29], [sflag:$0x2] =	stream.indirect_vreg.gather [hbm4b:s22+s2], $0x80, v33, vm0, $0xb8;
	[tilespmem:$0x12280] =	vst v63  }
0x5c2: {  	s31 =	sld [smem:$0x769];
	v34 =	vperm.xlane v22, v13;
	v33 =	vadd.s32 v7, v59  }
0x5c3: {  	[tilespmem:s30], [sflag:$0x2] =	stream.indirect_vreg.gather [hbm4b:s22+s2], $0x80, v36, vm0, $0xb8;
	[tilespmem:$0x12280] =	vst v63  }
0x5c4: {  	s25 =	sld [smem:$0x76A];
	v54 =	vperm.xlane v22, v14;
	v36 =	vadd.s32 v7, v34  }
0x5c5: {  	[tilespmem:s31], [sflag:$0x2] =	stream.indirect_vreg.gather [hbm4b:s22+s2], $0x80, v23, vm0, $0xb8;
	[tilespmem:$0x12280] =	vst v63  }
0x5c6: {  	s26 =	sld [smem:$0x76B];
	v59 =	vperm.xlane v22, v15;
	v23 =	vadd.s32 v7, v54  }
0x5c7: {  	[tilespmem:s25], [sflag:$0x2] =	stream.indirect_vreg.gather [hbm4b:s22+s2], $0x80, v33, vm0, $0xb8;
	[tilespmem:$0x12280] =	vst v63  }
0x5c8: {  	s28 =	sld [smem:$0x76C];
	v34 =	vperm.xlane v22, v16;
	v33 =	vadd.s32 v7, v59  }
0x5c9: {  	[tilespmem:s26], [sflag:$0x2] =	stream.indirect_vreg.gather [hbm4b:s22+s2], $0x80, v36, vm0, $0xb8;
	[tilespmem:$0x12280] =	vst v63  }
0x5ca: {  	s29 =	sld [smem:$0x76D];
	v54 =	vperm.xlane v22, v18;
	v36 =	vadd.s32 v7, v34  }
0x5cb: {  	[tilespmem:s28], [sflag:$0x2] =	stream.indirect_vreg.gather [hbm4b:s22+s2], $0x80, v23, vm0, $0xb8;
	[tilespmem:$0x12280] =	vst v63  }
0x5cc: {  	s30 =	sld [smem:$0x76E];
	v59 =	vperm.xlane v22, v19;
	v23 =	vadd.s32 v7, v54  }
0x5cd: {  	[tilespmem:s29], [sflag:$0x2] =	stream.indirect_vreg.gather [hbm4b:s22+s2], $0x80, v33, vm0, $0xb8;
	[tilespmem:$0x12280] =	vst v63  }
0x5ce: {  	s31 =	sld [smem:$0x76F];
	v34 =	vperm.xlane v22, v20;
	v33 =	vadd.s32 v7, v59  }
0x5cf: {  	[tilespmem:s30], [sflag:$0x2] =	stream.indirect_vreg.gather [hbm4b:s22+s2], $0x80, v36, vm0, $0xb8;
	[tilespmem:$0x12280] =	vst v63  }
0x5d0: {  	s25 =	sld [smem:$0x770];
	v22 =	vperm.xlane v22, v21;
	v36 =	vadd.s32 v7, v34  }
0x5d1: {  	[tilespmem:s31], [sflag:$0x2] =	stream.indirect_vreg.gather [hbm4b:s22+s2], $0x80, v23, vm0, $0xb8;
	[tilespmem:$0x12280] =	vst v63  }
0x5d2: {  	s26 =	sld [smem:$0x771];
	v22 =	vadd.s32 v7, v22  }
0x5d3: {  	[tilespmem:s25], [sflag:$0x2] =	stream.indirect_vreg.gather [hbm4b:s22+s2], $0x80, v33, vm0, $0xb8;
	[tilespmem:$0x12280] =	vst v63  }
0x5d4: {  	s28 =	sld [smem:$0x772]  }
0x5d5: {  	[tilespmem:s26], [sflag:$0x2] =	stream.indirect_vreg.gather [hbm4b:s22+s2], $0x80, v36, vm0, $0xb8;
	[tilespmem:$0x12280] =	vst v63  }
0x5d6: {  	_ = 	snop  }
0x5d7: {  	[tilespmem:s28], [sflag:$0x2] =	stream.indirect_vreg.gather [hbm4b:s22+s2], $0x80, v22, vm0, $0xb8;
	[tilespmem:$0x12280] =	vst v63  }
0x5d8: {  	v22 =	vld [tilespmem:s21+$0xB0];
	_ =	sdelay $0x4  }
0x5d9: {  	v23 =	vshll.u32 v22, $0x1  }
0x5da: {  	v22 =	vand.u32 $0x7, v22;
	v23 =	vand.u32 $0xFFFFFFF0, v23  }
0x5db: {  	v22 =	vor.u32 v22, v23  }
0x5dc: {  	v23 =	vperm.xlane v22, v6;
	_ =	sdelay $0x1  }
0x5dd: {  	v54 =	vperm.xlane v22, v5;
	v23 =	vadd.s32 v7, v23;
	_ =	sdelay $0x1  }
0x5de: {  	s29 =	sld [smem:$0x773];
	v59 =	vperm.xlane v22, v8;
	v61 =	vadd.s32 v7, v54;
	_ =	sdelay $0x1  }
0x5df: {  	s30 =	sld [smem:$0x774];
	v33 =	vperm.xlane v22, v9;
	v62 =	vadd.s32 v7, v59  }
0x5e0: {  	[tilespmem:s29], [sflag:$0x2] =	stream.indirect_vreg.gather [hbm4b:s22+s2], $0x80, v23, vm0, $0xb8;
	[tilespmem:$0x12280] =	vst v63  }
0x5e1: {  	s31 =	sld [smem:$0x775];
	v34 =	vperm.xlane v22, v10;
	v23 =	vadd.s32 v7, v33  }
0x5e2: {  	[tilespmem:s30], [sflag:$0x2] =	stream.indirect_vreg.gather [hbm4b:s22+s2], $0x80, v61, vm0, $0xb8;
	[tilespmem:$0x12280] =	vst v63  }
0x5e3: {  	s25 =	sld [smem:$0x776];
	v36 =	vadd.s32 v7, v34;
	v54 =	vperm.xlane v22, v11  }
0x5e4: {  	[tilespmem:s31], [sflag:$0x2] =	stream.indirect_vreg.gather [hbm4b:s22+s2], $0x80, v62, vm0, $0xb8;
	[tilespmem:$0x12280] =	vst v63  }
0x5e5: {  	s26 =	sld [smem:$0x777];
	v59 =	vadd.s32 v7, v54;
	v33 =	vperm.xlane v22, v12  }
0x5e6: {  	[tilespmem:s25], [sflag:$0x2] =	stream.indirect_vreg.gather [hbm4b:s22+s2], $0x80, v23, vm0, $0xb8;
	[tilespmem:$0x12280] =	vst v63  }
0x5e7: {  	s28 =	sld [smem:$0x778];
	v34 =	vperm.xlane v22, v4;
	v23 =	vadd.s32 v7, v33  }
0x5e8: {  	[tilespmem:s26], [sflag:$0x2] =	stream.indirect_vreg.gather [hbm4b:s22+s2], $0x80, v36, vm0, $0xb8;
	[tilespmem:$0x12280] =	vst v63  }
0x5e9: {  	v54 =	vperm.xlane v22, v13;
	s29 =	sld [smem:$0x779];
	v36 =	vadd.s32 v7, v34  }
0x5ea: {  	[tilespmem:s28], [sflag:$0x2] =	stream.indirect_vreg.gather [hbm4b:s22+s2], $0x80, v59, vm0, $0xb8;
	[tilespmem:$0x12280] =	vst v63  }
0x5eb: {  	s30 =	sld [smem:$0x77A];
	v33 =	vperm.xlane v22, v14;
	v59 =	vadd.s32 v7, v54  }
0x5ec: {  	[tilespmem:s29], [sflag:$0x2] =	stream.indirect_vreg.gather [hbm4b:s22+s2], $0x80, v23, vm0, $0xb8;
	[tilespmem:$0x12280] =	vst v63  }
0x5ed: {  	s31 =	sld [smem:$0x77B];
	v23 =	vadd.s32 v7, v33  }
0x5ee: {  	v34 =	vperm.xlane v22, v15;
	[tilespmem:s30], [sflag:$0x2] =	stream.indirect_vreg.gather [hbm4b:s22+s2], $0x80, v36, vm0, $0xb8;
	[tilespmem:$0x12280] =	vst v63  }
0x5ef: {  	s25 =	sld [smem:$0x77C]  }
0x5f0: {  	v54 =	vperm.xlane v22, v16;
	v36 =	vadd.s32 v7, v34;
	[tilespmem:s31], [sflag:$0x2] =	stream.indirect_vreg.gather [hbm4b:s22+s2], $0x80, v59, vm0, $0xb8;
	[tilespmem:$0x12280] =	vst v63  }
0x5f1: {  	s26 =	sld [smem:$0x77D]  }
0x5f2: {  	v59 =	vadd.s32 v7, v54;
	[tilespmem:s25], [sflag:$0x2] =	stream.indirect_vreg.gather [hbm4b:s22+s2], $0x80, v23, vm0, $0xb8;
	v23 =	vperm.xlane v22, v18;
	[tilespmem:$0x12280] =	vst v63  }
0x5f3: {  	_ = 	snop  }
0x5f4: {  	s28 =	sld [smem:$0x77E];
	v33 =	vperm.xlane v22, v19;
	v23 =	vadd.s32 v7, v23  }
0x5f5: {  	[tilespmem:s26], [sflag:$0x2] =	stream.indirect_vreg.gather [hbm4b:s22+s2], $0x80, v36, vm0, $0xb8;
	[tilespmem:$0x12280] =	vst v63  }
0x5f6: {  	s29 =	sld [smem:$0x77F];
	v34 =	vadd.s32 v7, v33;
	s30 =	sadd.s32 $0x6, s19;
	v36 =	vperm.xlane v22, v20  }
0x5f7: {  	[tilespmem:s28], [sflag:$0x2] =	stream.indirect_vreg.gather [hbm4b:s22+s2], $0x80, v59, vm0, $0xb8;
	[tilespmem:$0x12280] =	vst v63  }
0x5f8: {  	s31 =	sld [smem:$0x780];
	v22 =	vperm.xlane v22, v21;
	v54 =	vadd.s32 v7, v36;
	v59 =	vmov s30  }
0x5f9: {  	[tilespmem:s29], [sflag:$0x2] =	stream.indirect_vreg.gather [hbm4b:s22+s2], $0x80, v23, vm0, $0xb8;
	v23 =	vand.u32 $0xFFFFFFFE, v59;
	[tilespmem:$0x12280] =	vst v63  }
0x5fa: {  	s24 =	sld [smem:$0x781];
	v22 =	vadd.s32 v7, v22;
	v23 =	vbroadcast v23, $0x0  }
0x5fb: {  	[tilespmem:s31], [sflag:$0x2] =	stream.indirect_vreg.gather [hbm4b:s22+s2], $0x80, v34, vm0, $0xb8;
	[tilespmem:$0x12280] =	vst v63  }
0x5fc: {  	s25 =	sld [smem:$0x782]  }
0x5fd: {  	[tilespmem:s24], [sflag:$0x2] =	stream.indirect_vreg.gather [hbm4b:s22+s2], $0x80, v54, vm0, $0xb8;
	[tilespmem:$0x12280] =	vst v63  }
0x5fe: {  	_ = 	snop  }
0x5ff: {  	[tilespmem:s25], [sflag:$0x2] =	stream.indirect_vreg.gather [hbm4b:s22+s2], $0x80, v22, vm0, $0xb8;
	[tilespmem:$0x12280] =	vst v63  }
0x600: {  	v22 =	vld.idx.msk [tilespmem:v23+s12+$0x0], $0xffff;
	_ =	sdelay $0x4  }
0x601: {  	(v2sf) =	vpush v22, $0x0;
	_ =	sdelay $0x2  }
0x602: {  	v22 =	vld [tilespmem:s21+$0x100];
	_ =	sdelay $0x4  }
0x603: {  	[tilespmem:$0x1FF50] =	vst v23;
	v23 =	vshll.u32 v22, $0x1  }
0x604: {  	v22 =	vand.u32 $0x7, v22;
	v23 =	vand.u32 $0xFFFFFFF0, v23  }
0x605: {  	v22 =	vor.u32 v22, v23  }
0x606: {  	v23 =	vperm.xlane v22, v6;
	_ =	sdelay $0x1  }
0x607: {  	v33 =	vperm.xlane v22, v5;
	v23 =	vadd.s32 v7, v23;
	_ =	sdelay $0x1  }
0x608: {  	s28 =	sld [smem:$0x783];
	v34 =	vperm.xlane v22, v8;
	v62 =	vadd.s32 v7, v33;
	s26 =	spop (v2sf)  }
0x609: {  	s22 =	sand.u32 $0xFFFFF80, s26  }
0x60a: {  	s29 =	sld [smem:$0x784];
	v24 =	vperm.xlane v22, v9;
	v63 =	vadd.s32 v7, v34;
	s22 =	sadd.s32 s1, s22  }
0x60b: {  	[tilespmem:s28], [sflag:$0x2] =	stream.indirect_vreg.gather [hbm4b:s22+s2], $0x80, v23, vm0, $0xb8;
	[tilespmem:$0x12280] =	vst v63  }
0x60c: {  	s30 =	sld [smem:$0x785];
	v23 =	vadd.s32 v7, v24;
	v24 =	vperm.xlane v22, v10  }
0x60d: {  	[tilespmem:s29], [sflag:$0x2] =	stream.indirect_vreg.gather [hbm4b:s22+s2], $0x80, v62, vm0, $0xb8;
	[tilespmem:$0x12280] =	vst v63  }
0x60e: {  	s31 =	sld [smem:$0x786];
	v36 =	vperm.xlane v22, v11;
	v24 =	vadd.s32 v7, v24  }
0x60f: {  	[tilespmem:s30], [sflag:$0x2] =	stream.indirect_vreg.gather [hbm4b:s22+s2], $0x80, v63, vm0, $0xb8;
	[tilespmem:$0x12280] =	vst v63  }
0x610: {  	s25 =	sld [smem:$0x787];
	v54 =	vperm.xlane v22, v12;
	v62 =	vadd.s32 v7, v36  }
0x611: {  	[tilespmem:s31], [sflag:$0x2] =	stream.indirect_vreg.gather [hbm4b:s22+s2], $0x80, v23, vm0, $0xb8;
	[tilespmem:$0x12280] =	vst v63  }
0x612: {  	v59 =	vperm.xlane v22, v4;
	s26 =	sld [smem:$0x788];
	v23 =	vadd.s32 v7, v54  }
0x613: {  	[tilespmem:s25], [sflag:$0x2] =	stream.indirect_vreg.gather [hbm4b:s22+s2], $0x80, v24, vm0, $0xb8;
	[tilespmem:$0x12280] =	vst v63  }
0x614: {  	v33 =	vperm.xlane v22, v13;
	s28 =	sld [smem:$0x789];
	v24 =	vadd.s32 v7, v59  }
0x615: {  	[tilespmem:s26], [sflag:$0x2] =	stream.indirect_vreg.gather [hbm4b:s22+s2], $0x80, v62, vm0, $0xb8;
	[tilespmem:$0x12280] =	vst v63  }
0x616: {  	v34 =	vadd.s32 v7, v33;
	s29 =	sld [smem:$0x78A];
	v36 =	vperm.xlane v22, v14  }
0x617: {  	[tilespmem:s28], [sflag:$0x2] =	stream.indirect_vreg.gather [hbm4b:s22+s2], $0x80, v23, vm0, $0xb8;
	[tilespmem:$0x12280] =	vst v63  }
0x618: {  	s30 =	sld [smem:$0x78B];
	v54 =	vperm.xlane v22, v15;
	v23 =	vadd.s32 v7, v36  }
0x619: {  	[tilespmem:s29], [sflag:$0x2] =	stream.indirect_vreg.gather [hbm4b:s22+s2], $0x80, v24, vm0, $0xb8;
	[tilespmem:$0x12280] =	vst v63  }
0x61a: {  	s31 =	sld [smem:$0x78C];
	v59 =	vperm.xlane v22, v16;
	v24 =	vadd.s32 v7, v54  }
0x61b: {  	[tilespmem:s30], [sflag:$0x2] =	stream.indirect_vreg.gather [hbm4b:s22+s2], $0x80, v34, vm0, $0xb8;
	[tilespmem:$0x12280] =	vst v63  }
0x61c: {  	s25 =	sld [smem:$0x78D];
	v33 =	vadd.s32 v7, v59;
	v34 =	vperm.xlane v22, v18  }
0x61d: {  	[tilespmem:s31], [sflag:$0x2] =	stream.indirect_vreg.gather [hbm4b:s22+s2], $0x80, v23, vm0, $0xb8;
	[tilespmem:$0x12280] =	vst v63  }
0x61e: {  	s26 =	sld [smem:$0x78E];
	v36 =	vperm.xlane v22, v19;
	v23 =	vadd.s32 v7, v34  }
0x61f: {  	[tilespmem:s25], [sflag:$0x2] =	stream.indirect_vreg.gather [hbm4b:s22+s2], $0x80, v24, vm0, $0xb8;
	[tilespmem:$0x12280] =	vst v63  }
0x620: {  	s28 =	sld [smem:$0x78F];
	v54 =	vperm.xlane v22, v20;
	v24 =	vadd.s32 v7, v36  }
0x621: {  	[tilespmem:s26], [sflag:$0x2] =	stream.indirect_vreg.gather [hbm4b:s22+s2], $0x80, v33, vm0, $0xb8;
	[tilespmem:$0x12280] =	vst v63  }
0x622: {  	s29 =	sld [smem:$0x790];
	v59 =	vadd.s32 v7, v54;
	v22 =	vperm.xlane v22, v21  }
0x623: {  	[tilespmem:s28], [sflag:$0x2] =	stream.indirect_vreg.gather [hbm4b:s22+s2], $0x80, v23, vm0, $0xb8;
	[tilespmem:$0x12280] =	vst v63  }
0x624: {  	s30 =	sld [smem:$0x791];
	v22 =	vadd.s32 v7, v22  }
0x625: {  	[tilespmem:s29], [sflag:$0x2] =	stream.indirect_vreg.gather [hbm4b:s22+s2], $0x80, v24, vm0, $0xb8;
	[tilespmem:$0x12280] =	vst v63  }
0x626: {  	s31 =	sld [smem:$0x792]  }
0x627: {  	[tilespmem:s30], [sflag:$0x2] =	stream.indirect_vreg.gather [hbm4b:s22+s2], $0x80, v59, vm0, $0xb8;
	[tilespmem:$0x12280] =	vst v63  }
0x628: {  	_ = 	snop  }
0x629: {  	[tilespmem:s31], [sflag:$0x2] =	stream.indirect_vreg.gather [hbm4b:s22+s2], $0x80, v22, vm0, $0xb8;
	[tilespmem:$0x12280] =	vst v63  }
0x62a: {  	v22 =	vld [tilespmem:s21+$0x110];
	_ =	sdelay $0x4  }
0x62b: {  	v23 =	vshll.u32 v22, $0x1  }
0x62c: {  	v22 =	vand.u32 $0x7, v22;
	v23 =	vand.u32 $0xFFFFFFF0, v23  }
0x62d: {  	v22 =	vor.u32 v22, v23  }
0x62e: {  	v23 =	vperm.xlane v22, v6;
	_ =	sdelay $0x1  }
0x62f: {  	v24 =	vperm.xlane v22, v5;
	v23 =	vadd.s32 v7, v23;
	_ =	sdelay $0x1  }
0x630: {  	s25 =	sld [smem:$0x793];
	v33 =	vperm.xlane v22, v8;
	v24 =	vadd.s32 v7, v24;
	_ =	sdelay $0x1  }
0x631: {  	s26 =	sld [smem:$0x794];
	v34 =	vperm.xlane v22, v9;
	v62 =	vadd.s32 v7, v33  }
0x632: {  	[tilespmem:s25], [sflag:$0x2] =	stream.indirect_vreg.gather [hbm4b:s22+s2], $0x80, v23, vm0, $0xb8;
	[tilespmem:$0x12280] =	vst v63  }
0x633: {  	s28 =	sld [smem:$0x795];
	v36 =	vperm.xlane v22, v10;
	v23 =	vadd.s32 v7, v34  }
0x634: {  	[tilespmem:s26], [sflag:$0x2] =	stream.indirect_vreg.gather [hbm4b:s22+s2], $0x80, v24, vm0, $0xb8;
	[tilespmem:$0x12280] =	vst v63  }
0x635: {  	s29 =	sld [smem:$0x796];
	v54 =	vperm.xlane v22, v11;
	v24 =	vadd.s32 v7, v36  }
0x636: {  	[tilespmem:s28], [sflag:$0x2] =	stream.indirect_vreg.gather [hbm4b:s22+s2], $0x80, v62, vm0, $0xb8;
	[tilespmem:$0x12280] =	vst v63  }
0x637: {  	s30 =	sld [smem:$0x797];
	v59 =	vadd.s32 v7, v54;
	v33 =	vperm.xlane v22, v12  }
0x638: {  	[tilespmem:s29], [sflag:$0x2] =	stream.indirect_vreg.gather [hbm4b:s22+s2], $0x80, v23, vm0, $0xb8;
	[tilespmem:$0x12280] =	vst v63  }
0x639: {  	s31 =	sld [smem:$0x798];
	v34 =	vperm.xlane v22, v4;
	v23 =	vadd.s32 v7, v33  }
0x63a: {  	[tilespmem:s30], [sflag:$0x2] =	stream.indirect_vreg.gather [hbm4b:s22+s2], $0x80, v24, vm0, $0xb8;
	[tilespmem:$0x12280] =	vst v63  }
0x63b: {  	s25 =	sld [smem:$0x799];
	v36 =	vperm.xlane v22, v13;
	v24 =	vadd.s32 v7, v34  }
0x63c: {  	[tilespmem:s31], [sflag:$0x2] =	stream.indirect_vreg.gather [hbm4b:s22+s2], $0x80, v59, vm0, $0xb8;
	[tilespmem:$0x12280] =	vst v63  }
0x63d: {  	s26 =	sld [smem:$0x79A];
	v54 =	vadd.s32 v7, v36;
	v59 =	vperm.xlane v22, v14  }
0x63e: {  	[tilespmem:s25], [sflag:$0x2] =	stream.indirect_vreg.gather [hbm4b:s22+s2], $0x80, v23, vm0, $0xb8;
	[tilespmem:$0x12280] =	vst v63  }
0x63f: {  	s28 =	sld [smem:$0x79B];
	v33 =	vperm.xlane v22, v15;
	v23 =	vadd.s32 v7, v59  }
0x640: {  	[tilespmem:s26], [sflag:$0x2] =	stream.indirect_vreg.gather [hbm4b:s22+s2], $0x80, v24, vm0, $0xb8;
	[tilespmem:$0x12280] =	vst v63  }
0x641: {  	s29 =	sld [smem:$0x79C];
	v34 =	vperm.xlane v22, v16;
	v24 =	vadd.s32 v7, v33  }
0x642: {  	[tilespmem:s28], [sflag:$0x2] =	stream.indirect_vreg.gather [hbm4b:s22+s2], $0x80, v54, vm0, $0xb8;
	[tilespmem:$0x12280] =	vst v63  }
0x643: {  	s30 =	sld [smem:$0x79D];
	v36 =	vadd.s32 v7, v34;
	v54 =	vperm.xlane v22, v18  }
0x644: {  	[tilespmem:s29], [sflag:$0x2] =	stream.indirect_vreg.gather [hbm4b:s22+s2], $0x80, v23, vm0, $0xb8;
	[tilespmem:$0x12280] =	vst v63  }
0x645: {  	s31 =	sld [smem:$0x79E];
	v59 =	vperm.xlane v22, v19;
	v23 =	vadd.s32 v7, v54  }
0x646: {  	[tilespmem:s30], [sflag:$0x2] =	stream.indirect_vreg.gather [hbm4b:s22+s2], $0x80, v24, vm0, $0xb8;
	[tilespmem:$0x12280] =	vst v63  }
0x647: {  	s25 =	sld [smem:$0x79F];
	v33 =	vperm.xlane v22, v20;
	v24 =	vadd.s32 v7, v59  }
0x648: {  	[tilespmem:s31], [sflag:$0x2] =	stream.indirect_vreg.gather [hbm4b:s22+s2], $0x80, v36, vm0, $0xb8;
	[tilespmem:$0x12280] =	vst v63  }
0x649: {  	s26 =	sld [smem:$0x7A0];
	v34 =	vadd.s32 v7, v33;
	v22 =	vperm.xlane v22, v21  }
0x64a: {  	[tilespmem:s25], [sflag:$0x2] =	stream.indirect_vreg.gather [hbm4b:s22+s2], $0x80, v23, vm0, $0xb8;
	[tilespmem:$0x12280] =	vst v63  }
0x64b: {  	s28 =	sld [smem:$0x7A1];
	v22 =	vadd.s32 v7, v22  }
0x64c: {  	[tilespmem:s26], [sflag:$0x2] =	stream.indirect_vreg.gather [hbm4b:s22+s2], $0x80, v24, vm0, $0xb8;
	[tilespmem:$0x12280] =	vst v63  }
0x64d: {  	s29 =	sld [smem:$0x7A2]  }
0x64e: {  	[tilespmem:s28], [sflag:$0x2] =	stream.indirect_vreg.gather [hbm4b:s22+s2], $0x80, v34, vm0, $0xb8;
	[tilespmem:$0x12280] =	vst v63  }
0x64f: {  	_ = 	snop  }
0x650: {  	[tilespmem:s29], [sflag:$0x2] =	stream.indirect_vreg.gather [hbm4b:s22+s2], $0x80, v22, vm0, $0xb8;
	[tilespmem:$0x12280] =	vst v63  }
0x651: {  	v22 =	vld [tilespmem:s21+$0x120];
	_ =	sdelay $0x4  }
0x652: {  	v23 =	vshll.u32 v22, $0x1  }
0x653: {  	v22 =	vand.u32 $0x7, v22;
	v23 =	vand.u32 $0xFFFFFFF0, v23  }
0x654: {  	v22 =	vor.u32 v22, v23  }
0x655: {  	v23 =	vperm.xlane v22, v6;
	_ =	sdelay $0x1  }
0x656: {  	v24 =	vperm.xlane v22, v5;
	v23 =	vadd.s32 v7, v23;
	_ =	sdelay $0x1  }
0x657: {  	s30 =	sld [smem:$0x7A3];
	v36 =	vperm.xlane v22, v8;
	v24 =	vadd.s32 v7, v24;
	_ =	sdelay $0x1  }
0x658: {  	s31 =	sld [smem:$0x7A4];
	v54 =	vperm.xlane v22, v9;
	v62 =	vadd.s32 v7, v36  }
0x659: {  	[tilespmem:s30], [sflag:$0x2] =	stream.indirect_vreg.gather [hbm4b:s22+s2], $0x80, v23, vm0, $0xb8;
	[tilespmem:$0x12280] =	vst v63  }
0x65a: {  	s25 =	sld [smem:$0x7A5];
	v59 =	vperm.xlane v22, v10;
	v23 =	vadd.s32 v7, v54  }
0x65b: {  	[tilespmem:s31], [sflag:$0x2] =	stream.indirect_vreg.gather [hbm4b:s22+s2], $0x80, v24, vm0, $0xb8;
	[tilespmem:$0x12280] =	vst v63  }
0x65c: {  	s26 =	sld [smem:$0x7A6];
	v33 =	vperm.xlane v22, v11;
	v24 =	vadd.s32 v7, v59  }
0x65d: {  	[tilespmem:s25], [sflag:$0x2] =	stream.indirect_vreg.gather [hbm4b:s22+s2], $0x80, v62, vm0, $0xb8;
	[tilespmem:$0x12280] =	vst v63  }
0x65e: {  	s28 =	sld [smem:$0x7A7];
	v34 =	vadd.s32 v7, v33;
	v36 =	vperm.xlane v22, v12  }
0x65f: {  	[tilespmem:s26], [sflag:$0x2] =	stream.indirect_vreg.gather [hbm4b:s22+s2], $0x80, v23, vm0, $0xb8;
	[tilespmem:$0x12280] =	vst v63  }
0x660: {  	s29 =	sld [smem:$0x7A8];
	v54 =	vperm.xlane v22, v4;
	v23 =	vadd.s32 v7, v36  }
0x661: {  	[tilespmem:s28], [sflag:$0x2] =	stream.indirect_vreg.gather [hbm4b:s22+s2], $0x80, v24, vm0, $0xb8;
	[tilespmem:$0x12280] =	vst v63  }
0x662: {  	s30 =	sld [smem:$0x7A9];
	v59 =	vperm.xlane v22, v13;
	v24 =	vadd.s32 v7, v54  }
0x663: {  	[tilespmem:s29], [sflag:$0x2] =	stream.indirect_vreg.gather [hbm4b:s22+s2], $0x80, v34, vm0, $0xb8;
	[tilespmem:$0x12280] =	vst v63  }
0x664: {  	s31 =	sld [smem:$0x7AA];
	v33 =	vadd.s32 v7, v59;
	v34 =	vperm.xlane v22, v14  }
0x665: {  	[tilespmem:s30], [sflag:$0x2] =	stream.indirect_vreg.gather [hbm4b:s22+s2], $0x80, v23, vm0, $0xb8;
	[tilespmem:$0x12280] =	vst v63  }
0x666: {  	s25 =	sld [smem:$0x7AB];
	v36 =	vperm.xlane v22, v15;
	v23 =	vadd.s32 v7, v34  }
0x667: {  	[tilespmem:s31], [sflag:$0x2] =	stream.indirect_vreg.gather [hbm4b:s22+s2], $0x80, v24, vm0, $0xb8;
	[tilespmem:$0x12280] =	vst v63  }
0x668: {  	s26 =	sld [smem:$0x7AC];
	v54 =	vperm.xlane v22, v16;
	v24 =	vadd.s32 v7, v36  }
0x669: {  	[tilespmem:s25], [sflag:$0x2] =	stream.indirect_vreg.gather [hbm4b:s22+s2], $0x80, v33, vm0, $0xb8;
	[tilespmem:$0x12280] =	vst v63  }
0x66a: {  	s28 =	sld [smem:$0x7AD];
	v59 =	vadd.s32 v7, v54;
	v33 =	vperm.xlane v22, v18  }
0x66b: {  	[tilespmem:s26], [sflag:$0x2] =	stream.indirect_vreg.gather [hbm4b:s22+s2], $0x80, v23, vm0, $0xb8;
	[tilespmem:$0x12280] =	vst v63  }
0x66c: {  	s29 =	sld [smem:$0x7AE];
	v34 =	vperm.xlane v22, v19;
	v23 =	vadd.s32 v7, v33  }
0x66d: {  	[tilespmem:s28], [sflag:$0x2] =	stream.indirect_vreg.gather [hbm4b:s22+s2], $0x80, v24, vm0, $0xb8;
	[tilespmem:$0x12280] =	vst v63  }
0x66e: {  	s30 =	sld [smem:$0x7AF];
	v36 =	vperm.xlane v22, v20;
	v24 =	vadd.s32 v7, v34  }
0x66f: {  	[tilespmem:s29], [sflag:$0x2] =	stream.indirect_vreg.gather [hbm4b:s22+s2], $0x80, v59, vm0, $0xb8;
	[tilespmem:$0x12280] =	vst v63  }
0x670: {  	s31 =	sld [smem:$0x7B0];
	v54 =	vadd.s32 v7, v36;
	v22 =	vperm.xlane v22, v21  }
0x671: {  	[tilespmem:s30], [sflag:$0x2] =	stream.indirect_vreg.gather [hbm4b:s22+s2], $0x80, v23, vm0, $0xb8;
	[tilespmem:$0x12280] =	vst v63  }
0x672: {  	s25 =	sld [smem:$0x7B1];
	v22 =	vadd.s32 v7, v22  }
0x673: {  	[tilespmem:s31], [sflag:$0x2] =	stream.indirect_vreg.gather [hbm4b:s22+s2], $0x80, v24, vm0, $0xb8;
	[tilespmem:$0x12280] =	vst v63  }
0x674: {  	s26 =	sld [smem:$0x7B2]  }
0x675: {  	[tilespmem:s25], [sflag:$0x2] =	stream.indirect_vreg.gather [hbm4b:s22+s2], $0x80, v54, vm0, $0xb8;
	[tilespmem:$0x12280] =	vst v63  }
0x676: {  	_ = 	snop  }
0x677: {  	[tilespmem:s26], [sflag:$0x2] =	stream.indirect_vreg.gather [hbm4b:s22+s2], $0x80, v22, vm0, $0xb8;
	[tilespmem:$0x12280] =	vst v63  }
0x678: {  	v22 =	vld [tilespmem:s21+$0x130];
	_ =	sdelay $0x4  }
0x679: {  	v23 =	vshll.u32 v22, $0x1  }
0x67a: {  	v22 =	vand.u32 $0x7, v22;
	v23 =	vand.u32 $0xFFFFFFF0, v23  }
0x67b: {  	v22 =	vor.u32 v22, v23  }
0x67c: {  	v23 =	vperm.xlane v22, v6;
	_ =	sdelay $0x1  }
0x67d: {  	v24 =	vperm.xlane v22, v5;
	v23 =	vadd.s32 v7, v23;
	_ =	sdelay $0x1  }
0x67e: {  	s28 =	sld [smem:$0x7B3];
	v59 =	vperm.xlane v22, v8;
	v24 =	vadd.s32 v7, v24;
	_ =	sdelay $0x1  }
0x67f: {  	s29 =	sld [smem:$0x7B4];
	v33 =	vperm.xlane v22, v9;
	v62 =	vadd.s32 v7, v59  }
0x680: {  	[tilespmem:s28], [sflag:$0x2] =	stream.indirect_vreg.gather [hbm4b:s22+s2], $0x80, v23, vm0, $0xb8;
	[tilespmem:$0x12280] =	vst v63  }
0x681: {  	s30 =	sld [smem:$0x7B5];
	v34 =	vperm.xlane v22, v10;
	v23 =	vadd.s32 v7, v33  }
0x682: {  	[tilespmem:s29], [sflag:$0x2] =	stream.indirect_vreg.gather [hbm4b:s22+s2], $0x80, v24, vm0, $0xb8;
	[tilespmem:$0x12280] =	vst v63  }
0x683: {  	s31 =	sld [smem:$0x7B6];
	v36 =	vperm.xlane v22, v11;
	v24 =	vadd.s32 v7, v34  }
0x684: {  	[tilespmem:s30], [sflag:$0x2] =	stream.indirect_vreg.gather [hbm4b:s22+s2], $0x80, v62, vm0, $0xb8;
	[tilespmem:$0x12280] =	vst v63  }
0x685: {  	s25 =	sld [smem:$0x7B7];
	v54 =	vadd.s32 v7, v36;
	v59 =	vperm.xlane v22, v12  }
0x686: {  	[tilespmem:s31], [sflag:$0x2] =	stream.indirect_vreg.gather [hbm4b:s22+s2], $0x80, v23, vm0, $0xb8;
	[tilespmem:$0x12280] =	vst v63  }
0x687: {  	s26 =	sld [smem:$0x7B8];
	v33 =	vperm.xlane v22, v4;
	v23 =	vadd.s32 v7, v59  }
0x688: {  	[tilespmem:s25], [sflag:$0x2] =	stream.indirect_vreg.gather [hbm4b:s22+s2], $0x80, v24, vm0, $0xb8;
	[tilespmem:$0x12280] =	vst v63  }
0x689: {  	s28 =	sld [smem:$0x7B9];
	v34 =	vperm.xlane v22, v13;
	v24 =	vadd.s32 v7, v33  }
0x68a: {  	[tilespmem:s26], [sflag:$0x2] =	stream.indirect_vreg.gather [hbm4b:s22+s2], $0x80, v54, vm0, $0xb8;
	[tilespmem:$0x12280] =	vst v63  }
0x68b: {  	s29 =	sld [smem:$0x7BA];
	v36 =	vadd.s32 v7, v34;
	v54 =	vperm.xlane v22, v14  }
0x68c: {  	[tilespmem:s28], [sflag:$0x2] =	stream.indirect_vreg.gather [hbm4b:s22+s2], $0x80, v23, vm0, $0xb8;
	[tilespmem:$0x12280] =	vst v63  }
0x68d: {  	s30 =	sld [smem:$0x7BB];
	v59 =	vperm.xlane v22, v15;
	v23 =	vadd.s32 v7, v54  }
0x68e: {  	[tilespmem:s29], [sflag:$0x2] =	stream.indirect_vreg.gather [hbm4b:s22+s2], $0x80, v24, vm0, $0xb8;
	[tilespmem:$0x12280] =	vst v63  }
0x68f: {  	s31 =	sld [smem:$0x7BC];
	v33 =	vperm.xlane v22, v16;
	v24 =	vadd.s32 v7, v59  }
0x690: {  	[tilespmem:s30], [sflag:$0x2] =	stream.indirect_vreg.gather [hbm4b:s22+s2], $0x80, v36, vm0, $0xb8;
	[tilespmem:$0x12280] =	vst v63  }
0x691: {  	s25 =	sld [smem:$0x7BD];
	v34 =	vadd.s32 v7, v33;
	v36 =	vperm.xlane v22, v18  }
0x692: {  	[tilespmem:s31], [sflag:$0x2] =	stream.indirect_vreg.gather [hbm4b:s22+s2], $0x80, v23, vm0, $0xb8;
	[tilespmem:$0x12280] =	vst v63  }
0x693: {  	s26 =	sld [smem:$0x7BE];
	v54 =	vperm.xlane v22, v19;
	v23 =	vadd.s32 v7, v36  }
0x694: {  	[tilespmem:s25], [sflag:$0x2] =	stream.indirect_vreg.gather [hbm4b:s22+s2], $0x80, v24, vm0, $0xb8;
	[tilespmem:$0x12280] =	vst v63  }
0x695: {  	s28 =	sld [smem:$0x7BF];
	v59 =	vperm.xlane v22, v20;
	v24 =	vadd.s32 v7, v54  }
0x696: {  	[tilespmem:s26], [sflag:$0x2] =	stream.indirect_vreg.gather [hbm4b:s22+s2], $0x80, v34, vm0, $0xb8;
	[tilespmem:$0x12280] =	vst v63  }
0x697: {  	s29 =	sld [smem:$0x7C0];
	v63 =	vadd.s32 v7, v59;
	v22 =	vperm.xlane v22, v21  }
0x698: {  	[tilespmem:s28], [sflag:$0x2] =	stream.indirect_vreg.gather [hbm4b:s22+s2], $0x80, v23, vm0, $0xb8;
	[tilespmem:$0x12280] =	vst v63  }
0x699: {  	s30 =	sld [smem:$0x7C1];
	v22 =	vadd.s32 v7, v22;
	s31 =	sadd.s32 $0x7, s19  }
0x69a: {  	v62 =	vmov s31;
	[tilespmem:s29], [sflag:$0x2] =	stream.indirect_vreg.gather [hbm4b:s22+s2], $0x80, v24, vm0, $0xb8;
	[tilespmem:$0x12280] =	vst v63  }
0x69b: {  	s25 =	sld [smem:$0x7C2]  }
0x69c: {  	[tilespmem:s30], [sflag:$0x2] =	stream.indirect_vreg.gather [hbm4b:s22+s2], $0x80, v63, vm0, $0xb8;
	[tilespmem:$0x12280] =	vst v63  }
0x69d: {  	_ = 	snop  }
0x69e: {  	[tilespmem:s25], [sflag:$0x2] =	stream.indirect_vreg.gather [hbm4b:s22+s2], $0x80, v22, vm0, $0xb8;
	[tilespmem:$0x12280] =	vst v63  }
0x69f: {  	v22 =	vld.idx.msk [tilespmem:v62+s12+$0x0], $0xffff;
	_ =	sdelay $0x4  }
0x6a0: {  	(v2sf) =	vpush v22, $0x0;
	_ =	sdelay $0x2  }
0x6a1: {  	v22 =	vld [tilespmem:s21+$0x180];
	_ =	sdelay $0x4  }
0x6a2: {  	v23 =	vshll.u32 v22, $0x1  }
0x6a3: {  	v22 =	vand.u32 $0x7, v22;
	v23 =	vand.u32 $0xFFFFFFF0, v23  }
0x6a4: {  	v22 =	vor.u32 v22, v23  }
0x6a5: {  	v23 =	vperm.xlane v22, v6;
	_ =	sdelay $0x1  }
0x6a6: {  	v24 =	vperm.xlane v22, v5;
	v23 =	vadd.s32 v7, v23;
	_ =	sdelay $0x1  }
0x6a7: {  	s28 =	sld [smem:$0x7C3];
	v33 =	vperm.xlane v22, v8;
	v24 =	vadd.s32 v7, v24;
	s26 =	spop (v2sf)  }
0x6a8: {  	s22 =	sand.u32 $0xFFFFF80, s26  }
0x6a9: {  	s29 =	sld [smem:$0x7C4];
	v25 =	vperm.xlane v22, v9;
	v63 =	vadd.s32 v7, v33;
	s22 =	sadd.s32 s1, s22  }
0x6aa: {  	[tilespmem:s28], [sflag:$0x2] =	stream.indirect_vreg.gather [hbm4b:s22+s2], $0x80, v23, vm0, $0xb8;
	[tilespmem:$0x12280] =	vst v63  }
0x6ab: {  	s30 =	sld [smem:$0x7C5];
	v23 =	vadd.s32 v7, v25;
	v25 =	vperm.xlane v22, v10  }
0x6ac: {  	[tilespmem:s29], [sflag:$0x2] =	stream.indirect_vreg.gather [hbm4b:s22+s2], $0x80, v24, vm0, $0xb8;
	[tilespmem:$0x12280] =	vst v63  }
0x6ad: {  	s31 =	sld [smem:$0x7C6];
	v24 =	vadd.s32 v7, v25;
	v25 =	vperm.xlane v22, v11  }
0x6ae: {  	[tilespmem:s30], [sflag:$0x2] =	stream.indirect_vreg.gather [hbm4b:s22+s2], $0x80, v63, vm0, $0xb8;
	[tilespmem:$0x12280] =	vst v63  }
0x6af: {  	s25 =	sld [smem:$0x7C7];
	v34 =	vperm.xlane v22, v12;
	v25 =	vadd.s32 v7, v25  }
0x6b0: {  	[tilespmem:s31], [sflag:$0x2] =	stream.indirect_vreg.gather [hbm4b:s22+s2], $0x80, v23, vm0, $0xb8;
	[tilespmem:$0x12280] =	vst v63  }
0x6b1: {  	v36 =	vperm.xlane v22, v4;
	s26 =	sld [smem:$0x7C8];
	v23 =	vadd.s32 v7, v34  }
0x6b2: {  	[tilespmem:s25], [sflag:$0x2] =	stream.indirect_vreg.gather [hbm4b:s22+s2], $0x80, v24, vm0, $0xb8;
	[tilespmem:$0x12280] =	vst v63  }
0x6b3: {  	v54 =	vperm.xlane v22, v13;
	s28 =	sld [smem:$0x7C9];
	v24 =	vadd.s32 v7, v36  }
0x6b4: {  	[tilespmem:s26], [sflag:$0x2] =	stream.indirect_vreg.gather [hbm4b:s22+s2], $0x80, v25, vm0, $0xb8;
	[tilespmem:$0x12280] =	vst v63  }
0x6b5: {  	v59 =	vperm.xlane v22, v14;
	s29 =	sld [smem:$0x7CA];
	v25 =	vadd.s32 v7, v54  }
0x6b6: {  	[tilespmem:s28], [sflag:$0x2] =	stream.indirect_vreg.gather [hbm4b:s22+s2], $0x80, v23, vm0, $0xb8;
	[tilespmem:$0x12280] =	vst v63  }
0x6b7: {  	v33 =	vperm.xlane v22, v15;
	s30 =	sld [smem:$0x7CB];
	v23 =	vadd.s32 v7, v59  }
0x6b8: {  	[tilespmem:s29], [sflag:$0x2] =	stream.indirect_vreg.gather [hbm4b:s22+s2], $0x80, v24, vm0, $0xb8;
	[tilespmem:$0x12280] =	vst v63  }
0x6b9: {  	s31 =	sld [smem:$0x7CC];
	v34 =	vperm.xlane v22, v16;
	v24 =	vadd.s32 v7, v33  }
0x6ba: {  	[tilespmem:s30], [sflag:$0x2] =	stream.indirect_vreg.gather [hbm4b:s22+s2], $0x80, v25, vm0, $0xb8;
	[tilespmem:$0x12280] =	vst v63  }
0x6bb: {  	s25 =	sld [smem:$0x7CD];
	v36 =	vperm.xlane v22, v18;
	v25 =	vadd.s32 v7, v34  }
0x6bc: {  	[tilespmem:s31], [sflag:$0x2] =	stream.indirect_vreg.gather [hbm4b:s22+s2], $0x80, v23, vm0, $0xb8;
	[tilespmem:$0x12280] =	vst v63  }
0x6bd: {  	s26 =	sld [smem:$0x7CE];
	v54 =	vperm.xlane v22, v19;
	v23 =	vadd.s32 v7, v36  }
0x6be: {  	[tilespmem:s25], [sflag:$0x2] =	stream.indirect_vreg.gather [hbm4b:s22+s2], $0x80, v24, vm0, $0xb8;
	[tilespmem:$0x12280] =	vst v63  }
0x6bf: {  	s28 =	sld [smem:$0x7CF];
	v59 =	vperm.xlane v22, v20;
	v24 =	vadd.s32 v7, v54  }
0x6c0: {  	[tilespmem:s26], [sflag:$0x2] =	stream.indirect_vreg.gather [hbm4b:s22+s2], $0x80, v25, vm0, $0xb8;
	[tilespmem:$0x12280] =	vst v63  }
0x6c1: {  	v22 =	vperm.xlane v22, v21;
	s29 =	sld [smem:$0x7D0];
	v25 =	vadd.s32 v7, v59  }
0x6c2: {  	[tilespmem:s28], [sflag:$0x2] =	stream.indirect_vreg.gather [hbm4b:s22+s2], $0x80, v23, vm0, $0xb8;
	[tilespmem:$0x12280] =	vst v63  }
0x6c3: {  	v22 =	vadd.s32 v7, v22;
	s30 =	sld [smem:$0x7D1]  }
0x6c4: {  	[tilespmem:s29], [sflag:$0x2] =	stream.indirect_vreg.gather [hbm4b:s22+s2], $0x80, v24, vm0, $0xb8;
	[tilespmem:$0x12280] =	vst v63  }
0x6c5: {  	s31 =	sld [smem:$0x7D2]  }
0x6c6: {  	[tilespmem:s30], [sflag:$0x2] =	stream.indirect_vreg.gather [hbm4b:s22+s2], $0x80, v25, vm0, $0xb8;
	[tilespmem:$0x12280] =	vst v63  }
0x6c7: {  	_ = 	snop  }
0x6c8: {  	[tilespmem:s31], [sflag:$0x2] =	stream.indirect_vreg.gather [hbm4b:s22+s2], $0x80, v22, vm0, $0xb8;
	[tilespmem:$0x12280] =	vst v63  }
0x6c9: {  	v22 =	vld [tilespmem:s21+$0x190];
	_ =	sdelay $0x4  }
0x6ca: {  	v23 =	vshll.u32 v22, $0x1  }
0x6cb: {  	v22 =	vand.u32 $0x7, v22;
	v23 =	vand.u32 $0xFFFFFFF0, v23  }
0x6cc: {  	v22 =	vor.u32 v22, v23  }
0x6cd: {  	v23 =	vperm.xlane v22, v6;
	_ =	sdelay $0x1  }
0x6ce: {  	v24 =	vperm.xlane v22, v5;
	v23 =	vadd.s32 v7, v23;
	_ =	sdelay $0x1  }
0x6cf: {  	s25 =	sld [smem:$0x7D3];
	v25 =	vperm.xlane v22, v8;
	v24 =	vadd.s32 v7, v24;
	_ =	sdelay $0x1  }
0x6d0: {  	s26 =	sld [smem:$0x7D4];
	v33 =	vperm.xlane v22, v9;
	v25 =	vadd.s32 v7, v25  }
0x6d1: {  	[tilespmem:s25], [sflag:$0x2] =	stream.indirect_vreg.gather [hbm4b:s22+s2], $0x80, v23, vm0, $0xb8;
	[tilespmem:$0x12280] =	vst v63  }
0x6d2: {  	s28 =	sld [smem:$0x7D5];
	v34 =	vperm.xlane v22, v10;
	v23 =	vadd.s32 v7, v33  }
0x6d3: {  	[tilespmem:s26], [sflag:$0x2] =	stream.indirect_vreg.gather [hbm4b:s22+s2], $0x80, v24, vm0, $0xb8;
	[tilespmem:$0x12280] =	vst v63  }
0x6d4: {  	s29 =	sld [smem:$0x7D6];
	v36 =	vperm.xlane v22, v11;
	v24 =	vadd.s32 v7, v34  }
0x6d5: {  	[tilespmem:s28], [sflag:$0x2] =	stream.indirect_vreg.gather [hbm4b:s22+s2], $0x80, v25, vm0, $0xb8;
	[tilespmem:$0x12280] =	vst v63  }
0x6d6: {  	s30 =	sld [smem:$0x7D7];
	v54 =	vperm.xlane v22, v12;
	v25 =	vadd.s32 v7, v36  }
0x6d7: {  	[tilespmem:s29], [sflag:$0x2] =	stream.indirect_vreg.gather [hbm4b:s22+s2], $0x80, v23, vm0, $0xb8;
	[tilespmem:$0x12280] =	vst v63  }
0x6d8: {  	s31 =	sld [smem:$0x7D8];
	v59 =	vperm.xlane v22, v4;
	v23 =	vadd.s32 v7, v54  }
0x6d9: {  	[tilespmem:s30], [sflag:$0x2] =	stream.indirect_vreg.gather [hbm4b:s22+s2], $0x80, v24, vm0, $0xb8;
	[tilespmem:$0x12280] =	vst v63  }
0x6da: {  	s25 =	sld [smem:$0x7D9];
	v33 =	vperm.xlane v22, v13;
	v24 =	vadd.s32 v7, v59  }
0x6db: {  	[tilespmem:s31], [sflag:$0x2] =	stream.indirect_vreg.gather [hbm4b:s22+s2], $0x80, v25, vm0, $0xb8;
	[tilespmem:$0x12280] =	vst v63  }
0x6dc: {  	s26 =	sld [smem:$0x7DA];
	v34 =	vperm.xlane v22, v14;
	v25 =	vadd.s32 v7, v33  }
0x6dd: {  	[tilespmem:s25], [sflag:$0x2] =	stream.indirect_vreg.gather [hbm4b:s22+s2], $0x80, v23, vm0, $0xb8;
	[tilespmem:$0x12280] =	vst v63  }
0x6de: {  	s28 =	sld [smem:$0x7DB];
	v36 =	vperm.xlane v22, v15;
	v23 =	vadd.s32 v7, v34  }
0x6df: {  	[tilespmem:s26], [sflag:$0x2] =	stream.indirect_vreg.gather [hbm4b:s22+s2], $0x80, v24, vm0, $0xb8;
	[tilespmem:$0x12280] =	vst v63  }
0x6e0: {  	s29 =	sld [smem:$0x7DC];
	v54 =	vperm.xlane v22, v16;
	v24 =	vadd.s32 v7, v36  }
0x6e1: {  	[tilespmem:s28], [sflag:$0x2] =	stream.indirect_vreg.gather [hbm4b:s22+s2], $0x80, v25, vm0, $0xb8;
	[tilespmem:$0x12280] =	vst v63  }
0x6e2: {  	s30 =	sld [smem:$0x7DD];
	v59 =	vperm.xlane v22, v18;
	v25 =	vadd.s32 v7, v54  }
0x6e3: {  	[tilespmem:s29], [sflag:$0x2] =	stream.indirect_vreg.gather [hbm4b:s22+s2], $0x80, v23, vm0, $0xb8;
	[tilespmem:$0x12280] =	vst v63  }
0x6e4: {  	s31 =	sld [smem:$0x7DE];
	v33 =	vperm.xlane v22, v19;
	v23 =	vadd.s32 v7, v59  }
0x6e5: {  	[tilespmem:s30], [sflag:$0x2] =	stream.indirect_vreg.gather [hbm4b:s22+s2], $0x80, v24, vm0, $0xb8;
	[tilespmem:$0x12280] =	vst v63  }
0x6e6: {  	s25 =	sld [smem:$0x7DF];
	v34 =	vperm.xlane v22, v20;
	v24 =	vadd.s32 v7, v33  }
0x6e7: {  	[tilespmem:s31], [sflag:$0x2] =	stream.indirect_vreg.gather [hbm4b:s22+s2], $0x80, v25, vm0, $0xb8;
	[tilespmem:$0x12280] =	vst v63  }
0x6e8: {  	v22 =	vperm.xlane v22, v21;
	s26 =	sld [smem:$0x7E0];
	v25 =	vadd.s32 v7, v34  }
0x6e9: {  	[tilespmem:s25], [sflag:$0x2] =	stream.indirect_vreg.gather [hbm4b:s22+s2], $0x80, v23, vm0, $0xb8;
	[tilespmem:$0x12280] =	vst v63  }
0x6ea: {  	v22 =	vadd.s32 v7, v22;
	s28 =	sld [smem:$0x7E1]  }
0x6eb: {  	[tilespmem:s26], [sflag:$0x2] =	stream.indirect_vreg.gather [hbm4b:s22+s2], $0x80, v24, vm0, $0xb8;
	[tilespmem:$0x12280] =	vst v63  }
0x6ec: {  	s29 =	sld [smem:$0x7E2]  }
0x6ed: {  	[tilespmem:s28], [sflag:$0x2] =	stream.indirect_vreg.gather [hbm4b:s22+s2], $0x80, v25, vm0, $0xb8;
	[tilespmem:$0x12280] =	vst v63  }
0x6ee: {  	_ = 	snop  }
0x6ef: {  	[tilespmem:s29], [sflag:$0x2] =	stream.indirect_vreg.gather [hbm4b:s22+s2], $0x80, v22, vm0, $0xb8;
	[tilespmem:$0x12280] =	vst v63  }
0x6f0: {  	v22 =	vld [tilespmem:s21+$0x1A0];
	_ =	sdelay $0x4  }
0x6f1: {  	v23 =	vshll.u32 v22, $0x1  }
0x6f2: {  	v22 =	vand.u32 $0x7, v22;
	v23 =	vand.u32 $0xFFFFFFF0, v23  }
0x6f3: {  	v22 =	vor.u32 v22, v23  }
0x6f4: {  	v23 =	vperm.xlane v22, v6;
	_ =	sdelay $0x1  }
0x6f5: {  	v24 =	vperm.xlane v22, v5;
	v23 =	vadd.s32 v7, v23;
	_ =	sdelay $0x1  }
0x6f6: {  	s30 =	sld [smem:$0x7E3];
	v25 =	vperm.xlane v22, v8;
	v24 =	vadd.s32 v7, v24;
	_ =	sdelay $0x1  }
0x6f7: {  	s31 =	sld [smem:$0x7E4];
	v36 =	vperm.xlane v22, v9;
	v25 =	vadd.s32 v7, v25  }
0x6f8: {  	[tilespmem:s30], [sflag:$0x2] =	stream.indirect_vreg.gather [hbm4b:s22+s2], $0x80, v23, vm0, $0xb8;
	[tilespmem:$0x12280] =	vst v63  }
0x6f9: {  	s25 =	sld [smem:$0x7E5];
	v54 =	vperm.xlane v22, v10;
	v23 =	vadd.s32 v7, v36  }
0x6fa: {  	[tilespmem:s31], [sflag:$0x2] =	stream.indirect_vreg.gather [hbm4b:s22+s2], $0x80, v24, vm0, $0xb8;
	[tilespmem:$0x12280] =	vst v63  }
0x6fb: {  	s26 =	sld [smem:$0x7E6];
	v59 =	vperm.xlane v22, v11;
	v24 =	vadd.s32 v7, v54  }
0x6fc: {  	[tilespmem:s25], [sflag:$0x2] =	stream.indirect_vreg.gather [hbm4b:s22+s2], $0x80, v25, vm0, $0xb8;
	[tilespmem:$0x12280] =	vst v63  }
0x6fd: {  	s28 =	sld [smem:$0x7E7];
	v33 =	vperm.xlane v22, v12;
	v25 =	vadd.s32 v7, v59  }
0x6fe: {  	[tilespmem:s26], [sflag:$0x2] =	stream.indirect_vreg.gather [hbm4b:s22+s2], $0x80, v23, vm0, $0xb8;
	[tilespmem:$0x12280] =	vst v63  }
0x6ff: {  	s29 =	sld [smem:$0x7E8];
	v34 =	vperm.xlane v22, v4;
	v23 =	vadd.s32 v7, v33  }
0x700: {  	[tilespmem:s28], [sflag:$0x2] =	stream.indirect_vreg.gather [hbm4b:s22+s2], $0x80, v24, vm0, $0xb8;
	[tilespmem:$0x12280] =	vst v63  }
0x701: {  	s30 =	sld [smem:$0x7E9];
	v36 =	vperm.xlane v22, v13;
	v24 =	vadd.s32 v7, v34  }
0x702: {  	[tilespmem:s29], [sflag:$0x2] =	stream.indirect_vreg.gather [hbm4b:s22+s2], $0x80, v25, vm0, $0xb8;
	[tilespmem:$0x12280] =	vst v63  }
0x703: {  	s31 =	sld [smem:$0x7EA];
	v54 =	vperm.xlane v22, v14;
	v25 =	vadd.s32 v7, v36  }
0x704: {  	[tilespmem:s30], [sflag:$0x2] =	stream.indirect_vreg.gather [hbm4b:s22+s2], $0x80, v23, vm0, $0xb8;
	[tilespmem:$0x12280] =	vst v63  }
0x705: {  	s25 =	sld [smem:$0x70B];
	v59 =	vperm.xlane v22, v15;
	v23 =	vadd.s32 v7, v54  }
0x706: {  	[tilespmem:s31], [sflag:$0x2] =	stream.indirect_vreg.gather [hbm4b:s22+s2], $0x80, v24, vm0, $0xb8;
	[tilespmem:$0x12280] =	vst v63  }
0x707: {  	s26 =	sld [smem:$0x7EB];
	v33 =	vperm.xlane v22, v16;
	v24 =	vadd.s32 v7, v59  }
0x708: {  	[tilespmem:s25], [sflag:$0x2] =	stream.indirect_vreg.gather [hbm4b:s22+s2], $0x80, v25, vm0, $0xb8;
	[tilespmem:$0x12280] =	vst v63  }
0x709: {  	s28 =	sld [smem:$0x719];
	v34 =	vperm.xlane v22, v18;
	v25 =	vadd.s32 v7, v33  }
0x70a: {  	[tilespmem:s26], [sflag:$0x2] =	stream.indirect_vreg.gather [hbm4b:s22+s2], $0x80, v23, vm0, $0xb8;
	[tilespmem:$0x12280] =	vst v63  }
0x70b: {  	s29 =	sld [smem:$0x718];
	v36 =	vperm.xlane v22, v19;
	v23 =	vadd.s32 v7, v34  }
0x70c: {  	[tilespmem:s28], [sflag:$0x2] =	stream.indirect_vreg.gather [hbm4b:s22+s2], $0x80, v24, vm0, $0xb8;
	[tilespmem:$0x12280] =	vst v63  }
0x70d: {  	s30 =	sld [smem:$0x717];
	v54 =	vperm.xlane v22, v20;
	v24 =	vadd.s32 v7, v36  }
0x70e: {  	[tilespmem:s29], [sflag:$0x2] =	stream.indirect_vreg.gather [hbm4b:s22+s2], $0x80, v25, vm0, $0xb8;
	[tilespmem:$0x12280] =	vst v63  }
0x70f: {  	v22 =	vperm.xlane v22, v21;
	s31 =	sld [smem:$0x7EC];
	v25 =	vadd.s32 v7, v54  }
0x710: {  	[tilespmem:s30], [sflag:$0x2] =	stream.indirect_vreg.gather [hbm4b:s22+s2], $0x80, v23, vm0, $0xb8;
	[tilespmem:$0x12280] =	vst v63  }
0x711: {  	v22 =	vadd.s32 v7, v22;
	s25 =	sld [smem:$0x7ED]  }
0x712: {  	[tilespmem:s31], [sflag:$0x2] =	stream.indirect_vreg.gather [hbm4b:s22+s2], $0x80, v24, vm0, $0xb8;
	[tilespmem:$0x12280] =	vst v63  }
0x713: {  	s26 =	sld [smem:$0x732]  }
0x714: {  	[tilespmem:s25], [sflag:$0x2] =	stream.indirect_vreg.gather [hbm4b:s22+s2], $0x80, v25, vm0, $0xb8;
	[tilespmem:$0x12280] =	vst v63  }
0x715: {  	_ = 	snop  }
0x716: {  	[tilespmem:s26], [sflag:$0x2] =	stream.indirect_vreg.gather [hbm4b:s22+s2], $0x80, v22, vm0, $0xb8;
	[tilespmem:$0x12280] =	vst v63  }
0x717: {  	v22 =	vld [tilespmem:s21+$0x1B0];
	_ =	sdelay $0x4  }
0x718: {  	v23 =	vshll.u32 v22, $0x1  }
0x719: {  	v22 =	vand.u32 $0x7, v22;
	v23 =	vand.u32 $0xFFFFFFF0, v23  }
0x71a: {  	v22 =	vor.u32 v22, v23  }
0x71b: {  	v23 =	vperm.xlane v22, v6;
	_ =	sdelay $0x1  }
0x71c: {  	v24 =	vperm.xlane v22, v5;
	v23 =	vadd.s32 v7, v23;
	_ =	sdelay $0x1  }
0x71d: {  	s28 =	sld [smem:$0x7FA];
	v25 =	vperm.xlane v22, v8;
	v24 =	vadd.s32 v7, v24;
	_ =	sdelay $0x1  }
0x71e: {  	s29 =	sld [smem:$0x7EE];
	v59 =	vperm.xlane v22, v9;
	v25 =	vadd.s32 v7, v25  }
0x71f: {  	[tilespmem:s28], [sflag:$0x2] =	stream.indirect_vreg.gather [hbm4b:s22+s2], $0x80, v23, vm0, $0xb8;
	[tilespmem:$0x12280] =	vst v63  }
0x720: {  	s30 =	sld [smem:$0x7EF];
	v33 =	vperm.xlane v22, v10;
	v23 =	vadd.s32 v7, v59  }
0x721: {  	[tilespmem:s29], [sflag:$0x2] =	stream.indirect_vreg.gather [hbm4b:s22+s2], $0x80, v24, vm0, $0xb8;
	[tilespmem:$0x12280] =	vst v63  }
0x722: {  	s31 =	sld [smem:$0x7F0];
	v34 =	vperm.xlane v22, v11;
	v24 =	vadd.s32 v7, v33  }
0x723: {  	[tilespmem:s30], [sflag:$0x2] =	stream.indirect_vreg.gather [hbm4b:s22+s2], $0x80, v25, vm0, $0xb8;
	[tilespmem:$0x12280] =	vst v63  }
0x724: {  	s25 =	sld [smem:$0x7F1];
	v36 =	vperm.xlane v22, v12;
	v25 =	vadd.s32 v7, v34  }
0x725: {  	[tilespmem:s31], [sflag:$0x2] =	stream.indirect_vreg.gather [hbm4b:s22+s2], $0x80, v23, vm0, $0xb8;
	[tilespmem:$0x12280] =	vst v63  }
0x726: {  	s26 =	sld [smem:$0x7F2];
	v54 =	vperm.xlane v22, v4;
	v23 =	vadd.s32 v7, v36  }
0x727: {  	[tilespmem:s25], [sflag:$0x2] =	stream.indirect_vreg.gather [hbm4b:s22+s2], $0x80, v24, vm0, $0xb8;
	[tilespmem:$0x12280] =	vst v63  }
0x728: {  	s28 =	sld [smem:$0x7F3];
	v59 =	vperm.xlane v22, v13;
	v24 =	vadd.s32 v7, v54  }
0x729: {  	[tilespmem:s26], [sflag:$0x2] =	stream.indirect_vreg.gather [hbm4b:s22+s2], $0x80, v25, vm0, $0xb8;
	[tilespmem:$0x12280] =	vst v63  }
0x72a: {  	s29 =	sld [smem:$0x7F9];
	v33 =	vperm.xlane v22, v14;
	v25 =	vadd.s32 v7, v59  }
0x72b: {  	[tilespmem:s28], [sflag:$0x2] =	stream.indirect_vreg.gather [hbm4b:s22+s2], $0x80, v23, vm0, $0xb8;
	[tilespmem:$0x12280] =	vst v63  }
0x72c: {  	s30 =	sld [smem:$0x7F4];
	v34 =	vperm.xlane v22, v15;
	v23 =	vadd.s32 v7, v33  }
0x72d: {  	[tilespmem:s29], [sflag:$0x2] =	stream.indirect_vreg.gather [hbm4b:s22+s2], $0x80, v24, vm0, $0xb8;
	[tilespmem:$0x12280] =	vst v63  }
0x72e: {  	s31 =	sld [smem:$0x7F5];
	v36 =	vperm.xlane v22, v16;
	v24 =	vadd.s32 v7, v34  }
0x72f: {  	[tilespmem:s30], [sflag:$0x2] =	stream.indirect_vreg.gather [hbm4b:s22+s2], $0x80, v25, vm0, $0xb8;
	[tilespmem:$0x12280] =	vst v63  }
0x730: {  	s25 =	sld [smem:$0x7F6];
	v54 =	vperm.xlane v22, v18;
	v25 =	vadd.s32 v7, v36  }
0x731: {  	[tilespmem:s31], [sflag:$0x2] =	stream.indirect_vreg.gather [hbm4b:s22+s2], $0x80, v23, vm0, $0xb8;
	[tilespmem:$0x12280] =	vst v63  }
0x732: {  	s26 =	sld [smem:$0x7F8];
	v59 =	vperm.xlane v22, v19;
	v23 =	vadd.s32 v7, v54  }
0x733: {  	[tilespmem:s25], [sflag:$0x2] =	stream.indirect_vreg.gather [hbm4b:s22+s2], $0x80, v24, vm0, $0xb8;
	[tilespmem:$0x12280] =	vst v63  }
0x734: {  	s28 =	sld [smem:$0x7F7];
	v33 =	vperm.xlane v22, v20;
	v24 =	vadd.s32 v7, v59  }
0x735: {  	[tilespmem:s26], [sflag:$0x2] =	stream.indirect_vreg.gather [hbm4b:s22+s2], $0x80, v25, vm0, $0xb8;
	[tilespmem:$0x12280] =	vst v63  }
0x736: {  	v22 =	vperm.xlane v22, v21;
	s29 =	sld [smem:$0x7FB];
	v25 =	vadd.s32 v7, v33  }
0x737: {  	[tilespmem:s28], [sflag:$0x2] =	stream.indirect_vreg.gather [hbm4b:s22+s2], $0x80, v23, vm0, $0xb8;
	[tilespmem:$0x12280] =	vst v63  }
0x738: {  	v22 =	vadd.s32 v7, v22;
	s30 =	sld [smem:$0x7FC]  }
0x739: {  	[tilespmem:s29], [sflag:$0x2] =	stream.indirect_vreg.gather [hbm4b:s22+s2], $0x80, v24, vm0, $0xb8;
	[tilespmem:$0x12280] =	vst v63  }
0x73a: {  	s31 =	sld [smem:$0x7FD]  }
0x73b: {  	[tilespmem:s30], [sflag:$0x2] =	stream.indirect_vreg.gather [hbm4b:s22+s2], $0x80, v25, vm0, $0xb8;
	[tilespmem:$0x12280] =	vst v63  }
0x73c: {  	_ = 	snop  }
0x73d: {  	[tilespmem:s31], [sflag:$0x2] =	stream.indirect_vreg.gather [hbm4b:s22+s2], $0x80, v22, vm0, $0xb8;
	[tilespmem:$0x12280] =	vst v63  }
0x73e: {  	_ =	swait.ge [sflag:s4], $0x2000  }
0x73f: {  	[sflag:s4] =	ssyncset.done $0x0  }
0x740: {  	[sflag:s4] =	ssyncadd.s32 $0xFFFFE000  }
0x741: {  	_ =	swait.ge [sflag:s4], $0x2000  }
0x742: {  	[sflag:s4] =	ssyncset.done $0x0  }
0x743: {  	[sflag:s4] =	ssyncadd.s32 $0xFFFFE000  }
0x744: {  	_ =	swait.ge [sflag:s4], $0x2000  }
0x745: {  	[sflag:s4] =	ssyncset.done $0x0  }
0x746: {  	[sflag:s4] =	ssyncadd.s32 $0xFFFFE000  }
0x747: {  	_ =	swait.ge [sflag:s4], $0x2000  }
0x748: {  	[sflag:s4] =	ssyncset.done $0x0  }
0x749: {  	[sflag:s4] =	ssyncadd.s32 $0xFFFFE000  }
0x74a: {  	v22 =	vld.idx.msk [tilespmem:v55+s15+$0x0], $0xffff  }
0x74b: {  	v25 =	vld.idx.msk [tilespmem:v55+s11+$0x0], $0xffff  }
0x74c: {  	v63 =	vld.idx.msk [tilespmem:v56+s15+$0x0], $0xffff  }
0x74d: {  	v29 =	vld [tilespmem:s20+$0xFFFFFE20]  }
0x74e: {  	v56 =	vld.idx.msk [tilespmem:v56+s11+$0x0], $0xffff  }
0x74f: {  	v33 =	vld.idx.msk [tilespmem:v57+s15+$0x0], $0xffff  }
0x750: {  	v15 =	vmov v38;
	v38 =	vld [tilespmem:s20+$0xFFFFFEB0]  }
0x751: {  	v57 =	vld.idx.msk [tilespmem:v57+s11+$0x0], $0xffff  }
0x752: {  	v21 =	vmov v41;
	v41 =	vld.idx.msk [tilespmem:v58+s15+$0x0], $0xffff  }
0x753: {  	v16 =	vmov v42;
	v42 =	vld [tilespmem:s20+$0xFFFFFF00]  }
0x754: {  	v18 =	vld [tilespmem:s20+$0xFFFFFF20]  }
0x755: {  	v19 =	vld [tilespmem:s20+$0xFFFFFF30]  }
0x756: {  	v58 =	vld.idx.msk [tilespmem:v58+s11+$0x0], $0xffff  }
0x757: {  	v20 =	vld [tilespmem:s20+$0xFFFFFF80]  }
0x758: {  	v14 =	vld [tilespmem:s20+$0xFFFFFF90]  }
0x759: {  	v17 =	vmovc v31;
	v61 =	vmov v26;
	v23 =	vadd.s32 v30, v22;
	v24 =	vadd.s32 v26, v22;
	v26 =	vld [tilespmem:s20+$0xFFFFFE00]  }
0x75a: {  	v5 =	vmovc v35;
	v6 =	vmovc v37;
	v8 =	vmov v39;
	v59 =	vmov v27;
	v34 =	vadd.s32 v27, v22;
	v27 =	vld [tilespmem:s20+$0xFFFFFE10]  }
0x75b: {  	v54 =	vmovc v30;
	v22 =	vadd.s32 v52, v22;
	v28 =	vadd.s32 v53, v63;
	v30 =	vld [tilespmem:s20+$0xFFFFFE30];
	v31 =	vadd.s32 v31, v63  }
0x75c: {  	v9 =	vmovc v40;
	v36 =	vadd.s32 v32, v63;
	v63 =	vadd.s32 v35, v63;
	v35 =	vld [tilespmem:s20+$0xFFFFFE90];
	v37 =	vadd.s32 v37, v33  }
0x75d: {  	v10 =	vmovc v43;
	v39 =	vadd.s32 v39, v33;
	v40 =	vadd.s32 v40, v33;
	v33 =	vadd.s32 v43, v33;
	v43 =	vld [tilespmem:s20+$0xFFFFFF10]  }
0x75e: {  	v23 =	vld.idx.msk [tilespmem:v23+s13+$0x0], $0xffff  }
0x75f: {  	v24 =	vld.idx.msk [tilespmem:v24+s13+$0x0], $0xffff  }
0x760: {  	v55 =	vld.idx.msk [tilespmem:v34+s13+$0x0], $0xffff  }
0x761: {  	v22 =	vld.idx.msk [tilespmem:v22+s13+$0x0], $0xffff  }
0x762: {  	v28 =	vld.idx.msk [tilespmem:v28+s13+$0x0], $0xffff  }
0x763: {  	v34 =	vld [tilespmem:s20+$0xFFFFFE80]  }
0x764: {  	v31 =	vld.idx.msk [tilespmem:v31+s13+$0x0], $0xffff  }
0x765: {  	v4 =	vmov v32;
	v32 =	vld.idx.msk [tilespmem:v36+s13+$0x0], $0xffff  }
0x766: {  	v13 =	vadd.s32 v49, v41;
	v36 =	vld [tilespmem:s20+$0xFFFFFEA0]  }
0x767: {  	v63 =	vld.idx.msk [tilespmem:v63+s13+$0x0], $0xffff  }
0x768: {  	v11 =	vmov v44;
	v37 =	vld.idx.msk [tilespmem:v37+s13+$0x0], $0xffff  }
0x769: {  	v44 =	vadd.s32 v44, v41;
	v39 =	vld.idx.msk [tilespmem:v39+s13+$0x0], $0xffff;
	v26 =	vmul.f32 v26, v25;
	v23 =	vmul.f32 v23, v25  }
0x76a: {  	v12 =	vmov v47;
	v47 =	vadd.s32 v47, v41;
	v40 =	vld.idx.msk [tilespmem:v40+s13+$0x0], $0xffff  }
0x76b: {  	v41 =	vadd.s32 v51, v41;
	v23 =	vsub.f32 v23, v26;
	v26 =	vld.idx.msk [tilespmem:v13+s13+$0x0], $0xffff  }
0x76c: {  	v13 =	vmul.f32 v55, v25;
	v55 =	vld [tilespmem:$0x1FF30]  }
0x76d: {  	v33 =	vld.idx.msk [tilespmem:v33+s13+$0x0], $0xffff  }
0x76e: {  	v44 =	vld.idx.msk [tilespmem:v44+s13+$0x0], $0xffff;
	v27 =	vmul.f32 v27, v25;
	v24 =	vmul.f32 v24, v25  }
0x76f: {  	v29 =	vmul.f32 v29, v25;
	v47 =	vld.idx.msk [tilespmem:v47+s13+$0x0], $0xffff;
	v22 =	vmul.f32 v22, v25  }
0x770: {  	v41 =	vld.idx.msk [tilespmem:v41+s13+$0x0], $0xffff;
	v24 =	vsub.f32 v24, v27;
	v25 =	vmul.f32 v30, v25;
	v23 =	vand.u32 $0x7FFFFFFF, v23  }
0x771: {  	v27 =	vld [tilespmem:s20+$0xFFFFFFA0];
	v23 =	vadd.f32 v23, v55  }
0x772: {  	v30 =	vld [tilespmem:s20+$0xFFFFFFB0];
	_ =	swait.ge [sflag:s16], $0x2000;
	v29 =	vsub.f32 v13, v29;
	v24 =	vand.u32 $0x7FFFFFFF, v24;
	v22 =	vsub.f32 v22, v25  }
0x773: {  	[sflag:s16] =	ssyncset.done $0x0;
	v25 =	vmul.f32 v28, v56;
	v28 =	vmul.f32 v34, v56;
	v23 =	vadd.f32 v24, v23  }
0x774: {  	[sflag:s16] =	ssyncadd.s32 $0xFFFFE000;
	v24 =	vand.u32 $0x7FFFFFFF, v29  }
0x775: {  	_ =	swait.ge [sflag:s16], $0x2000;
	v25 =	vsub.f32 v25, v28;
	v23 =	vadd.f32 v24, v23  }
0x776: {  	v22 =	vand.u32 $0x7FFFFFFF, v22;
	[sflag:s16] =	ssyncset.done $0x0;
	v29 =	vmul.f32 v35, v56;
	v24 =	vmul.f32 v31, v56  }
0x777: {  	v28 =	vmul.f32 v36, v56;
	[sflag:s16] =	ssyncadd.s32 $0xFFFFE000;
	v22 =	vadd.f32 v22, v23  }
0x778: {  	_ =	swait.ge [sflag:s16], $0x2000;
	v23 =	vsub.f32 v24, v29;
	v24 =	vand.u32 $0x7FFFFFFF, v25;
	v25 =	vmul.f32 v32, v56  }
0x779: {  	[sflag:s16] =	ssyncset.done $0x0;
	v29 =	vmul.f32 v38, v56;
	v22 =	vadd.f32 v24, v22  }
0x77a: {  	[sflag:s16] =	ssyncadd.s32 $0xFFFFE000;
	v24 =	vmul.f32 v63, v56;
	v25 =	vsub.f32 v25, v28;
	v23 =	vand.u32 $0x7FFFFFFF, v23  }
0x77b: {  	v63 =	vld [tilespmem:$0x1FFE0];
	_ =	swait.ge [sflag:s16], $0x2000;
	v28 =	vmul.f32 v42, v57;
	v22 =	vadd.f32 v23, v22  }
0x77c: {  	v23 =	vsub.f32 v24, v29;
	v24 =	vand.u32 $0x7FFFFFFF, v25;
	v25 =	vmul.f32 v37, v57;
	v37 =	vld [tilespmem:$0x1FF40]  }
0x77d: {  	v29 =	vmul.f32 v43, v57;
	v22 =	vadd.f32 v24, v22;
	v24 =	vmul.f32 v39, v57  }
0x77e: {  	v23 =	vand.u32 $0x7FFFFFFF, v23;
	v25 =	vsub.f32 v25, v28  }
0x77f: {  	v22 =	vadd.f32 v23, v22;
	v23 =	vsub.f32 v24, v29  }
0x780: {  	v24 =	vand.u32 $0x7FFFFFFF, v25;
	v25 =	vmul.f32 v40, v57;
	v29 =	vmul.f32 v18, v57  }
0x781: {  	[sflag:s16] =	ssyncset.done $0x0  }
0x782: {  	[sflag:s16] =	ssyncadd.s32 $0xFFFFE000;
	v22 =	vadd.f32 v24, v22;
	v24 =	vsub.f32 v25, v29  }
0x783: {  	v36 =	vld.idx.msk [tilespmem:v60+s15+$0x0], $0xffff;
	v23 =	vand.u32 $0x7FFFFFFF, v23;
	v25 =	vmul.f32 v33, v57;
	v29 =	vmul.f32 v19, v57  }
0x784: {  	v28 =	vld.idx.msk [tilespmem:v37+s15+$0x0], $0xffff;
	v22 =	vadd.f32 v23, v22  }
0x785: {  	v24 =	vand.u32 $0x7FFFFFFF, v24;
	v25 =	vsub.f32 v25, v29  }
0x786: {  	v55 =	vmul.f32 v47, v58;
	v56 =	vmul.f32 v14, v58;
	v22 =	vadd.f32 v24, v22  }
0x787: {  	v31 =	vmul.f32 v20, v58;
	v38 =	vmovc v15;
	v29 =	vmul.f32 v44, v58;
	v25 =	vand.u32 $0x7FFFFFFF, v25  }
0x788: {  	v32 =	vld.idx.msk [tilespmem:v37+s11+$0x0], $0xffff;
	v22 =	vadd.f32 v25, v22;
	v25 =	vsub.f32 v55, v56;
	v55 =	vadd.s32 v50, v36  }
0x789: {  	v42 =	vmov v16;
	v37 =	vld [tilespmem:$0x1FF50];
	v29 =	vsub.f32 v29, v31;
	v23 =	vadd.s32 v38, v28  }
0x78a: {  	v31 =	vld [tilespmem:s20+$0x0];
	v24 =	vadd.s32 v42, v28  }
0x78b: {  	v29 =	vand.u32 $0x7FFFFFFF, v29;
	v56 =	vld [tilespmem:s20+$0x20];
	v57 =	vadd.s32 v45, v28  }
0x78c: {  	v22 =	vadd.f32 v29, v22;
	v29 =	vld [tilespmem:s20+$0x10]  }
0x78d: {  	v33 =	vld.idx.msk [tilespmem:v55+s13+$0x0], $0xffff  }
0x78e: {  	v26 =	vmul.f32 v26, v58;
	v27 =	vmul.f32 v27, v58;
	v28 =	vadd.s32 v48, v28;
	v23 =	vld.idx.msk [tilespmem:v23+s13+$0x0], $0xffff  }
0x78f: {  	v30 =	vmul.f32 v30, v58;
	v25 =	vand.u32 $0x7FFFFFFF, v25;
	v24 =	vld.idx.msk [tilespmem:v24+s13+$0x0], $0xffff  }
0x790: {  	v26 =	vsub.f32 v26, v27;
	v22 =	vadd.f32 v25, v22;
	v25 =	vmul.f32 v41, v58;
	v27 =	vld.idx.msk [tilespmem:v57+s13+$0x0], $0xffff  }
0x791: {  	v57 =	vld [tilespmem:$0x1FFD0]  }
0x792: {  	v26 =	vand.u32 $0x7FFFFFFF, v26;
	v55 =	vld [tilespmem:$0x1FF60];
	v25 =	vsub.f32 v25, v30  }
0x793: {  	v28 =	vld.idx.msk [tilespmem:v28+s13+$0x0], $0xffff;
	v22 =	vadd.f32 v26, v22  }
0x794: {  	v31 =	vmul.f32 v31, v32;
	v41 =	vmov v21;
	v26 =	vld [tilespmem:s20+$0x30];
	v25 =	vand.u32 $0x7FFFFFFF, v25  }
0x795: {  	v30 =	vadd.s32 v41, v36;
	v29 =	vmul.f32 v29, v32;
	v22 =	vadd.f32 v25, v22;
	v25 =	vld.idx.msk [tilespmem:v37+s15+$0x0], $0xffff  }
0x796: {  	v23 =	vmul.f32 v23, v32;
	v24 =	vmul.f32 v24, v32;
	v58 =	vadd.s32 v57, v36;
	v57 =	vld [tilespmem:s20+$0xB0]  }
0x797: {  	v27 =	vmul.f32 v27, v32;
	v36 =	vadd.s32 v63, v36;
	v63 =	vld [tilespmem:$0x1FF90]  }
0x798: {  	v23 =	vsub.f32 v23, v31;
	v31 =	vld.idx.msk [tilespmem:v60+s11+$0x0], $0xffff;
	v24 =	vsub.f32 v24, v29;
	v29 =	vmul.f32 v56, v32  }
0x799: {  	v60 =	vld [tilespmem:s20+$0x80]  }
0x79a: {  	v23 =	vand.u32 $0x7FFFFFFF, v23;
	v27 =	vsub.f32 v27, v29;
	v29 =	vld [tilespmem:s20+$0x90]  }
0x79b: {  	v22 =	vadd.f32 v23, v22;
	v23 =	vld.idx.msk [tilespmem:v30+s13+$0x0], $0xffff  }
0x79c: {  	v24 =	vand.u32 $0x7FFFFFFF, v24;
	v30 =	vld [tilespmem:s20+$0xA0]  }
0x79d: {  	v22 =	vadd.f32 v24, v22;
	v24 =	vmul.f32 v28, v32;
	v28 =	vld.idx.msk [tilespmem:v58+s13+$0x0], $0xffff  }
0x79e: {  	v26 =	vmul.f32 v26, v32;
	v58 =	vld [tilespmem:$0x1FF70]  }
0x79f: {  	v27 =	vand.u32 $0x7FFFFFFF, v27;
	v56 =	vmul.f32 v60, v31;
	v60 =	vld [tilespmem:s20+$0x100]  }
0x7a0: {  	v22 =	vadd.f32 v27, v22;
	v24 =	vsub.f32 v24, v26;
	v26 =	vld.idx.msk [tilespmem:v36+s13+$0x0], $0xffff;
	v27 =	vmul.f32 v33, v31  }
0x7a1: {  	v36 =	vld.idx.msk [tilespmem:v37+s11+$0x0], $0xffff  }
0x7a2: {  	v32 =	vadd.s32 v55, v25;
	v37 =	vld.idx.msk [tilespmem:v62+s15+$0x0], $0xffff;
	v24 =	vand.u32 $0x7FFFFFFF, v24;
	v27 =	vsub.f32 v27, v56  }
0x7a3: {  	v22 =	vadd.f32 v24, v22;
	v24 =	vld [tilespmem:$0x1FF80]  }
0x7a4: {  	v30 =	vmul.f32 v30, v31;
	v56 =	vld.idx.msk [tilespmem:v62+s11+$0x0], $0xffff;
	v28 =	vmul.f32 v28, v31;
	v27 =	vand.u32 $0x7FFFFFFF, v27  }
0x7a5: {  	v29 =	vmul.f32 v29, v31;
	v23 =	vmul.f32 v23, v31;
	v62 =	vld [tilespmem:$0x1FFC0];
	v22 =	vadd.f32 v27, v22  }
0x7a6: {  	v27 =	vsub.f32 v28, v30;
	v26 =	vmul.f32 v26, v31;
	v30 =	vmul.f32 v57, v31;
	v31 =	vld [tilespmem:$0x1FFA0]  }
0x7a7: {  	v35 =	vadd.s32 v58, v25;
	v23 =	vsub.f32 v23, v29;
	v29 =	vld.idx.msk [tilespmem:v32+s13+$0x0], $0xffff  }
0x7a8: {  	v28 =	vld [tilespmem:s20+$0x110];
	v24 =	vadd.s32 v24, v25  }
0x7a9: {  	v26 =	vsub.f32 v26, v30;
	v30 =	vld [tilespmem:$0x1FFB0]  }
0x7aa: {  	v23 =	vand.u32 $0x7FFFFFFF, v23;
	v57 =	vld [tilespmem:$0x1FFF0];
	v25 =	vadd.s32 v63, v25  }
0x7ab: {  	v22 =	vadd.f32 v23, v22;
	v23 =	vld [tilespmem:s20+$0x120];
	v31 =	vadd.s32 v31, v37  }
0x7ac: {  	v55 =	vld.idx.msk [tilespmem:v35+s13+$0x0], $0xffff  }
0x7ad: {  	v13 =	vimm.s32 $0x8;
	v27 =	vand.u32 $0x7FFFFFFF, v27;
	v24 =	vld.idx.msk [tilespmem:v24+s13+$0x0], $0xffff  }
0x7ae: {  	v47 =	vmovc v12;
	v12 =	vimm.s32 $0x6;
	v22 =	vadd.f32 v27, v22;
	v27 =	vld [tilespmem:s20+$0x130];
	v30 =	vadd.s32 v30, v37  }
0x7af: {  	v32 =	vmul.f32 v60, v36;
	v29 =	vmul.f32 v29, v36;
	v26 =	vand.u32 $0x7FFFFFFF, v26;
	v25 =	vld.idx.msk [tilespmem:v25+s13+$0x0], $0xffff  }
0x7b0: {  	v20 =	vimm.s32 $0xE;
	v22 =	vadd.f32 v26, v22;
	v26 =	vld.idx.msk [tilespmem:v31+s13+$0x0], $0xffff;
	v31 =	vadd.s32 v57, v37  }
0x7b1: {  	v60 =	vld [tilespmem:s20+$0x180];
	v29 =	vsub.f32 v29, v32;
	v28 =	vmul.f32 v28, v36;
	v58 =	vmul.f32 v55, v36  }
0x7b2: {  	v35 =	vadd.s32 v62, v37;
	v63 =	vld [tilespmem:s20+$0x190];
	v23 =	vmul.f32 v23, v36;
	v24 =	vmul.f32 v24, v36  }
0x7b3: {  	v15 =	vimm.s32 $0xA;
	v29 =	vand.u32 $0x7FFFFFFF, v29;
	v28 =	vsub.f32 v58, v28;
	v30 =	vld.idx.msk [tilespmem:v30+s13+$0x0], $0xffff  }
0x7b4: {  	v16 =	vimm.s32 $0xB;
	v22 =	vadd.f32 v29, v22;
	v23 =	vsub.f32 v24, v23  }
0x7b5: {  	v24 =	vmul.f32 v25, v36;
	v25 =	vmul.f32 v27, v36;
	v27 =	vand.u32 $0x7FFFFFFF, v28;
	v28 =	vld.idx.msk [tilespmem:v31+s13+$0x0], $0xffff  }
0x7b6: {  	v14 =	vimm.s32 $0x9;
	v22 =	vadd.f32 v27, v22;
	v27 =	vld [tilespmem:s20+$0x1A0];
	v23 =	vand.u32 $0x7FFFFFFF, v23  }
0x7b7: {  	v29 =	vld.idx.msk [tilespmem:v35+s13+$0x0], $0xffff;
	v24 =	vsub.f32 v24, v25;
	v25 =	vmul.f32 v26, v56;
	v26 =	vmul.f32 v60, v56  }
0x7b8: {  	v31 =	vld [tilespmem:s20+$0x1B0];
	v22 =	vadd.f32 v23, v22;
	v23 =	vmul.f32 v30, v56;
	v30 =	vmul.f32 v63, v56  }
0x7b9: {  	v43 =	vmovc v10;
	v10 =	vimm.s32 $0x4;
	v24 =	vand.u32 $0x7FFFFFFF, v24;
	v25 =	vsub.f32 v25, v26  }
0x7ba: {  	v39 =	vmovc v8;
	v8 =	vimm.s32 $0x2;
	v22 =	vadd.f32 v24, v22;
	v23 =	vsub.f32 v23, v30  }
0x7bb: {  	v24 =	vand.u32 $0x7FFFFFFF, v25;
	v25 =	vmul.f32 v28, v56;
	v26 =	vmul.f32 v27, v56  }
0x7bc: {  	v40 =	vmovc v9;
	v9 =	vimm.s32 $0x3;
	v22 =	vadd.f32 v24, v22;
	v23 =	vand.u32 $0x7FFFFFFF, v23  }
0x7bd: {  	p0 =	sne.s32 s19, $0x18;
	v24 =	vsub.f32 v25, v26;
	v25 =	vmul.f32 v29, v56;
	v26 =	vmul.f32 v31, v56  }
.Ltmp1:
0x7be: {  	v18 =	vimm.s32 $0xC;
	v19 =	vimm.s32 $0xD;
	v22 =	vadd.f32 v23, v22;
	(pc) =	sbr.rel @p0 .LBB2_4-.Ltmp1, $4  }
0x7bf: {  	v44 =	vmovc v11;
	v11 =	vimm.s32 $0x5;
	v23 =	vand.u32 $0x7FFFFFFF, v24;
	v24 =	vsub.f32 v25, v26  }
0x7c0: {  	v21 =	vimm.s32 $0xF;
	v32 =	vmovc v4;
	v4 =	vimm.s32 $0x7;
	v22 =	vadd.f32 v23, v22  }
0x7c1: {  	v35 =	vmovc v5;
	v5 =	vimm.s32 $0x1;
	v37 =	vmovc v6;
	v6 =	vimm.s32 $0x0;
	v23 =	vand.u32 $0x7FFFFFFF, v24  }
0x7c2: {  	s19 =	sadd.s32 $0x8, s19;
	s21 =	sadd.s32 $0x400, s21;
	s20 =	sadd.s32 $0x400, s20;
	v27 =	vmovc v59;
	v30 =	vmovc v54;
	v31 =	vmov v17;
	v26 =	vmov v61;
	v24 =	vadd.f32 v23, v22  }
0x7c3: {  	v22 =	vld [tilespmem:$0x80]  }
0x7c4: {  	v23 =	vld [tilespmem:$0x90];
	_ =	sdelay $0x4  }
0x7c5: {  	s18 =	sadd.s32 $0x1, s18;
	v22 =	vadd.f32 v23, v22  }
0x7c6: {  	[tilespmem:$0x12200] =	vst v24;
	p0 =	sne.s32 s18, s9  }
.Ltmp2:
0x7c7: {  	[tilespmem:$0x12210] =	vst v22;
	(pc) =	sbr.rel @p0 .LBB2_1-.Ltmp2, $4  }
0x7c8: {  	[hbm4b:s8+s2] =	stream.linear.scatter [tilespmem:s17], [sflag:$0x3], $0x80, $0x38;
	[tilespmem:$0x12280] =	vst v63  }
0x7c9: {  	_ =	swait.ge [sflag:s10], $0x80  }
0x7ca: {  	[sflag:s10] =	ssyncset.done $0x0  }
0x7cb: {  	[sflag:s10] =	ssyncadd.s32 $0xFFFFFF80  }
0x7cc: {  	_ =	sfence.sel $0x180000  }
0x7cd: {  	[bflag:$0x0] =	sbarrier.arrive $0xFFFF  }
0x7ce: {  	p0 =	sne.s32 s3, $0x0;
	_ =	strace $0x90000047  }
0x7cf: {  	s0 =	sadd.s32 @!p0 $0x100000, s0;
	[bflag:$0x2] =	sbarrier.arrive $0xFFFF  }
0x7d0: {  	[sflag:s0] =	ssyncadd.tile.s32 @!p0 $0x1;
	_ =	shalt  }
.Lfunc_end2:
_tile_overlayer_lowered:
.L_overlay_start_2:
0x7d1: {  	(tag) =	ssettag $0x2  }
0x7d2: {  	s0 =	rddreg [dreg:$0x0];
	s2 =	stileid.u32  }
0x7d3: {  	s1 =	rddreg [dreg:$0x1];
	p0 =	sne.s32 s2, $0x0  }
0x7d4: {  	s3 =	rddreg [dreg:$0x2];
	[bflag:$0x3] =	sbarrier.arrive $0xFFFF;
	s2 =	simm.s32 @!p0 $0x1C03  }
0x7d5: {  	[timem:s3], [sflag:s2] =	dma.local @!p0 [hbm:s0], s1  }
0x7d6: {  	s0 =	simm.s32 @!p0 $0x3  }
0x7d7: {  	_ =	swait.ge @!p0 [sflag:s0], s1  }
0x7d8: {  	s1 =	ssub.s32 @!p0 $0x0, s1;
	[sflag:s0] =	ssyncset.done @!p0 $0x0  }
0x7d9: {  	[sflag:s0] =	ssyncadd.s32 @!p0 s1  }
0x7da: {  	[bflag:$0x3] =	sbarrier.arrive $0xFFFF  }
0x7db: {  	_ =	shalt  }

// kernel: kernel.7.cloned.1.call-start
scs
__scs_entry_jumppad:
0x0: {  	(pc) =	sbr.rel $0x88, $3  }
0x1: {  	(tag) =	ssettag $0x0;
	lr =	simm.s32 $0x1  }
0x2: {  	[smem:$0x3F9D] =	sst lr;
	_ =	strace $0xD0000000  }
0x3: {  	_ = 	snop  }
0x4: {  	_ = 	snop  }
0x5: {  	_ = 	snop  }
0x6: {  	_ = 	snop  }
0x7: {  	_ = 	snop  }
__scs_overlays_trampoline_lowered:
0x8: {  	[smem:$0x3FAC] =	sst s0  }
0x9: {  	[smem:$0x3FAD] =	sst s1  }
0xa: {  	[smem:$0x3FAE] =	sst s2  }
0xb: {  	[smem:$0x3FAF] =	sst s3  }
0xc: {  	[smem:$0x3FB0] =	sst s4  }
0xd: {  	[smem:$0x3FB1] =	sst s5  }
0xe: {  	[smem:$0x3FB2] =	sst s6  }
0xf: {  	[smem:$0x3FB3] =	sst s7  }
0x10: {  	[smem:$0x3FB4] =	sst s8  }
0x11: {  	[smem:$0x3FB5] =	sst s9;
	s0 =	simm.s32 @!p0 $0x0  }
0x12: {  	s1 =	sld [smem:$0x3F9B];
	s0 =	simm.s32 @p0 $0x1  }
0x13: {  	[smem:$0x3FB6] =	sst s0;
	s0 =	simm.s32 @!p1 $0x0  }
0x14: {  	s2 =	sld [smem:$0x3F9A];
	s0 =	simm.s32 @p1 $0x1  }
0x15: {  	[smem:$0x3FB7] =	sst s0;
	s0 =	simm.s32 @!p2 $0x0  }
0x16: {  	s3 =	sld [smem:$0x3FDB];
	s0 =	simm.s32 @p2 $0x1  }
0x17: {  	s4 =	simm.s32 $0x1BF5;
	[smem:$0x3FB9] =	sst s0  }
0x18: {  	s0 =	sld [smem:$0x3F9C];
	_ =	swait.ge [sflag:s4], $0x0  }
0x19: {  	s7 =	sld [smem:$0x3F9D]  }
0x1a: {  	s8 =	sadd.s32 $0xFFFFE003, lr  }
0x1b: {  	s9 =	sadd.s32 $0xFFFFFEF7, lr;
	s5 =	simm.s32 $0xFFFFFFFF;
	p2 =	slt.u32 s8, $0xFFFFF086  }
0x1c: {  	p1 =	slt.u32 s9, $0xF7A;
	s5 =	simm.s32 @!p2 $0x0  }
0x1d: {  	s5 =	simm.s32 @p1 $0x1;
	p0 =	seq.s32 s7, s2  }
0x1e: {  	s7 =	smul.u32 @!p0 $0xF7A, s2;
	p2 =	seq.s32 @!p0 s5, $0x0  }
0x1f: {  	s9 =	smul.u32 $0xF7A, s1;
	s8 =	simm.s32 @!p0 $0x1BF5;
	p2 =	por !p2, p0  }
0x20: {  	[sflag:s8] =	ssyncset.s32 @!p0 $0xFFFFF086;
	s6 =	sadd.s32 @!p0 s3, s7;
	s7 =	simm.s32 @!p0 $0x108  }
0x21: {  	s3 =	sadd.s32 s3, s9;
	s6 =	sadd.s32 @!p0 $0x88, s6;
	s7 =	simm.s32 @p2 $0x1082  }
0x22: {  	[simem:s7], [sflag:s8] =	dma.local @!p0 [hbm:s6], $0xF7A  }
0x23: {  	s9 =	sor.u32 $0xD0000000, s2;
	s6 =	simm.s32 $0x108;
	_ =	swait.ge @!p0 [sflag:s8], $0x0  }
0x24: {  	s3 =	sadd.s32 $0x88, s3;
	s6 =	simm.s32 @!p1 $0x1082;
	[sflag:s4] =	ssyncset.s32 $0xFFFFF086  }
0x25: {  	[simem:s6], [sflag:s4] =	dma.local [hbm:s3], $0xF7A  }
0x26: {  	[smem:$0x3F9D] =	sst s1;
	(tag) =	ssettag s2;
	_ =	strace s9  }
0x27: {  	s1 =	sld [smem:$0x3FAD]  }
0x28: {  	s2 =	sld [smem:$0x3FAE]  }
0x29: {  	s4 =	sld [smem:$0x3FB0]  }
0x2a: {  	p0 =	seq.s32 s5, $0x0;
	s5 =	sld [smem:$0x3FB1]  }
0x2b: {  	s6 =	sld [smem:$0x3FB2]  }
0x2c: {  	s7 =	sld [smem:$0x3FB3]  }
0x2d: {  	s3 =	simm.s32 $0x108;
	s8 =	sld [smem:$0x3FB4]  }
0x2e: {  	s3 =	simm.s32 @!p0 $0x1082;
	s9 =	sld [smem:$0x3FB5]  }
0x2f: {  	lr =	sadd.s32 s0, s3;
	s0 =	sld [smem:$0x3FAC]  }
0x30: {  	s3 =	sld [smem:$0x3FAF]  }
0x31: {  	[smem:$0x3FB8] =	sst s10  }
0x32: {  	s10 =	sld [smem:$0x3FB6];
	_ =	sdelay $0x3  }
0x33: {  	p0 =	seq.s32 s10, $0x1;
	s10 =	sld [smem:$0x3FB8];
	_ =	sdelay $0x3  }
0x34: {  	[smem:$0x3FB8] =	sst s10  }
0x35: {  	s10 =	sld [smem:$0x3FB7];
	_ =	sdelay $0x3  }
0x36: {  	p1 =	seq.s32 s10, $0x1;
	s10 =	sld [smem:$0x3FB8];
	_ =	sdelay $0x3  }
0x37: {  	[smem:$0x3FB8] =	sst s10  }
0x38: {  	s10 =	sld [smem:$0x3FB9]  }
0x39: {  	_ = 	snop;
	(pc) =	sbr.ind lr, $3  }
0x3a: {  	_ = 	snop  }
0x3b: {  	_ = 	snop  }
0x3c: {  	p2 =	seq.s32 s10, $0x1;
	s10 =	sld [smem:$0x3FB8]  }
0x3d: {  	_ =	shalt  }
0x3e: {  	_ =	shalt  }
0x3f: {  	_ =	shalt  }
0x40: {  	_ =	shalt  }
0x41: {  	_ =	shalt  }
0x42: {  	_ =	shalt  }
0x43: {  	_ =	shalt  }
0x44: {  	_ =	shalt  }
0x45: {  	_ =	shalt  }
0x46: {  	_ =	shalt  }
0x47: {  	_ =	shalt  }
0x48: {  	_ =	shalt  }
0x49: {  	_ =	shalt  }
0x4a: {  	_ =	shalt  }
0x4b: {  	_ =	shalt  }
0x4c: {  	_ =	shalt  }
0x4d: {  	_ =	shalt  }
0x4e: {  	_ =	shalt  }
0x4f: {  	_ =	shalt  }
0x50: {  	_ =	shalt  }
0x51: {  	_ =	shalt  }
0x52: {  	_ =	shalt  }
0x53: {  	_ =	shalt  }
0x54: {  	_ =	shalt  }
0x55: {  	_ =	shalt  }
0x56: {  	_ =	shalt  }
0x57: {  	_ =	shalt  }
0x58: {  	_ =	shalt  }
0x59: {  	_ =	shalt  }
0x5a: {  	_ =	shalt  }
0x5b: {  	_ =	shalt  }
0x5c: {  	_ =	shalt  }
0x5d: {  	_ =	shalt  }
0x5e: {  	_ =	shalt  }
0x5f: {  	_ =	shalt  }
0x60: {  	_ =	shalt  }
0x61: {  	_ =	shalt  }
0x62: {  	_ =	shalt  }
0x63: {  	_ =	shalt  }
0x64: {  	_ =	shalt  }
0x65: {  	_ =	shalt  }
0x66: {  	_ =	shalt  }
0x67: {  	_ =	shalt  }
0x68: {  	_ =	shalt  }
0x69: {  	_ =	shalt  }
0x6a: {  	_ =	shalt  }
0x6b: {  	_ =	shalt  }
0x6c: {  	_ =	shalt  }
0x6d: {  	_ =	shalt  }
0x6e: {  	_ =	shalt  }
0x6f: {  	_ =	shalt  }
0x70: {  	_ =	shalt  }
0x71: {  	_ =	shalt  }
0x72: {  	_ =	shalt  }
0x73: {  	_ =	shalt  }
0x74: {  	_ =	shalt  }
0x75: {  	_ =	shalt  }
0x76: {  	_ =	shalt  }
0x77: {  	_ =	shalt  }
0x78: {  	_ =	shalt  }
0x79: {  	_ =	shalt  }
0x7a: {  	_ =	shalt  }
0x7b: {  	_ =	shalt  }
0x7c: {  	_ =	shalt  }
0x7d: {  	_ =	shalt  }
0x7e: {  	_ =	shalt  }
0x7f: {  	_ =	shalt  }
0x80: {  	_ =	shalt  }
0x81: {  	_ =	shalt  }
0x82: {  	_ =	shalt  }
0x83: {  	_ =	shalt  }
0x84: {  	_ =	shalt  }
0x85: {  	_ =	shalt  }
0x86: {  	_ =	shalt  }
0x87: {  	_ =	shalt  }
.Lfunc_end0:
.L_simem_size_0:
called_computation.1_lowered:
.L_overlay_start_0:
0x88: {  	s2 =	sld [smem:$0x3FD9]  }
0x89: {  	s3 =	sld [smem:$0x3FFE];
	_ =	sdelay $0x1  }
0x8a: {  	s1 =	srdreg.scid  }
0x8b: {  	s0 =	sand.u32 $0x1, s1  }
0x8c: {  	s17 =	sshll.u32 s0, $0xA;
	s2 =	sadd.s32 s3, s2  }
0x8d: {  	s2 =	sadd.s32 s2, s17  }
0x8e: {  	[smem:$0x3FC4] =	sst s2  }
0x8f: {  	_ = 	snop  }
0x90: {  	s2 =	sld [smem:$0x3FD0];
	(tm) =	ssettm $0x1  }
0x91: {  	s18 =	sld [smem:$0x3FFB];
	_ =	sdelay $0x3  }
0x92: {  	_ =	strace s18  }
0x93: {  	s3 =	sld [smem:$0x3FFC];
	_ =	sdelay $0x3  }
0x94: {  	_ =	strace s3  }
0x95: {  	s3 =	sld [smem:$0x3FFD];
	_ =	sdelay $0x3  }
0x96: {  	_ =	strace s3  }
0x97: {  	_ =	strace $0x8FFFFFFF  }
0x98: {  	s19 =	sld [smem:$0x3FDB];
	_ =	sdelay $0x1  }
0x99: {  	s4 =	simm.s32 $_scs_section_size  }
0x9a: {  	s5 =	simm.s32 $_size__tile_overlayer_lowered;
	s6 =	simm.s32 $_tile_overlayer_lowered  }
0x9b: {  	s22 =	simm.s32 $0x1BFF;
	s21 =	sshll.u32 s6, $0x1;
	s3 =	sadd.s32 s4, s19  }
0x9c: {  	s7 =	simm.s32 $0x0;
	s20 =	sshll.u32 s5, $0x1;
	s5 =	sadd.s32 s21, s3  }
0x9d: {  	[timem:s7], [sflag:s22] =	dma.local [hbm:s5], s20  }
0x9e: {  	_ =	swait.ge [sflag:s22], s20  }
0x9f: {  	s4 =	ssub.s32 $0x0, s20;
	[sflag:s22] =	ssyncset.done $0x0  }
0xa0: {  	[sflag:s22] =	ssyncadd.s32 s4;
	_ =	sdelay $0x1  }
0xa1: {  	s23 =	simm.s32 $0x1B8B  }
0xa2: {  	_ =	swait.ge [sflag:s23], $0x1  }
0xa3: {  	[sflag:s23] =	ssyncset.done $0x0  }
0xa4: {  	s25 =	simm.s32 $0x1B8E;
	s24 =	sld [smem:$0x3FFE];
	[sflag:s23] =	ssyncadd.s32 $0xFFFFFFFF  }
0xa5: {  	s26 =	simm.s32 $execute0_lowered;
	[smem:$0x3FD2] =	sst s25  }
0xa6: {  	s5 =	sshll.u32 s26, $0x1;
	_ =	strace $0x80000049;
	[dreg:$0x1] =	wrdreg $0xFFFFFFFF  }
0xa7: {  	s28 =	simm.s32 $_size_execute0_lowered;
	s3 =	sadd.s32 s3, s5;
	[dreg:$0x0] =	wrdreg $0x0  }
0xa8: {  	s5 =	sshll.u32 s28, $0x1;
	[dreg:$0x2] =	wrdreg s3  }
0xa9: {  	[dreg:$0x3] =	wrdreg s5  }
0xaa: {  	[dreg:$0x4] =	wrdreg $0xC0  }
0xab: {  	_ =	task [dreg:s7], $0x5FFFF  }
0xac: {  	[dreg:$0x1] =	wrdreg $0xFFFFFFFF  }
0xad: {  	[dreg:$0x0] =	wrdreg $0x60  }
0xae: {  	[dreg:$0x2] =	wrdreg s24  }
0xaf: {  	[dreg:$0x3] =	wrdreg s2  }
0xb0: {  	[dreg:$0x4] =	wrdreg $0x9  }
0xb1: {  	_ =	task.clear_ibuf [dreg:s7], $0x5FFFF;
	_ =	strace $0x90000049  }
0xb2: {  	s29 =	simm.s32 $0x9;
	_ =	strace $0x8000004B  }
0xb3: {  	_ =	swait.ge [sflag:s29], $0x1  }
0xb4: {  	[sflag:s29] =	ssyncadd.s32 $0xFFFFFFFF  }
0xb5: {  	_ =	strace $0x9000004B  }
0xb6: {  	_ =	sfence  }
0xb7: {  	s30 =	sld [smem:$0x0];
	_ =	sdelay $0x2  }
0xb8: {  	s31 =	sshll.u32 s1, $0xD;
	s1 =	sshrl.u32 s1, $0x2  }
0xb9: {  	s3 =	sand.u32 $0x4000, s31;
	s1 =	sadd.s32 s1, s30  }
0xba: {  	s0 =	sor.u32 s3, s0;
	s1 =	sshll.u32 s1, $0x11  }
0xbb: {  	s0 =	sor.u32 s1, s0  }
0xbc: {  	s0 =	sadd.s32 $0x8F2B, s0  }
0xbd: {  	[sflag:s0] =	ssyncadd.remote.s32 $0x1  }
0xbe: {  	_ =	sfence.sel $0xFFFF  }
0xbf: {  	[dreg:$0x0] =	wrdreg $0xFFFFFFFF;
	(pc) =	sbr.abs _section_cstart, $3  }
0xc0: {  	[dreg:$0x1] =	wrdreg $0xFFFFFFFF  }
0xc1: {  	_ =	task.clear_ibuf [dreg:s7], $0x2FFFF;
	_ =	strace $0x9FFFFFFF  }
0xc2: {  	(tm) =	ssettm $0x7FFFFFFF  }
0xc3: {  	_ =	shalt  }
tec
execute0_lowered:
.L_overlay_start_1:
0x0: {  	(tag) =	ssettag $0x1  }
0x1: {  	s0 =	srdreg.scid  }
0x2: {  	s6 =	sand.u32 $0x1, s0;
	s0 =	stileid.u32  }
0x3: {  	s4 =	sshll.u32 s6, $0x4;
	s5 =	ssub.s32 $0x0, s0  }
0x4: {  	p0 =	sne.s32 s4, s5  }
.Ltmp0:
0x5: {  	_ = 	snop;
	(pc) =	sbr.rel @p0 .LBB2_4-.Ltmp0, $4  }
0x6: {  	_ = 	snop  }
0x7: {  	s3 =	rddreg [dreg:$0x0]  }
0x8: {  	s2 =	rddreg [dreg:$0x1]  }
0x9: {  	s1 =	rddreg [dreg:$0x2];
	_ =	strace $0x8000004A  }
0xa: {  	s4 =	sadd.s32 $0x4800, s3;
	s5 =	simm.s32 $0x0;
	s3 =	simm.s32 $0x1  }
0xb: {  	[tilespmem:s5], [sflag:$0x1] =	stream.linear.gather [hbm4b:s4+s5], $0x1000, $0x38;
	[tilespmem:$0x1100] =	vst v63  }
0xc: {  	_ =	swait.ge [sflag:s3], $0x1000  }
0xd: {  	[sflag:s3] =	ssyncset.done $0x0  }
0xe: {  	[sflag:s3] =	ssyncadd.s32 $0xFFFFF000  }
0xf: {  	v0 =	vld [tilespmem:$0x0];
	_ =	sdelay $0x1  }
0x10: {  	v1 =	vld [tilespmem:$0x80];
	_ =	sdelay $0x1  }
0x11: {  	v2 =	vld [tilespmem:$0x100]  }
0x12: {  	v0 =	vadd.f32 $0.0e+00, v0  }
0x13: {  	v3 =	vld [tilespmem:$0x180]  }
0x14: {  	v0 =	vadd.f32 v1, v0  }
0x15: {  	v1 =	vld [tilespmem:$0x200]  }
0x16: {  	v0 =	vadd.f32 v2, v0  }
0x17: {  	v2 =	vld [tilespmem:$0x280]  }
0x18: {  	v0 =	vadd.f32 v3, v0  }
0x19: {  	v3 =	vld [tilespmem:$0x300]  }
0x1a: {  	v0 =	vadd.f32 v1, v0  }
0x1b: {  	v1 =	vld [tilespmem:$0x380]  }
0x1c: {  	v0 =	vadd.f32 v2, v0  }
0x1d: {  	v2 =	vld [tilespmem:$0x400]  }
0x1e: {  	v0 =	vadd.f32 v3, v0  }
0x1f: {  	v3 =	vld [tilespmem:$0x480]  }
0x20: {  	v0 =	vadd.f32 v1, v0  }
0x21: {  	v1 =	vld [tilespmem:$0x500]  }
0x22: {  	v0 =	vadd.f32 v2, v0  }
0x23: {  	v2 =	vld [tilespmem:$0x580]  }
0x24: {  	v0 =	vadd.f32 v3, v0  }
0x25: {  	v3 =	vld [tilespmem:$0x600]  }
0x26: {  	v4 =	vld [tilespmem:$0x10];
	v0 =	vadd.f32 v1, v0  }
0x27: {  	v1 =	vld [tilespmem:$0x680]  }
0x28: {  	v5 =	vld [tilespmem:$0x90];
	v0 =	vadd.f32 v2, v0  }
0x29: {  	v2 =	vld [tilespmem:$0x700]  }
0x2a: {  	v6 =	vld [tilespmem:$0x110];
	v0 =	vadd.f32 v3, v0  }
0x2b: {  	v4 =	vadd.f32 $0.0e+00, v4;
	v3 =	vld [tilespmem:$0x780]  }
0x2c: {  	v7 =	vld [tilespmem:$0x190];
	v0 =	vadd.f32 v1, v0  }
0x2d: {  	v4 =	vadd.f32 v5, v4;
	v1 =	vld [tilespmem:$0x800]  }
0x2e: {  	v8 =	vld [tilespmem:$0x210];
	v0 =	vadd.f32 v2, v0  }
0x2f: {  	v4 =	vadd.f32 v6, v4;
	v2 =	vld [tilespmem:$0x880]  }
0x30: {  	v35 =	vld [tilespmem:$0x290];
	v0 =	vadd.f32 v3, v0  }
0x31: {  	v4 =	vadd.f32 v7, v4;
	v3 =	vld [tilespmem:$0x900]  }
0x32: {  	v36 =	vld [tilespmem:$0x310];
	v0 =	vadd.f32 v1, v0  }
0x33: {  	v4 =	vadd.f32 v8, v4;
	v1 =	vld [tilespmem:$0x980]  }
0x34: {  	v37 =	vld [tilespmem:$0x390];
	v0 =	vadd.f32 v2, v0  }
0x35: {  	v4 =	vadd.f32 v35, v4;
	v2 =	vld [tilespmem:$0xA00]  }
0x36: {  	v38 =	vld [tilespmem:$0x410];
	v0 =	vadd.f32 v3, v0  }
0x37: {  	v4 =	vadd.f32 v36, v4;
	v3 =	vld [tilespmem:$0xA80]  }
0x38: {  	v39 =	vld [tilespmem:$0x490];
	v0 =	vadd.f32 v1, v0  }
0x39: {  	v4 =	vadd.f32 v37, v4;
	v1 =	vld [tilespmem:$0xB00]  }
0x3a: {  	v40 =	vld [tilespmem:$0x510];
	v0 =	vadd.f32 v2, v0  }
0x3b: {  	v4 =	vadd.f32 v38, v4;
	v2 =	vld [tilespmem:$0xB80]  }
0x3c: {  	v41 =	vld [tilespmem:$0x590];
	v0 =	vadd.f32 v3, v0  }
0x3d: {  	v4 =	vadd.f32 v39, v4;
	v3 =	vld [tilespmem:$0xC00]  }
0x3e: {  	v42 =	vld [tilespmem:$0x610];
	v0 =	vadd.f32 v1, v0  }
0x3f: {  	v4 =	vadd.f32 v40, v4;
	v1 =	vld [tilespmem:$0xC80]  }
0x40: {  	v43 =	vld [tilespmem:$0x690];
	v0 =	vadd.f32 v2, v0  }
0x41: {  	v4 =	vadd.f32 v41, v4;
	v2 =	vld [tilespmem:$0xD00]  }
0x42: {  	v44 =	vld [tilespmem:$0x710];
	v0 =	vadd.f32 v3, v0  }
0x43: {  	v4 =	vadd.f32 v42, v4;
	v3 =	vld [tilespmem:$0xD80]  }
0x44: {  	v45 =	vld [tilespmem:$0x790];
	v0 =	vadd.f32 v1, v0  }
0x45: {  	v4 =	vadd.f32 v43, v4;
	v1 =	vld [tilespmem:$0xE00]  }
0x46: {  	v46 =	vld [tilespmem:$0x810];
	v0 =	vadd.f32 v2, v0  }
0x47: {  	v4 =	vadd.f32 v44, v4;
	v2 =	vld [tilespmem:$0xE80]  }
0x48: {  	v47 =	vld [tilespmem:$0x890];
	v0 =	vadd.f32 v3, v0  }
0x49: {  	v4 =	vadd.f32 v45, v4;
	v3 =	vld [tilespmem:$0xF00]  }
0x4a: {  	v48 =	vld [tilespmem:$0x910];
	v0 =	vadd.f32 v1, v0  }
0x4b: {  	v4 =	vadd.f32 v46, v4;
	v1 =	vld [tilespmem:$0xF80]  }
0x4c: {  	v0 =	vadd.f32 v2, v0;
	v2 =	vld [tilespmem:$0x990]  }
0x4d: {  	v4 =	vadd.f32 v47, v4  }
0x4e: {  	v49 =	vld [tilespmem:$0xA10];
	v3 =	vadd.f32 v3, v0  }
0x4f: {  	v4 =	vadd.f32 v48, v4  }
0x50: {  	v0 =	vimm.f32 $0.0e+00;
	v1 =	vadd.f32 v1, v3;
	v3 =	vld [tilespmem:$0xA90]  }
0x51: {  	[tilespmem:$0x1090] =	vst v0;
	v2 =	vadd.f32 v2, v4  }
0x52: {  	v50 =	vld [tilespmem:$0xB10];
	[tilespmem:$0x1080] =	vst v1  }
0x53: {  	v51 =	vld [tilespmem:$0x1088];
	v2 =	vadd.f32 v49, v2  }
0x54: {  	v52 =	vld [tilespmem:$0xB90]  }
0x55: {  	v2 =	vadd.f32 v3, v2  }
0x56: {  	v3 =	vld [tilespmem:$0xC10]  }
0x57: {  	v2 =	vadd.f32 v50, v2  }
0x58: {  	v53 =	vld [tilespmem:$0xC90];
	v1 =	vadd.f32 v51, v1  }
0x59: {  	v2 =	vadd.f32 v52, v2  }
0x5a: {  	v54 =	vld [tilespmem:$0xD10];
	[tilespmem:$0x1080] =	vst v1  }
0x5b: {  	v55 =	vld [tilespmem:$0x1084];
	v2 =	vadd.f32 v3, v2  }
0x5c: {  	v3 =	vld [tilespmem:$0xD90]  }
0x5d: {  	v2 =	vadd.f32 v53, v2  }
0x5e: {  	v56 =	vld [tilespmem:$0xE10]  }
0x5f: {  	v2 =	vadd.f32 v54, v2  }
0x60: {  	v57 =	vld [tilespmem:$0xE90];
	v1 =	vadd.f32 v55, v1  }
0x61: {  	v2 =	vadd.f32 v3, v2  }
0x62: {  	v3 =	vld [tilespmem:$0xF10];
	[tilespmem:$0x1080] =	vst v1  }
0x63: {  	v58 =	vld [tilespmem:$0x1082];
	v2 =	vadd.f32 v56, v2  }
0x64: {  	v59 =	vld [tilespmem:$0xF90]  }
0x65: {  	v2 =	vadd.f32 v57, v2;
	_ =	sdelay $0x1  }
0x66: {  	v2 =	vadd.f32 v3, v2  }
0x67: {  	v1 =	vadd.f32 v58, v1  }
0x68: {  	v2 =	vadd.f32 v59, v2  }
0x69: {  	[tilespmem:$0x1080] =	vst v1  }
0x6a: {  	v3 =	vld [tilespmem:$0x1081];
	[tilespmem:$0x1080] =	vst v2  }
0x6b: {  	[tilespmem:$0x1090] =	vst v0  }
0x6c: {  	v60 =	vld [tilespmem:$0x1088];
	_ =	sdelay $0x4  }
0x6d: {  	v2 =	vadd.f32 v60, v2;
	_ =	sdelay $0x1  }
0x6e: {  	[tilespmem:$0x1080] =	vst v2  }
0x6f: {  	v61 =	vld [tilespmem:$0x1084];
	_ =	sdelay $0x4  }
0x70: {  	v2 =	vadd.f32 v61, v2;
	_ =	sdelay $0x1  }
0x71: {  	[tilespmem:$0x1080] =	vst v2  }
0x72: {  	v62 =	vld [tilespmem:$0x1082];
	_ =	sdelay $0x4  }
0x73: {  	v2 =	vadd.f32 v62, v2;
	_ =	sdelay $0x1  }
0x74: {  	[tilespmem:$0x1080] =	vst v2  }
0x75: {  	v63 =	vld [tilespmem:$0x1081];
	_ =	sdelay $0x4  }
0x76: {  	v2 =	vadd.f32 v63, v2;
	_ =	sdelay $0x1  }
0x77: {  	v4 =	vmul.f32 $6.400000000e+01, v2;
	_ =	sdelay $0x1  }
0x78: {  	v4 =	vadd.f32 $9.999999740e-05, v4;
	_ =	sdelay $0x1  }
0x79: {  	(erf) = vrcp.f32 v4;
	_ =	sdelay $0x3  }
0x7a: {  	s6 =	ssub.s32 $0x2, s6  }
0x7b: {  	s7 =	sshrl.u32 s6, $0x1  }
0x7c: {  	s6 =	ssub.s32 s6, s7  }
0x7d: {  	s7 =	smax.u32 s6, $0x1  }
0x7e: {  	p0 =	sne.s32 s7, $0x1;
	v1 =	vadd.f32 v3, v1  }
.Ltmp1:
0x7f: {  	v3 =	vpop (erf);
	(pc) =	sbr.rel @!p0 .LBB2_3-.Ltmp1, $4  }
0x80: {  	v1 =	vmul.f32 v3, v1  }
0x81: {  	[tilespmem:$0x1080] =	vst v2  }
0x82: {  	s6 =	simm.s32 $0x1000;
	s7 =	sadd.s32 $0xFFFFFFFF, s7;
	[tilespmem:$0x1000] =	vst v1  }
0x83: {  	[hbm4b:s2+s5] =	stream.linear.scatter [tilespmem:s6], [sflag:$0x1], $0x80, $0x38;
	[tilespmem:$0x1100] =	vst v63  }
.LBB2_2:
0x84: {  	p0 =	sne.s32 s7, $0x1;
	s7 =	sadd.s32 $0xFFFFFFFF, s7;
	_ =	swait.ge [sflag:s3], $0x80  }
0x85: {  	[sflag:s3] =	ssyncset.done $0x0  }
0x86: {  	[sflag:s3] =	ssyncadd.s32 $0xFFFFFF80  }
0x87: {  	[tilespmem:s5], [sflag:$0x1] =	stream.linear.gather [hbm4b:s4+s5], $0x1000, $0x38;
	[tilespmem:$0x1100] =	vst v63  }
0x88: {  	_ =	swait.ge [sflag:s3], $0x1000  }
0x89: {  	[sflag:s3] =	ssyncset.done $0x0  }
0x8a: {  	[sflag:s3] =	ssyncadd.s32 $0xFFFFF000  }
0x8b: {  	v1 =	vld [tilespmem:$0x0]  }
0x8c: {  	v2 =	vld [tilespmem:$0x80]  }
0x8d: {  	v3 =	vld [tilespmem:$0x110]  }
0x8e: {  	v4 =	vld [tilespmem:$0x100]  }
0x8f: {  	v5 =	vld [tilespmem:$0x190]  }
0x90: {  	v1 =	vadd.f32 $0.0e+00, v1;
	v6 =	vld [tilespmem:$0x180]  }
0x91: {  	v7 =	vld [tilespmem:$0x310]  }
0x92: {  	v1 =	vadd.f32 v2, v1;
	v2 =	vld [tilespmem:$0x200]  }
0x93: {  	v8 =	vld [tilespmem:$0x210]  }
0x94: {  	v1 =	vadd.f32 v4, v1;
	v4 =	vld [tilespmem:$0x280]  }
0x95: {  	v9 =	vld [tilespmem:$0x10]  }
0x96: {  	v1 =	vadd.f32 v6, v1;
	v6 =	vld [tilespmem:$0x300]  }
0x97: {  	v10 =	vld [tilespmem:$0x90]  }
0x98: {  	v1 =	vadd.f32 v2, v1;
	v2 =	vld [tilespmem:$0x380];
	_ =	sdelay $0x1  }
0x99: {  	v9 =	vadd.f32 $0.0e+00, v9;
	v1 =	vadd.f32 v4, v1;
	v4 =	vld [tilespmem:$0x400]  }
0x9a: {  	v11 =	vld [tilespmem:$0x410]  }
0x9b: {  	v9 =	vadd.f32 v10, v9;
	v1 =	vadd.f32 v6, v1;
	v6 =	vld [tilespmem:$0x480];
	_ =	sdelay $0x1  }
0x9c: {  	v3 =	vadd.f32 v3, v9;
	v1 =	vadd.f32 v2, v1;
	v2 =	vld [tilespmem:$0x500]  }
0x9d: {  	v9 =	vld [tilespmem:$0x290]  }
0x9e: {  	v3 =	vadd.f32 v5, v3;
	v1 =	vadd.f32 v4, v1;
	v4 =	vld [tilespmem:$0x580];
	_ =	sdelay $0x1  }
0x9f: {  	v3 =	vadd.f32 v8, v3;
	v1 =	vadd.f32 v6, v1;
	v5 =	vld [tilespmem:$0x600]  }
0xa0: {  	v6 =	vld [tilespmem:$0x390]  }
0xa1: {  	v3 =	vadd.f32 v9, v3;
	v1 =	vadd.f32 v2, v1;
	v2 =	vld [tilespmem:$0x680];
	_ =	sdelay $0x1  }
0xa2: {  	v3 =	vadd.f32 v7, v3;
	v1 =	vadd.f32 v4, v1;
	v4 =	vld [tilespmem:$0x700]  }
0xa3: {  	v7 =	vld [tilespmem:$0x490]  }
0xa4: {  	v3 =	vadd.f32 v6, v3;
	v6 =	vld [tilespmem:$0x510];
	v1 =	vadd.f32 v5, v1  }
0xa5: {  	v5 =	vld [tilespmem:$0x780]  }
0xa6: {  	v3 =	vadd.f32 v11, v3;
	v8 =	vld [tilespmem:$0x590];
	v1 =	vadd.f32 v2, v1  }
0xa7: {  	v2 =	vld [tilespmem:$0x800]  }
0xa8: {  	v3 =	vadd.f32 v7, v3;
	v1 =	vadd.f32 v4, v1;
	v4 =	vld [tilespmem:$0x880]  }
0xa9: {  	v7 =	vld [tilespmem:$0x610]  }
0xaa: {  	v3 =	vadd.f32 v6, v3;
	v6 =	vld [tilespmem:$0x690];
	v1 =	vadd.f32 v5, v1  }
0xab: {  	v5 =	vld [tilespmem:$0x900]  }
0xac: {  	v3 =	vadd.f32 v8, v3;
	v1 =	vadd.f32 v2, v1;
	v2 =	vld [tilespmem:$0x980]  }
0xad: {  	v8 =	vld [tilespmem:$0x710]  }
0xae: {  	v3 =	vadd.f32 v7, v3;
	v7 =	vld [tilespmem:$0x790];
	v1 =	vadd.f32 v4, v1  }
0xaf: {  	v4 =	vld [tilespmem:$0xA00]  }
0xb0: {  	v3 =	vadd.f32 v6, v3;
	v1 =	vadd.f32 v5, v1;
	v5 =	vld [tilespmem:$0xA80]  }
0xb1: {  	v6 =	vld [tilespmem:$0x810]  }
0xb2: {  	v3 =	vadd.f32 v8, v3;
	v1 =	vadd.f32 v2, v1;
	v2 =	vld [tilespmem:$0xB00]  }
0xb3: {  	v8 =	vld [tilespmem:$0x890]  }
0xb4: {  	v3 =	vadd.f32 v7, v3;
	v1 =	vadd.f32 v4, v1;
	v4 =	vld [tilespmem:$0xB80]  }
0xb5: {  	v7 =	vld [tilespmem:$0x910]  }
0xb6: {  	v3 =	vadd.f32 v6, v3;
	v1 =	vadd.f32 v5, v1;
	v5 =	vld [tilespmem:$0xC00]  }
0xb7: {  	v6 =	vld [tilespmem:$0x990]  }
0xb8: {  	v3 =	vadd.f32 v8, v3;
	v1 =	vadd.f32 v2, v1;
	v2 =	vld [tilespmem:$0xC80]  }
0xb9: {  	v8 =	vld [tilespmem:$0xA10]  }
0xba: {  	v3 =	vadd.f32 v7, v3;
	v1 =	vadd.f32 v4, v1;
	v4 =	vld [tilespmem:$0xD00]  }
0xbb: {  	v7 =	vld [tilespmem:$0xA90]  }
0xbc: {  	v3 =	vadd.f32 v6, v3;
	v1 =	vadd.f32 v5, v1;
	v5 =	vld [tilespmem:$0xD80]  }
0xbd: {  	v6 =	vld [tilespmem:$0xB10]  }
0xbe: {  	v3 =	vadd.f32 v8, v3;
	v1 =	vadd.f32 v2, v1;
	v2 =	vld [tilespmem:$0xE00]  }
0xbf: {  	v8 =	vld [tilespmem:$0xB90]  }
0xc0: {  	v3 =	vadd.f32 v7, v3;
	v1 =	vadd.f32 v4, v1;
	v4 =	vld [tilespmem:$0xE80]  }
0xc1: {  	v7 =	vld [tilespmem:$0xC10]  }
0xc2: {  	v3 =	vadd.f32 v6, v3;
	v1 =	vadd.f32 v5, v1;
	v5 =	vld [tilespmem:$0xF00]  }
0xc3: {  	v6 =	vld [tilespmem:$0xC90]  }
0xc4: {  	v3 =	vadd.f32 v8, v3;
	v1 =	vadd.f32 v2, v1;
	v2 =	vld [tilespmem:$0xF80]  }
0xc5: {  	v8 =	vld [tilespmem:$0xD10]  }
0xc6: {  	v3 =	vadd.f32 v7, v3;
	v1 =	vadd.f32 v4, v1  }
0xc7: {  	v4 =	vld [tilespmem:$0xD90]  }
0xc8: {  	v3 =	vadd.f32 v6, v3;
	v1 =	vadd.f32 v5, v1  }
0xc9: {  	v5 =	vld [tilespmem:$0xE10]  }
0xca: {  	v3 =	vadd.f32 v8, v3;
	v1 =	vadd.f32 v2, v1  }
0xcb: {  	v2 =	vld [tilespmem:$0xE90];
	[tilespmem:$0x1090] =	vst v0  }
0xcc: {  	v3 =	vadd.f32 v4, v3;
	v4 =	vld [tilespmem:$0xF10];
	[tilespmem:$0x1080] =	vst v1  }
0xcd: {  	v6 =	vld [tilespmem:$0x1088]  }
0xce: {  	v3 =	vadd.f32 v5, v3;
	_ =	sdelay $0x1  }
0xcf: {  	v2 =	vadd.f32 v2, v3;
	_ =	sdelay $0x1  }
0xd0: {  	v2 =	vadd.f32 v4, v2;
	v1 =	vadd.f32 v6, v1;
	_ =	sdelay $0x1  }
0xd1: {  	[tilespmem:$0x1080] =	vst v1  }
0xd2: {  	v3 =	vld [tilespmem:$0x1084];
	_ =	sdelay $0x4  }
0xd3: {  	v1 =	vadd.f32 v3, v1;
	_ =	sdelay $0x1  }
0xd4: {  	[tilespmem:$0x1080] =	vst v1  }
0xd5: {  	v3 =	vld [tilespmem:$0x1082];
	_ =	sdelay $0x1  }
0xd6: {  	v4 =	vld [tilespmem:$0xF90];
	_ =	sdelay $0x2  }
0xd7: {  	v1 =	vadd.f32 v3, v1;
	_ =	sdelay $0x1  }
0xd8: {  	v2 =	vadd.f32 v4, v2;
	[tilespmem:$0x1080] =	vst v1  }
0xd9: {  	v3 =	vld [tilespmem:$0x1081]  }
0xda: {  	[tilespmem:$0x1080] =	vst v2  }
0xdb: {  	[tilespmem:$0x1090] =	vst v0  }
0xdc: {  	v4 =	vld [tilespmem:$0x1088];
	_ =	sdelay $0x1  }
0xdd: {  	v1 =	vadd.f32 v3, v1;
	_ =	sdelay $0x2  }
0xde: {  	v2 =	vadd.f32 v4, v2;
	_ =	sdelay $0x1  }
0xdf: {  	[tilespmem:$0x1080] =	vst v2  }
0xe0: {  	v3 =	vld [tilespmem:$0x1084];
	_ =	sdelay $0x4  }
0xe1: {  	v2 =	vadd.f32 v3, v2;
	_ =	sdelay $0x1  }
0xe2: {  	[tilespmem:$0x1080] =	vst v2  }
0xe3: {  	v3 =	vld [tilespmem:$0x1082];
	_ =	sdelay $0x4  }
0xe4: {  	v2 =	vadd.f32 v3, v2;
	_ =	sdelay $0x1  }
0xe5: {  	[tilespmem:$0x1080] =	vst v2  }
0xe6: {  	v3 =	vld [tilespmem:$0x1081];
	_ =	sdelay $0x4  }
0xe7: {  	v2 =	vadd.f32 v3, v2;
	_ =	sdelay $0x1  }
0xe8: {  	[tilespmem:$0x1080] =	vst v2;
	v2 =	vmul.f32 $6.400000000e+01, v2;
	_ =	sdelay $0x1  }
0xe9: {  	v2 =	vadd.f32 $9.999999740e-05, v2;
	_ =	sdelay $0x1  }
0xea: {  	(erf) = vrcp.f32 v2;
	_ =	sdelay $0x8  }
.Ltmp2:
0xeb: {  	v2 =	vpop (erf);
	(pc) =	sbr.rel @p0 .LBB2_2-.Ltmp2, $3  }
0xec: {  	v1 =	vmul.f32 v2, v1;
	_ =	sdelay $0x1  }
0xed: {  	[tilespmem:$0x1000] =	vst v1  }
0xee: {  	[hbm4b:s2+s5] =	stream.linear.scatter [tilespmem:s6], [sflag:$0x1], $0x80, $0x38;
	[tilespmem:$0x1100] =	vst v63  }
.LBB2_3:
0xef: {  	_ =	swait.ge [sflag:s3], $0x80  }
0xf0: {  	[sflag:s3] =	ssyncset.done $0x0  }
0xf1: {  	[sflag:s3] =	ssyncadd.s32 $0xFFFFFF80  }
.LBB2_4:
0xf2: {  	_ =	sfence.sel $0x180000  }
0xf3: {  	[bflag:$0x0] =	sbarrier.arrive $0xFFFF  }
0xf4: {  	p0 =	sne.s32 s0, $0x0;
	_ =	strace $0x9000004A  }
0xf5: {  	s0 =	sadd.s32 @!p0 $0x100000, s1;
	[bflag:$0x2] =	sbarrier.arrive $0xFFFF  }
0xf6: {  	[sflag:s0] =	ssyncadd.tile.s32 @!p0 $0x1;
	_ =	shalt  }
.Lfunc_end2:
_tile_overlayer_lowered:
.L_overlay_start_2:
0xf7: {  	(tag) =	ssettag $0x2  }
0xf8: {  	s0 =	rddreg [dreg:$0x0];
	s2 =	stileid.u32  }
0xf9: {  	s1 =	rddreg [dreg:$0x1];
	p0 =	sne.s32 s2, $0x0  }
0xfa: {  	s3 =	rddreg [dreg:$0x2];
	[bflag:$0x3] =	sbarrier.arrive $0xFFFF;
	s2 =	simm.s32 @!p0 $0x1C01  }
0xfb: {  	[timem:s3], [sflag:s2] =	dma.local @!p0 [hbm:s0], s1  }
0xfc: {  	s0 =	simm.s32 @!p0 $0x1  }
0xfd: {  	_ =	swait.ge @!p0 [sflag:s0], s1  }
0xfe: {  	s1 =	ssub.s32 @!p0 $0x0, s1;
	[sflag:s0] =	ssyncset.done @!p0 $0x0  }
0xff: {  	[sflag:s0] =	ssyncadd.s32 @!p0 s1  }
0x100: {  	[bflag:$0x3] =	sbarrier.arrive $0xFFFF  }
0x101: {  	_ =	shalt  }

</sc_bundles>
